<compile_context>
chip_gen: v7x
topology: tpu7x:2x2x1
jax: 0.10.2.dev20260603
libtpu: 0.0.44.dev20260713+nightly
codegen_flags: <defaults>
</compile_context>

<pallas_src>
import functools

import jax
import jax.numpy as jnp
from jax import lax
from jax.experimental import pallas as pl
from jax.experimental.pallas import tpu as pltpu
from jax.experimental.pallas import tpu_sc as plsc

_LANES = 16
_NCORES = 2
_NSUB = 16
_NWORK = _NCORES * _NSUB
_NBUF = 4
_DEPTH = 3


def _emb_kernel(nf, batch, dim):
    bpw = batch // _NWORK
    nvec = bpw // _LANES
    assert batch % _NWORK == 0 and bpw % _LANES == 0

    mesh = plsc.VectorSubcoreMesh(
        core_axis_name="c", subcore_axis_name="s",
        num_cores=_NCORES, num_subcores=_NSUB)

    @functools.partial(
        pl.kernel,
        out_type=jax.ShapeDtypeStruct((batch, nf * dim), jnp.float32),
        mesh=mesh,
        compiler_params=pltpu.CompilerParams(use_tc_tiling_on_sc=False),
        scratch_types=[
            pltpu.VMEM((nf, bpw), jnp.int32),
            pltpu.VMEM((((nf + _LANES - 1) // _LANES) * _LANES,),
                       jnp.int32),
            pltpu.VMEM((_NBUF, bpw, dim), jnp.float32),
        ] + [pltpu.SemaphoreType.DMA] * (2 * _NBUF),
    )
    def emb(values_hbm, table_hbm, offsets_hbm, out_hbm,
            idx_v, offs_s, rowbuf, *sems):
        gsems, ssems = sems[:_NBUF], sems[_NBUF:]
        wid = lax.axis_index("s") * _NCORES + lax.axis_index("c")
        b0 = wid * bpw

        pltpu.sync_copy(values_hbm.at[:, wid], idx_v)
        pltpu.sync_copy(offsets_hbm, offs_s.at[pl.ds(0, nf)])

        offgrp = [offs_s[pl.ds(g * _LANES, _LANES)]
                  for g in range((nf + _LANES - 1) // _LANES)]
        for f in range(nf):
            e = f % _LANES
            offv = jnp.broadcast_to(offgrp[f // _LANES][e:e + 1], (_LANES,))
            for i in range(nvec):
                sl = pl.ds(i * _LANES, _LANES)
                idx_v[f, sl] = idx_v[f, sl] + offv

        def gather(f, k):
            return pltpu.make_async_copy(
                table_hbm.at[idx_v.at[f]], rowbuf.at[k], gsems[k])

        def scatter(f, k):
            dst = out_hbm.at[pl.ds(b0, bpw), pl.ds(f * dim, dim)]
            return pltpu.make_async_copy(rowbuf.at[k], dst, ssems[k])

        for j in range(nf + _DEPTH):
            if j < nf:
                k = j % _NBUF
                if j >= _NBUF:
                    scatter(j - _NBUF, k).wait()
                gather(j, k).start()
            if j >= _DEPTH:
                jj = j - _DEPTH
                kk = jj % _NBUF
                gather(jj, kk).wait()
                scatter(jj, kk).start()
        for jj in range(max(0, nf - _NBUF), nf):
            scatter(jj, jj % _NBUF).wait()

    return emb


def kernel(values, table, offsets):
    nf = offsets.shape[1]
    batch = values.shape[0] // nf
    dim = table.shape[1]
    values3d = values.reshape(nf, _NWORK, batch // _NWORK)
    emb = _emb_kernel(nf, batch, dim)
    out = emb(values3d, table, offsets.astype(jnp.int32).reshape(nf))
    return out.reshape(batch, nf, dim)

# --- scband reference (transcript-rebuilt; emitter-appended) ---
"""Pipeline reference for scband-sparse-arch-1683627180422 (READ-ONLY COPY).

The authoritative reference and input builder live on the scoring server;
editing this copy changes nothing except your own understanding.
"""

import jax, jax.numpy as jnp
import numpy as np

N_FIELDS = 26
BATCH = 4096
VOCAB = 100000
DIM = 64


def setup_inputs(seed: int = 0) -> dict:
    key = jax.random.key(seed)
    k1, k2 = jax.random.split(key)
    # KJT-style flat values: per-feature blocks of length BATCH, concatenated
    values = jax.random.randint(k1, (N_FIELDS * BATCH,), 0, VOCAB, dtype=jnp.int32)
    # Single fused embedding table: sum(num_embeddings_per_feature) rows
    table = jax.random.normal(k2, (N_FIELDS * VOCAB, DIM), dtype=jnp.float32) * 0.01
    # Per-feature row offsets into the fused table, shape [1, n_fields]
    offsets = (jnp.arange(N_FIELDS, dtype=jnp.int32) * VOCAB)[None, :]
    return {"values": values, "table": table, "offsets": offsets}


def reference(values, table, offsets):
    # reshape_sparse_features: values.view(n_keys, -1).transpose(0, 1) -> [B, n_keys]
    x = values.reshape(N_FIELDS, -1).T
    idx = x + offsets  # broadcast add of per-feature offsets
    embedding = jnp.take(table, idx, axis=0)  # [B, n_fields, dim]
    return embedding

if __name__ == "__main__":
    import jax
    _d = setup_inputs()
    print(jax.jit(kernel)(*tuple(_d.values())))

</pallas_src>

<mosaic_0001>
#map = affine_map<(d0, d1) -> (0, 0, 0)>
#map1 = affine_map<(d0, d1) -> (0, 0)>
#map2 = affine_map<(d0, d1) -> (0)>
module attributes {stable_mosaic.version = 14 : i64} {
  func.func @emb(%arg0: i32, %arg1: i32, %arg2: memref<26x32x128xi32, #tpu.memory_space<hbm>>, %arg3: memref<2600000x64xf32, #tpu.memory_space<hbm>>, %arg4: memref<26xi32, #tpu.memory_space<hbm>>, %arg5: memref<4096x1664xf32, #tpu.memory_space<hbm>>, %arg6: memref<26x128xi32, #tpu.memory_space<vmem>>, %arg7: memref<32xi32, #tpu.memory_space<vmem>>, %arg8: memref<4x128x64xf32, #tpu.memory_space<vmem>>, %arg9: memref<!tpu.dma_semaphore, #tpu.memory_space<semaphore_mem>>, %arg10: memref<!tpu.dma_semaphore, #tpu.memory_space<semaphore_mem>>, %arg11: memref<!tpu.dma_semaphore, #tpu.memory_space<semaphore_mem>>, %arg12: memref<!tpu.dma_semaphore, #tpu.memory_space<semaphore_mem>>, %arg13: memref<!tpu.dma_semaphore, #tpu.memory_space<semaphore_mem>>, %arg14: memref<!tpu.dma_semaphore, #tpu.memory_space<semaphore_mem>>, %arg15: memref<!tpu.dma_semaphore, #tpu.memory_space<semaphore_mem>>, %arg16: memref<!tpu.dma_semaphore, #tpu.memory_space<semaphore_mem>>) attributes {dimension_semantics = [#tpu.dimension_semantics<core_parallel>, #tpu.dimension_semantics<subcore_parallel>], iteration_bounds = array<i64: 2, 16>, scalar_prefetch = 0 : i64, scratch_operands = 11 : i64, tpu.core_type = #tpu.core_type<sc_vector_subcore>, window_params = [{transform_indices = #map}, {transform_indices = #map1}, {transform_indices = #map2}, {transform_indices = #map1}]} {
    %mul3A = arith.constant 2 : i32
    %mul3A_0 = arith.muli %arg1, %mul3A : i32
    %add3A = arith.addi %mul3A_0, %arg0 : i32
    %mul3A_1 = arith.constant 128 : i32
    %mul3A_2 = arith.muli %add3A, %mul3A_1 : i32
    "tpu.region"() ({
      %run_scoped3A = tpu.sem_alloc : memref<!tpu.dma_semaphore, #tpu.memory_space<semaphore_mem>>
      %dma_start3A_3877 = arith.constant 0 : i32
      %dma_start3A_3878 = arith.constant 0 : i32
      %dma_start3A_3879 = tpu.memref_slice %arg2[%dma_start3A_3877, %add3A, %dma_start3A_3878] : memref<26x32x128xi32, #tpu.memory_space<hbm>> -> memref<26x1x128xi32, #tpu.memory_space<hbm>>
      %dma_start3A_3880 = tpu.memref_squeeze %dma_start3A_3879 : memref<26x1x128xi32, #tpu.memory_space<hbm>> -> memref<26x128xi32, #tpu.memory_space<hbm>>
      %dma_start3A_3881 = arith.constant 0 : i32
      %dma_start3A_3882 = arith.constant 0 : i32
      %dma_start3A_3883 = tpu.memref_slice %arg2[%dma_start3A_3881, %add3A, %dma_start3A_3882] : memref<26x32x128xi32, #tpu.memory_space<hbm>> -> memref<26x1x128xi32, #tpu.memory_space<hbm>>
      %dma_start3A_3884 = tpu.memref_squeeze %dma_start3A_3883 : memref<26x1x128xi32, #tpu.memory_space<hbm>> -> memref<26x128xi32, #tpu.memory_space<hbm>>
      tpu.enqueue_dma source(%dma_start3A_3884 : memref<26x128xi32, #tpu.memory_space<hbm>>) target(%arg6 : memref<26x128xi32, #tpu.memory_space<vmem>>) target_semaphore(%run_scoped3A : memref<!tpu.dma_semaphore, #tpu.memory_space<semaphore_mem>>)
      %dma_wait3A_3885 = arith.constant 0 : i32
      %dma_wait3A_3886 = arith.constant 0 : i32
      %dma_wait3A_3887 = tpu.memref_slice %arg2[%dma_wait3A_3885, %add3A, %dma_wait3A_3886] : memref<26x32x128xi32, #tpu.memory_space<hbm>> -> memref<26x1x128xi32, #tpu.memory_space<hbm>>
      %dma_wait3A_3888 = tpu.memref_squeeze %dma_wait3A_3887 : memref<26x1x128xi32, #tpu.memory_space<hbm>> -> memref<26x128xi32, #tpu.memory_space<hbm>>
      %dma_wait3A_3889 = arith.constant 0 : i32
      %dma_wait3A_3890 = arith.constant 0 : i32
      %dma_wait3A_3891 = tpu.memref_slice %arg2[%dma_wait3A_3889, %add3A, %dma_wait3A_3890] : memref<26x32x128xi32, #tpu.memory_space<hbm>> -> memref<26x1x128xi32, #tpu.memory_space<hbm>>
      %dma_wait3A_3892 = tpu.memref_squeeze %dma_wait3A_3891 : memref<26x1x128xi32, #tpu.memory_space<hbm>> -> memref<26x128xi32, #tpu.memory_space<hbm>>
      tpu.wait_dma2 semaphore(%run_scoped3A : memref<!tpu.dma_semaphore, #tpu.memory_space<semaphore_mem>>) src(%dma_wait3A_3892 : memref<26x128xi32, #tpu.memory_space<hbm>>) dst(%arg6 : memref<26x128xi32, #tpu.memory_space<vmem>>)
      tpu.yield
    }) : () -> ()
    "tpu.region"() ({
      %run_scoped3A = tpu.sem_alloc : memref<!tpu.dma_semaphore, #tpu.memory_space<semaphore_mem>>
      %dma_start3A_3877 = arith.constant 0 : i32
      %dma_start3A_3878 = tpu.memref_slice %arg7[%dma_start3A_3877] : memref<32xi32, #tpu.memory_space<vmem>> -> memref<26xi32, #tpu.memory_space<vmem>>
      %dma_start3A_3879 = arith.constant 0 : i32
      %dma_start3A_3880 = tpu.memref_slice %arg7[%dma_start3A_3879] : memref<32xi32, #tpu.memory_space<vmem>> -> memref<26xi32, #tpu.memory_space<vmem>>
      tpu.enqueue_dma source(%arg4 : memref<26xi32, #tpu.memory_space<hbm>>) target(%dma_start3A_3880 : memref<26xi32, #tpu.memory_space<vmem>>) target_semaphore(%run_scoped3A : memref<!tpu.dma_semaphore, #tpu.memory_space<semaphore_mem>>)
      %dma_wait3A_3881 = arith.constant 0 : i32
      %dma_wait3A_3882 = tpu.memref_slice %arg7[%dma_wait3A_3881] : memref<32xi32, #tpu.memory_space<vmem>> -> memref<26xi32, #tpu.memory_space<vmem>>
      %dma_wait3A_3883 = arith.constant 0 : i32
      %dma_wait3A_3884 = tpu.memref_slice %arg7[%dma_wait3A_3883] : memref<32xi32, #tpu.memory_space<vmem>> -> memref<26xi32, #tpu.memory_space<vmem>>
      tpu.wait_dma2 semaphore(%run_scoped3A : memref<!tpu.dma_semaphore, #tpu.memory_space<semaphore_mem>>) src(%arg4 : memref<26xi32, #tpu.memory_space<hbm>>) dst(%dma_wait3A_3884 : memref<26xi32, #tpu.memory_space<vmem>>)
      tpu.yield
    }) : () -> ()
    %get3A = arith.constant 0 : index
    %get3A_3 = tpu.vector_load %arg7[%get3A] {strides = array<i32>} : memref<32xi32, #tpu.memory_space<vmem>>, vector<16xi32>,
    %get3A_4 = vector.shape_cast %get3A_3 : vector<16xi32> to vector<16xi32>
    %get3A_5 = arith.constant 16 : index
    %get3A_6 = tpu.vector_load %arg7[%get3A_5] {strides = array<i32>} : memref<32xi32, #tpu.memory_space<vmem>>, vector<16xi32>,
    %get3A_7 = vector.shape_cast %get3A_6 : vector<16xi32> to vector<16xi32>
    %slice3A = vector.extract_strided_slice %get3A_4 {offsets = [0], sizes = [1], strides = [1]} : vector<16xi32> to vector<1xi32>
    %broadcast_in_dim3A = vector.shape_cast %slice3A : vector<1xi32> to vector<1xi32>
    %broadcast_in_dim3A_8 = vector.broadcast %broadcast_in_dim3A : vector<1xi32> to vector<16xi32>
    %get3A_9 = arith.constant 0 : i32
    %get3A_10 = arith.index_cast %get3A_9 : i32 to index
    %get3A_11 = arith.constant 0 : index
    %get3A_12 = tpu.vector_load %arg6[%get3A_10, %get3A_11] {strides = array<i32>} : memref<26x128xi32, #tpu.memory_space<vmem>>, vector<1x16xi32>,
    %get3A_13 = vector.shape_cast %get3A_12 : vector<1x16xi32> to vector<16xi32>
    %add3A_14 = arith.addi %get3A_13, %broadcast_in_dim3A_8 : vector<16xi32>
    %swap3A = arith.constant 0 : i32
    %swap3A_15 = arith.index_cast %swap3A : i32 to index
    %swap3A_16 = arith.constant 0 : index
    %swap3A_17 = tpu.vector_load %arg6[%swap3A_15, %swap3A_16] {strides = array<i32>} : memref<26x128xi32, #tpu.memory_space<vmem>>, vector<1x16xi32>,
    %swap3A_18 = vector.shape_cast %swap3A_17 : vector<1x16xi32> to vector<16xi32>
    %swap3A_19 = vector.shape_cast %add3A_14 : vector<16xi32> to vector<1x16xi32>
    tpu.vector_store %arg6[%swap3A_15, %swap3A_16], %swap3A_19 {strides = array<i32>} : memref<26x128xi32, #tpu.memory_space<vmem>>, vector<1x16xi32>,
    %get3A_20 = arith.constant 0 : i32
    %get3A_21 = arith.index_cast %get3A_20 : i32 to index
    %get3A_22 = arith.constant 16 : index
    %get3A_23 = tpu.vector_load %arg6[%get3A_21, %get3A_22] {strides = array<i32>} : memref<26x128xi32, #tpu.memory_space<vmem>>, vector<1x16xi32>,
    %get3A_24 = vector.shape_cast %get3A_23 : vector<1x16xi32> to vector<16xi32>
    %add3A_25 = arith.addi %get3A_24, %broadcast_in_dim3A_8 : vector<16xi32>
    %swap3A_26 = arith.constant 0 : i32
    %swap3A_27 = arith.index_cast %swap3A_26 : i32 to index
    %swap3A_28 = arith.constant 16 : index
    %swap3A_29 = tpu.vector_load %arg6[%swap3A_27, %swap3A_28] {strides = array<i32>} : memref<26x128xi32, #tpu.memory_space<vmem>>, vector<1x16xi32>,
    %swap3A_30 = vector.shape_cast %swap3A_29 : vector<1x16xi32> to vector<16xi32>
    %swap3A_31 = vector.shape_cast %add3A_25 : vector<16xi32> to vector<1x16xi32>
    tpu.vector_store %arg6[%swap3A_27, %swap3A_28], %swap3A_31 {strides = array<i32>} : memref<26x128xi32, #tpu.memory_space<vmem>>, vector<1x16xi32>,
    %get3A_32 = arith.constant 0 : i32
    %get3A_33 = arith.index_cast %get3A_32 : i32 to index
    %get3A_34 = arith.constant 32 : index
    %get3A_35 = tpu.vector_load %arg6[%get3A_33, %get3A_34] {strides = array<i32>} : memref<26x128xi32, #tpu.memory_space<vmem>>, vector<1x16xi32>,
    %get3A_36 = vector.shape_cast %get3A_35 : vector<1x16xi32> to vector<16xi32>
    %add3A_37 = arith.addi %get3A_36, %broadcast_in_dim3A_8 : vector<16xi32>
    %swap3A_38 = arith.constant 0 : i32
    %swap3A_39 = arith.index_cast %swap3A_38 : i32 to index
    %swap3A_40 = arith.constant 32 : index
    %swap3A_41 = tpu.vector_load %arg6[%swap3A_39, %swap3A_40] {strides = array<i32>} : memref<26x128xi32, #tpu.memory_space<vmem>>, vector<1x16xi32>,
    %swap3A_42 = vector.shape_cast %swap3A_41 : vector<1x16xi32> to vector<16xi32>
    %swap3A_43 = vector.shape_cast %add3A_37 : vector<16xi32> to vector<1x16xi32>
    tpu.vector_store %arg6[%swap3A_39, %swap3A_40], %swap3A_43 {strides = array<i32>} : memref<26x128xi32, #tpu.memory_space<vmem>>, vector<1x16xi32>,
    %get3A_44 = arith.constant 0 : i32
    %get3A_45 = arith.index_cast %get3A_44 : i32 to index
    %get3A_46 = arith.constant 48 : index
    %get3A_47 = tpu.vector_load %arg6[%get3A_45, %get3A_46] {strides = array<i32>} : memref<26x128xi32, #tpu.memory_space<vmem>>, vector<1x16xi32>,
    %get3A_48 = vector.shape_cast %get3A_47 : vector<1x16xi32> to vector<16xi32>
    %add3A_49 = arith.addi %get3A_48, %broadcast_in_dim3A_8 : vector<16xi32>
    %swap3A_50 = arith.constant 0 : i32
    %swap3A_51 = arith.index_cast %swap3A_50 : i32 to index
    %swap3A_52 = arith.constant 48 : index
    %swap3A_53 = tpu.vector_load %arg6[%swap3A_51, %swap3A_52] {strides = array<i32>} : memref<26x128xi32, #tpu.memory_space<vmem>>, vector<1x16xi32>,
    %swap3A_54 = vector.shape_cast %swap3A_53 : vector<1x16xi32> to vector<16xi32>
    %swap3A_55 = vector.shape_cast %add3A_49 : vector<16xi32> to vector<1x16xi32>
    tpu.vector_store %arg6[%swap3A_51, %swap3A_52], %swap3A_55 {strides = array<i32>} : memref<26x128xi32, #tpu.memory_space<vmem>>, vector<1x16xi32>,
    %get3A_56 = arith.constant 0 : i32
    %get3A_57 = arith.index_cast %get3A_56 : i32 to index
    %get3A_58 = arith.constant 64 : index
    %get3A_59 = tpu.vector_load %arg6[%get3A_57, %get3A_58] {strides = array<i32>} : memref<26x128xi32, #tpu.memory_space<vmem>>, vector<1x16xi32>,
    %get3A_60 = vector.shape_cast %get3A_59 : vector<1x16xi32> to vector<16xi32>
    %add3A_61 = arith.addi %get3A_60, %broadcast_in_dim3A_8 : vector<16xi32>
    %swap3A_62 = arith.constant 0 : i32
    %swap3A_63 = arith.index_cast %swap3A_62 : i32 to index
    %swap3A_64 = arith.constant 64 : index
    %swap3A_65 = tpu.vector_load %arg6[%swap3A_63, %swap3A_64] {strides = array<i32>} : memref<26x128xi32, #tpu.memory_space<vmem>>, vector<1x16xi32>,
    %swap3A_66 = vector.shape_cast %swap3A_65 : vector<1x16xi32> to vector<16xi32>
    %swap3A_67 = vector.shape_cast %add3A_61 : vector<16xi32> to vector<1x16xi32>
    tpu.vector_store %arg6[%swap3A_63, %swap3A_64], %swap3A_67 {strides = array<i32>} : memref<26x128xi32, #tpu.memory_space<vmem>>, vector<1x16xi32>,
    %get3A_68 = arith.constant 0 : i32
    %get3A_69 = arith.index_cast %get3A_68 : i32 to index
    %get3A_70 = arith.constant 80 : index
    %get3A_71 = tpu.vector_load %arg6[%get3A_69, %get3A_70] {strides = array<i32>} : memref<26x128xi32, #tpu.memory_space<vmem>>, vector<1x16xi32>,
    %get3A_72 = vector.shape_cast %get3A_71 : vector<1x16xi32> to vector<16xi32>
    %add3A_73 = arith.addi %get3A_72, %broadcast_in_dim3A_8 : vector<16xi32>
    %swap3A_74 = arith.constant 0 : i32
    %swap3A_75 = arith.index_cast %swap3A_74 : i32 to index
    %swap3A_76 = arith.constant 80 : index
    %swap3A_77 = tpu.vector_load %arg6[%swap3A_75, %swap3A_76] {strides = array<i32>} : memref<26x128xi32, #tpu.memory_space<vmem>>, vector<1x16xi32>,
    %swap3A_78 = vector.shape_cast %swap3A_77 : vector<1x16xi32> to vector<16xi32>
    %swap3A_79 = vector.shape_cast %add3A_73 : vector<16xi32> to vector<1x16xi32>
    tpu.vector_store %arg6[%swap3A_75, %swap3A_76], %swap3A_79 {strides = array<i32>} : memref<26x128xi32, #tpu.memory_space<vmem>>, vector<1x16xi32>,
    %get3A_80 = arith.constant 0 : i32
    %get3A_81 = arith.index_cast %get3A_80 : i32 to index
    %get3A_82 = arith.constant 96 : index
    %get3A_83 = tpu.vector_load %arg6[%get3A_81, %get3A_82] {strides = array<i32>} : memref<26x128xi32, #tpu.memory_space<vmem>>, vector<1x16xi32>,
    %get3A_84 = vector.shape_cast %get3A_83 : vector<1x16xi32> to vector<16xi32>
    %add3A_85 = arith.addi %get3A_84, %broadcast_in_dim3A_8 : vector<16xi32>
    %swap3A_86 = arith.constant 0 : i32
    %swap3A_87 = arith.index_cast %swap3A_86 : i32 to index
    %swap3A_88 = arith.constant 96 : index
    %swap3A_89 = tpu.vector_load %arg6[%swap3A_87, %swap3A_88] {strides = array<i32>} : memref<26x128xi32, #tpu.memory_space<vmem>>, vector<1x16xi32>,
    %swap3A_90 = vector.shape_cast %swap3A_89 : vector<1x16xi32> to vector<16xi32>
    %swap3A_91 = vector.shape_cast %add3A_85 : vector<16xi32> to vector<1x16xi32>
    tpu.vector_store %arg6[%swap3A_87, %swap3A_88], %swap3A_91 {strides = array<i32>} : memref<26x128xi32, #tpu.memory_space<vmem>>, vector<1x16xi32>,
    %get3A_92 = arith.constant 0 : i32
    %get3A_93 = arith.index_cast %get3A_92 : i32 to index
    %get3A_94 = arith.constant 112 : index
    %get3A_95 = tpu.vector_load %arg6[%get3A_93, %get3A_94] {strides = array<i32>} : memref<26x128xi32, #tpu.memory_space<vmem>>, vector<1x16xi32>,
    %get3A_96 = vector.shape_cast %get3A_95 : vector<1x16xi32> to vector<16xi32>
    %add3A_97 = arith.addi %get3A_96, %broadcast_in_dim3A_8 : vector<16xi32>
    %swap3A_98 = arith.constant 0 : i32
    %swap3A_99 = arith.index_cast %swap3A_98 : i32 to index
    %swap3A_100 = arith.constant 112 : index
    %swap3A_101 = tpu.vector_load %arg6[%swap3A_99, %swap3A_100] {strides = array<i32>} : memref<26x128xi32, #tpu.memory_space<vmem>>, vector<1x16xi32>,
    %swap3A_102 = vector.shape_cast %swap3A_101 : vector<1x16xi32> to vector<16xi32>
    %swap3A_103 = vector.shape_cast %add3A_97 : vector<16xi32> to vector<1x16xi32>
    tpu.vector_store %arg6[%swap3A_99, %swap3A_100], %swap3A_103 {strides = array<i32>} : memref<26x128xi32, #tpu.memory_space<vmem>>, vector<1x16xi32>,
    %slice3A_104 = vector.extract_strided_slice %get3A_4 {offsets = [1], sizes = [1], strides = [1]} : vector<16xi32> to vector<1xi32>
    %broadcast_in_dim3A_105 = vector.shape_cast %slice3A_104 : vector<1xi32> to vector<1xi32>
    %broadcast_in_dim3A_106 = vector.broadcast %broadcast_in_dim3A_105 : vector<1xi32> to vector<16xi32>
    %get3A_107 = arith.constant 1 : i32
    %get3A_108 = arith.index_cast %get3A_107 : i32 to index
    %get3A_109 = arith.constant 0 : index
    %get3A_110 = tpu.vector_load %arg6[%get3A_108, %get3A_109] {strides = array<i32>} : memref<26x128xi32, #tpu.memory_space<vmem>>, vector<1x16xi32>,
    %get3A_111 = vector.shape_cast %get3A_110 : vector<1x16xi32> to vector<16xi32>
    %add3A_112 = arith.addi %get3A_111, %broadcast_in_dim3A_106 : vector<16xi32>
    %swap3A_113 = arith.constant 1 : i32
    %swap3A_114 = arith.index_cast %swap3A_113 : i32 to index
    %swap3A_115 = arith.constant 0 : index
    %swap3A_116 = tpu.vector_load %arg6[%swap3A_114, %swap3A_115] {strides = array<i32>} : memref<26x128xi32, #tpu.memory_space<vmem>>, vector<1x16xi32>,
    %swap3A_117 = vector.shape_cast %swap3A_116 : vector<1x16xi32> to vector<16xi32>
    %swap3A_118 = vector.shape_cast %add3A_112 : vector<16xi32> to vector<1x16xi32>
    tpu.vector_store %arg6[%swap3A_114, %swap3A_115], %swap3A_118 {strides = array<i32>} : memref<26x128xi32, #tpu.memory_space<vmem>>, vector<1x16xi32>,
    %get3A_119 = arith.constant 1 : i32
    %get3A_120 = arith.index_cast %get3A_119 : i32 to index
    %get3A_121 = arith.constant 16 : index
    %get3A_122 = tpu.vector_load %arg6[%get3A_120, %get3A_121] {strides = array<i32>} : memref<26x128xi32, #tpu.memory_space<vmem>>, vector<1x16xi32>,
    %get3A_123 = vector.shape_cast %get3A_122 : vector<1x16xi32> to vector<16xi32>
    %add3A_124 = arith.addi %get3A_123, %broadcast_in_dim3A_106 : vector<16xi32>
    %swap3A_125 = arith.constant 1 : i32
    %swap3A_126 = arith.index_cast %swap3A_125 : i32 to index
    %swap3A_127 = arith.constant 16 : index
    %swap3A_128 = tpu.vector_load %arg6[%swap3A_126, %swap3A_127] {strides = array<i32>} : memref<26x128xi32, #tpu.memory_space<vmem>>, vector<1x16xi32>,
    %swap3A_129 = vector.shape_cast %swap3A_128 : vector<1x16xi32> to vector<16xi32>
    %swap3A_130 = vector.shape_cast %add3A_124 : vector<16xi32> to vector<1x16xi32>
    tpu.vector_store %arg6[%swap3A_126, %swap3A_127], %swap3A_130 {strides = array<i32>} : memref<26x128xi32, #tpu.memory_space<vmem>>, vector<1x16xi32>,
    %get3A_131 = arith.constant 1 : i32
    %get3A_132 = arith.index_cast %get3A_131 : i32 to index
    %get3A_133 = arith.constant 32 : index
    %get3A_134 = tpu.vector_load %arg6[%get3A_132, %get3A_133] {strides = array<i32>} : memref<26x128xi32, #tpu.memory_space<vmem>>, vector<1x16xi32>,
    %get3A_135 = vector.shape_cast %get3A_134 : vector<1x16xi32> to vector<16xi32>
    %add3A_136 = arith.addi %get3A_135, %broadcast_in_dim3A_106 : vector<16xi32>
    %swap3A_137 = arith.constant 1 : i32
    %swap3A_138 = arith.index_cast %swap3A_137 : i32 to index
    %swap3A_139 = arith.constant 32 : index
    %swap3A_140 = tpu.vector_load %arg6[%swap3A_138, %swap3A_139] {strides = array<i32>} : memref<26x128xi32, #tpu.memory_space<vmem>>, vector<1x16xi32>,
    %swap3A_141 = vector.shape_cast %swap3A_140 : vector<1x16xi32> to vector<16xi32>
    %swap3A_142 = vector.shape_cast %add3A_136 : vector<16xi32> to vector<1x16xi32>
    tpu.vector_store %arg6[%swap3A_138, %swap3A_139], %swap3A_142 {strides = array<i32>} : memref<26x128xi32, #tpu.memory_space<vmem>>, vector<1x16xi32>,
    %get3A_143 = arith.constant 1 : i32
    %get3A_144 = arith.index_cast %get3A_143 : i32 to index
    %get3A_145 = arith.constant 48 : index
    %get3A_146 = tpu.vector_load %arg6[%get3A_144, %get3A_145] {strides = array<i32>} : memref<26x128xi32, #tpu.memory_space<vmem>>, vector<1x16xi32>,
    %get3A_147 = vector.shape_cast %get3A_146 : vector<1x16xi32> to vector<16xi32>
    %add3A_148 = arith.addi %get3A_147, %broadcast_in_dim3A_106 : vector<16xi32>
    %swap3A_149 = arith.constant 1 : i32
    %swap3A_150 = arith.index_cast %swap3A_149 : i32 to index
    %swap3A_151 = arith.constant 48 : index
    %swap3A_152 = tpu.vector_load %arg6[%swap3A_150, %swap3A_151] {strides = array<i32>} : memref<26x128xi32, #tpu.memory_space<vmem>>, vector<1x16xi32>,
    %swap3A_153 = vector.shape_cast %swap3A_152 : vector<1x16xi32> to vector<16xi32>
    %swap3A_154 = vector.shape_cast %add3A_148 : vector<16xi32> to vector<1x16xi32>
    tpu.vector_store %arg6[%swap3A_150, %swap3A_151], %swap3A_154 {strides = array<i32>} : memref<26x128xi32, #tpu.memory_space<vmem>>, vector<1x16xi32>,
    %get3A_155 = arith.constant 1 : i32
    %get3A_156 = arith.index_cast %get3A_155 : i32 to index
    %get3A_157 = arith.constant 64 : index
    %get3A_158 = tpu.vector_load %arg6[%get3A_156, %get3A_157] {strides = array<i32>} : memref<26x128xi32, #tpu.memory_space<vmem>>, vector<1x16xi32>,
    %get3A_159 = vector.shape_cast %get3A_158 : vector<1x16xi32> to vector<16xi32>
    %add3A_160 = arith.addi %get3A_159, %broadcast_in_dim3A_106 : vector<16xi32>
    %swap3A_161 = arith.constant 1 : i32
    %swap3A_162 = arith.index_cast %swap3A_161 : i32 to index
    %swap3A_163 = arith.constant 64 : index
    %swap3A_164 = tpu.vector_load %arg6[%swap3A_162, %swap3A_163] {strides = array<i32>} : memref<26x128xi32, #tpu.memory_space<vmem>>, vector<1x16xi32>,
    %swap3A_165 = vector.shape_cast %swap3A_164 : vector<1x16xi32> to vector<16xi32>
    %swap3A_166 = vector.shape_cast %add3A_160 : vector<16xi32> to vector<1x16xi32>
    tpu.vector_store %arg6[%swap3A_162, %swap3A_163], %swap3A_166 {strides = array<i32>} : memref<26x128xi32, #tpu.memory_space<vmem>>, vector<1x16xi32>,
    %get3A_167 = arith.constant 1 : i32
    %get3A_168 = arith.index_cast %get3A_167 : i32 to index
    %get3A_169 = arith.constant 80 : index
    %get3A_170 = tpu.vector_load %arg6[%get3A_168, %get3A_169] {strides = array<i32>} : memref<26x128xi32, #tpu.memory_space<vmem>>, vector<1x16xi32>,
    %get3A_171 = vector.shape_cast %get3A_170 : vector<1x16xi32> to vector<16xi32>
    %add3A_172 = arith.addi %get3A_171, %broadcast_in_dim3A_106 : vector<16xi32>
    %swap3A_173 = arith.constant 1 : i32
    %swap3A_174 = arith.index_cast %swap3A_173 : i32 to index
    %swap3A_175 = arith.constant 80 : index
    %swap3A_176 = tpu.vector_load %arg6[%swap3A_174, %swap3A_175] {strides = array<i32>} : memref<26x128xi32, #tpu.memory_space<vmem>>, vector<1x16xi32>,
    %swap3A_177 = vector.shape_cast %swap3A_176 : vector<1x16xi32> to vector<16xi32>
    %swap3A_178 = vector.shape_cast %add3A_172 : vector<16xi32> to vector<1x16xi32>
    tpu.vector_store %arg6[%swap3A_174, %swap3A_175], %swap3A_178 {strides = array<i32>} : memref<26x128xi32, #tpu.memory_space<vmem>>, vector<1x16xi32>,
    %get3A_179 = arith.constant 1 : i32
    %get3A_180 = arith.index_cast %get3A_179 : i32 to index
    %get3A_181 = arith.constant 96 : index
    %get3A_182 = tpu.vector_load %arg6[%get3A_180, %get3A_181] {strides = array<i32>} : memref<26x128xi32, #tpu.memory_space<vmem>>, vector<1x16xi32>,
    %get3A_183 = vector.shape_cast %get3A_182 : vector<1x16xi32> to vector<16xi32>
    %add3A_184 = arith.addi %get3A_183, %broadcast_in_dim3A_106 : vector<16xi32>
    %swap3A_185 = arith.constant 1 : i32
    %swap3A_186 = arith.index_cast %swap3A_185 : i32 to index
    %swap3A_187 = arith.constant 96 : index
    %swap3A_188 = tpu.vector_load %arg6[%swap3A_186, %swap3A_187] {strides = array<i32>} : memref<26x128xi32, #tpu.memory_space<vmem>>, vector<1x16xi32>,
    %swap3A_189 = vector.shape_cast %swap3A_188 : vector<1x16xi32> to vector<16xi32>
    %swap3A_190 = vector.shape_cast %add3A_184 : vector<16xi32> to vector<1x16xi32>
    tpu.vector_store %arg6[%swap3A_186, %swap3A_187], %swap3A_190 {strides = array<i32>} : memref<26x128xi32, #tpu.memory_space<vmem>>, vector<1x16xi32>,
    %get3A_191 = arith.constant 1 : i32
    %get3A_192 = arith.index_cast %get3A_191 : i32 to index
    %get3A_193 = arith.constant 112 : index
    %get3A_194 = tpu.vector_load %arg6[%get3A_192, %get3A_193] {strides = array<i32>} : memref<26x128xi32, #tpu.memory_space<vmem>>, vector<1x16xi32>,
    %get3A_195 = vector.shape_cast %get3A_194 : vector<1x16xi32> to vector<16xi32>
    %add3A_196 = arith.addi %get3A_195, %broadcast_in_dim3A_106 : vector<16xi32>
    %swap3A_197 = arith.constant 1 : i32
    %swap3A_198 = arith.index_cast %swap3A_197 : i32 to index
    %swap3A_199 = arith.constant 112 : index
    %swap3A_200 = tpu.vector_load %arg6[%swap3A_198, %swap3A_199] {strides = array<i32>} : memref<26x128xi32, #tpu.memory_space<vmem>>, vector<1x16xi32>,
    %swap3A_201 = vector.shape_cast %swap3A_200 : vector<1x16xi32> to vector<16xi32>
    %swap3A_202 = vector.shape_cast %add3A_196 : vector<16xi32> to vector<1x16xi32>
    tpu.vector_store %arg6[%swap3A_198, %swap3A_199], %swap3A_202 {strides = array<i32>} : memref<26x128xi32, #tpu.memory_space<vmem>>, vector<1x16xi32>,
    %slice3A_203 = vector.extract_strided_slice %get3A_4 {offsets = [2], sizes = [1], strides = [1]} : vector<16xi32> to vector<1xi32>
    %broadcast_in_dim3A_204 = vector.shape_cast %slice3A_203 : vector<1xi32> to vector<1xi32>
    %broadcast_in_dim3A_205 = vector.broadcast %broadcast_in_dim3A_204 : vector<1xi32> to vector<16xi32>
    %get3A_206 = arith.constant 2 : i32
    %get3A_207 = arith.index_cast %get3A_206 : i32 to index
    %get3A_208 = arith.constant 0 : index
    %get3A_209 = tpu.vector_load %arg6[%get3A_207, %get3A_208] {strides = array<i32>} : memref<26x128xi32, #tpu.memory_space<vmem>>, vector<1x16xi32>,
    %get3A_210 = vector.shape_cast %get3A_209 : vector<1x16xi32> to vector<16xi32>
    %add3A_211 = arith.addi %get3A_210, %broadcast_in_dim3A_205 : vector<16xi32>
    %swap3A_212 = arith.constant 2 : i32
    %swap3A_213 = arith.index_cast %swap3A_212 : i32 to index
    %swap3A_214 = arith.constant 0 : index
    %swap3A_215 = tpu.vector_load %arg6[%swap3A_213, %swap3A_214] {strides = array<i32>} : memref<26x128xi32, #tpu.memory_space<vmem>>, vector<1x16xi32>,
    %swap3A_216 = vector.shape_cast %swap3A_215 : vector<1x16xi32> to vector<16xi32>
    %swap3A_217 = vector.shape_cast %add3A_211 : vector<16xi32> to vector<1x16xi32>
    tpu.vector_store %arg6[%swap3A_213, %swap3A_214], %swap3A_217 {strides = array<i32>} : memref<26x128xi32, #tpu.memory_space<vmem>>, vector<1x16xi32>,
    %get3A_218 = arith.constant 2 : i32
    %get3A_219 = arith.index_cast %get3A_218 : i32 to index
    %get3A_220 = arith.constant 16 : index
    %get3A_221 = tpu.vector_load %arg6[%get3A_219, %get3A_220] {strides = array<i32>} : memref<26x128xi32, #tpu.memory_space<vmem>>, vector<1x16xi32>,
    %get3A_222 = vector.shape_cast %get3A_221 : vector<1x16xi32> to vector<16xi32>
    %add3A_223 = arith.addi %get3A_222, %broadcast_in_dim3A_205 : vector<16xi32>
    %swap3A_224 = arith.constant 2 : i32
    %swap3A_225 = arith.index_cast %swap3A_224 : i32 to index
    %swap3A_226 = arith.constant 16 : index
    %swap3A_227 = tpu.vector_load %arg6[%swap3A_225, %swap3A_226] {strides = array<i32>} : memref<26x128xi32, #tpu.memory_space<vmem>>, vector<1x16xi32>,
    %swap3A_228 = vector.shape_cast %swap3A_227 : vector<1x16xi32> to vector<16xi32>
    %swap3A_229 = vector.shape_cast %add3A_223 : vector<16xi32> to vector<1x16xi32>
    tpu.vector_store %arg6[%swap3A_225, %swap3A_226], %swap3A_229 {strides = array<i32>} : memref<26x128xi32, #tpu.memory_space<vmem>>, vector<1x16xi32>,
    %get3A_230 = arith.constant 2 : i32
    %get3A_231 = arith.index_cast %get3A_230 : i32 to index
    %get3A_232 = arith.constant 32 : index
    %get3A_233 = tpu.vector_load %arg6[%get3A_231, %get3A_232] {strides = array<i32>} : memref<26x128xi32, #tpu.memory_space<vmem>>, vector<1x16xi32>,
    %get3A_234 = vector.shape_cast %get3A_233 : vector<1x16xi32> to vector<16xi32>
    %add3A_235 = arith.addi %get3A_234, %broadcast_in_dim3A_205 : vector<16xi32>
    %swap3A_236 = arith.constant 2 : i32
    %swap3A_237 = arith.index_cast %swap3A_236 : i32 to index
    %swap3A_238 = arith.constant 32 : index
    %swap3A_239 = tpu.vector_load %arg6[%swap3A_237, %swap3A_238] {strides = array<i32>} : memref<26x128xi32, #tpu.memory_space<vmem>>, vector<1x16xi32>,
    %swap3A_240 = vector.shape_cast %swap3A_239 : vector<1x16xi32> to vector<16xi32>
    %swap3A_241 = vector.shape_cast %add3A_235 : vector<16xi32> to vector<1x16xi32>
    tpu.vector_store %arg6[%swap3A_237, %swap3A_238], %swap3A_241 {strides = array<i32>} : memref<26x128xi32, #tpu.memory_space<vmem>>, vector<1x16xi32>,
    %get3A_242 = arith.constant 2 : i32
    %get3A_243 = arith.index_cast %get3A_242 : i32 to index
    %get3A_244 = arith.constant 48 : index
    %get3A_245 = tpu.vector_load %arg6[%get3A_243, %get3A_244] {strides = array<i32>} : memref<26x128xi32, #tpu.memory_space<vmem>>, vector<1x16xi32>,
    %get3A_246 = vector.shape_cast %get3A_245 : vector<1x16xi32> to vector<16xi32>
    %add3A_247 = arith.addi %get3A_246, %broadcast_in_dim3A_205 : vector<16xi32>
    %swap3A_248 = arith.constant 2 : i32
    %swap3A_249 = arith.index_cast %swap3A_248 : i32 to index
    %swap3A_250 = arith.constant 48 : index
    %swap3A_251 = tpu.vector_load %arg6[%swap3A_249, %swap3A_250] {strides = array<i32>} : memref<26x128xi32, #tpu.memory_space<vmem>>, vector<1x16xi32>,
    %swap3A_252 = vector.shape_cast %swap3A_251 : vector<1x16xi32> to vector<16xi32>
    %swap3A_253 = vector.shape_cast %add3A_247 : vector<16xi32> to vector<1x16xi32>
    tpu.vector_store %arg6[%swap3A_249, %swap3A_250], %swap3A_253 {strides = array<i32>} : memref<26x128xi32, #tpu.memory_space<vmem>>, vector<1x16xi32>,
    %get3A_254 = arith.constant 2 : i32
    %get3A_255 = arith.index_cast %get3A_254 : i32 to index
    %get3A_256 = arith.constant 64 : index
    %get3A_257 = tpu.vector_load %arg6[%get3A_255, %get3A_256] {strides = array<i32>} : memref<26x128xi32, #tpu.memory_space<vmem>>, vector<1x16xi32>,
    %get3A_258 = vector.shape_cast %get3A_257 : vector<1x16xi32> to vector<16xi32>
    %add3A_259 = arith.addi %get3A_258, %broadcast_in_dim3A_205 : vector<16xi32>
    %swap3A_260 = arith.constant 2 : i32
    %swap3A_261 = arith.index_cast %swap3A_260 : i32 to index
    %swap3A_262 = arith.constant 64 : index
    %swap3A_263 = tpu.vector_load %arg6[%swap3A_261, %swap3A_262] {strides = array<i32>} : memref<26x128xi32, #tpu.memory_space<vmem>>, vector<1x16xi32>,
    %swap3A_264 = vector.shape_cast %swap3A_263 : vector<1x16xi32> to vector<16xi32>
    %swap3A_265 = vector.shape_cast %add3A_259 : vector<16xi32> to vector<1x16xi32>
    tpu.vector_store %arg6[%swap3A_261, %swap3A_262], %swap3A_265 {strides = array<i32>} : memref<26x128xi32, #tpu.memory_space<vmem>>, vector<1x16xi32>,
    %get3A_266 = arith.constant 2 : i32
    %get3A_267 = arith.index_cast %get3A_266 : i32 to index
    %get3A_268 = arith.constant 80 : index
    %get3A_269 = tpu.vector_load %arg6[%get3A_267, %get3A_268] {strides = array<i32>} : memref<26x128xi32, #tpu.memory_space<vmem>>, vector<1x16xi32>,
    %get3A_270 = vector.shape_cast %get3A_269 : vector<1x16xi32> to vector<16xi32>
    %add3A_271 = arith.addi %get3A_270, %broadcast_in_dim3A_205 : vector<16xi32>
    %swap3A_272 = arith.constant 2 : i32
    %swap3A_273 = arith.index_cast %swap3A_272 : i32 to index
    %swap3A_274 = arith.constant 80 : index
    %swap3A_275 = tpu.vector_load %arg6[%swap3A_273, %swap3A_274] {strides = array<i32>} : memref<26x128xi32, #tpu.memory_space<vmem>>, vector<1x16xi32>,
    %swap3A_276 = vector.shape_cast %swap3A_275 : vector<1x16xi32> to vector<16xi32>
    %swap3A_277 = vector.shape_cast %add3A_271 : vector<16xi32> to vector<1x16xi32>
    tpu.vector_store %arg6[%swap3A_273, %swap3A_274], %swap3A_277 {strides = array<i32>} : memref<26x128xi32, #tpu.memory_space<vmem>>, vector<1x16xi32>,
    %get3A_278 = arith.constant 2 : i32
    %get3A_279 = arith.index_cast %get3A_278 : i32 to index
    %get3A_280 = arith.constant 96 : index
    %get3A_281 = tpu.vector_load %arg6[%get3A_279, %get3A_280] {strides = array<i32>} : memref<26x128xi32, #tpu.memory_space<vmem>>, vector<1x16xi32>,
    %get3A_282 = vector.shape_cast %get3A_281 : vector<1x16xi32> to vector<16xi32>
    %add3A_283 = arith.addi %get3A_282, %broadcast_in_dim3A_205 : vector<16xi32>
    %swap3A_284 = arith.constant 2 : i32
    %swap3A_285 = arith.index_cast %swap3A_284 : i32 to index
    %swap3A_286 = arith.constant 96 : index
    %swap3A_287 = tpu.vector_load %arg6[%swap3A_285, %swap3A_286] {strides = array<i32>} : memref<26x128xi32, #tpu.memory_space<vmem>>, vector<1x16xi32>,
    %swap3A_288 = vector.shape_cast %swap3A_287 : vector<1x16xi32> to vector<16xi32>
    %swap3A_289 = vector.shape_cast %add3A_283 : vector<16xi32> to vector<1x16xi32>
    tpu.vector_store %arg6[%swap3A_285, %swap3A_286], %swap3A_289 {strides = array<i32>} : memref<26x128xi32, #tpu.memory_space<vmem>>, vector<1x16xi32>,
    %get3A_290 = arith.constant 2 : i32
    %get3A_291 = arith.index_cast %get3A_290 : i32 to index
    %get3A_292 = arith.constant 112 : index
    %get3A_293 = tpu.vector_load %arg6[%get3A_291, %get3A_292] {strides = array<i32>} : memref<26x128xi32, #tpu.memory_space<vmem>>, vector<1x16xi32>,
    %get3A_294 = vector.shape_cast %get3A_293 : vector<1x16xi32> to vector<16xi32>
    %add3A_295 = arith.addi %get3A_294, %broadcast_in_dim3A_205 : vector<16xi32>
    %swap3A_296 = arith.constant 2 : i32
    %swap3A_297 = arith.index_cast %swap3A_296 : i32 to index
    %swap3A_298 = arith.constant 112 : index
    %swap3A_299 = tpu.vector_load %arg6[%swap3A_297, %swap3A_298] {strides = array<i32>} : memref<26x128xi32, #tpu.memory_space<vmem>>, vector<1x16xi32>,
    %swap3A_300 = vector.shape_cast %swap3A_299 : vector<1x16xi32> to vector<16xi32>
    %swap3A_301 = vector.shape_cast %add3A_295 : vector<16xi32> to vector<1x16xi32>
    tpu.vector_store %arg6[%swap3A_297, %swap3A_298], %swap3A_301 {strides = array<i32>} : memref<26x128xi32, #tpu.memory_space<vmem>>, vector<1x16xi32>,
    %slice3A_302 = vector.extract_strided_slice %get3A_4 {offsets = [3], sizes = [1], strides = [1]} : vector<16xi32> to vector<1xi32>
    %broadcast_in_dim3A_303 = vector.shape_cast %slice3A_302 : vector<1xi32> to vector<1xi32>
    %broadcast_in_dim3A_304 = vector.broadcast %broadcast_in_dim3A_303 : vector<1xi32> to vector<16xi32>
    %get3A_305 = arith.constant 3 : i32
    %get3A_306 = arith.index_cast %get3A_305 : i32 to index
    %get3A_307 = arith.constant 0 : index
    %get3A_308 = tpu.vector_load %arg6[%get3A_306, %get3A_307] {strides = array<i32>} : memref<26x128xi32, #tpu.memory_space<vmem>>, vector<1x16xi32>,
    %get3A_309 = vector.shape_cast %get3A_308 : vector<1x16xi32> to vector<16xi32>
    %add3A_310 = arith.addi %get3A_309, %broadcast_in_dim3A_304 : vector<16xi32>
    %swap3A_311 = arith.constant 3 : i32
    %swap3A_312 = arith.index_cast %swap3A_311 : i32 to index
    %swap3A_313 = arith.constant 0 : index
    %swap3A_314 = tpu.vector_load %arg6[%swap3A_312, %swap3A_313] {strides = array<i32>} : memref<26x128xi32, #tpu.memory_space<vmem>>, vector<1x16xi32>,
    %swap3A_315 = vector.shape_cast %swap3A_314 : vector<1x16xi32> to vector<16xi32>
    %swap3A_316 = vector.shape_cast %add3A_310 : vector<16xi32> to vector<1x16xi32>
    tpu.vector_store %arg6[%swap3A_312, %swap3A_313], %swap3A_316 {strides = array<i32>} : memref<26x128xi32, #tpu.memory_space<vmem>>, vector<1x16xi32>,
    %get3A_317 = arith.constant 3 : i32
    %get3A_318 = arith.index_cast %get3A_317 : i32 to index
    %get3A_319 = arith.constant 16 : index
    %get3A_320 = tpu.vector_load %arg6[%get3A_318, %get3A_319] {strides = array<i32>} : memref<26x128xi32, #tpu.memory_space<vmem>>, vector<1x16xi32>,
    %get3A_321 = vector.shape_cast %get3A_320 : vector<1x16xi32> to vector<16xi32>
    %add3A_322 = arith.addi %get3A_321, %broadcast_in_dim3A_304 : vector<16xi32>
    %swap3A_323 = arith.constant 3 : i32
    %swap3A_324 = arith.index_cast %swap3A_323 : i32 to index
    %swap3A_325 = arith.constant 16 : index
    %swap3A_326 = tpu.vector_load %arg6[%swap3A_324, %swap3A_325] {strides = array<i32>} : memref<26x128xi32, #tpu.memory_space<vmem>>, vector<1x16xi32>,
    %swap3A_327 = vector.shape_cast %swap3A_326 : vector<1x16xi32> to vector<16xi32>
    %swap3A_328 = vector.shape_cast %add3A_322 : vector<16xi32> to vector<1x16xi32>
    tpu.vector_store %arg6[%swap3A_324, %swap3A_325], %swap3A_328 {strides = array<i32>} : memref<26x128xi32, #tpu.memory_space<vmem>>, vector<1x16xi32>,
    %get3A_329 = arith.constant 3 : i32
    %get3A_330 = arith.index_cast %get3A_329 : i32 to index
    %get3A_331 = arith.constant 32 : index
    %get3A_332 = tpu.vector_load %arg6[%get3A_330, %get3A_331] {strides = array<i32>} : memref<26x128xi32, #tpu.memory_space<vmem>>, vector<1x16xi32>,
    %get3A_333 = vector.shape_cast %get3A_332 : vector<1x16xi32> to vector<16xi32>
    %add3A_334 = arith.addi %get3A_333, %broadcast_in_dim3A_304 : vector<16xi32>
    %swap3A_335 = arith.constant 3 : i32
    %swap3A_336 = arith.index_cast %swap3A_335 : i32 to index
    %swap3A_337 = arith.constant 32 : index
    %swap3A_338 = tpu.vector_load %arg6[%swap3A_336, %swap3A_337] {strides = array<i32>} : memref<26x128xi32, #tpu.memory_space<vmem>>, vector<1x16xi32>,
    %swap3A_339 = vector.shape_cast %swap3A_338 : vector<1x16xi32> to vector<16xi32>
    %swap3A_340 = vector.shape_cast %add3A_334 : vector<16xi32> to vector<1x16xi32>
    tpu.vector_store %arg6[%swap3A_336, %swap3A_337], %swap3A_340 {strides = array<i32>} : memref<26x128xi32, #tpu.memory_space<vmem>>, vector<1x16xi32>,
    %get3A_341 = arith.constant 3 : i32
    %get3A_342 = arith.index_cast %get3A_341 : i32 to index
    %get3A_343 = arith.constant 48 : index
    %get3A_344 = tpu.vector_load %arg6[%get3A_342, %get3A_343] {strides = array<i32>} : memref<26x128xi32, #tpu.memory_space<vmem>>, vector<1x16xi32>,
    %get3A_345 = vector.shape_cast %get3A_344 : vector<1x16xi32> to vector<16xi32>
    %add3A_346 = arith.addi %get3A_345, %broadcast_in_dim3A_304 : vector<16xi32>
    %swap3A_347 = arith.constant 3 : i32
    %swap3A_348 = arith.index_cast %swap3A_347 : i32 to index
    %swap3A_349 = arith.constant 48 : index
    %swap3A_350 = tpu.vector_load %arg6[%swap3A_348, %swap3A_349] {strides = array<i32>} : memref<26x128xi32, #tpu.memory_space<vmem>>, vector<1x16xi32>,
    %swap3A_351 = vector.shape_cast %swap3A_350 : vector<1x16xi32> to vector<16xi32>
    %swap3A_352 = vector.shape_cast %add3A_346 : vector<16xi32> to vector<1x16xi32>
    tpu.vector_store %arg6[%swap3A_348, %swap3A_349], %swap3A_352 {strides = array<i32>} : memref<26x128xi32, #tpu.memory_space<vmem>>, vector<1x16xi32>,
    %get3A_353 = arith.constant 3 : i32
    %get3A_354 = arith.index_cast %get3A_353 : i32 to index
    %get3A_355 = arith.constant 64 : index
    %get3A_356 = tpu.vector_load %arg6[%get3A_354, %get3A_355] {strides = array<i32>} : memref<26x128xi32, #tpu.memory_space<vmem>>, vector<1x16xi32>,
    %get3A_357 = vector.shape_cast %get3A_356 : vector<1x16xi32> to vector<16xi32>
    %add3A_358 = arith.addi %get3A_357, %broadcast_in_dim3A_304 : vector<16xi32>
    %swap3A_359 = arith.constant 3 : i32
    %swap3A_360 = arith.index_cast %swap3A_359 : i32 to index
    %swap3A_361 = arith.constant 64 : index
    %swap3A_362 = tpu.vector_load %arg6[%swap3A_360, %swap3A_361] {strides = array<i32>} : memref<26x128xi32, #tpu.memory_space<vmem>>, vector<1x16xi32>,
    %swap3A_363 = vector.shape_cast %swap3A_362 : vector<1x16xi32> to vector<16xi32>
    %swap3A_364 = vector.shape_cast %add3A_358 : vector<16xi32> to vector<1x16xi32>
    tpu.vector_store %arg6[%swap3A_360, %swap3A_361], %swap3A_364 {strides = array<i32>} : memref<26x128xi32, #tpu.memory_space<vmem>>, vector<1x16xi32>,
    %get3A_365 = arith.constant 3 : i32
    %get3A_366 = arith.index_cast %get3A_365 : i32 to index
    %get3A_367 = arith.constant 80 : index
    %get3A_368 = tpu.vector_load %arg6[%get3A_366, %get3A_367] {strides = array<i32>} : memref<26x128xi32, #tpu.memory_space<vmem>>, vector<1x16xi32>,
    %get3A_369 = vector.shape_cast %get3A_368 : vector<1x16xi32> to vector<16xi32>
    %add3A_370 = arith.addi %get3A_369, %broadcast_in_dim3A_304 : vector<16xi32>
    %swap3A_371 = arith.constant 3 : i32
    %swap3A_372 = arith.index_cast %swap3A_371 : i32 to index
    %swap3A_373 = arith.constant 80 : index
    %swap3A_374 = tpu.vector_load %arg6[%swap3A_372, %swap3A_373] {strides = array<i32>} : memref<26x128xi32, #tpu.memory_space<vmem>>, vector<1x16xi32>,
    %swap3A_375 = vector.shape_cast %swap3A_374 : vector<1x16xi32> to vector<16xi32>
    %swap3A_376 = vector.shape_cast %add3A_370 : vector<16xi32> to vector<1x16xi32>
    tpu.vector_store %arg6[%swap3A_372, %swap3A_373], %swap3A_376 {strides = array<i32>} : memref<26x128xi32, #tpu.memory_space<vmem>>, vector<1x16xi32>,
    %get3A_377 = arith.constant 3 : i32
    %get3A_378 = arith.index_cast %get3A_377 : i32 to index
    %get3A_379 = arith.constant 96 : index
    %get3A_380 = tpu.vector_load %arg6[%get3A_378, %get3A_379] {strides = array<i32>} : memref<26x128xi32, #tpu.memory_space<vmem>>, vector<1x16xi32>,
    %get3A_381 = vector.shape_cast %get3A_380 : vector<1x16xi32> to vector<16xi32>
    %add3A_382 = arith.addi %get3A_381, %broadcast_in_dim3A_304 : vector<16xi32>
    %swap3A_383 = arith.constant 3 : i32
    %swap3A_384 = arith.index_cast %swap3A_383 : i32 to index
    %swap3A_385 = arith.constant 96 : index
    %swap3A_386 = tpu.vector_load %arg6[%swap3A_384, %swap3A_385] {strides = array<i32>} : memref<26x128xi32, #tpu.memory_space<vmem>>, vector<1x16xi32>,
    %swap3A_387 = vector.shape_cast %swap3A_386 : vector<1x16xi32> to vector<16xi32>
    %swap3A_388 = vector.shape_cast %add3A_382 : vector<16xi32> to vector<1x16xi32>
    tpu.vector_store %arg6[%swap3A_384, %swap3A_385], %swap3A_388 {strides = array<i32>} : memref<26x128xi32, #tpu.memory_space<vmem>>, vector<1x16xi32>,
    %get3A_389 = arith.constant 3 : i32
    %get3A_390 = arith.index_cast %get3A_389 : i32 to index
    %get3A_391 = arith.constant 112 : index
    %get3A_392 = tpu.vector_load %arg6[%get3A_390, %get3A_391] {strides = array<i32>} : memref<26x128xi32, #tpu.memory_space<vmem>>, vector<1x16xi32>,
    %get3A_393 = vector.shape_cast %get3A_392 : vector<1x16xi32> to vector<16xi32>
    %add3A_394 = arith.addi %get3A_393, %broadcast_in_dim3A_304 : vector<16xi32>
    %swap3A_395 = arith.constant 3 : i32
    %swap3A_396 = arith.index_cast %swap3A_395 : i32 to index
    %swap3A_397 = arith.constant 112 : index
    %swap3A_398 = tpu.vector_load %arg6[%swap3A_396, %swap3A_397] {strides = array<i32>} : memref<26x128xi32, #tpu.memory_space<vmem>>, vector<1x16xi32>,
    %swap3A_399 = vector.shape_cast %swap3A_398 : vector<1x16xi32> to vector<16xi32>
    %swap3A_400 = vector.shape_cast %add3A_394 : vector<16xi32> to vector<1x16xi32>
    tpu.vector_store %arg6[%swap3A_396, %swap3A_397], %swap3A_400 {strides = array<i32>} : memref<26x128xi32, #tpu.memory_space<vmem>>, vector<1x16xi32>,
    %slice3A_401 = vector.extract_strided_slice %get3A_4 {offsets = [4], sizes = [1], strides = [1]} : vector<16xi32> to vector<1xi32>
    %broadcast_in_dim3A_402 = vector.shape_cast %slice3A_401 : vector<1xi32> to vector<1xi32>
    %broadcast_in_dim3A_403 = vector.broadcast %broadcast_in_dim3A_402 : vector<1xi32> to vector<16xi32>
    %get3A_404 = arith.constant 4 : i32
    %get3A_405 = arith.index_cast %get3A_404 : i32 to index
    %get3A_406 = arith.constant 0 : index
    %get3A_407 = tpu.vector_load %arg6[%get3A_405, %get3A_406] {strides = array<i32>} : memref<26x128xi32, #tpu.memory_space<vmem>>, vector<1x16xi32>,
    %get3A_408 = vector.shape_cast %get3A_407 : vector<1x16xi32> to vector<16xi32>
    %add3A_409 = arith.addi %get3A_408, %broadcast_in_dim3A_403 : vector<16xi32>
    %swap3A_410 = arith.constant 4 : i32
    %swap3A_411 = arith.index_cast %swap3A_410 : i32 to index
    %swap3A_412 = arith.constant 0 : index
    %swap3A_413 = tpu.vector_load %arg6[%swap3A_411, %swap3A_412] {strides = array<i32>} : memref<26x128xi32, #tpu.memory_space<vmem>>, vector<1x16xi32>,
    %swap3A_414 = vector.shape_cast %swap3A_413 : vector<1x16xi32> to vector<16xi32>
    %swap3A_415 = vector.shape_cast %add3A_409 : vector<16xi32> to vector<1x16xi32>
    tpu.vector_store %arg6[%swap3A_411, %swap3A_412], %swap3A_415 {strides = array<i32>} : memref<26x128xi32, #tpu.memory_space<vmem>>, vector<1x16xi32>,
    %get3A_416 = arith.constant 4 : i32
    %get3A_417 = arith.index_cast %get3A_416 : i32 to index
    %get3A_418 = arith.constant 16 : index
    %get3A_419 = tpu.vector_load %arg6[%get3A_417, %get3A_418] {strides = array<i32>} : memref<26x128xi32, #tpu.memory_space<vmem>>, vector<1x16xi32>,
    %get3A_420 = vector.shape_cast %get3A_419 : vector<1x16xi32> to vector<16xi32>
    %add3A_421 = arith.addi %get3A_420, %broadcast_in_dim3A_403 : vector<16xi32>
    %swap3A_422 = arith.constant 4 : i32
    %swap3A_423 = arith.index_cast %swap3A_422 : i32 to index
    %swap3A_424 = arith.constant 16 : index
    %swap3A_425 = tpu.vector_load %arg6[%swap3A_423, %swap3A_424] {strides = array<i32>} : memref<26x128xi32, #tpu.memory_space<vmem>>, vector<1x16xi32>,
    %swap3A_426 = vector.shape_cast %swap3A_425 : vector<1x16xi32> to vector<16xi32>
    %swap3A_427 = vector.shape_cast %add3A_421 : vector<16xi32> to vector<1x16xi32>
    tpu.vector_store %arg6[%swap3A_423, %swap3A_424], %swap3A_427 {strides = array<i32>} : memref<26x128xi32, #tpu.memory_space<vmem>>, vector<1x16xi32>,
    %get3A_428 = arith.constant 4 : i32
    %get3A_429 = arith.index_cast %get3A_428 : i32 to index
    %get3A_430 = arith.constant 32 : index
    %get3A_431 = tpu.vector_load %arg6[%get3A_429, %get3A_430] {strides = array<i32>} : memref<26x128xi32, #tpu.memory_space<vmem>>, vector<1x16xi32>,
    %get3A_432 = vector.shape_cast %get3A_431 : vector<1x16xi32> to vector<16xi32>
    %add3A_433 = arith.addi %get3A_432, %broadcast_in_dim3A_403 : vector<16xi32>
    %swap3A_434 = arith.constant 4 : i32
    %swap3A_435 = arith.index_cast %swap3A_434 : i32 to index
    %swap3A_436 = arith.constant 32 : index
    %swap3A_437 = tpu.vector_load %arg6[%swap3A_435, %swap3A_436] {strides = array<i32>} : memref<26x128xi32, #tpu.memory_space<vmem>>, vector<1x16xi32>,
    %swap3A_438 = vector.shape_cast %swap3A_437 : vector<1x16xi32> to vector<16xi32>
    %swap3A_439 = vector.shape_cast %add3A_433 : vector<16xi32> to vector<1x16xi32>
    tpu.vector_store %arg6[%swap3A_435, %swap3A_436], %swap3A_439 {strides = array<i32>} : memref<26x128xi32, #tpu.memory_space<vmem>>, vector<1x16xi32>,
    %get3A_440 = arith.constant 4 : i32
    %get3A_441 = arith.index_cast %get3A_440 : i32 to index
    %get3A_442 = arith.constant 48 : index
    %get3A_443 = tpu.vector_load %arg6[%get3A_441, %get3A_442] {strides = array<i32>} : memref<26x128xi32, #tpu.memory_space<vmem>>, vector<1x16xi32>,
    %get3A_444 = vector.shape_cast %get3A_443 : vector<1x16xi32> to vector<16xi32>
    %add3A_445 = arith.addi %get3A_444, %broadcast_in_dim3A_403 : vector<16xi32>
    %swap3A_446 = arith.constant 4 : i32
    %swap3A_447 = arith.index_cast %swap3A_446 : i32 to index
    %swap3A_448 = arith.constant 48 : index
    %swap3A_449 = tpu.vector_load %arg6[%swap3A_447, %swap3A_448] {strides = array<i32>} : memref<26x128xi32, #tpu.memory_space<vmem>>, vector<1x16xi32>,
    %swap3A_450 = vector.shape_cast %swap3A_449 : vector<1x16xi32> to vector<16xi32>
    %swap3A_451 = vector.shape_cast %add3A_445 : vector<16xi32> to vector<1x16xi32>
    tpu.vector_store %arg6[%swap3A_447, %swap3A_448], %swap3A_451 {strides = array<i32>} : memref<26x128xi32, #tpu.memory_space<vmem>>, vector<1x16xi32>,
    %get3A_452 = arith.constant 4 : i32
    %get3A_453 = arith.index_cast %get3A_452 : i32 to index
    %get3A_454 = arith.constant 64 : index
    %get3A_455 = tpu.vector_load %arg6[%get3A_453, %get3A_454] {strides = array<i32>} : memref<26x128xi32, #tpu.memory_space<vmem>>, vector<1x16xi32>,
    %get3A_456 = vector.shape_cast %get3A_455 : vector<1x16xi32> to vector<16xi32>
    %add3A_457 = arith.addi %get3A_456, %broadcast_in_dim3A_403 : vector<16xi32>
    %swap3A_458 = arith.constant 4 : i32
    %swap3A_459 = arith.index_cast %swap3A_458 : i32 to index
    %swap3A_460 = arith.constant 64 : index
    %swap3A_461 = tpu.vector_load %arg6[%swap3A_459, %swap3A_460] {strides = array<i32>} : memref<26x128xi32, #tpu.memory_space<vmem>>, vector<1x16xi32>,
    %swap3A_462 = vector.shape_cast %swap3A_461 : vector<1x16xi32> to vector<16xi32>
    %swap3A_463 = vector.shape_cast %add3A_457 : vector<16xi32> to vector<1x16xi32>
    tpu.vector_store %arg6[%swap3A_459, %swap3A_460], %swap3A_463 {strides = array<i32>} : memref<26x128xi32, #tpu.memory_space<vmem>>, vector<1x16xi32>,
    %get3A_464 = arith.constant 4 : i32
    %get3A_465 = arith.index_cast %get3A_464 : i32 to index
    %get3A_466 = arith.constant 80 : index
    %get3A_467 = tpu.vector_load %arg6[%get3A_465, %get3A_466] {strides = array<i32>} : memref<26x128xi32, #tpu.memory_space<vmem>>, vector<1x16xi32>,
    %get3A_468 = vector.shape_cast %get3A_467 : vector<1x16xi32> to vector<16xi32>
    %add3A_469 = arith.addi %get3A_468, %broadcast_in_dim3A_403 : vector<16xi32>
    %swap3A_470 = arith.constant 4 : i32
    %swap3A_471 = arith.index_cast %swap3A_470 : i32 to index
    %swap3A_472 = arith.constant 80 : index
    %swap3A_473 = tpu.vector_load %arg6[%swap3A_471, %swap3A_472] {strides = array<i32>} : memref<26x128xi32, #tpu.memory_space<vmem>>, vector<1x16xi32>,
    %swap3A_474 = vector.shape_cast %swap3A_473 : vector<1x16xi32> to vector<16xi32>
    %swap3A_475 = vector.shape_cast %add3A_469 : vector<16xi32> to vector<1x16xi32>
    tpu.vector_store %arg6[%swap3A_471, %swap3A_472], %swap3A_475 {strides = array<i32>} : memref<26x128xi32, #tpu.memory_space<vmem>>, vector<1x16xi32>,
    %get3A_476 = arith.constant 4 : i32
    %get3A_477 = arith.index_cast %get3A_476 : i32 to index
    %get3A_478 = arith.constant 96 : index
    %get3A_479 = tpu.vector_load %arg6[%get3A_477, %get3A_478] {strides = array<i32>} : memref<26x128xi32, #tpu.memory_space<vmem>>, vector<1x16xi32>,
    %get3A_480 = vector.shape_cast %get3A_479 : vector<1x16xi32> to vector<16xi32>
    %add3A_481 = arith.addi %get3A_480, %broadcast_in_dim3A_403 : vector<16xi32>
    %swap3A_482 = arith.constant 4 : i32
    %swap3A_483 = arith.index_cast %swap3A_482 : i32 to index
    %swap3A_484 = arith.constant 96 : index
    %swap3A_485 = tpu.vector_load %arg6[%swap3A_483, %swap3A_484] {strides = array<i32>} : memref<26x128xi32, #tpu.memory_space<vmem>>, vector<1x16xi32>,
    %swap3A_486 = vector.shape_cast %swap3A_485 : vector<1x16xi32> to vector<16xi32>
    %swap3A_487 = vector.shape_cast %add3A_481 : vector<16xi32> to vector<1x16xi32>
    tpu.vector_store %arg6[%swap3A_483, %swap3A_484], %swap3A_487 {strides = array<i32>} : memref<26x128xi32, #tpu.memory_space<vmem>>, vector<1x16xi32>,
    %get3A_488 = arith.constant 4 : i32
    %get3A_489 = arith.index_cast %get3A_488 : i32 to index
    %get3A_490 = arith.constant 112 : index
    %get3A_491 = tpu.vector_load %arg6[%get3A_489, %get3A_490] {strides = array<i32>} : memref<26x128xi32, #tpu.memory_space<vmem>>, vector<1x16xi32>,
    %get3A_492 = vector.shape_cast %get3A_491 : vector<1x16xi32> to vector<16xi32>
    %add3A_493 = arith.addi %get3A_492, %broadcast_in_dim3A_403 : vector<16xi32>
    %swap3A_494 = arith.constant 4 : i32
    %swap3A_495 = arith.index_cast %swap3A_494 : i32 to index
    %swap3A_496 = arith.constant 112 : index
    %swap3A_497 = tpu.vector_load %arg6[%swap3A_495, %swap3A_496] {strides = array<i32>} : memref<26x128xi32, #tpu.memory_space<vmem>>, vector<1x16xi32>,
    %swap3A_498 = vector.shape_cast %swap3A_497 : vector<1x16xi32> to vector<16xi32>
    %swap3A_499 = vector.shape_cast %add3A_493 : vector<16xi32> to vector<1x16xi32>
    tpu.vector_store %arg6[%swap3A_495, %swap3A_496], %swap3A_499 {strides = array<i32>} : memref<26x128xi32, #tpu.memory_space<vmem>>, vector<1x16xi32>,
    %slice3A_500 = vector.extract_strided_slice %get3A_4 {offsets = [5], sizes = [1], strides = [1]} : vector<16xi32> to vector<1xi32>
    %broadcast_in_dim3A_501 = vector.shape_cast %slice3A_500 : vector<1xi32> to vector<1xi32>
    %broadcast_in_dim3A_502 = vector.broadcast %broadcast_in_dim3A_501 : vector<1xi32> to vector<16xi32>
    %get3A_503 = arith.constant 5 : i32
    %get3A_504 = arith.index_cast %get3A_503 : i32 to index
    %get3A_505 = arith.constant 0 : index
    %get3A_506 = tpu.vector_load %arg6[%get3A_504, %get3A_505] {strides = array<i32>} : memref<26x128xi32, #tpu.memory_space<vmem>>, vector<1x16xi32>,
    %get3A_507 = vector.shape_cast %get3A_506 : vector<1x16xi32> to vector<16xi32>
    %add3A_508 = arith.addi %get3A_507, %broadcast_in_dim3A_502 : vector<16xi32>
    %swap3A_509 = arith.constant 5 : i32
    %swap3A_510 = arith.index_cast %swap3A_509 : i32 to index
    %swap3A_511 = arith.constant 0 : index
    %swap3A_512 = tpu.vector_load %arg6[%swap3A_510, %swap3A_511] {strides = array<i32>} : memref<26x128xi32, #tpu.memory_space<vmem>>, vector<1x16xi32>,
    %swap3A_513 = vector.shape_cast %swap3A_512 : vector<1x16xi32> to vector<16xi32>
    %swap3A_514 = vector.shape_cast %add3A_508 : vector<16xi32> to vector<1x16xi32>
    tpu.vector_store %arg6[%swap3A_510, %swap3A_511], %swap3A_514 {strides = array<i32>} : memref<26x128xi32, #tpu.memory_space<vmem>>, vector<1x16xi32>,
    %get3A_515 = arith.constant 5 : i32
    %get3A_516 = arith.index_cast %get3A_515 : i32 to index
    %get3A_517 = arith.constant 16 : index
    %get3A_518 = tpu.vector_load %arg6[%get3A_516, %get3A_517] {strides = array<i32>} : memref<26x128xi32, #tpu.memory_space<vmem>>, vector<1x16xi32>,
    %get3A_519 = vector.shape_cast %get3A_518 : vector<1x16xi32> to vector<16xi32>
    %add3A_520 = arith.addi %get3A_519, %broadcast_in_dim3A_502 : vector<16xi32>
    %swap3A_521 = arith.constant 5 : i32
    %swap3A_522 = arith.index_cast %swap3A_521 : i32 to index
    %swap3A_523 = arith.constant 16 : index
    %swap3A_524 = tpu.vector_load %arg6[%swap3A_522, %swap3A_523] {strides = array<i32>} : memref<26x128xi32, #tpu.memory_space<vmem>>, vector<1x16xi32>,
    %swap3A_525 = vector.shape_cast %swap3A_524 : vector<1x16xi32> to vector<16xi32>
    %swap3A_526 = vector.shape_cast %add3A_520 : vector<16xi32> to vector<1x16xi32>
    tpu.vector_store %arg6[%swap3A_522, %swap3A_523], %swap3A_526 {strides = array<i32>} : memref<26x128xi32, #tpu.memory_space<vmem>>, vector<1x16xi32>,
    %get3A_527 = arith.constant 5 : i32
    %get3A_528 = arith.index_cast %get3A_527 : i32 to index
    %get3A_529 = arith.constant 32 : index
    %get3A_530 = tpu.vector_load %arg6[%get3A_528, %get3A_529] {strides = array<i32>} : memref<26x128xi32, #tpu.memory_space<vmem>>, vector<1x16xi32>,
    %get3A_531 = vector.shape_cast %get3A_530 : vector<1x16xi32> to vector<16xi32>
    %add3A_532 = arith.addi %get3A_531, %broadcast_in_dim3A_502 : vector<16xi32>
    %swap3A_533 = arith.constant 5 : i32
    %swap3A_534 = arith.index_cast %swap3A_533 : i32 to index
    %swap3A_535 = arith.constant 32 : index
    %swap3A_536 = tpu.vector_load %arg6[%swap3A_534, %swap3A_535] {strides = array<i32>} : memref<26x128xi32, #tpu.memory_space<vmem>>, vector<1x16xi32>,
    %swap3A_537 = vector.shape_cast %swap3A_536 : vector<1x16xi32> to vector<16xi32>
    %swap3A_538 = vector.shape_cast %add3A_532 : vector<16xi32> to vector<1x16xi32>
    tpu.vector_store %arg6[%swap3A_534, %swap3A_535], %swap3A_538 {strides = array<i32>} : memref<26x128xi32, #tpu.memory_space<vmem>>, vector<1x16xi32>,
    %get3A_539 = arith.constant 5 : i32
    %get3A_540 = arith.index_cast %get3A_539 : i32 to index
    %get3A_541 = arith.constant 48 : index
    %get3A_542 = tpu.vector_load %arg6[%get3A_540, %get3A_541] {strides = array<i32>} : memref<26x128xi32, #tpu.memory_space<vmem>>, vector<1x16xi32>,
    %get3A_543 = vector.shape_cast %get3A_542 : vector<1x16xi32> to vector<16xi32>
    %add3A_544 = arith.addi %get3A_543, %broadcast_in_dim3A_502 : vector<16xi32>
    %swap3A_545 = arith.constant 5 : i32
    %swap3A_546 = arith.index_cast %swap3A_545 : i32 to index
    %swap3A_547 = arith.constant 48 : index
    %swap3A_548 = tpu.vector_load %arg6[%swap3A_546, %swap3A_547] {strides = array<i32>} : memref<26x128xi32, #tpu.memory_space<vmem>>, vector<1x16xi32>,
    %swap3A_549 = vector.shape_cast %swap3A_548 : vector<1x16xi32> to vector<16xi32>
    %swap3A_550 = vector.shape_cast %add3A_544 : vector<16xi32> to vector<1x16xi32>
    tpu.vector_store %arg6[%swap3A_546, %swap3A_547], %swap3A_550 {strides = array<i32>} : memref<26x128xi32, #tpu.memory_space<vmem>>, vector<1x16xi32>,
    %get3A_551 = arith.constant 5 : i32
    %get3A_552 = arith.index_cast %get3A_551 : i32 to index
    %get3A_553 = arith.constant 64 : index
    %get3A_554 = tpu.vector_load %arg6[%get3A_552, %get3A_553] {strides = array<i32>} : memref<26x128xi32, #tpu.memory_space<vmem>>, vector<1x16xi32>,
    %get3A_555 = vector.shape_cast %get3A_554 : vector<1x16xi32> to vector<16xi32>
    %add3A_556 = arith.addi %get3A_555, %broadcast_in_dim3A_502 : vector<16xi32>
    %swap3A_557 = arith.constant 5 : i32
    %swap3A_558 = arith.index_cast %swap3A_557 : i32 to index
    %swap3A_559 = arith.constant 64 : index
    %swap3A_560 = tpu.vector_load %arg6[%swap3A_558, %swap3A_559] {strides = array<i32>} : memref<26x128xi32, #tpu.memory_space<vmem>>, vector<1x16xi32>,
    %swap3A_561 = vector.shape_cast %swap3A_560 : vector<1x16xi32> to vector<16xi32>
    %swap3A_562 = vector.shape_cast %add3A_556 : vector<16xi32> to vector<1x16xi32>
    tpu.vector_store %arg6[%swap3A_558, %swap3A_559], %swap3A_562 {strides = array<i32>} : memref<26x128xi32, #tpu.memory_space<vmem>>, vector<1x16xi32>,
    %get3A_563 = arith.constant 5 : i32
    %get3A_564 = arith.index_cast %get3A_563 : i32 to index
    %get3A_565 = arith.constant 80 : index
    %get3A_566 = tpu.vector_load %arg6[%get3A_564, %get3A_565] {strides = array<i32>} : memref<26x128xi32, #tpu.memory_space<vmem>>, vector<1x16xi32>,
    %get3A_567 = vector.shape_cast %get3A_566 : vector<1x16xi32> to vector<16xi32>
    %add3A_568 = arith.addi %get3A_567, %broadcast_in_dim3A_502 : vector<16xi32>
    %swap3A_569 = arith.constant 5 : i32
    %swap3A_570 = arith.index_cast %swap3A_569 : i32 to index
    %swap3A_571 = arith.constant 80 : index
    %swap3A_572 = tpu.vector_load %arg6[%swap3A_570, %swap3A_571] {strides = array<i32>} : memref<26x128xi32, #tpu.memory_space<vmem>>, vector<1x16xi32>,
    %swap3A_573 = vector.shape_cast %swap3A_572 : vector<1x16xi32> to vector<16xi32>
    %swap3A_574 = vector.shape_cast %add3A_568 : vector<16xi32> to vector<1x16xi32>
    tpu.vector_store %arg6[%swap3A_570, %swap3A_571], %swap3A_574 {strides = array<i32>} : memref<26x128xi32, #tpu.memory_space<vmem>>, vector<1x16xi32>,
    %get3A_575 = arith.constant 5 : i32
    %get3A_576 = arith.index_cast %get3A_575 : i32 to index
    %get3A_577 = arith.constant 96 : index
    %get3A_578 = tpu.vector_load %arg6[%get3A_576, %get3A_577] {strides = array<i32>} : memref<26x128xi32, #tpu.memory_space<vmem>>, vector<1x16xi32>,
    %get3A_579 = vector.shape_cast %get3A_578 : vector<1x16xi32> to vector<16xi32>
    %add3A_580 = arith.addi %get3A_579, %broadcast_in_dim3A_502 : vector<16xi32>
    %swap3A_581 = arith.constant 5 : i32
    %swap3A_582 = arith.index_cast %swap3A_581 : i32 to index
    %swap3A_583 = arith.constant 96 : index
    %swap3A_584 = tpu.vector_load %arg6[%swap3A_582, %swap3A_583] {strides = array<i32>} : memref<26x128xi32, #tpu.memory_space<vmem>>, vector<1x16xi32>,
    %swap3A_585 = vector.shape_cast %swap3A_584 : vector<1x16xi32> to vector<16xi32>
    %swap3A_586 = vector.shape_cast %add3A_580 : vector<16xi32> to vector<1x16xi32>
    tpu.vector_store %arg6[%swap3A_582, %swap3A_583], %swap3A_586 {strides = array<i32>} : memref<26x128xi32, #tpu.memory_space<vmem>>, vector<1x16xi32>,
    %get3A_587 = arith.constant 5 : i32
    %get3A_588 = arith.index_cast %get3A_587 : i32 to index
    %get3A_589 = arith.constant 112 : index
    %get3A_590 = tpu.vector_load %arg6[%get3A_588, %get3A_589] {strides = array<i32>} : memref<26x128xi32, #tpu.memory_space<vmem>>, vector<1x16xi32>,
    %get3A_591 = vector.shape_cast %get3A_590 : vector<1x16xi32> to vector<16xi32>
    %add3A_592 = arith.addi %get3A_591, %broadcast_in_dim3A_502 : vector<16xi32>
    %swap3A_593 = arith.constant 5 : i32
    %swap3A_594 = arith.index_cast %swap3A_593 : i32 to index
    %swap3A_595 = arith.constant 112 : index
    %swap3A_596 = tpu.vector_load %arg6[%swap3A_594, %swap3A_595] {strides = array<i32>} : memref<26x128xi32, #tpu.memory_space<vmem>>, vector<1x16xi32>,
    %swap3A_597 = vector.shape_cast %swap3A_596 : vector<1x16xi32> to vector<16xi32>
    %swap3A_598 = vector.shape_cast %add3A_592 : vector<16xi32> to vector<1x16xi32>
    tpu.vector_store %arg6[%swap3A_594, %swap3A_595], %swap3A_598 {strides = array<i32>} : memref<26x128xi32, #tpu.memory_space<vmem>>, vector<1x16xi32>,
    %slice3A_599 = vector.extract_strided_slice %get3A_4 {offsets = [6], sizes = [1], strides = [1]} : vector<16xi32> to vector<1xi32>
    %broadcast_in_dim3A_600 = vector.shape_cast %slice3A_599 : vector<1xi32> to vector<1xi32>
    %broadcast_in_dim3A_601 = vector.broadcast %broadcast_in_dim3A_600 : vector<1xi32> to vector<16xi32>
    %get3A_602 = arith.constant 6 : i32
    %get3A_603 = arith.index_cast %get3A_602 : i32 to index
    %get3A_604 = arith.constant 0 : index
    %get3A_605 = tpu.vector_load %arg6[%get3A_603, %get3A_604] {strides = array<i32>} : memref<26x128xi32, #tpu.memory_space<vmem>>, vector<1x16xi32>,
    %get3A_606 = vector.shape_cast %get3A_605 : vector<1x16xi32> to vector<16xi32>
    %add3A_607 = arith.addi %get3A_606, %broadcast_in_dim3A_601 : vector<16xi32>
    %swap3A_608 = arith.constant 6 : i32
    %swap3A_609 = arith.index_cast %swap3A_608 : i32 to index
    %swap3A_610 = arith.constant 0 : index
    %swap3A_611 = tpu.vector_load %arg6[%swap3A_609, %swap3A_610] {strides = array<i32>} : memref<26x128xi32, #tpu.memory_space<vmem>>, vector<1x16xi32>,
    %swap3A_612 = vector.shape_cast %swap3A_611 : vector<1x16xi32> to vector<16xi32>
    %swap3A_613 = vector.shape_cast %add3A_607 : vector<16xi32> to vector<1x16xi32>
    tpu.vector_store %arg6[%swap3A_609, %swap3A_610], %swap3A_613 {strides = array<i32>} : memref<26x128xi32, #tpu.memory_space<vmem>>, vector<1x16xi32>,
    %get3A_614 = arith.constant 6 : i32
    %get3A_615 = arith.index_cast %get3A_614 : i32 to index
    %get3A_616 = arith.constant 16 : index
    %get3A_617 = tpu.vector_load %arg6[%get3A_615, %get3A_616] {strides = array<i32>} : memref<26x128xi32, #tpu.memory_space<vmem>>, vector<1x16xi32>,
    %get3A_618 = vector.shape_cast %get3A_617 : vector<1x16xi32> to vector<16xi32>
    %add3A_619 = arith.addi %get3A_618, %broadcast_in_dim3A_601 : vector<16xi32>
    %swap3A_620 = arith.constant 6 : i32
    %swap3A_621 = arith.index_cast %swap3A_620 : i32 to index
    %swap3A_622 = arith.constant 16 : index
    %swap3A_623 = tpu.vector_load %arg6[%swap3A_621, %swap3A_622] {strides = array<i32>} : memref<26x128xi32, #tpu.memory_space<vmem>>, vector<1x16xi32>,
    %swap3A_624 = vector.shape_cast %swap3A_623 : vector<1x16xi32> to vector<16xi32>
    %swap3A_625 = vector.shape_cast %add3A_619 : vector<16xi32> to vector<1x16xi32>
    tpu.vector_store %arg6[%swap3A_621, %swap3A_622], %swap3A_625 {strides = array<i32>} : memref<26x128xi32, #tpu.memory_space<vmem>>, vector<1x16xi32>,
    %get3A_626 = arith.constant 6 : i32
    %get3A_627 = arith.index_cast %get3A_626 : i32 to index
    %get3A_628 = arith.constant 32 : index
    %get3A_629 = tpu.vector_load %arg6[%get3A_627, %get3A_628] {strides = array<i32>} : memref<26x128xi32, #tpu.memory_space<vmem>>, vector<1x16xi32>,
    %get3A_630 = vector.shape_cast %get3A_629 : vector<1x16xi32> to vector<16xi32>
    %add3A_631 = arith.addi %get3A_630, %broadcast_in_dim3A_601 : vector<16xi32>
    %swap3A_632 = arith.constant 6 : i32
    %swap3A_633 = arith.index_cast %swap3A_632 : i32 to index
    %swap3A_634 = arith.constant 32 : index
    %swap3A_635 = tpu.vector_load %arg6[%swap3A_633, %swap3A_634] {strides = array<i32>} : memref<26x128xi32, #tpu.memory_space<vmem>>, vector<1x16xi32>,
    %swap3A_636 = vector.shape_cast %swap3A_635 : vector<1x16xi32> to vector<16xi32>
    %swap3A_637 = vector.shape_cast %add3A_631 : vector<16xi32> to vector<1x16xi32>
    tpu.vector_store %arg6[%swap3A_633, %swap3A_634], %swap3A_637 {strides = array<i32>} : memref<26x128xi32, #tpu.memory_space<vmem>>, vector<1x16xi32>,
    %get3A_638 = arith.constant 6 : i32
    %get3A_639 = arith.index_cast %get3A_638 : i32 to index
    %get3A_640 = arith.constant 48 : index
    %get3A_641 = tpu.vector_load %arg6[%get3A_639, %get3A_640] {strides = array<i32>} : memref<26x128xi32, #tpu.memory_space<vmem>>, vector<1x16xi32>,
    %get3A_642 = vector.shape_cast %get3A_641 : vector<1x16xi32> to vector<16xi32>
    %add3A_643 = arith.addi %get3A_642, %broadcast_in_dim3A_601 : vector<16xi32>
    %swap3A_644 = arith.constant 6 : i32
    %swap3A_645 = arith.index_cast %swap3A_644 : i32 to index
    %swap3A_646 = arith.constant 48 : index
    %swap3A_647 = tpu.vector_load %arg6[%swap3A_645, %swap3A_646] {strides = array<i32>} : memref<26x128xi32, #tpu.memory_space<vmem>>, vector<1x16xi32>,
    %swap3A_648 = vector.shape_cast %swap3A_647 : vector<1x16xi32> to vector<16xi32>
    %swap3A_649 = vector.shape_cast %add3A_643 : vector<16xi32> to vector<1x16xi32>
    tpu.vector_store %arg6[%swap3A_645, %swap3A_646], %swap3A_649 {strides = array<i32>} : memref<26x128xi32, #tpu.memory_space<vmem>>, vector<1x16xi32>,
    %get3A_650 = arith.constant 6 : i32
    %get3A_651 = arith.index_cast %get3A_650 : i32 to index
    %get3A_652 = arith.constant 64 : index
    %get3A_653 = tpu.vector_load %arg6[%get3A_651, %get3A_652] {strides = array<i32>} : memref<26x128xi32, #tpu.memory_space<vmem>>, vector<1x16xi32>,
    %get3A_654 = vector.shape_cast %get3A_653 : vector<1x16xi32> to vector<16xi32>
    %add3A_655 = arith.addi %get3A_654, %broadcast_in_dim3A_601 : vector<16xi32>
    %swap3A_656 = arith.constant 6 : i32
    %swap3A_657 = arith.index_cast %swap3A_656 : i32 to index
    %swap3A_658 = arith.constant 64 : index
    %swap3A_659 = tpu.vector_load %arg6[%swap3A_657, %swap3A_658] {strides = array<i32>} : memref<26x128xi32, #tpu.memory_space<vmem>>, vector<1x16xi32>,
    %swap3A_660 = vector.shape_cast %swap3A_659 : vector<1x16xi32> to vector<16xi32>
    %swap3A_661 = vector.shape_cast %add3A_655 : vector<16xi32> to vector<1x16xi32>
    tpu.vector_store %arg6[%swap3A_657, %swap3A_658], %swap3A_661 {strides = array<i32>} : memref<26x128xi32, #tpu.memory_space<vmem>>, vector<1x16xi32>,
    %get3A_662 = arith.constant 6 : i32
    %get3A_663 = arith.index_cast %get3A_662 : i32 to index
    %get3A_664 = arith.constant 80 : index
    %get3A_665 = tpu.vector_load %arg6[%get3A_663, %get3A_664] {strides = array<i32>} : memref<26x128xi32, #tpu.memory_space<vmem>>, vector<1x16xi32>,
    %get3A_666 = vector.shape_cast %get3A_665 : vector<1x16xi32> to vector<16xi32>
    %add3A_667 = arith.addi %get3A_666, %broadcast_in_dim3A_601 : vector<16xi32>
    %swap3A_668 = arith.constant 6 : i32
    %swap3A_669 = arith.index_cast %swap3A_668 : i32 to index
    %swap3A_670 = arith.constant 80 : index
    %swap3A_671 = tpu.vector_load %arg6[%swap3A_669, %swap3A_670] {strides = array<i32>} : memref<26x128xi32, #tpu.memory_space<vmem>>, vector<1x16xi32>,
    %swap3A_672 = vector.shape_cast %swap3A_671 : vector<1x16xi32> to vector<16xi32>
    %swap3A_673 = vector.shape_cast %add3A_667 : vector<16xi32> to vector<1x16xi32>
    tpu.vector_store %arg6[%swap3A_669, %swap3A_670], %swap3A_673 {strides = array<i32>} : memref<26x128xi32, #tpu.memory_space<vmem>>, vector<1x16xi32>,
    %get3A_674 = arith.constant 6 : i32
    %get3A_675 = arith.index_cast %get3A_674 : i32 to index
    %get3A_676 = arith.constant 96 : index
    %get3A_677 = tpu.vector_load %arg6[%get3A_675, %get3A_676] {strides = array<i32>} : memref<26x128xi32, #tpu.memory_space<vmem>>, vector<1x16xi32>,
    %get3A_678 = vector.shape_cast %get3A_677 : vector<1x16xi32> to vector<16xi32>
    %add3A_679 = arith.addi %get3A_678, %broadcast_in_dim3A_601 : vector<16xi32>
    %swap3A_680 = arith.constant 6 : i32
    %swap3A_681 = arith.index_cast %swap3A_680 : i32 to index
    %swap3A_682 = arith.constant 96 : index
    %swap3A_683 = tpu.vector_load %arg6[%swap3A_681, %swap3A_682] {strides = array<i32>} : memref<26x128xi32, #tpu.memory_space<vmem>>, vector<1x16xi32>,
    %swap3A_684 = vector.shape_cast %swap3A_683 : vector<1x16xi32> to vector<16xi32>
    %swap3A_685 = vector.shape_cast %add3A_679 : vector<16xi32> to vector<1x16xi32>
    tpu.vector_store %arg6[%swap3A_681, %swap3A_682], %swap3A_685 {strides = array<i32>} : memref<26x128xi32, #tpu.memory_space<vmem>>, vector<1x16xi32>,
    %get3A_686 = arith.constant 6 : i32
    %get3A_687 = arith.index_cast %get3A_686 : i32 to index
    %get3A_688 = arith.constant 112 : index
    %get3A_689 = tpu.vector_load %arg6[%get3A_687, %get3A_688] {strides = array<i32>} : memref<26x128xi32, #tpu.memory_space<vmem>>, vector<1x16xi32>,
    %get3A_690 = vector.shape_cast %get3A_689 : vector<1x16xi32> to vector<16xi32>
    %add3A_691 = arith.addi %get3A_690, %broadcast_in_dim3A_601 : vector<16xi32>
    %swap3A_692 = arith.constant 6 : i32
    %swap3A_693 = arith.index_cast %swap3A_692 : i32 to index
    %swap3A_694 = arith.constant 112 : index
    %swap3A_695 = tpu.vector_load %arg6[%swap3A_693, %swap3A_694] {strides = array<i32>} : memref<26x128xi32, #tpu.memory_space<vmem>>, vector<1x16xi32>,
    %swap3A_696 = vector.shape_cast %swap3A_695 : vector<1x16xi32> to vector<16xi32>
    %swap3A_697 = vector.shape_cast %add3A_691 : vector<16xi32> to vector<1x16xi32>
    tpu.vector_store %arg6[%swap3A_693, %swap3A_694], %swap3A_697 {strides = array<i32>} : memref<26x128xi32, #tpu.memory_space<vmem>>, vector<1x16xi32>,
    %slice3A_698 = vector.extract_strided_slice %get3A_4 {offsets = [7], sizes = [1], strides = [1]} : vector<16xi32> to vector<1xi32>
    %broadcast_in_dim3A_699 = vector.shape_cast %slice3A_698 : vector<1xi32> to vector<1xi32>
    %broadcast_in_dim3A_700 = vector.broadcast %broadcast_in_dim3A_699 : vector<1xi32> to vector<16xi32>
    %get3A_701 = arith.constant 7 : i32
    %get3A_702 = arith.index_cast %get3A_701 : i32 to index
    %get3A_703 = arith.constant 0 : index
    %get3A_704 = tpu.vector_load %arg6[%get3A_702, %get3A_703] {strides = array<i32>} : memref<26x128xi32, #tpu.memory_space<vmem>>, vector<1x16xi32>,
    %get3A_705 = vector.shape_cast %get3A_704 : vector<1x16xi32> to vector<16xi32>
    %add3A_706 = arith.addi %get3A_705, %broadcast_in_dim3A_700 : vector<16xi32>
    %swap3A_707 = arith.constant 7 : i32
    %swap3A_708 = arith.index_cast %swap3A_707 : i32 to index
    %swap3A_709 = arith.constant 0 : index
    %swap3A_710 = tpu.vector_load %arg6[%swap3A_708, %swap3A_709] {strides = array<i32>} : memref<26x128xi32, #tpu.memory_space<vmem>>, vector<1x16xi32>,
    %swap3A_711 = vector.shape_cast %swap3A_710 : vector<1x16xi32> to vector<16xi32>
    %swap3A_712 = vector.shape_cast %add3A_706 : vector<16xi32> to vector<1x16xi32>
    tpu.vector_store %arg6[%swap3A_708, %swap3A_709], %swap3A_712 {strides = array<i32>} : memref<26x128xi32, #tpu.memory_space<vmem>>, vector<1x16xi32>,
    %get3A_713 = arith.constant 7 : i32
    %get3A_714 = arith.index_cast %get3A_713 : i32 to index
    %get3A_715 = arith.constant 16 : index
    %get3A_716 = tpu.vector_load %arg6[%get3A_714, %get3A_715] {strides = array<i32>} : memref<26x128xi32, #tpu.memory_space<vmem>>, vector<1x16xi32>,
    %get3A_717 = vector.shape_cast %get3A_716 : vector<1x16xi32> to vector<16xi32>
    %add3A_718 = arith.addi %get3A_717, %broadcast_in_dim3A_700 : vector<16xi32>
    %swap3A_719 = arith.constant 7 : i32
    %swap3A_720 = arith.index_cast %swap3A_719 : i32 to index
    %swap3A_721 = arith.constant 16 : index
    %swap3A_722 = tpu.vector_load %arg6[%swap3A_720, %swap3A_721] {strides = array<i32>} : memref<26x128xi32, #tpu.memory_space<vmem>>, vector<1x16xi32>,
    %swap3A_723 = vector.shape_cast %swap3A_722 : vector<1x16xi32> to vector<16xi32>
    %swap3A_724 = vector.shape_cast %add3A_718 : vector<16xi32> to vector<1x16xi32>
    tpu.vector_store %arg6[%swap3A_720, %swap3A_721], %swap3A_724 {strides = array<i32>} : memref<26x128xi32, #tpu.memory_space<vmem>>, vector<1x16xi32>,
    %get3A_725 = arith.constant 7 : i32
    %get3A_726 = arith.index_cast %get3A_725 : i32 to index
    %get3A_727 = arith.constant 32 : index
    %get3A_728 = tpu.vector_load %arg6[%get3A_726, %get3A_727] {strides = array<i32>} : memref<26x128xi32, #tpu.memory_space<vmem>>, vector<1x16xi32>,
    %get3A_729 = vector.shape_cast %get3A_728 : vector<1x16xi32> to vector<16xi32>
    %add3A_730 = arith.addi %get3A_729, %broadcast_in_dim3A_700 : vector<16xi32>
    %swap3A_731 = arith.constant 7 : i32
    %swap3A_732 = arith.index_cast %swap3A_731 : i32 to index
    %swap3A_733 = arith.constant 32 : index
    %swap3A_734 = tpu.vector_load %arg6[%swap3A_732, %swap3A_733] {strides = array<i32>} : memref<26x128xi32, #tpu.memory_space<vmem>>, vector<1x16xi32>,
    %swap3A_735 = vector.shape_cast %swap3A_734 : vector<1x16xi32> to vector<16xi32>
    %swap3A_736 = vector.shape_cast %add3A_730 : vector<16xi32> to vector<1x16xi32>
    tpu.vector_store %arg6[%swap3A_732, %swap3A_733], %swap3A_736 {strides = array<i32>} : memref<26x128xi32, #tpu.memory_space<vmem>>, vector<1x16xi32>,
    %get3A_737 = arith.constant 7 : i32
    %get3A_738 = arith.index_cast %get3A_737 : i32 to index
    %get3A_739 = arith.constant 48 : index
    %get3A_740 = tpu.vector_load %arg6[%get3A_738, %get3A_739] {strides = array<i32>} : memref<26x128xi32, #tpu.memory_space<vmem>>, vector<1x16xi32>,
    %get3A_741 = vector.shape_cast %get3A_740 : vector<1x16xi32> to vector<16xi32>
    %add3A_742 = arith.addi %get3A_741, %broadcast_in_dim3A_700 : vector<16xi32>
    %swap3A_743 = arith.constant 7 : i32
    %swap3A_744 = arith.index_cast %swap3A_743 : i32 to index
    %swap3A_745 = arith.constant 48 : index
    %swap3A_746 = tpu.vector_load %arg6[%swap3A_744, %swap3A_745] {strides = array<i32>} : memref<26x128xi32, #tpu.memory_space<vmem>>, vector<1x16xi32>,
    %swap3A_747 = vector.shape_cast %swap3A_746 : vector<1x16xi32> to vector<16xi32>
    %swap3A_748 = vector.shape_cast %add3A_742 : vector<16xi32> to vector<1x16xi32>
    tpu.vector_store %arg6[%swap3A_744, %swap3A_745], %swap3A_748 {strides = array<i32>} : memref<26x128xi32, #tpu.memory_space<vmem>>, vector<1x16xi32>,
    %get3A_749 = arith.constant 7 : i32
    %get3A_750 = arith.index_cast %get3A_749 : i32 to index
    %get3A_751 = arith.constant 64 : index
    %get3A_752 = tpu.vector_load %arg6[%get3A_750, %get3A_751] {strides = array<i32>} : memref<26x128xi32, #tpu.memory_space<vmem>>, vector<1x16xi32>,
    %get3A_753 = vector.shape_cast %get3A_752 : vector<1x16xi32> to vector<16xi32>
    %add3A_754 = arith.addi %get3A_753, %broadcast_in_dim3A_700 : vector<16xi32>
    %swap3A_755 = arith.constant 7 : i32
    %swap3A_756 = arith.index_cast %swap3A_755 : i32 to index
    %swap3A_757 = arith.constant 64 : index
    %swap3A_758 = tpu.vector_load %arg6[%swap3A_756, %swap3A_757] {strides = array<i32>} : memref<26x128xi32, #tpu.memory_space<vmem>>, vector<1x16xi32>,
    %swap3A_759 = vector.shape_cast %swap3A_758 : vector<1x16xi32> to vector<16xi32>
    %swap3A_760 = vector.shape_cast %add3A_754 : vector<16xi32> to vector<1x16xi32>
    tpu.vector_store %arg6[%swap3A_756, %swap3A_757], %swap3A_760 {strides = array<i32>} : memref<26x128xi32, #tpu.memory_space<vmem>>, vector<1x16xi32>,
    %get3A_761 = arith.constant 7 : i32
    %get3A_762 = arith.index_cast %get3A_761 : i32 to index
    %get3A_763 = arith.constant 80 : index
    %get3A_764 = tpu.vector_load %arg6[%get3A_762, %get3A_763] {strides = array<i32>} : memref<26x128xi32, #tpu.memory_space<vmem>>, vector<1x16xi32>,
    %get3A_765 = vector.shape_cast %get3A_764 : vector<1x16xi32> to vector<16xi32>
    %add3A_766 = arith.addi %get3A_765, %broadcast_in_dim3A_700 : vector<16xi32>
    %swap3A_767 = arith.constant 7 : i32
    %swap3A_768 = arith.index_cast %swap3A_767 : i32 to index
    %swap3A_769 = arith.constant 80 : index
    %swap3A_770 = tpu.vector_load %arg6[%swap3A_768, %swap3A_769] {strides = array<i32>} : memref<26x128xi32, #tpu.memory_space<vmem>>, vector<1x16xi32>,
    %swap3A_771 = vector.shape_cast %swap3A_770 : vector<1x16xi32> to vector<16xi32>
    %swap3A_772 = vector.shape_cast %add3A_766 : vector<16xi32> to vector<1x16xi32>
    tpu.vector_store %arg6[%swap3A_768, %swap3A_769], %swap3A_772 {strides = array<i32>} : memref<26x128xi32, #tpu.memory_space<vmem>>, vector<1x16xi32>,
    %get3A_773 = arith.constant 7 : i32
    %get3A_774 = arith.index_cast %get3A_773 : i32 to index
    %get3A_775 = arith.constant 96 : index
    %get3A_776 = tpu.vector_load %arg6[%get3A_774, %get3A_775] {strides = array<i32>} : memref<26x128xi32, #tpu.memory_space<vmem>>, vector<1x16xi32>,
    %get3A_777 = vector.shape_cast %get3A_776 : vector<1x16xi32> to vector<16xi32>
    %add3A_778 = arith.addi %get3A_777, %broadcast_in_dim3A_700 : vector<16xi32>
    %swap3A_779 = arith.constant 7 : i32
    %swap3A_780 = arith.index_cast %swap3A_779 : i32 to index
    %swap3A_781 = arith.constant 96 : index
    %swap3A_782 = tpu.vector_load %arg6[%swap3A_780, %swap3A_781] {strides = array<i32>} : memref<26x128xi32, #tpu.memory_space<vmem>>, vector<1x16xi32>,
    %swap3A_783 = vector.shape_cast %swap3A_782 : vector<1x16xi32> to vector<16xi32>
    %swap3A_784 = vector.shape_cast %add3A_778 : vector<16xi32> to vector<1x16xi32>
    tpu.vector_store %arg6[%swap3A_780, %swap3A_781], %swap3A_784 {strides = array<i32>} : memref<26x128xi32, #tpu.memory_space<vmem>>, vector<1x16xi32>,
    %get3A_785 = arith.constant 7 : i32
    %get3A_786 = arith.index_cast %get3A_785 : i32 to index
    %get3A_787 = arith.constant 112 : index
    %get3A_788 = tpu.vector_load %arg6[%get3A_786, %get3A_787] {strides = array<i32>} : memref<26x128xi32, #tpu.memory_space<vmem>>, vector<1x16xi32>,
    %get3A_789 = vector.shape_cast %get3A_788 : vector<1x16xi32> to vector<16xi32>
    %add3A_790 = arith.addi %get3A_789, %broadcast_in_dim3A_700 : vector<16xi32>
    %swap3A_791 = arith.constant 7 : i32
    %swap3A_792 = arith.index_cast %swap3A_791 : i32 to index
    %swap3A_793 = arith.constant 112 : index
    %swap3A_794 = tpu.vector_load %arg6[%swap3A_792, %swap3A_793] {strides = array<i32>} : memref<26x128xi32, #tpu.memory_space<vmem>>, vector<1x16xi32>,
    %swap3A_795 = vector.shape_cast %swap3A_794 : vector<1x16xi32> to vector<16xi32>
    %swap3A_796 = vector.shape_cast %add3A_790 : vector<16xi32> to vector<1x16xi32>
    tpu.vector_store %arg6[%swap3A_792, %swap3A_793], %swap3A_796 {strides = array<i32>} : memref<26x128xi32, #tpu.memory_space<vmem>>, vector<1x16xi32>,
    %slice3A_797 = vector.extract_strided_slice %get3A_4 {offsets = [8], sizes = [1], strides = [1]} : vector<16xi32> to vector<1xi32>
    %broadcast_in_dim3A_798 = vector.shape_cast %slice3A_797 : vector<1xi32> to vector<1xi32>
    %broadcast_in_dim3A_799 = vector.broadcast %broadcast_in_dim3A_798 : vector<1xi32> to vector<16xi32>
    %get3A_800 = arith.constant 8 : i32
    %get3A_801 = arith.index_cast %get3A_800 : i32 to index
    %get3A_802 = arith.constant 0 : index
    %get3A_803 = tpu.vector_load %arg6[%get3A_801, %get3A_802] {strides = array<i32>} : memref<26x128xi32, #tpu.memory_space<vmem>>, vector<1x16xi32>,
    %get3A_804 = vector.shape_cast %get3A_803 : vector<1x16xi32> to vector<16xi32>
    %add3A_805 = arith.addi %get3A_804, %broadcast_in_dim3A_799 : vector<16xi32>
    %swap3A_806 = arith.constant 8 : i32
    %swap3A_807 = arith.index_cast %swap3A_806 : i32 to index
    %swap3A_808 = arith.constant 0 : index
    %swap3A_809 = tpu.vector_load %arg6[%swap3A_807, %swap3A_808] {strides = array<i32>} : memref<26x128xi32, #tpu.memory_space<vmem>>, vector<1x16xi32>,
    %swap3A_810 = vector.shape_cast %swap3A_809 : vector<1x16xi32> to vector<16xi32>
    %swap3A_811 = vector.shape_cast %add3A_805 : vector<16xi32> to vector<1x16xi32>
    tpu.vector_store %arg6[%swap3A_807, %swap3A_808], %swap3A_811 {strides = array<i32>} : memref<26x128xi32, #tpu.memory_space<vmem>>, vector<1x16xi32>,
    %get3A_812 = arith.constant 8 : i32
    %get3A_813 = arith.index_cast %get3A_812 : i32 to index
    %get3A_814 = arith.constant 16 : index
    %get3A_815 = tpu.vector_load %arg6[%get3A_813, %get3A_814] {strides = array<i32>} : memref<26x128xi32, #tpu.memory_space<vmem>>, vector<1x16xi32>,
    %get3A_816 = vector.shape_cast %get3A_815 : vector<1x16xi32> to vector<16xi32>
    %add3A_817 = arith.addi %get3A_816, %broadcast_in_dim3A_799 : vector<16xi32>
    %swap3A_818 = arith.constant 8 : i32
    %swap3A_819 = arith.index_cast %swap3A_818 : i32 to index
    %swap3A_820 = arith.constant 16 : index
    %swap3A_821 = tpu.vector_load %arg6[%swap3A_819, %swap3A_820] {strides = array<i32>} : memref<26x128xi32, #tpu.memory_space<vmem>>, vector<1x16xi32>,
    %swap3A_822 = vector.shape_cast %swap3A_821 : vector<1x16xi32> to vector<16xi32>
    %swap3A_823 = vector.shape_cast %add3A_817 : vector<16xi32> to vector<1x16xi32>
    tpu.vector_store %arg6[%swap3A_819, %swap3A_820], %swap3A_823 {strides = array<i32>} : memref<26x128xi32, #tpu.memory_space<vmem>>, vector<1x16xi32>,
    %get3A_824 = arith.constant 8 : i32
    %get3A_825 = arith.index_cast %get3A_824 : i32 to index
    %get3A_826 = arith.constant 32 : index
    %get3A_827 = tpu.vector_load %arg6[%get3A_825, %get3A_826] {strides = array<i32>} : memref<26x128xi32, #tpu.memory_space<vmem>>, vector<1x16xi32>,
    %get3A_828 = vector.shape_cast %get3A_827 : vector<1x16xi32> to vector<16xi32>
    %add3A_829 = arith.addi %get3A_828, %broadcast_in_dim3A_799 : vector<16xi32>
    %swap3A_830 = arith.constant 8 : i32
    %swap3A_831 = arith.index_cast %swap3A_830 : i32 to index
    %swap3A_832 = arith.constant 32 : index
    %swap3A_833 = tpu.vector_load %arg6[%swap3A_831, %swap3A_832] {strides = array<i32>} : memref<26x128xi32, #tpu.memory_space<vmem>>, vector<1x16xi32>,
    %swap3A_834 = vector.shape_cast %swap3A_833 : vector<1x16xi32> to vector<16xi32>
    %swap3A_835 = vector.shape_cast %add3A_829 : vector<16xi32> to vector<1x16xi32>
    tpu.vector_store %arg6[%swap3A_831, %swap3A_832], %swap3A_835 {strides = array<i32>} : memref<26x128xi32, #tpu.memory_space<vmem>>, vector<1x16xi32>,
    %get3A_836 = arith.constant 8 : i32
    %get3A_837 = arith.index_cast %get3A_836 : i32 to index
    %get3A_838 = arith.constant 48 : index
    %get3A_839 = tpu.vector_load %arg6[%get3A_837, %get3A_838] {strides = array<i32>} : memref<26x128xi32, #tpu.memory_space<vmem>>, vector<1x16xi32>,
    %get3A_840 = vector.shape_cast %get3A_839 : vector<1x16xi32> to vector<16xi32>
    %add3A_841 = arith.addi %get3A_840, %broadcast_in_dim3A_799 : vector<16xi32>
    %swap3A_842 = arith.constant 8 : i32
    %swap3A_843 = arith.index_cast %swap3A_842 : i32 to index
    %swap3A_844 = arith.constant 48 : index
    %swap3A_845 = tpu.vector_load %arg6[%swap3A_843, %swap3A_844] {strides = array<i32>} : memref<26x128xi32, #tpu.memory_space<vmem>>, vector<1x16xi32>,
    %swap3A_846 = vector.shape_cast %swap3A_845 : vector<1x16xi32> to vector<16xi32>
    %swap3A_847 = vector.shape_cast %add3A_841 : vector<16xi32> to vector<1x16xi32>
    tpu.vector_store %arg6[%swap3A_843, %swap3A_844], %swap3A_847 {strides = array<i32>} : memref<26x128xi32, #tpu.memory_space<vmem>>, vector<1x16xi32>,
    %get3A_848 = arith.constant 8 : i32
    %get3A_849 = arith.index_cast %get3A_848 : i32 to index
    %get3A_850 = arith.constant 64 : index
    %get3A_851 = tpu.vector_load %arg6[%get3A_849, %get3A_850] {strides = array<i32>} : memref<26x128xi32, #tpu.memory_space<vmem>>, vector<1x16xi32>,
    %get3A_852 = vector.shape_cast %get3A_851 : vector<1x16xi32> to vector<16xi32>
    %add3A_853 = arith.addi %get3A_852, %broadcast_in_dim3A_799 : vector<16xi32>
    %swap3A_854 = arith.constant 8 : i32
    %swap3A_855 = arith.index_cast %swap3A_854 : i32 to index
    %swap3A_856 = arith.constant 64 : index
    %swap3A_857 = tpu.vector_load %arg6[%swap3A_855, %swap3A_856] {strides = array<i32>} : memref<26x128xi32, #tpu.memory_space<vmem>>, vector<1x16xi32>,
    %swap3A_858 = vector.shape_cast %swap3A_857 : vector<1x16xi32> to vector<16xi32>
    %swap3A_859 = vector.shape_cast %add3A_853 : vector<16xi32> to vector<1x16xi32>
    tpu.vector_store %arg6[%swap3A_855, %swap3A_856], %swap3A_859 {strides = array<i32>} : memref<26x128xi32, #tpu.memory_space<vmem>>, vector<1x16xi32>,
    %get3A_860 = arith.constant 8 : i32
    %get3A_861 = arith.index_cast %get3A_860 : i32 to index
    %get3A_862 = arith.constant 80 : index
    %get3A_863 = tpu.vector_load %arg6[%get3A_861, %get3A_862] {strides = array<i32>} : memref<26x128xi32, #tpu.memory_space<vmem>>, vector<1x16xi32>,
    %get3A_864 = vector.shape_cast %get3A_863 : vector<1x16xi32> to vector<16xi32>
    %add3A_865 = arith.addi %get3A_864, %broadcast_in_dim3A_799 : vector<16xi32>
    %swap3A_866 = arith.constant 8 : i32
    %swap3A_867 = arith.index_cast %swap3A_866 : i32 to index
    %swap3A_868 = arith.constant 80 : index
    %swap3A_869 = tpu.vector_load %arg6[%swap3A_867, %swap3A_868] {strides = array<i32>} : memref<26x128xi32, #tpu.memory_space<vmem>>, vector<1x16xi32>,
    %swap3A_870 = vector.shape_cast %swap3A_869 : vector<1x16xi32> to vector<16xi32>
    %swap3A_871 = vector.shape_cast %add3A_865 : vector<16xi32> to vector<1x16xi32>
    tpu.vector_store %arg6[%swap3A_867, %swap3A_868], %swap3A_871 {strides = array<i32>} : memref<26x128xi32, #tpu.memory_space<vmem>>, vector<1x16xi32>,
    %get3A_872 = arith.constant 8 : i32
    %get3A_873 = arith.index_cast %get3A_872 : i32 to index
    %get3A_874 = arith.constant 96 : index
    %get3A_875 = tpu.vector_load %arg6[%get3A_873, %get3A_874] {strides = array<i32>} : memref<26x128xi32, #tpu.memory_space<vmem>>, vector<1x16xi32>,
    %get3A_876 = vector.shape_cast %get3A_875 : vector<1x16xi32> to vector<16xi32>
    %add3A_877 = arith.addi %get3A_876, %broadcast_in_dim3A_799 : vector<16xi32>
    %swap3A_878 = arith.constant 8 : i32
    %swap3A_879 = arith.index_cast %swap3A_878 : i32 to index
    %swap3A_880 = arith.constant 96 : index
    %swap3A_881 = tpu.vector_load %arg6[%swap3A_879, %swap3A_880] {strides = array<i32>} : memref<26x128xi32, #tpu.memory_space<vmem>>, vector<1x16xi32>,
    %swap3A_882 = vector.shape_cast %swap3A_881 : vector<1x16xi32> to vector<16xi32>
    %swap3A_883 = vector.shape_cast %add3A_877 : vector<16xi32> to vector<1x16xi32>
    tpu.vector_store %arg6[%swap3A_879, %swap3A_880], %swap3A_883 {strides = array<i32>} : memref<26x128xi32, #tpu.memory_space<vmem>>, vector<1x16xi32>,
    %get3A_884 = arith.constant 8 : i32
    %get3A_885 = arith.index_cast %get3A_884 : i32 to index
    %get3A_886 = arith.constant 112 : index
    %get3A_887 = tpu.vector_load %arg6[%get3A_885, %get3A_886] {strides = array<i32>} : memref<26x128xi32, #tpu.memory_space<vmem>>, vector<1x16xi32>,
    %get3A_888 = vector.shape_cast %get3A_887 : vector<1x16xi32> to vector<16xi32>
    %add3A_889 = arith.addi %get3A_888, %broadcast_in_dim3A_799 : vector<16xi32>
    %swap3A_890 = arith.constant 8 : i32
    %swap3A_891 = arith.index_cast %swap3A_890 : i32 to index
    %swap3A_892 = arith.constant 112 : index
    %swap3A_893 = tpu.vector_load %arg6[%swap3A_891, %swap3A_892] {strides = array<i32>} : memref<26x128xi32, #tpu.memory_space<vmem>>, vector<1x16xi32>,
    %swap3A_894 = vector.shape_cast %swap3A_893 : vector<1x16xi32> to vector<16xi32>
    %swap3A_895 = vector.shape_cast %add3A_889 : vector<16xi32> to vector<1x16xi32>
    tpu.vector_store %arg6[%swap3A_891, %swap3A_892], %swap3A_895 {strides = array<i32>} : memref<26x128xi32, #tpu.memory_space<vmem>>, vector<1x16xi32>,
    %slice3A_896 = vector.extract_strided_slice %get3A_4 {offsets = [9], sizes = [1], strides = [1]} : vector<16xi32> to vector<1xi32>
    %broadcast_in_dim3A_897 = vector.shape_cast %slice3A_896 : vector<1xi32> to vector<1xi32>
    %broadcast_in_dim3A_898 = vector.broadcast %broadcast_in_dim3A_897 : vector<1xi32> to vector<16xi32>
    %get3A_899 = arith.constant 9 : i32
    %get3A_900 = arith.index_cast %get3A_899 : i32 to index
    %get3A_901 = arith.constant 0 : index
    %get3A_902 = tpu.vector_load %arg6[%get3A_900, %get3A_901] {strides = array<i32>} : memref<26x128xi32, #tpu.memory_space<vmem>>, vector<1x16xi32>,
    %get3A_903 = vector.shape_cast %get3A_902 : vector<1x16xi32> to vector<16xi32>
    %add3A_904 = arith.addi %get3A_903, %broadcast_in_dim3A_898 : vector<16xi32>
    %swap3A_905 = arith.constant 9 : i32
    %swap3A_906 = arith.index_cast %swap3A_905 : i32 to index
    %swap3A_907 = arith.constant 0 : index
    %swap3A_908 = tpu.vector_load %arg6[%swap3A_906, %swap3A_907] {strides = array<i32>} : memref<26x128xi32, #tpu.memory_space<vmem>>, vector<1x16xi32>,
    %swap3A_909 = vector.shape_cast %swap3A_908 : vector<1x16xi32> to vector<16xi32>
    %swap3A_910 = vector.shape_cast %add3A_904 : vector<16xi32> to vector<1x16xi32>
    tpu.vector_store %arg6[%swap3A_906, %swap3A_907], %swap3A_910 {strides = array<i32>} : memref<26x128xi32, #tpu.memory_space<vmem>>, vector<1x16xi32>,
    %get3A_911 = arith.constant 9 : i32
    %get3A_912 = arith.index_cast %get3A_911 : i32 to index
    %get3A_913 = arith.constant 16 : index
    %get3A_914 = tpu.vector_load %arg6[%get3A_912, %get3A_913] {strides = array<i32>} : memref<26x128xi32, #tpu.memory_space<vmem>>, vector<1x16xi32>,
    %get3A_915 = vector.shape_cast %get3A_914 : vector<1x16xi32> to vector<16xi32>
    %add3A_916 = arith.addi %get3A_915, %broadcast_in_dim3A_898 : vector<16xi32>
    %swap3A_917 = arith.constant 9 : i32
    %swap3A_918 = arith.index_cast %swap3A_917 : i32 to index
    %swap3A_919 = arith.constant 16 : index
    %swap3A_920 = tpu.vector_load %arg6[%swap3A_918, %swap3A_919] {strides = array<i32>} : memref<26x128xi32, #tpu.memory_space<vmem>>, vector<1x16xi32>,
    %swap3A_921 = vector.shape_cast %swap3A_920 : vector<1x16xi32> to vector<16xi32>
    %swap3A_922 = vector.shape_cast %add3A_916 : vector<16xi32> to vector<1x16xi32>
    tpu.vector_store %arg6[%swap3A_918, %swap3A_919], %swap3A_922 {strides = array<i32>} : memref<26x128xi32, #tpu.memory_space<vmem>>, vector<1x16xi32>,
    %get3A_923 = arith.constant 9 : i32
    %get3A_924 = arith.index_cast %get3A_923 : i32 to index
    %get3A_925 = arith.constant 32 : index
    %get3A_926 = tpu.vector_load %arg6[%get3A_924, %get3A_925] {strides = array<i32>} : memref<26x128xi32, #tpu.memory_space<vmem>>, vector<1x16xi32>,
    %get3A_927 = vector.shape_cast %get3A_926 : vector<1x16xi32> to vector<16xi32>
    %add3A_928 = arith.addi %get3A_927, %broadcast_in_dim3A_898 : vector<16xi32>
    %swap3A_929 = arith.constant 9 : i32
    %swap3A_930 = arith.index_cast %swap3A_929 : i32 to index
    %swap3A_931 = arith.constant 32 : index
    %swap3A_932 = tpu.vector_load %arg6[%swap3A_930, %swap3A_931] {strides = array<i32>} : memref<26x128xi32, #tpu.memory_space<vmem>>, vector<1x16xi32>,
    %swap3A_933 = vector.shape_cast %swap3A_932 : vector<1x16xi32> to vector<16xi32>
    %swap3A_934 = vector.shape_cast %add3A_928 : vector<16xi32> to vector<1x16xi32>
    tpu.vector_store %arg6[%swap3A_930, %swap3A_931], %swap3A_934 {strides = array<i32>} : memref<26x128xi32, #tpu.memory_space<vmem>>, vector<1x16xi32>,
    %get3A_935 = arith.constant 9 : i32
    %get3A_936 = arith.index_cast %get3A_935 : i32 to index
    %get3A_937 = arith.constant 48 : index
    %get3A_938 = tpu.vector_load %arg6[%get3A_936, %get3A_937] {strides = array<i32>} : memref<26x128xi32, #tpu.memory_space<vmem>>, vector<1x16xi32>,
    %get3A_939 = vector.shape_cast %get3A_938 : vector<1x16xi32> to vector<16xi32>
    %add3A_940 = arith.addi %get3A_939, %broadcast_in_dim3A_898 : vector<16xi32>
    %swap3A_941 = arith.constant 9 : i32
    %swap3A_942 = arith.index_cast %swap3A_941 : i32 to index
    %swap3A_943 = arith.constant 48 : index
    %swap3A_944 = tpu.vector_load %arg6[%swap3A_942, %swap3A_943] {strides = array<i32>} : memref<26x128xi32, #tpu.memory_space<vmem>>, vector<1x16xi32>,
    %swap3A_945 = vector.shape_cast %swap3A_944 : vector<1x16xi32> to vector<16xi32>
    %swap3A_946 = vector.shape_cast %add3A_940 : vector<16xi32> to vector<1x16xi32>
    tpu.vector_store %arg6[%swap3A_942, %swap3A_943], %swap3A_946 {strides = array<i32>} : memref<26x128xi32, #tpu.memory_space<vmem>>, vector<1x16xi32>,
    %get3A_947 = arith.constant 9 : i32
    %get3A_948 = arith.index_cast %get3A_947 : i32 to index
    %get3A_949 = arith.constant 64 : index
    %get3A_950 = tpu.vector_load %arg6[%get3A_948, %get3A_949] {strides = array<i32>} : memref<26x128xi32, #tpu.memory_space<vmem>>, vector<1x16xi32>,
    %get3A_951 = vector.shape_cast %get3A_950 : vector<1x16xi32> to vector<16xi32>
    %add3A_952 = arith.addi %get3A_951, %broadcast_in_dim3A_898 : vector<16xi32>
    %swap3A_953 = arith.constant 9 : i32
    %swap3A_954 = arith.index_cast %swap3A_953 : i32 to index
    %swap3A_955 = arith.constant 64 : index
    %swap3A_956 = tpu.vector_load %arg6[%swap3A_954, %swap3A_955] {strides = array<i32>} : memref<26x128xi32, #tpu.memory_space<vmem>>, vector<1x16xi32>,
    %swap3A_957 = vector.shape_cast %swap3A_956 : vector<1x16xi32> to vector<16xi32>
    %swap3A_958 = vector.shape_cast %add3A_952 : vector<16xi32> to vector<1x16xi32>
    tpu.vector_store %arg6[%swap3A_954, %swap3A_955], %swap3A_958 {strides = array<i32>} : memref<26x128xi32, #tpu.memory_space<vmem>>, vector<1x16xi32>,
    %get3A_959 = arith.constant 9 : i32
    %get3A_960 = arith.index_cast %get3A_959 : i32 to index
    %get3A_961 = arith.constant 80 : index
    %get3A_962 = tpu.vector_load %arg6[%get3A_960, %get3A_961] {strides = array<i32>} : memref<26x128xi32, #tpu.memory_space<vmem>>, vector<1x16xi32>,
    %get3A_963 = vector.shape_cast %get3A_962 : vector<1x16xi32> to vector<16xi32>
    %add3A_964 = arith.addi %get3A_963, %broadcast_in_dim3A_898 : vector<16xi32>
    %swap3A_965 = arith.constant 9 : i32
    %swap3A_966 = arith.index_cast %swap3A_965 : i32 to index
    %swap3A_967 = arith.constant 80 : index
    %swap3A_968 = tpu.vector_load %arg6[%swap3A_966, %swap3A_967] {strides = array<i32>} : memref<26x128xi32, #tpu.memory_space<vmem>>, vector<1x16xi32>,
    %swap3A_969 = vector.shape_cast %swap3A_968 : vector<1x16xi32> to vector<16xi32>
    %swap3A_970 = vector.shape_cast %add3A_964 : vector<16xi32> to vector<1x16xi32>
    tpu.vector_store %arg6[%swap3A_966, %swap3A_967], %swap3A_970 {strides = array<i32>} : memref<26x128xi32, #tpu.memory_space<vmem>>, vector<1x16xi32>,
    %get3A_971 = arith.constant 9 : i32
    %get3A_972 = arith.index_cast %get3A_971 : i32 to index
    %get3A_973 = arith.constant 96 : index
    %get3A_974 = tpu.vector_load %arg6[%get3A_972, %get3A_973] {strides = array<i32>} : memref<26x128xi32, #tpu.memory_space<vmem>>, vector<1x16xi32>,
    %get3A_975 = vector.shape_cast %get3A_974 : vector<1x16xi32> to vector<16xi32>
    %add3A_976 = arith.addi %get3A_975, %broadcast_in_dim3A_898 : vector<16xi32>
    %swap3A_977 = arith.constant 9 : i32
    %swap3A_978 = arith.index_cast %swap3A_977 : i32 to index
    %swap3A_979 = arith.constant 96 : index
    %swap3A_980 = tpu.vector_load %arg6[%swap3A_978, %swap3A_979] {strides = array<i32>} : memref<26x128xi32, #tpu.memory_space<vmem>>, vector<1x16xi32>,
    %swap3A_981 = vector.shape_cast %swap3A_980 : vector<1x16xi32> to vector<16xi32>
    %swap3A_982 = vector.shape_cast %add3A_976 : vector<16xi32> to vector<1x16xi32>
    tpu.vector_store %arg6[%swap3A_978, %swap3A_979], %swap3A_982 {strides = array<i32>} : memref<26x128xi32, #tpu.memory_space<vmem>>, vector<1x16xi32>,
    %get3A_983 = arith.constant 9 : i32
    %get3A_984 = arith.index_cast %get3A_983 : i32 to index
    %get3A_985 = arith.constant 112 : index
    %get3A_986 = tpu.vector_load %arg6[%get3A_984, %get3A_985] {strides = array<i32>} : memref<26x128xi32, #tpu.memory_space<vmem>>, vector<1x16xi32>,
    %get3A_987 = vector.shape_cast %get3A_986 : vector<1x16xi32> to vector<16xi32>
    %add3A_988 = arith.addi %get3A_987, %broadcast_in_dim3A_898 : vector<16xi32>
    %swap3A_989 = arith.constant 9 : i32
    %swap3A_990 = arith.index_cast %swap3A_989 : i32 to index
    %swap3A_991 = arith.constant 112 : index
    %swap3A_992 = tpu.vector_load %arg6[%swap3A_990, %swap3A_991] {strides = array<i32>} : memref<26x128xi32, #tpu.memory_space<vmem>>, vector<1x16xi32>,
    %swap3A_993 = vector.shape_cast %swap3A_992 : vector<1x16xi32> to vector<16xi32>
    %swap3A_994 = vector.shape_cast %add3A_988 : vector<16xi32> to vector<1x16xi32>
    tpu.vector_store %arg6[%swap3A_990, %swap3A_991], %swap3A_994 {strides = array<i32>} : memref<26x128xi32, #tpu.memory_space<vmem>>, vector<1x16xi32>,
    %slice3A_995 = vector.extract_strided_slice %get3A_4 {offsets = [10], sizes = [1], strides = [1]} : vector<16xi32> to vector<1xi32>
    %broadcast_in_dim3A_996 = vector.shape_cast %slice3A_995 : vector<1xi32> to vector<1xi32>
    %broadcast_in_dim3A_997 = vector.broadcast %broadcast_in_dim3A_996 : vector<1xi32> to vector<16xi32>
    %get3A_998 = arith.constant 10 : i32
    %get3A_999 = arith.index_cast %get3A_998 : i32 to index
    %get3A_1000 = arith.constant 0 : index
    %get3A_1001 = tpu.vector_load %arg6[%get3A_999, %get3A_1000] {strides = array<i32>} : memref<26x128xi32, #tpu.memory_space<vmem>>, vector<1x16xi32>,
    %get3A_1002 = vector.shape_cast %get3A_1001 : vector<1x16xi32> to vector<16xi32>
    %add3A_1003 = arith.addi %get3A_1002, %broadcast_in_dim3A_997 : vector<16xi32>
    %swap3A_1004 = arith.constant 10 : i32
    %swap3A_1005 = arith.index_cast %swap3A_1004 : i32 to index
    %swap3A_1006 = arith.constant 0 : index
    %swap3A_1007 = tpu.vector_load %arg6[%swap3A_1005, %swap3A_1006] {strides = array<i32>} : memref<26x128xi32, #tpu.memory_space<vmem>>, vector<1x16xi32>,
    %swap3A_1008 = vector.shape_cast %swap3A_1007 : vector<1x16xi32> to vector<16xi32>
    %swap3A_1009 = vector.shape_cast %add3A_1003 : vector<16xi32> to vector<1x16xi32>
    tpu.vector_store %arg6[%swap3A_1005, %swap3A_1006], %swap3A_1009 {strides = array<i32>} : memref<26x128xi32, #tpu.memory_space<vmem>>, vector<1x16xi32>,
    %get3A_1010 = arith.constant 10 : i32
    %get3A_1011 = arith.index_cast %get3A_1010 : i32 to index
    %get3A_1012 = arith.constant 16 : index
    %get3A_1013 = tpu.vector_load %arg6[%get3A_1011, %get3A_1012] {strides = array<i32>} : memref<26x128xi32, #tpu.memory_space<vmem>>, vector<1x16xi32>,
    %get3A_1014 = vector.shape_cast %get3A_1013 : vector<1x16xi32> to vector<16xi32>
    %add3A_1015 = arith.addi %get3A_1014, %broadcast_in_dim3A_997 : vector<16xi32>
    %swap3A_1016 = arith.constant 10 : i32
    %swap3A_1017 = arith.index_cast %swap3A_1016 : i32 to index
    %swap3A_1018 = arith.constant 16 : index
    %swap3A_1019 = tpu.vector_load %arg6[%swap3A_1017, %swap3A_1018] {strides = array<i32>} : memref<26x128xi32, #tpu.memory_space<vmem>>, vector<1x16xi32>,
    %swap3A_1020 = vector.shape_cast %swap3A_1019 : vector<1x16xi32> to vector<16xi32>
    %swap3A_1021 = vector.shape_cast %add3A_1015 : vector<16xi32> to vector<1x16xi32>
    tpu.vector_store %arg6[%swap3A_1017, %swap3A_1018], %swap3A_1021 {strides = array<i32>} : memref<26x128xi32, #tpu.memory_space<vmem>>, vector<1x16xi32>,
    %get3A_1022 = arith.constant 10 : i32
    %get3A_1023 = arith.index_cast %get3A_1022 : i32 to index
    %get3A_1024 = arith.constant 32 : index
    %get3A_1025 = tpu.vector_load %arg6[%get3A_1023, %get3A_1024] {strides = array<i32>} : memref<26x128xi32, #tpu.memory_space<vmem>>, vector<1x16xi32>,
    %get3A_1026 = vector.shape_cast %get3A_1025 : vector<1x16xi32> to vector<16xi32>
    %add3A_1027 = arith.addi %get3A_1026, %broadcast_in_dim3A_997 : vector<16xi32>
    %swap3A_1028 = arith.constant 10 : i32
    %swap3A_1029 = arith.index_cast %swap3A_1028 : i32 to index
    %swap3A_1030 = arith.constant 32 : index
    %swap3A_1031 = tpu.vector_load %arg6[%swap3A_1029, %swap3A_1030] {strides = array<i32>} : memref<26x128xi32, #tpu.memory_space<vmem>>, vector<1x16xi32>,
    %swap3A_1032 = vector.shape_cast %swap3A_1031 : vector<1x16xi32> to vector<16xi32>
    %swap3A_1033 = vector.shape_cast %add3A_1027 : vector<16xi32> to vector<1x16xi32>
    tpu.vector_store %arg6[%swap3A_1029, %swap3A_1030], %swap3A_1033 {strides = array<i32>} : memref<26x128xi32, #tpu.memory_space<vmem>>, vector<1x16xi32>,
    %get3A_1034 = arith.constant 10 : i32
    %get3A_1035 = arith.index_cast %get3A_1034 : i32 to index
    %get3A_1036 = arith.constant 48 : index
    %get3A_1037 = tpu.vector_load %arg6[%get3A_1035, %get3A_1036] {strides = array<i32>} : memref<26x128xi32, #tpu.memory_space<vmem>>, vector<1x16xi32>,
    %get3A_1038 = vector.shape_cast %get3A_1037 : vector<1x16xi32> to vector<16xi32>
    %add3A_1039 = arith.addi %get3A_1038, %broadcast_in_dim3A_997 : vector<16xi32>
    %swap3A_1040 = arith.constant 10 : i32
    %swap3A_1041 = arith.index_cast %swap3A_1040 : i32 to index
    %swap3A_1042 = arith.constant 48 : index
    %swap3A_1043 = tpu.vector_load %arg6[%swap3A_1041, %swap3A_1042] {strides = array<i32>} : memref<26x128xi32, #tpu.memory_space<vmem>>, vector<1x16xi32>,
    %swap3A_1044 = vector.shape_cast %swap3A_1043 : vector<1x16xi32> to vector<16xi32>
    %swap3A_1045 = vector.shape_cast %add3A_1039 : vector<16xi32> to vector<1x16xi32>
    tpu.vector_store %arg6[%swap3A_1041, %swap3A_1042], %swap3A_1045 {strides = array<i32>} : memref<26x128xi32, #tpu.memory_space<vmem>>, vector<1x16xi32>,
    %get3A_1046 = arith.constant 10 : i32
    %get3A_1047 = arith.index_cast %get3A_1046 : i32 to index
    %get3A_1048 = arith.constant 64 : index
    %get3A_1049 = tpu.vector_load %arg6[%get3A_1047, %get3A_1048] {strides = array<i32>} : memref<26x128xi32, #tpu.memory_space<vmem>>, vector<1x16xi32>,
    %get3A_1050 = vector.shape_cast %get3A_1049 : vector<1x16xi32> to vector<16xi32>
    %add3A_1051 = arith.addi %get3A_1050, %broadcast_in_dim3A_997 : vector<16xi32>
    %swap3A_1052 = arith.constant 10 : i32
    %swap3A_1053 = arith.index_cast %swap3A_1052 : i32 to index
    %swap3A_1054 = arith.constant 64 : index
    %swap3A_1055 = tpu.vector_load %arg6[%swap3A_1053, %swap3A_1054] {strides = array<i32>} : memref<26x128xi32, #tpu.memory_space<vmem>>, vector<1x16xi32>,
    %swap3A_1056 = vector.shape_cast %swap3A_1055 : vector<1x16xi32> to vector<16xi32>
    %swap3A_1057 = vector.shape_cast %add3A_1051 : vector<16xi32> to vector<1x16xi32>
    tpu.vector_store %arg6[%swap3A_1053, %swap3A_1054], %swap3A_1057 {strides = array<i32>} : memref<26x128xi32, #tpu.memory_space<vmem>>, vector<1x16xi32>,
    %get3A_1058 = arith.constant 10 : i32
    %get3A_1059 = arith.index_cast %get3A_1058 : i32 to index
    %get3A_1060 = arith.constant 80 : index
    %get3A_1061 = tpu.vector_load %arg6[%get3A_1059, %get3A_1060] {strides = array<i32>} : memref<26x128xi32, #tpu.memory_space<vmem>>, vector<1x16xi32>,
    %get3A_1062 = vector.shape_cast %get3A_1061 : vector<1x16xi32> to vector<16xi32>
    %add3A_1063 = arith.addi %get3A_1062, %broadcast_in_dim3A_997 : vector<16xi32>
    %swap3A_1064 = arith.constant 10 : i32
    %swap3A_1065 = arith.index_cast %swap3A_1064 : i32 to index
    %swap3A_1066 = arith.constant 80 : index
    %swap3A_1067 = tpu.vector_load %arg6[%swap3A_1065, %swap3A_1066] {strides = array<i32>} : memref<26x128xi32, #tpu.memory_space<vmem>>, vector<1x16xi32>,
    %swap3A_1068 = vector.shape_cast %swap3A_1067 : vector<1x16xi32> to vector<16xi32>
    %swap3A_1069 = vector.shape_cast %add3A_1063 : vector<16xi32> to vector<1x16xi32>
    tpu.vector_store %arg6[%swap3A_1065, %swap3A_1066], %swap3A_1069 {strides = array<i32>} : memref<26x128xi32, #tpu.memory_space<vmem>>, vector<1x16xi32>,
    %get3A_1070 = arith.constant 10 : i32
    %get3A_1071 = arith.index_cast %get3A_1070 : i32 to index
    %get3A_1072 = arith.constant 96 : index
    %get3A_1073 = tpu.vector_load %arg6[%get3A_1071, %get3A_1072] {strides = array<i32>} : memref<26x128xi32, #tpu.memory_space<vmem>>, vector<1x16xi32>,
    %get3A_1074 = vector.shape_cast %get3A_1073 : vector<1x16xi32> to vector<16xi32>
    %add3A_1075 = arith.addi %get3A_1074, %broadcast_in_dim3A_997 : vector<16xi32>
    %swap3A_1076 = arith.constant 10 : i32
    %swap3A_1077 = arith.index_cast %swap3A_1076 : i32 to index
    %swap3A_1078 = arith.constant 96 : index
    %swap3A_1079 = tpu.vector_load %arg6[%swap3A_1077, %swap3A_1078] {strides = array<i32>} : memref<26x128xi32, #tpu.memory_space<vmem>>, vector<1x16xi32>,
    %swap3A_1080 = vector.shape_cast %swap3A_1079 : vector<1x16xi32> to vector<16xi32>
    %swap3A_1081 = vector.shape_cast %add3A_1075 : vector<16xi32> to vector<1x16xi32>
    tpu.vector_store %arg6[%swap3A_1077, %swap3A_1078], %swap3A_1081 {strides = array<i32>} : memref<26x128xi32, #tpu.memory_space<vmem>>, vector<1x16xi32>,
    %get3A_1082 = arith.constant 10 : i32
    %get3A_1083 = arith.index_cast %get3A_1082 : i32 to index
    %get3A_1084 = arith.constant 112 : index
    %get3A_1085 = tpu.vector_load %arg6[%get3A_1083, %get3A_1084] {strides = array<i32>} : memref<26x128xi32, #tpu.memory_space<vmem>>, vector<1x16xi32>,
    %get3A_1086 = vector.shape_cast %get3A_1085 : vector<1x16xi32> to vector<16xi32>
    %add3A_1087 = arith.addi %get3A_1086, %broadcast_in_dim3A_997 : vector<16xi32>
    %swap3A_1088 = arith.constant 10 : i32
    %swap3A_1089 = arith.index_cast %swap3A_1088 : i32 to index
    %swap3A_1090 = arith.constant 112 : index
    %swap3A_1091 = tpu.vector_load %arg6[%swap3A_1089, %swap3A_1090] {strides = array<i32>} : memref<26x128xi32, #tpu.memory_space<vmem>>, vector<1x16xi32>,
    %swap3A_1092 = vector.shape_cast %swap3A_1091 : vector<1x16xi32> to vector<16xi32>
    %swap3A_1093 = vector.shape_cast %add3A_1087 : vector<16xi32> to vector<1x16xi32>
    tpu.vector_store %arg6[%swap3A_1089, %swap3A_1090], %swap3A_1093 {strides = array<i32>} : memref<26x128xi32, #tpu.memory_space<vmem>>, vector<1x16xi32>,
    %slice3A_1094 = vector.extract_strided_slice %get3A_4 {offsets = [11], sizes = [1], strides = [1]} : vector<16xi32> to vector<1xi32>
    %broadcast_in_dim3A_1095 = vector.shape_cast %slice3A_1094 : vector<1xi32> to vector<1xi32>
    %broadcast_in_dim3A_1096 = vector.broadcast %broadcast_in_dim3A_1095 : vector<1xi32> to vector<16xi32>
    %get3A_1097 = arith.constant 11 : i32
    %get3A_1098 = arith.index_cast %get3A_1097 : i32 to index
    %get3A_1099 = arith.constant 0 : index
    %get3A_1100 = tpu.vector_load %arg6[%get3A_1098, %get3A_1099] {strides = array<i32>} : memref<26x128xi32, #tpu.memory_space<vmem>>, vector<1x16xi32>,
    %get3A_1101 = vector.shape_cast %get3A_1100 : vector<1x16xi32> to vector<16xi32>
    %add3A_1102 = arith.addi %get3A_1101, %broadcast_in_dim3A_1096 : vector<16xi32>
    %swap3A_1103 = arith.constant 11 : i32
    %swap3A_1104 = arith.index_cast %swap3A_1103 : i32 to index
    %swap3A_1105 = arith.constant 0 : index
    %swap3A_1106 = tpu.vector_load %arg6[%swap3A_1104, %swap3A_1105] {strides = array<i32>} : memref<26x128xi32, #tpu.memory_space<vmem>>, vector<1x16xi32>,
    %swap3A_1107 = vector.shape_cast %swap3A_1106 : vector<1x16xi32> to vector<16xi32>
    %swap3A_1108 = vector.shape_cast %add3A_1102 : vector<16xi32> to vector<1x16xi32>
    tpu.vector_store %arg6[%swap3A_1104, %swap3A_1105], %swap3A_1108 {strides = array<i32>} : memref<26x128xi32, #tpu.memory_space<vmem>>, vector<1x16xi32>,
    %get3A_1109 = arith.constant 11 : i32
    %get3A_1110 = arith.index_cast %get3A_1109 : i32 to index
    %get3A_1111 = arith.constant 16 : index
    %get3A_1112 = tpu.vector_load %arg6[%get3A_1110, %get3A_1111] {strides = array<i32>} : memref<26x128xi32, #tpu.memory_space<vmem>>, vector<1x16xi32>,
    %get3A_1113 = vector.shape_cast %get3A_1112 : vector<1x16xi32> to vector<16xi32>
    %add3A_1114 = arith.addi %get3A_1113, %broadcast_in_dim3A_1096 : vector<16xi32>
    %swap3A_1115 = arith.constant 11 : i32
    %swap3A_1116 = arith.index_cast %swap3A_1115 : i32 to index
    %swap3A_1117 = arith.constant 16 : index
    %swap3A_1118 = tpu.vector_load %arg6[%swap3A_1116, %swap3A_1117] {strides = array<i32>} : memref<26x128xi32, #tpu.memory_space<vmem>>, vector<1x16xi32>,
    %swap3A_1119 = vector.shape_cast %swap3A_1118 : vector<1x16xi32> to vector<16xi32>
    %swap3A_1120 = vector.shape_cast %add3A_1114 : vector<16xi32> to vector<1x16xi32>
    tpu.vector_store %arg6[%swap3A_1116, %swap3A_1117], %swap3A_1120 {strides = array<i32>} : memref<26x128xi32, #tpu.memory_space<vmem>>, vector<1x16xi32>,
    %get3A_1121 = arith.constant 11 : i32
    %get3A_1122 = arith.index_cast %get3A_1121 : i32 to index
    %get3A_1123 = arith.constant 32 : index
    %get3A_1124 = tpu.vector_load %arg6[%get3A_1122, %get3A_1123] {strides = array<i32>} : memref<26x128xi32, #tpu.memory_space<vmem>>, vector<1x16xi32>,
    %get3A_1125 = vector.shape_cast %get3A_1124 : vector<1x16xi32> to vector<16xi32>
    %add3A_1126 = arith.addi %get3A_1125, %broadcast_in_dim3A_1096 : vector<16xi32>
    %swap3A_1127 = arith.constant 11 : i32
    %swap3A_1128 = arith.index_cast %swap3A_1127 : i32 to index
    %swap3A_1129 = arith.constant 32 : index
    %swap3A_1130 = tpu.vector_load %arg6[%swap3A_1128, %swap3A_1129] {strides = array<i32>} : memref<26x128xi32, #tpu.memory_space<vmem>>, vector<1x16xi32>,
    %swap3A_1131 = vector.shape_cast %swap3A_1130 : vector<1x16xi32> to vector<16xi32>
    %swap3A_1132 = vector.shape_cast %add3A_1126 : vector<16xi32> to vector<1x16xi32>
    tpu.vector_store %arg6[%swap3A_1128, %swap3A_1129], %swap3A_1132 {strides = array<i32>} : memref<26x128xi32, #tpu.memory_space<vmem>>, vector<1x16xi32>,
    %get3A_1133 = arith.constant 11 : i32
    %get3A_1134 = arith.index_cast %get3A_1133 : i32 to index
    %get3A_1135 = arith.constant 48 : index
    %get3A_1136 = tpu.vector_load %arg6[%get3A_1134, %get3A_1135] {strides = array<i32>} : memref<26x128xi32, #tpu.memory_space<vmem>>, vector<1x16xi32>,
    %get3A_1137 = vector.shape_cast %get3A_1136 : vector<1x16xi32> to vector<16xi32>
    %add3A_1138 = arith.addi %get3A_1137, %broadcast_in_dim3A_1096 : vector<16xi32>
    %swap3A_1139 = arith.constant 11 : i32
    %swap3A_1140 = arith.index_cast %swap3A_1139 : i32 to index
    %swap3A_1141 = arith.constant 48 : index
    %swap3A_1142 = tpu.vector_load %arg6[%swap3A_1140, %swap3A_1141] {strides = array<i32>} : memref<26x128xi32, #tpu.memory_space<vmem>>, vector<1x16xi32>,
    %swap3A_1143 = vector.shape_cast %swap3A_1142 : vector<1x16xi32> to vector<16xi32>
    %swap3A_1144 = vector.shape_cast %add3A_1138 : vector<16xi32> to vector<1x16xi32>
    tpu.vector_store %arg6[%swap3A_1140, %swap3A_1141], %swap3A_1144 {strides = array<i32>} : memref<26x128xi32, #tpu.memory_space<vmem>>, vector<1x16xi32>,
    %get3A_1145 = arith.constant 11 : i32
    %get3A_1146 = arith.index_cast %get3A_1145 : i32 to index
    %get3A_1147 = arith.constant 64 : index
    %get3A_1148 = tpu.vector_load %arg6[%get3A_1146, %get3A_1147] {strides = array<i32>} : memref<26x128xi32, #tpu.memory_space<vmem>>, vector<1x16xi32>,
    %get3A_1149 = vector.shape_cast %get3A_1148 : vector<1x16xi32> to vector<16xi32>
    %add3A_1150 = arith.addi %get3A_1149, %broadcast_in_dim3A_1096 : vector<16xi32>
    %swap3A_1151 = arith.constant 11 : i32
    %swap3A_1152 = arith.index_cast %swap3A_1151 : i32 to index
    %swap3A_1153 = arith.constant 64 : index
    %swap3A_1154 = tpu.vector_load %arg6[%swap3A_1152, %swap3A_1153] {strides = array<i32>} : memref<26x128xi32, #tpu.memory_space<vmem>>, vector<1x16xi32>,
    %swap3A_1155 = vector.shape_cast %swap3A_1154 : vector<1x16xi32> to vector<16xi32>
    %swap3A_1156 = vector.shape_cast %add3A_1150 : vector<16xi32> to vector<1x16xi32>
    tpu.vector_store %arg6[%swap3A_1152, %swap3A_1153], %swap3A_1156 {strides = array<i32>} : memref<26x128xi32, #tpu.memory_space<vmem>>, vector<1x16xi32>,
    %get3A_1157 = arith.constant 11 : i32
    %get3A_1158 = arith.index_cast %get3A_1157 : i32 to index
    %get3A_1159 = arith.constant 80 : index
    %get3A_1160 = tpu.vector_load %arg6[%get3A_1158, %get3A_1159] {strides = array<i32>} : memref<26x128xi32, #tpu.memory_space<vmem>>, vector<1x16xi32>,
    %get3A_1161 = vector.shape_cast %get3A_1160 : vector<1x16xi32> to vector<16xi32>
    %add3A_1162 = arith.addi %get3A_1161, %broadcast_in_dim3A_1096 : vector<16xi32>
    %swap3A_1163 = arith.constant 11 : i32
    %swap3A_1164 = arith.index_cast %swap3A_1163 : i32 to index
    %swap3A_1165 = arith.constant 80 : index
    %swap3A_1166 = tpu.vector_load %arg6[%swap3A_1164, %swap3A_1165] {strides = array<i32>} : memref<26x128xi32, #tpu.memory_space<vmem>>, vector<1x16xi32>,
    %swap3A_1167 = vector.shape_cast %swap3A_1166 : vector<1x16xi32> to vector<16xi32>
    %swap3A_1168 = vector.shape_cast %add3A_1162 : vector<16xi32> to vector<1x16xi32>
    tpu.vector_store %arg6[%swap3A_1164, %swap3A_1165], %swap3A_1168 {strides = array<i32>} : memref<26x128xi32, #tpu.memory_space<vmem>>, vector<1x16xi32>,
    %get3A_1169 = arith.constant 11 : i32
    %get3A_1170 = arith.index_cast %get3A_1169 : i32 to index
    %get3A_1171 = arith.constant 96 : index
    %get3A_1172 = tpu.vector_load %arg6[%get3A_1170, %get3A_1171] {strides = array<i32>} : memref<26x128xi32, #tpu.memory_space<vmem>>, vector<1x16xi32>,
    %get3A_1173 = vector.shape_cast %get3A_1172 : vector<1x16xi32> to vector<16xi32>
    %add3A_1174 = arith.addi %get3A_1173, %broadcast_in_dim3A_1096 : vector<16xi32>
    %swap3A_1175 = arith.constant 11 : i32
    %swap3A_1176 = arith.index_cast %swap3A_1175 : i32 to index
    %swap3A_1177 = arith.constant 96 : index
    %swap3A_1178 = tpu.vector_load %arg6[%swap3A_1176, %swap3A_1177] {strides = array<i32>} : memref<26x128xi32, #tpu.memory_space<vmem>>, vector<1x16xi32>,
    %swap3A_1179 = vector.shape_cast %swap3A_1178 : vector<1x16xi32> to vector<16xi32>
    %swap3A_1180 = vector.shape_cast %add3A_1174 : vector<16xi32> to vector<1x16xi32>
    tpu.vector_store %arg6[%swap3A_1176, %swap3A_1177], %swap3A_1180 {strides = array<i32>} : memref<26x128xi32, #tpu.memory_space<vmem>>, vector<1x16xi32>,
    %get3A_1181 = arith.constant 11 : i32
    %get3A_1182 = arith.index_cast %get3A_1181 : i32 to index
    %get3A_1183 = arith.constant 112 : index
    %get3A_1184 = tpu.vector_load %arg6[%get3A_1182, %get3A_1183] {strides = array<i32>} : memref<26x128xi32, #tpu.memory_space<vmem>>, vector<1x16xi32>,
    %get3A_1185 = vector.shape_cast %get3A_1184 : vector<1x16xi32> to vector<16xi32>
    %add3A_1186 = arith.addi %get3A_1185, %broadcast_in_dim3A_1096 : vector<16xi32>
    %swap3A_1187 = arith.constant 11 : i32
    %swap3A_1188 = arith.index_cast %swap3A_1187 : i32 to index
    %swap3A_1189 = arith.constant 112 : index
    %swap3A_1190 = tpu.vector_load %arg6[%swap3A_1188, %swap3A_1189] {strides = array<i32>} : memref<26x128xi32, #tpu.memory_space<vmem>>, vector<1x16xi32>,
    %swap3A_1191 = vector.shape_cast %swap3A_1190 : vector<1x16xi32> to vector<16xi32>
    %swap3A_1192 = vector.shape_cast %add3A_1186 : vector<16xi32> to vector<1x16xi32>
    tpu.vector_store %arg6[%swap3A_1188, %swap3A_1189], %swap3A_1192 {strides = array<i32>} : memref<26x128xi32, #tpu.memory_space<vmem>>, vector<1x16xi32>,
    %slice3A_1193 = vector.extract_strided_slice %get3A_4 {offsets = [12], sizes = [1], strides = [1]} : vector<16xi32> to vector<1xi32>
    %broadcast_in_dim3A_1194 = vector.shape_cast %slice3A_1193 : vector<1xi32> to vector<1xi32>
    %broadcast_in_dim3A_1195 = vector.broadcast %broadcast_in_dim3A_1194 : vector<1xi32> to vector<16xi32>
    %get3A_1196 = arith.constant 12 : i32
    %get3A_1197 = arith.index_cast %get3A_1196 : i32 to index
    %get3A_1198 = arith.constant 0 : index
    %get3A_1199 = tpu.vector_load %arg6[%get3A_1197, %get3A_1198] {strides = array<i32>} : memref<26x128xi32, #tpu.memory_space<vmem>>, vector<1x16xi32>,
    %get3A_1200 = vector.shape_cast %get3A_1199 : vector<1x16xi32> to vector<16xi32>
    %add3A_1201 = arith.addi %get3A_1200, %broadcast_in_dim3A_1195 : vector<16xi32>
    %swap3A_1202 = arith.constant 12 : i32
    %swap3A_1203 = arith.index_cast %swap3A_1202 : i32 to index
    %swap3A_1204 = arith.constant 0 : index
    %swap3A_1205 = tpu.vector_load %arg6[%swap3A_1203, %swap3A_1204] {strides = array<i32>} : memref<26x128xi32, #tpu.memory_space<vmem>>, vector<1x16xi32>,
    %swap3A_1206 = vector.shape_cast %swap3A_1205 : vector<1x16xi32> to vector<16xi32>
    %swap3A_1207 = vector.shape_cast %add3A_1201 : vector<16xi32> to vector<1x16xi32>
    tpu.vector_store %arg6[%swap3A_1203, %swap3A_1204], %swap3A_1207 {strides = array<i32>} : memref<26x128xi32, #tpu.memory_space<vmem>>, vector<1x16xi32>,
    %get3A_1208 = arith.constant 12 : i32
    %get3A_1209 = arith.index_cast %get3A_1208 : i32 to index
    %get3A_1210 = arith.constant 16 : index
    %get3A_1211 = tpu.vector_load %arg6[%get3A_1209, %get3A_1210] {strides = array<i32>} : memref<26x128xi32, #tpu.memory_space<vmem>>, vector<1x16xi32>,
    %get3A_1212 = vector.shape_cast %get3A_1211 : vector<1x16xi32> to vector<16xi32>
    %add3A_1213 = arith.addi %get3A_1212, %broadcast_in_dim3A_1195 : vector<16xi32>
    %swap3A_1214 = arith.constant 12 : i32
    %swap3A_1215 = arith.index_cast %swap3A_1214 : i32 to index
    %swap3A_1216 = arith.constant 16 : index
    %swap3A_1217 = tpu.vector_load %arg6[%swap3A_1215, %swap3A_1216] {strides = array<i32>} : memref<26x128xi32, #tpu.memory_space<vmem>>, vector<1x16xi32>,
    %swap3A_1218 = vector.shape_cast %swap3A_1217 : vector<1x16xi32> to vector<16xi32>
    %swap3A_1219 = vector.shape_cast %add3A_1213 : vector<16xi32> to vector<1x16xi32>
    tpu.vector_store %arg6[%swap3A_1215, %swap3A_1216], %swap3A_1219 {strides = array<i32>} : memref<26x128xi32, #tpu.memory_space<vmem>>, vector<1x16xi32>,
    %get3A_1220 = arith.constant 12 : i32
    %get3A_1221 = arith.index_cast %get3A_1220 : i32 to index
    %get3A_1222 = arith.constant 32 : index
    %get3A_1223 = tpu.vector_load %arg6[%get3A_1221, %get3A_1222] {strides = array<i32>} : memref<26x128xi32, #tpu.memory_space<vmem>>, vector<1x16xi32>,
    %get3A_1224 = vector.shape_cast %get3A_1223 : vector<1x16xi32> to vector<16xi32>
    %add3A_1225 = arith.addi %get3A_1224, %broadcast_in_dim3A_1195 : vector<16xi32>
    %swap3A_1226 = arith.constant 12 : i32
    %swap3A_1227 = arith.index_cast %swap3A_1226 : i32 to index
    %swap3A_1228 = arith.constant 32 : index
    %swap3A_1229 = tpu.vector_load %arg6[%swap3A_1227, %swap3A_1228] {strides = array<i32>} : memref<26x128xi32, #tpu.memory_space<vmem>>, vector<1x16xi32>,
    %swap3A_1230 = vector.shape_cast %swap3A_1229 : vector<1x16xi32> to vector<16xi32>
    %swap3A_1231 = vector.shape_cast %add3A_1225 : vector<16xi32> to vector<1x16xi32>
    tpu.vector_store %arg6[%swap3A_1227, %swap3A_1228], %swap3A_1231 {strides = array<i32>} : memref<26x128xi32, #tpu.memory_space<vmem>>, vector<1x16xi32>,
    %get3A_1232 = arith.constant 12 : i32
    %get3A_1233 = arith.index_cast %get3A_1232 : i32 to index
    %get3A_1234 = arith.constant 48 : index
    %get3A_1235 = tpu.vector_load %arg6[%get3A_1233, %get3A_1234] {strides = array<i32>} : memref<26x128xi32, #tpu.memory_space<vmem>>, vector<1x16xi32>,
    %get3A_1236 = vector.shape_cast %get3A_1235 : vector<1x16xi32> to vector<16xi32>
    %add3A_1237 = arith.addi %get3A_1236, %broadcast_in_dim3A_1195 : vector<16xi32>
    %swap3A_1238 = arith.constant 12 : i32
    %swap3A_1239 = arith.index_cast %swap3A_1238 : i32 to index
    %swap3A_1240 = arith.constant 48 : index
    %swap3A_1241 = tpu.vector_load %arg6[%swap3A_1239, %swap3A_1240] {strides = array<i32>} : memref<26x128xi32, #tpu.memory_space<vmem>>, vector<1x16xi32>,
    %swap3A_1242 = vector.shape_cast %swap3A_1241 : vector<1x16xi32> to vector<16xi32>
    %swap3A_1243 = vector.shape_cast %add3A_1237 : vector<16xi32> to vector<1x16xi32>
    tpu.vector_store %arg6[%swap3A_1239, %swap3A_1240], %swap3A_1243 {strides = array<i32>} : memref<26x128xi32, #tpu.memory_space<vmem>>, vector<1x16xi32>,
    %get3A_1244 = arith.constant 12 : i32
    %get3A_1245 = arith.index_cast %get3A_1244 : i32 to index
    %get3A_1246 = arith.constant 64 : index
    %get3A_1247 = tpu.vector_load %arg6[%get3A_1245, %get3A_1246] {strides = array<i32>} : memref<26x128xi32, #tpu.memory_space<vmem>>, vector<1x16xi32>,
    %get3A_1248 = vector.shape_cast %get3A_1247 : vector<1x16xi32> to vector<16xi32>
    %add3A_1249 = arith.addi %get3A_1248, %broadcast_in_dim3A_1195 : vector<16xi32>
    %swap3A_1250 = arith.constant 12 : i32
    %swap3A_1251 = arith.index_cast %swap3A_1250 : i32 to index
    %swap3A_1252 = arith.constant 64 : index
    %swap3A_1253 = tpu.vector_load %arg6[%swap3A_1251, %swap3A_1252] {strides = array<i32>} : memref<26x128xi32, #tpu.memory_space<vmem>>, vector<1x16xi32>,
    %swap3A_1254 = vector.shape_cast %swap3A_1253 : vector<1x16xi32> to vector<16xi32>
    %swap3A_1255 = vector.shape_cast %add3A_1249 : vector<16xi32> to vector<1x16xi32>
    tpu.vector_store %arg6[%swap3A_1251, %swap3A_1252], %swap3A_1255 {strides = array<i32>} : memref<26x128xi32, #tpu.memory_space<vmem>>, vector<1x16xi32>,
    %get3A_1256 = arith.constant 12 : i32
    %get3A_1257 = arith.index_cast %get3A_1256 : i32 to index
    %get3A_1258 = arith.constant 80 : index
    %get3A_1259 = tpu.vector_load %arg6[%get3A_1257, %get3A_1258] {strides = array<i32>} : memref<26x128xi32, #tpu.memory_space<vmem>>, vector<1x16xi32>,
    %get3A_1260 = vector.shape_cast %get3A_1259 : vector<1x16xi32> to vector<16xi32>
    %add3A_1261 = arith.addi %get3A_1260, %broadcast_in_dim3A_1195 : vector<16xi32>
    %swap3A_1262 = arith.constant 12 : i32
    %swap3A_1263 = arith.index_cast %swap3A_1262 : i32 to index
    %swap3A_1264 = arith.constant 80 : index
    %swap3A_1265 = tpu.vector_load %arg6[%swap3A_1263, %swap3A_1264] {strides = array<i32>} : memref<26x128xi32, #tpu.memory_space<vmem>>, vector<1x16xi32>,
    %swap3A_1266 = vector.shape_cast %swap3A_1265 : vector<1x16xi32> to vector<16xi32>
    %swap3A_1267 = vector.shape_cast %add3A_1261 : vector<16xi32> to vector<1x16xi32>
    tpu.vector_store %arg6[%swap3A_1263, %swap3A_1264], %swap3A_1267 {strides = array<i32>} : memref<26x128xi32, #tpu.memory_space<vmem>>, vector<1x16xi32>,
    %get3A_1268 = arith.constant 12 : i32
    %get3A_1269 = arith.index_cast %get3A_1268 : i32 to index
    %get3A_1270 = arith.constant 96 : index
    %get3A_1271 = tpu.vector_load %arg6[%get3A_1269, %get3A_1270] {strides = array<i32>} : memref<26x128xi32, #tpu.memory_space<vmem>>, vector<1x16xi32>,
    %get3A_1272 = vector.shape_cast %get3A_1271 : vector<1x16xi32> to vector<16xi32>
    %add3A_1273 = arith.addi %get3A_1272, %broadcast_in_dim3A_1195 : vector<16xi32>
    %swap3A_1274 = arith.constant 12 : i32
    %swap3A_1275 = arith.index_cast %swap3A_1274 : i32 to index
    %swap3A_1276 = arith.constant 96 : index
    %swap3A_1277 = tpu.vector_load %arg6[%swap3A_1275, %swap3A_1276] {strides = array<i32>} : memref<26x128xi32, #tpu.memory_space<vmem>>, vector<1x16xi32>,
    %swap3A_1278 = vector.shape_cast %swap3A_1277 : vector<1x16xi32> to vector<16xi32>
    %swap3A_1279 = vector.shape_cast %add3A_1273 : vector<16xi32> to vector<1x16xi32>
    tpu.vector_store %arg6[%swap3A_1275, %swap3A_1276], %swap3A_1279 {strides = array<i32>} : memref<26x128xi32, #tpu.memory_space<vmem>>, vector<1x16xi32>,
    %get3A_1280 = arith.constant 12 : i32
    %get3A_1281 = arith.index_cast %get3A_1280 : i32 to index
    %get3A_1282 = arith.constant 112 : index
    %get3A_1283 = tpu.vector_load %arg6[%get3A_1281, %get3A_1282] {strides = array<i32>} : memref<26x128xi32, #tpu.memory_space<vmem>>, vector<1x16xi32>,
    %get3A_1284 = vector.shape_cast %get3A_1283 : vector<1x16xi32> to vector<16xi32>
    %add3A_1285 = arith.addi %get3A_1284, %broadcast_in_dim3A_1195 : vector<16xi32>
    %swap3A_1286 = arith.constant 12 : i32
    %swap3A_1287 = arith.index_cast %swap3A_1286 : i32 to index
    %swap3A_1288 = arith.constant 112 : index
    %swap3A_1289 = tpu.vector_load %arg6[%swap3A_1287, %swap3A_1288] {strides = array<i32>} : memref<26x128xi32, #tpu.memory_space<vmem>>, vector<1x16xi32>,
    %swap3A_1290 = vector.shape_cast %swap3A_1289 : vector<1x16xi32> to vector<16xi32>
    %swap3A_1291 = vector.shape_cast %add3A_1285 : vector<16xi32> to vector<1x16xi32>
    tpu.vector_store %arg6[%swap3A_1287, %swap3A_1288], %swap3A_1291 {strides = array<i32>} : memref<26x128xi32, #tpu.memory_space<vmem>>, vector<1x16xi32>,
    %slice3A_1292 = vector.extract_strided_slice %get3A_4 {offsets = [13], sizes = [1], strides = [1]} : vector<16xi32> to vector<1xi32>
    %broadcast_in_dim3A_1293 = vector.shape_cast %slice3A_1292 : vector<1xi32> to vector<1xi32>
    %broadcast_in_dim3A_1294 = vector.broadcast %broadcast_in_dim3A_1293 : vector<1xi32> to vector<16xi32>
    %get3A_1295 = arith.constant 13 : i32
    %get3A_1296 = arith.index_cast %get3A_1295 : i32 to index
    %get3A_1297 = arith.constant 0 : index
    %get3A_1298 = tpu.vector_load %arg6[%get3A_1296, %get3A_1297] {strides = array<i32>} : memref<26x128xi32, #tpu.memory_space<vmem>>, vector<1x16xi32>,
    %get3A_1299 = vector.shape_cast %get3A_1298 : vector<1x16xi32> to vector<16xi32>
    %add3A_1300 = arith.addi %get3A_1299, %broadcast_in_dim3A_1294 : vector<16xi32>
    %swap3A_1301 = arith.constant 13 : i32
    %swap3A_1302 = arith.index_cast %swap3A_1301 : i32 to index
    %swap3A_1303 = arith.constant 0 : index
    %swap3A_1304 = tpu.vector_load %arg6[%swap3A_1302, %swap3A_1303] {strides = array<i32>} : memref<26x128xi32, #tpu.memory_space<vmem>>, vector<1x16xi32>,
    %swap3A_1305 = vector.shape_cast %swap3A_1304 : vector<1x16xi32> to vector<16xi32>
    %swap3A_1306 = vector.shape_cast %add3A_1300 : vector<16xi32> to vector<1x16xi32>
    tpu.vector_store %arg6[%swap3A_1302, %swap3A_1303], %swap3A_1306 {strides = array<i32>} : memref<26x128xi32, #tpu.memory_space<vmem>>, vector<1x16xi32>,
    %get3A_1307 = arith.constant 13 : i32
    %get3A_1308 = arith.index_cast %get3A_1307 : i32 to index
    %get3A_1309 = arith.constant 16 : index
    %get3A_1310 = tpu.vector_load %arg6[%get3A_1308, %get3A_1309] {strides = array<i32>} : memref<26x128xi32, #tpu.memory_space<vmem>>, vector<1x16xi32>,
    %get3A_1311 = vector.shape_cast %get3A_1310 : vector<1x16xi32> to vector<16xi32>
    %add3A_1312 = arith.addi %get3A_1311, %broadcast_in_dim3A_1294 : vector<16xi32>
    %swap3A_1313 = arith.constant 13 : i32
    %swap3A_1314 = arith.index_cast %swap3A_1313 : i32 to index
    %swap3A_1315 = arith.constant 16 : index
    %swap3A_1316 = tpu.vector_load %arg6[%swap3A_1314, %swap3A_1315] {strides = array<i32>} : memref<26x128xi32, #tpu.memory_space<vmem>>, vector<1x16xi32>,
    %swap3A_1317 = vector.shape_cast %swap3A_1316 : vector<1x16xi32> to vector<16xi32>
    %swap3A_1318 = vector.shape_cast %add3A_1312 : vector<16xi32> to vector<1x16xi32>
    tpu.vector_store %arg6[%swap3A_1314, %swap3A_1315], %swap3A_1318 {strides = array<i32>} : memref<26x128xi32, #tpu.memory_space<vmem>>, vector<1x16xi32>,
    %get3A_1319 = arith.constant 13 : i32
    %get3A_1320 = arith.index_cast %get3A_1319 : i32 to index
    %get3A_1321 = arith.constant 32 : index
    %get3A_1322 = tpu.vector_load %arg6[%get3A_1320, %get3A_1321] {strides = array<i32>} : memref<26x128xi32, #tpu.memory_space<vmem>>, vector<1x16xi32>,
    %get3A_1323 = vector.shape_cast %get3A_1322 : vector<1x16xi32> to vector<16xi32>
    %add3A_1324 = arith.addi %get3A_1323, %broadcast_in_dim3A_1294 : vector<16xi32>
    %swap3A_1325 = arith.constant 13 : i32
    %swap3A_1326 = arith.index_cast %swap3A_1325 : i32 to index
    %swap3A_1327 = arith.constant 32 : index
    %swap3A_1328 = tpu.vector_load %arg6[%swap3A_1326, %swap3A_1327] {strides = array<i32>} : memref<26x128xi32, #tpu.memory_space<vmem>>, vector<1x16xi32>,
    %swap3A_1329 = vector.shape_cast %swap3A_1328 : vector<1x16xi32> to vector<16xi32>
    %swap3A_1330 = vector.shape_cast %add3A_1324 : vector<16xi32> to vector<1x16xi32>
    tpu.vector_store %arg6[%swap3A_1326, %swap3A_1327], %swap3A_1330 {strides = array<i32>} : memref<26x128xi32, #tpu.memory_space<vmem>>, vector<1x16xi32>,
    %get3A_1331 = arith.constant 13 : i32
    %get3A_1332 = arith.index_cast %get3A_1331 : i32 to index
    %get3A_1333 = arith.constant 48 : index
    %get3A_1334 = tpu.vector_load %arg6[%get3A_1332, %get3A_1333] {strides = array<i32>} : memref<26x128xi32, #tpu.memory_space<vmem>>, vector<1x16xi32>,
    %get3A_1335 = vector.shape_cast %get3A_1334 : vector<1x16xi32> to vector<16xi32>
    %add3A_1336 = arith.addi %get3A_1335, %broadcast_in_dim3A_1294 : vector<16xi32>
    %swap3A_1337 = arith.constant 13 : i32
    %swap3A_1338 = arith.index_cast %swap3A_1337 : i32 to index
    %swap3A_1339 = arith.constant 48 : index
    %swap3A_1340 = tpu.vector_load %arg6[%swap3A_1338, %swap3A_1339] {strides = array<i32>} : memref<26x128xi32, #tpu.memory_space<vmem>>, vector<1x16xi32>,
    %swap3A_1341 = vector.shape_cast %swap3A_1340 : vector<1x16xi32> to vector<16xi32>
    %swap3A_1342 = vector.shape_cast %add3A_1336 : vector<16xi32> to vector<1x16xi32>
    tpu.vector_store %arg6[%swap3A_1338, %swap3A_1339], %swap3A_1342 {strides = array<i32>} : memref<26x128xi32, #tpu.memory_space<vmem>>, vector<1x16xi32>,
    %get3A_1343 = arith.constant 13 : i32
    %get3A_1344 = arith.index_cast %get3A_1343 : i32 to index
    %get3A_1345 = arith.constant 64 : index
    %get3A_1346 = tpu.vector_load %arg6[%get3A_1344, %get3A_1345] {strides = array<i32>} : memref<26x128xi32, #tpu.memory_space<vmem>>, vector<1x16xi32>,
    %get3A_1347 = vector.shape_cast %get3A_1346 : vector<1x16xi32> to vector<16xi32>
    %add3A_1348 = arith.addi %get3A_1347, %broadcast_in_dim3A_1294 : vector<16xi32>
    %swap3A_1349 = arith.constant 13 : i32
    %swap3A_1350 = arith.index_cast %swap3A_1349 : i32 to index
    %swap3A_1351 = arith.constant 64 : index
    %swap3A_1352 = tpu.vector_load %arg6[%swap3A_1350, %swap3A_1351] {strides = array<i32>} : memref<26x128xi32, #tpu.memory_space<vmem>>, vector<1x16xi32>,
    %swap3A_1353 = vector.shape_cast %swap3A_1352 : vector<1x16xi32> to vector<16xi32>
    %swap3A_1354 = vector.shape_cast %add3A_1348 : vector<16xi32> to vector<1x16xi32>
    tpu.vector_store %arg6[%swap3A_1350, %swap3A_1351], %swap3A_1354 {strides = array<i32>} : memref<26x128xi32, #tpu.memory_space<vmem>>, vector<1x16xi32>,
    %get3A_1355 = arith.constant 13 : i32
    %get3A_1356 = arith.index_cast %get3A_1355 : i32 to index
    %get3A_1357 = arith.constant 80 : index
    %get3A_1358 = tpu.vector_load %arg6[%get3A_1356, %get3A_1357] {strides = array<i32>} : memref<26x128xi32, #tpu.memory_space<vmem>>, vector<1x16xi32>,
    %get3A_1359 = vector.shape_cast %get3A_1358 : vector<1x16xi32> to vector<16xi32>
    %add3A_1360 = arith.addi %get3A_1359, %broadcast_in_dim3A_1294 : vector<16xi32>
    %swap3A_1361 = arith.constant 13 : i32
    %swap3A_1362 = arith.index_cast %swap3A_1361 : i32 to index
    %swap3A_1363 = arith.constant 80 : index
    %swap3A_1364 = tpu.vector_load %arg6[%swap3A_1362, %swap3A_1363] {strides = array<i32>} : memref<26x128xi32, #tpu.memory_space<vmem>>, vector<1x16xi32>,
    %swap3A_1365 = vector.shape_cast %swap3A_1364 : vector<1x16xi32> to vector<16xi32>
    %swap3A_1366 = vector.shape_cast %add3A_1360 : vector<16xi32> to vector<1x16xi32>
    tpu.vector_store %arg6[%swap3A_1362, %swap3A_1363], %swap3A_1366 {strides = array<i32>} : memref<26x128xi32, #tpu.memory_space<vmem>>, vector<1x16xi32>,
    %get3A_1367 = arith.constant 13 : i32
    %get3A_1368 = arith.index_cast %get3A_1367 : i32 to index
    %get3A_1369 = arith.constant 96 : index
    %get3A_1370 = tpu.vector_load %arg6[%get3A_1368, %get3A_1369] {strides = array<i32>} : memref<26x128xi32, #tpu.memory_space<vmem>>, vector<1x16xi32>,
    %get3A_1371 = vector.shape_cast %get3A_1370 : vector<1x16xi32> to vector<16xi32>
    %add3A_1372 = arith.addi %get3A_1371, %broadcast_in_dim3A_1294 : vector<16xi32>
    %swap3A_1373 = arith.constant 13 : i32
    %swap3A_1374 = arith.index_cast %swap3A_1373 : i32 to index
    %swap3A_1375 = arith.constant 96 : index
    %swap3A_1376 = tpu.vector_load %arg6[%swap3A_1374, %swap3A_1375] {strides = array<i32>} : memref<26x128xi32, #tpu.memory_space<vmem>>, vector<1x16xi32>,
    %swap3A_1377 = vector.shape_cast %swap3A_1376 : vector<1x16xi32> to vector<16xi32>
    %swap3A_1378 = vector.shape_cast %add3A_1372 : vector<16xi32> to vector<1x16xi32>
    tpu.vector_store %arg6[%swap3A_1374, %swap3A_1375], %swap3A_1378 {strides = array<i32>} : memref<26x128xi32, #tpu.memory_space<vmem>>, vector<1x16xi32>,
    %get3A_1379 = arith.constant 13 : i32
    %get3A_1380 = arith.index_cast %get3A_1379 : i32 to index
    %get3A_1381 = arith.constant 112 : index
    %get3A_1382 = tpu.vector_load %arg6[%get3A_1380, %get3A_1381] {strides = array<i32>} : memref<26x128xi32, #tpu.memory_space<vmem>>, vector<1x16xi32>,
    %get3A_1383 = vector.shape_cast %get3A_1382 : vector<1x16xi32> to vector<16xi32>
    %add3A_1384 = arith.addi %get3A_1383, %broadcast_in_dim3A_1294 : vector<16xi32>
    %swap3A_1385 = arith.constant 13 : i32
    %swap3A_1386 = arith.index_cast %swap3A_1385 : i32 to index
    %swap3A_1387 = arith.constant 112 : index
    %swap3A_1388 = tpu.vector_load %arg6[%swap3A_1386, %swap3A_1387] {strides = array<i32>} : memref<26x128xi32, #tpu.memory_space<vmem>>, vector<1x16xi32>,
    %swap3A_1389 = vector.shape_cast %swap3A_1388 : vector<1x16xi32> to vector<16xi32>
    %swap3A_1390 = vector.shape_cast %add3A_1384 : vector<16xi32> to vector<1x16xi32>
    tpu.vector_store %arg6[%swap3A_1386, %swap3A_1387], %swap3A_1390 {strides = array<i32>} : memref<26x128xi32, #tpu.memory_space<vmem>>, vector<1x16xi32>,
    %slice3A_1391 = vector.extract_strided_slice %get3A_4 {offsets = [14], sizes = [1], strides = [1]} : vector<16xi32> to vector<1xi32>
    %broadcast_in_dim3A_1392 = vector.shape_cast %slice3A_1391 : vector<1xi32> to vector<1xi32>
    %broadcast_in_dim3A_1393 = vector.broadcast %broadcast_in_dim3A_1392 : vector<1xi32> to vector<16xi32>
    %get3A_1394 = arith.constant 14 : i32
    %get3A_1395 = arith.index_cast %get3A_1394 : i32 to index
    %get3A_1396 = arith.constant 0 : index
    %get3A_1397 = tpu.vector_load %arg6[%get3A_1395, %get3A_1396] {strides = array<i32>} : memref<26x128xi32, #tpu.memory_space<vmem>>, vector<1x16xi32>,
    %get3A_1398 = vector.shape_cast %get3A_1397 : vector<1x16xi32> to vector<16xi32>
    %add3A_1399 = arith.addi %get3A_1398, %broadcast_in_dim3A_1393 : vector<16xi32>
    %swap3A_1400 = arith.constant 14 : i32
    %swap3A_1401 = arith.index_cast %swap3A_1400 : i32 to index
    %swap3A_1402 = arith.constant 0 : index
    %swap3A_1403 = tpu.vector_load %arg6[%swap3A_1401, %swap3A_1402] {strides = array<i32>} : memref<26x128xi32, #tpu.memory_space<vmem>>, vector<1x16xi32>,
    %swap3A_1404 = vector.shape_cast %swap3A_1403 : vector<1x16xi32> to vector<16xi32>
    %swap3A_1405 = vector.shape_cast %add3A_1399 : vector<16xi32> to vector<1x16xi32>
    tpu.vector_store %arg6[%swap3A_1401, %swap3A_1402], %swap3A_1405 {strides = array<i32>} : memref<26x128xi32, #tpu.memory_space<vmem>>, vector<1x16xi32>,
    %get3A_1406 = arith.constant 14 : i32
    %get3A_1407 = arith.index_cast %get3A_1406 : i32 to index
    %get3A_1408 = arith.constant 16 : index
    %get3A_1409 = tpu.vector_load %arg6[%get3A_1407, %get3A_1408] {strides = array<i32>} : memref<26x128xi32, #tpu.memory_space<vmem>>, vector<1x16xi32>,
    %get3A_1410 = vector.shape_cast %get3A_1409 : vector<1x16xi32> to vector<16xi32>
    %add3A_1411 = arith.addi %get3A_1410, %broadcast_in_dim3A_1393 : vector<16xi32>
    %swap3A_1412 = arith.constant 14 : i32
    %swap3A_1413 = arith.index_cast %swap3A_1412 : i32 to index
    %swap3A_1414 = arith.constant 16 : index
    %swap3A_1415 = tpu.vector_load %arg6[%swap3A_1413, %swap3A_1414] {strides = array<i32>} : memref<26x128xi32, #tpu.memory_space<vmem>>, vector<1x16xi32>,
    %swap3A_1416 = vector.shape_cast %swap3A_1415 : vector<1x16xi32> to vector<16xi32>
    %swap3A_1417 = vector.shape_cast %add3A_1411 : vector<16xi32> to vector<1x16xi32>
    tpu.vector_store %arg6[%swap3A_1413, %swap3A_1414], %swap3A_1417 {strides = array<i32>} : memref<26x128xi32, #tpu.memory_space<vmem>>, vector<1x16xi32>,
    %get3A_1418 = arith.constant 14 : i32
    %get3A_1419 = arith.index_cast %get3A_1418 : i32 to index
    %get3A_1420 = arith.constant 32 : index
    %get3A_1421 = tpu.vector_load %arg6[%get3A_1419, %get3A_1420] {strides = array<i32>} : memref<26x128xi32, #tpu.memory_space<vmem>>, vector<1x16xi32>,
    %get3A_1422 = vector.shape_cast %get3A_1421 : vector<1x16xi32> to vector<16xi32>
    %add3A_1423 = arith.addi %get3A_1422, %broadcast_in_dim3A_1393 : vector<16xi32>
    %swap3A_1424 = arith.constant 14 : i32
    %swap3A_1425 = arith.index_cast %swap3A_1424 : i32 to index
    %swap3A_1426 = arith.constant 32 : index
    %swap3A_1427 = tpu.vector_load %arg6[%swap3A_1425, %swap3A_1426] {strides = array<i32>} : memref<26x128xi32, #tpu.memory_space<vmem>>, vector<1x16xi32>,
    %swap3A_1428 = vector.shape_cast %swap3A_1427 : vector<1x16xi32> to vector<16xi32>
    %swap3A_1429 = vector.shape_cast %add3A_1423 : vector<16xi32> to vector<1x16xi32>
    tpu.vector_store %arg6[%swap3A_1425, %swap3A_1426], %swap3A_1429 {strides = array<i32>} : memref<26x128xi32, #tpu.memory_space<vmem>>, vector<1x16xi32>,
    %get3A_1430 = arith.constant 14 : i32
    %get3A_1431 = arith.index_cast %get3A_1430 : i32 to index
    %get3A_1432 = arith.constant 48 : index
    %get3A_1433 = tpu.vector_load %arg6[%get3A_1431, %get3A_1432] {strides = array<i32>} : memref<26x128xi32, #tpu.memory_space<vmem>>, vector<1x16xi32>,
    %get3A_1434 = vector.shape_cast %get3A_1433 : vector<1x16xi32> to vector<16xi32>
    %add3A_1435 = arith.addi %get3A_1434, %broadcast_in_dim3A_1393 : vector<16xi32>
    %swap3A_1436 = arith.constant 14 : i32
    %swap3A_1437 = arith.index_cast %swap3A_1436 : i32 to index
    %swap3A_1438 = arith.constant 48 : index
    %swap3A_1439 = tpu.vector_load %arg6[%swap3A_1437, %swap3A_1438] {strides = array<i32>} : memref<26x128xi32, #tpu.memory_space<vmem>>, vector<1x16xi32>,
    %swap3A_1440 = vector.shape_cast %swap3A_1439 : vector<1x16xi32> to vector<16xi32>
    %swap3A_1441 = vector.shape_cast %add3A_1435 : vector<16xi32> to vector<1x16xi32>
    tpu.vector_store %arg6[%swap3A_1437, %swap3A_1438], %swap3A_1441 {strides = array<i32>} : memref<26x128xi32, #tpu.memory_space<vmem>>, vector<1x16xi32>,
    %get3A_1442 = arith.constant 14 : i32
    %get3A_1443 = arith.index_cast %get3A_1442 : i32 to index
    %get3A_1444 = arith.constant 64 : index
    %get3A_1445 = tpu.vector_load %arg6[%get3A_1443, %get3A_1444] {strides = array<i32>} : memref<26x128xi32, #tpu.memory_space<vmem>>, vector<1x16xi32>,
    %get3A_1446 = vector.shape_cast %get3A_1445 : vector<1x16xi32> to vector<16xi32>
    %add3A_1447 = arith.addi %get3A_1446, %broadcast_in_dim3A_1393 : vector<16xi32>
    %swap3A_1448 = arith.constant 14 : i32
    %swap3A_1449 = arith.index_cast %swap3A_1448 : i32 to index
    %swap3A_1450 = arith.constant 64 : index
    %swap3A_1451 = tpu.vector_load %arg6[%swap3A_1449, %swap3A_1450] {strides = array<i32>} : memref<26x128xi32, #tpu.memory_space<vmem>>, vector<1x16xi32>,
    %swap3A_1452 = vector.shape_cast %swap3A_1451 : vector<1x16xi32> to vector<16xi32>
    %swap3A_1453 = vector.shape_cast %add3A_1447 : vector<16xi32> to vector<1x16xi32>
    tpu.vector_store %arg6[%swap3A_1449, %swap3A_1450], %swap3A_1453 {strides = array<i32>} : memref<26x128xi32, #tpu.memory_space<vmem>>, vector<1x16xi32>,
    %get3A_1454 = arith.constant 14 : i32
    %get3A_1455 = arith.index_cast %get3A_1454 : i32 to index
    %get3A_1456 = arith.constant 80 : index
    %get3A_1457 = tpu.vector_load %arg6[%get3A_1455, %get3A_1456] {strides = array<i32>} : memref<26x128xi32, #tpu.memory_space<vmem>>, vector<1x16xi32>,
    %get3A_1458 = vector.shape_cast %get3A_1457 : vector<1x16xi32> to vector<16xi32>
    %add3A_1459 = arith.addi %get3A_1458, %broadcast_in_dim3A_1393 : vector<16xi32>
    %swap3A_1460 = arith.constant 14 : i32
    %swap3A_1461 = arith.index_cast %swap3A_1460 : i32 to index
    %swap3A_1462 = arith.constant 80 : index
    %swap3A_1463 = tpu.vector_load %arg6[%swap3A_1461, %swap3A_1462] {strides = array<i32>} : memref<26x128xi32, #tpu.memory_space<vmem>>, vector<1x16xi32>,
    %swap3A_1464 = vector.shape_cast %swap3A_1463 : vector<1x16xi32> to vector<16xi32>
    %swap3A_1465 = vector.shape_cast %add3A_1459 : vector<16xi32> to vector<1x16xi32>
    tpu.vector_store %arg6[%swap3A_1461, %swap3A_1462], %swap3A_1465 {strides = array<i32>} : memref<26x128xi32, #tpu.memory_space<vmem>>, vector<1x16xi32>,
    %get3A_1466 = arith.constant 14 : i32
    %get3A_1467 = arith.index_cast %get3A_1466 : i32 to index
    %get3A_1468 = arith.constant 96 : index
    %get3A_1469 = tpu.vector_load %arg6[%get3A_1467, %get3A_1468] {strides = array<i32>} : memref<26x128xi32, #tpu.memory_space<vmem>>, vector<1x16xi32>,
    %get3A_1470 = vector.shape_cast %get3A_1469 : vector<1x16xi32> to vector<16xi32>
    %add3A_1471 = arith.addi %get3A_1470, %broadcast_in_dim3A_1393 : vector<16xi32>
    %swap3A_1472 = arith.constant 14 : i32
    %swap3A_1473 = arith.index_cast %swap3A_1472 : i32 to index
    %swap3A_1474 = arith.constant 96 : index
    %swap3A_1475 = tpu.vector_load %arg6[%swap3A_1473, %swap3A_1474] {strides = array<i32>} : memref<26x128xi32, #tpu.memory_space<vmem>>, vector<1x16xi32>,
    %swap3A_1476 = vector.shape_cast %swap3A_1475 : vector<1x16xi32> to vector<16xi32>
    %swap3A_1477 = vector.shape_cast %add3A_1471 : vector<16xi32> to vector<1x16xi32>
    tpu.vector_store %arg6[%swap3A_1473, %swap3A_1474], %swap3A_1477 {strides = array<i32>} : memref<26x128xi32, #tpu.memory_space<vmem>>, vector<1x16xi32>,
    %get3A_1478 = arith.constant 14 : i32
    %get3A_1479 = arith.index_cast %get3A_1478 : i32 to index
    %get3A_1480 = arith.constant 112 : index
    %get3A_1481 = tpu.vector_load %arg6[%get3A_1479, %get3A_1480] {strides = array<i32>} : memref<26x128xi32, #tpu.memory_space<vmem>>, vector<1x16xi32>,
    %get3A_1482 = vector.shape_cast %get3A_1481 : vector<1x16xi32> to vector<16xi32>
    %add3A_1483 = arith.addi %get3A_1482, %broadcast_in_dim3A_1393 : vector<16xi32>
    %swap3A_1484 = arith.constant 14 : i32
    %swap3A_1485 = arith.index_cast %swap3A_1484 : i32 to index
    %swap3A_1486 = arith.constant 112 : index
    %swap3A_1487 = tpu.vector_load %arg6[%swap3A_1485, %swap3A_1486] {strides = array<i32>} : memref<26x128xi32, #tpu.memory_space<vmem>>, vector<1x16xi32>,
    %swap3A_1488 = vector.shape_cast %swap3A_1487 : vector<1x16xi32> to vector<16xi32>
    %swap3A_1489 = vector.shape_cast %add3A_1483 : vector<16xi32> to vector<1x16xi32>
    tpu.vector_store %arg6[%swap3A_1485, %swap3A_1486], %swap3A_1489 {strides = array<i32>} : memref<26x128xi32, #tpu.memory_space<vmem>>, vector<1x16xi32>,
    %slice3A_1490 = vector.extract_strided_slice %get3A_4 {offsets = [15], sizes = [1], strides = [1]} : vector<16xi32> to vector<1xi32>
    %broadcast_in_dim3A_1491 = vector.shape_cast %slice3A_1490 : vector<1xi32> to vector<1xi32>
    %broadcast_in_dim3A_1492 = vector.broadcast %broadcast_in_dim3A_1491 : vector<1xi32> to vector<16xi32>
    %get3A_1493 = arith.constant 15 : i32
    %get3A_1494 = arith.index_cast %get3A_1493 : i32 to index
    %get3A_1495 = arith.constant 0 : index
    %get3A_1496 = tpu.vector_load %arg6[%get3A_1494, %get3A_1495] {strides = array<i32>} : memref<26x128xi32, #tpu.memory_space<vmem>>, vector<1x16xi32>,
    %get3A_1497 = vector.shape_cast %get3A_1496 : vector<1x16xi32> to vector<16xi32>
    %add3A_1498 = arith.addi %get3A_1497, %broadcast_in_dim3A_1492 : vector<16xi32>
    %swap3A_1499 = arith.constant 15 : i32
    %swap3A_1500 = arith.index_cast %swap3A_1499 : i32 to index
    %swap3A_1501 = arith.constant 0 : index
    %swap3A_1502 = tpu.vector_load %arg6[%swap3A_1500, %swap3A_1501] {strides = array<i32>} : memref<26x128xi32, #tpu.memory_space<vmem>>, vector<1x16xi32>,
    %swap3A_1503 = vector.shape_cast %swap3A_1502 : vector<1x16xi32> to vector<16xi32>
    %swap3A_1504 = vector.shape_cast %add3A_1498 : vector<16xi32> to vector<1x16xi32>
    tpu.vector_store %arg6[%swap3A_1500, %swap3A_1501], %swap3A_1504 {strides = array<i32>} : memref<26x128xi32, #tpu.memory_space<vmem>>, vector<1x16xi32>,
    %get3A_1505 = arith.constant 15 : i32
    %get3A_1506 = arith.index_cast %get3A_1505 : i32 to index
    %get3A_1507 = arith.constant 16 : index
    %get3A_1508 = tpu.vector_load %arg6[%get3A_1506, %get3A_1507] {strides = array<i32>} : memref<26x128xi32, #tpu.memory_space<vmem>>, vector<1x16xi32>,
    %get3A_1509 = vector.shape_cast %get3A_1508 : vector<1x16xi32> to vector<16xi32>
    %add3A_1510 = arith.addi %get3A_1509, %broadcast_in_dim3A_1492 : vector<16xi32>
    %swap3A_1511 = arith.constant 15 : i32
    %swap3A_1512 = arith.index_cast %swap3A_1511 : i32 to index
    %swap3A_1513 = arith.constant 16 : index
    %swap3A_1514 = tpu.vector_load %arg6[%swap3A_1512, %swap3A_1513] {strides = array<i32>} : memref<26x128xi32, #tpu.memory_space<vmem>>, vector<1x16xi32>,
    %swap3A_1515 = vector.shape_cast %swap3A_1514 : vector<1x16xi32> to vector<16xi32>
    %swap3A_1516 = vector.shape_cast %add3A_1510 : vector<16xi32> to vector<1x16xi32>
    tpu.vector_store %arg6[%swap3A_1512, %swap3A_1513], %swap3A_1516 {strides = array<i32>} : memref<26x128xi32, #tpu.memory_space<vmem>>, vector<1x16xi32>,
    %get3A_1517 = arith.constant 15 : i32
    %get3A_1518 = arith.index_cast %get3A_1517 : i32 to index
    %get3A_1519 = arith.constant 32 : index
    %get3A_1520 = tpu.vector_load %arg6[%get3A_1518, %get3A_1519] {strides = array<i32>} : memref<26x128xi32, #tpu.memory_space<vmem>>, vector<1x16xi32>,
    %get3A_1521 = vector.shape_cast %get3A_1520 : vector<1x16xi32> to vector<16xi32>
    %add3A_1522 = arith.addi %get3A_1521, %broadcast_in_dim3A_1492 : vector<16xi32>
    %swap3A_1523 = arith.constant 15 : i32
    %swap3A_1524 = arith.index_cast %swap3A_1523 : i32 to index
    %swap3A_1525 = arith.constant 32 : index
    %swap3A_1526 = tpu.vector_load %arg6[%swap3A_1524, %swap3A_1525] {strides = array<i32>} : memref<26x128xi32, #tpu.memory_space<vmem>>, vector<1x16xi32>,
    %swap3A_1527 = vector.shape_cast %swap3A_1526 : vector<1x16xi32> to vector<16xi32>
    %swap3A_1528 = vector.shape_cast %add3A_1522 : vector<16xi32> to vector<1x16xi32>
    tpu.vector_store %arg6[%swap3A_1524, %swap3A_1525], %swap3A_1528 {strides = array<i32>} : memref<26x128xi32, #tpu.memory_space<vmem>>, vector<1x16xi32>,
    %get3A_1529 = arith.constant 15 : i32
    %get3A_1530 = arith.index_cast %get3A_1529 : i32 to index
    %get3A_1531 = arith.constant 48 : index
    %get3A_1532 = tpu.vector_load %arg6[%get3A_1530, %get3A_1531] {strides = array<i32>} : memref<26x128xi32, #tpu.memory_space<vmem>>, vector<1x16xi32>,
    %get3A_1533 = vector.shape_cast %get3A_1532 : vector<1x16xi32> to vector<16xi32>
    %add3A_1534 = arith.addi %get3A_1533, %broadcast_in_dim3A_1492 : vector<16xi32>
    %swap3A_1535 = arith.constant 15 : i32
    %swap3A_1536 = arith.index_cast %swap3A_1535 : i32 to index
    %swap3A_1537 = arith.constant 48 : index
    %swap3A_1538 = tpu.vector_load %arg6[%swap3A_1536, %swap3A_1537] {strides = array<i32>} : memref<26x128xi32, #tpu.memory_space<vmem>>, vector<1x16xi32>,
    %swap3A_1539 = vector.shape_cast %swap3A_1538 : vector<1x16xi32> to vector<16xi32>
    %swap3A_1540 = vector.shape_cast %add3A_1534 : vector<16xi32> to vector<1x16xi32>
    tpu.vector_store %arg6[%swap3A_1536, %swap3A_1537], %swap3A_1540 {strides = array<i32>} : memref<26x128xi32, #tpu.memory_space<vmem>>, vector<1x16xi32>,
    %get3A_1541 = arith.constant 15 : i32
    %get3A_1542 = arith.index_cast %get3A_1541 : i32 to index
    %get3A_1543 = arith.constant 64 : index
    %get3A_1544 = tpu.vector_load %arg6[%get3A_1542, %get3A_1543] {strides = array<i32>} : memref<26x128xi32, #tpu.memory_space<vmem>>, vector<1x16xi32>,
    %get3A_1545 = vector.shape_cast %get3A_1544 : vector<1x16xi32> to vector<16xi32>
    %add3A_1546 = arith.addi %get3A_1545, %broadcast_in_dim3A_1492 : vector<16xi32>
    %swap3A_1547 = arith.constant 15 : i32
    %swap3A_1548 = arith.index_cast %swap3A_1547 : i32 to index
    %swap3A_1549 = arith.constant 64 : index
    %swap3A_1550 = tpu.vector_load %arg6[%swap3A_1548, %swap3A_1549] {strides = array<i32>} : memref<26x128xi32, #tpu.memory_space<vmem>>, vector<1x16xi32>,
    %swap3A_1551 = vector.shape_cast %swap3A_1550 : vector<1x16xi32> to vector<16xi32>
    %swap3A_1552 = vector.shape_cast %add3A_1546 : vector<16xi32> to vector<1x16xi32>
    tpu.vector_store %arg6[%swap3A_1548, %swap3A_1549], %swap3A_1552 {strides = array<i32>} : memref<26x128xi32, #tpu.memory_space<vmem>>, vector<1x16xi32>,
    %get3A_1553 = arith.constant 15 : i32
    %get3A_1554 = arith.index_cast %get3A_1553 : i32 to index
    %get3A_1555 = arith.constant 80 : index
    %get3A_1556 = tpu.vector_load %arg6[%get3A_1554, %get3A_1555] {strides = array<i32>} : memref<26x128xi32, #tpu.memory_space<vmem>>, vector<1x16xi32>,
    %get3A_1557 = vector.shape_cast %get3A_1556 : vector<1x16xi32> to vector<16xi32>
    %add3A_1558 = arith.addi %get3A_1557, %broadcast_in_dim3A_1492 : vector<16xi32>
    %swap3A_1559 = arith.constant 15 : i32
    %swap3A_1560 = arith.index_cast %swap3A_1559 : i32 to index
    %swap3A_1561 = arith.constant 80 : index
    %swap3A_1562 = tpu.vector_load %arg6[%swap3A_1560, %swap3A_1561] {strides = array<i32>} : memref<26x128xi32, #tpu.memory_space<vmem>>, vector<1x16xi32>,
    %swap3A_1563 = vector.shape_cast %swap3A_1562 : vector<1x16xi32> to vector<16xi32>
    %swap3A_1564 = vector.shape_cast %add3A_1558 : vector<16xi32> to vector<1x16xi32>
    tpu.vector_store %arg6[%swap3A_1560, %swap3A_1561], %swap3A_1564 {strides = array<i32>} : memref<26x128xi32, #tpu.memory_space<vmem>>, vector<1x16xi32>,
    %get3A_1565 = arith.constant 15 : i32
    %get3A_1566 = arith.index_cast %get3A_1565 : i32 to index
    %get3A_1567 = arith.constant 96 : index
    %get3A_1568 = tpu.vector_load %arg6[%get3A_1566, %get3A_1567] {strides = array<i32>} : memref<26x128xi32, #tpu.memory_space<vmem>>, vector<1x16xi32>,
    %get3A_1569 = vector.shape_cast %get3A_1568 : vector<1x16xi32> to vector<16xi32>
    %add3A_1570 = arith.addi %get3A_1569, %broadcast_in_dim3A_1492 : vector<16xi32>
    %swap3A_1571 = arith.constant 15 : i32
    %swap3A_1572 = arith.index_cast %swap3A_1571 : i32 to index
    %swap3A_1573 = arith.constant 96 : index
    %swap3A_1574 = tpu.vector_load %arg6[%swap3A_1572, %swap3A_1573] {strides = array<i32>} : memref<26x128xi32, #tpu.memory_space<vmem>>, vector<1x16xi32>,
    %swap3A_1575 = vector.shape_cast %swap3A_1574 : vector<1x16xi32> to vector<16xi32>
    %swap3A_1576 = vector.shape_cast %add3A_1570 : vector<16xi32> to vector<1x16xi32>
    tpu.vector_store %arg6[%swap3A_1572, %swap3A_1573], %swap3A_1576 {strides = array<i32>} : memref<26x128xi32, #tpu.memory_space<vmem>>, vector<1x16xi32>,
    %get3A_1577 = arith.constant 15 : i32
    %get3A_1578 = arith.index_cast %get3A_1577 : i32 to index
    %get3A_1579 = arith.constant 112 : index
    %get3A_1580 = tpu.vector_load %arg6[%get3A_1578, %get3A_1579] {strides = array<i32>} : memref<26x128xi32, #tpu.memory_space<vmem>>, vector<1x16xi32>,
    %get3A_1581 = vector.shape_cast %get3A_1580 : vector<1x16xi32> to vector<16xi32>
    %add3A_1582 = arith.addi %get3A_1581, %broadcast_in_dim3A_1492 : vector<16xi32>
    %swap3A_1583 = arith.constant 15 : i32
    %swap3A_1584 = arith.index_cast %swap3A_1583 : i32 to index
    %swap3A_1585 = arith.constant 112 : index
    %swap3A_1586 = tpu.vector_load %arg6[%swap3A_1584, %swap3A_1585] {strides = array<i32>} : memref<26x128xi32, #tpu.memory_space<vmem>>, vector<1x16xi32>,
    %swap3A_1587 = vector.shape_cast %swap3A_1586 : vector<1x16xi32> to vector<16xi32>
    %swap3A_1588 = vector.shape_cast %add3A_1582 : vector<16xi32> to vector<1x16xi32>
    tpu.vector_store %arg6[%swap3A_1584, %swap3A_1585], %swap3A_1588 {strides = array<i32>} : memref<26x128xi32, #tpu.memory_space<vmem>>, vector<1x16xi32>,
    %slice3A_1589 = vector.extract_strided_slice %get3A_7 {offsets = [0], sizes = [1], strides = [1]} : vector<16xi32> to vector<1xi32>
    %broadcast_in_dim3A_1590 = vector.shape_cast %slice3A_1589 : vector<1xi32> to vector<1xi32>
    %broadcast_in_dim3A_1591 = vector.broadcast %broadcast_in_dim3A_1590 : vector<1xi32> to vector<16xi32>
    %get3A_1592 = arith.constant 16 : i32
    %get3A_1593 = arith.index_cast %get3A_1592 : i32 to index
    %get3A_1594 = arith.constant 0 : index
    %get3A_1595 = tpu.vector_load %arg6[%get3A_1593, %get3A_1594] {strides = array<i32>} : memref<26x128xi32, #tpu.memory_space<vmem>>, vector<1x16xi32>,
    %get3A_1596 = vector.shape_cast %get3A_1595 : vector<1x16xi32> to vector<16xi32>
    %add3A_1597 = arith.addi %get3A_1596, %broadcast_in_dim3A_1591 : vector<16xi32>
    %swap3A_1598 = arith.constant 16 : i32
    %swap3A_1599 = arith.index_cast %swap3A_1598 : i32 to index
    %swap3A_1600 = arith.constant 0 : index
    %swap3A_1601 = tpu.vector_load %arg6[%swap3A_1599, %swap3A_1600] {strides = array<i32>} : memref<26x128xi32, #tpu.memory_space<vmem>>, vector<1x16xi32>,
    %swap3A_1602 = vector.shape_cast %swap3A_1601 : vector<1x16xi32> to vector<16xi32>
    %swap3A_1603 = vector.shape_cast %add3A_1597 : vector<16xi32> to vector<1x16xi32>
    tpu.vector_store %arg6[%swap3A_1599, %swap3A_1600], %swap3A_1603 {strides = array<i32>} : memref<26x128xi32, #tpu.memory_space<vmem>>, vector<1x16xi32>,
    %get3A_1604 = arith.constant 16 : i32
    %get3A_1605 = arith.index_cast %get3A_1604 : i32 to index
    %get3A_1606 = arith.constant 16 : index
    %get3A_1607 = tpu.vector_load %arg6[%get3A_1605, %get3A_1606] {strides = array<i32>} : memref<26x128xi32, #tpu.memory_space<vmem>>, vector<1x16xi32>,
    %get3A_1608 = vector.shape_cast %get3A_1607 : vector<1x16xi32> to vector<16xi32>
    %add3A_1609 = arith.addi %get3A_1608, %broadcast_in_dim3A_1591 : vector<16xi32>
    %swap3A_1610 = arith.constant 16 : i32
    %swap3A_1611 = arith.index_cast %swap3A_1610 : i32 to index
    %swap3A_1612 = arith.constant 16 : index
    %swap3A_1613 = tpu.vector_load %arg6[%swap3A_1611, %swap3A_1612] {strides = array<i32>} : memref<26x128xi32, #tpu.memory_space<vmem>>, vector<1x16xi32>,
    %swap3A_1614 = vector.shape_cast %swap3A_1613 : vector<1x16xi32> to vector<16xi32>
    %swap3A_1615 = vector.shape_cast %add3A_1609 : vector<16xi32> to vector<1x16xi32>
    tpu.vector_store %arg6[%swap3A_1611, %swap3A_1612], %swap3A_1615 {strides = array<i32>} : memref<26x128xi32, #tpu.memory_space<vmem>>, vector<1x16xi32>,
    %get3A_1616 = arith.constant 16 : i32
    %get3A_1617 = arith.index_cast %get3A_1616 : i32 to index
    %get3A_1618 = arith.constant 32 : index
    %get3A_1619 = tpu.vector_load %arg6[%get3A_1617, %get3A_1618] {strides = array<i32>} : memref<26x128xi32, #tpu.memory_space<vmem>>, vector<1x16xi32>,
    %get3A_1620 = vector.shape_cast %get3A_1619 : vector<1x16xi32> to vector<16xi32>
    %add3A_1621 = arith.addi %get3A_1620, %broadcast_in_dim3A_1591 : vector<16xi32>
    %swap3A_1622 = arith.constant 16 : i32
    %swap3A_1623 = arith.index_cast %swap3A_1622 : i32 to index
    %swap3A_1624 = arith.constant 32 : index
    %swap3A_1625 = tpu.vector_load %arg6[%swap3A_1623, %swap3A_1624] {strides = array<i32>} : memref<26x128xi32, #tpu.memory_space<vmem>>, vector<1x16xi32>,
    %swap3A_1626 = vector.shape_cast %swap3A_1625 : vector<1x16xi32> to vector<16xi32>
    %swap3A_1627 = vector.shape_cast %add3A_1621 : vector<16xi32> to vector<1x16xi32>
    tpu.vector_store %arg6[%swap3A_1623, %swap3A_1624], %swap3A_1627 {strides = array<i32>} : memref<26x128xi32, #tpu.memory_space<vmem>>, vector<1x16xi32>,
    %get3A_1628 = arith.constant 16 : i32
    %get3A_1629 = arith.index_cast %get3A_1628 : i32 to index
    %get3A_1630 = arith.constant 48 : index
    %get3A_1631 = tpu.vector_load %arg6[%get3A_1629, %get3A_1630] {strides = array<i32>} : memref<26x128xi32, #tpu.memory_space<vmem>>, vector<1x16xi32>,
    %get3A_1632 = vector.shape_cast %get3A_1631 : vector<1x16xi32> to vector<16xi32>
    %add3A_1633 = arith.addi %get3A_1632, %broadcast_in_dim3A_1591 : vector<16xi32>
    %swap3A_1634 = arith.constant 16 : i32
    %swap3A_1635 = arith.index_cast %swap3A_1634 : i32 to index
    %swap3A_1636 = arith.constant 48 : index
    %swap3A_1637 = tpu.vector_load %arg6[%swap3A_1635, %swap3A_1636] {strides = array<i32>} : memref<26x128xi32, #tpu.memory_space<vmem>>, vector<1x16xi32>,
    %swap3A_1638 = vector.shape_cast %swap3A_1637 : vector<1x16xi32> to vector<16xi32>
    %swap3A_1639 = vector.shape_cast %add3A_1633 : vector<16xi32> to vector<1x16xi32>
    tpu.vector_store %arg6[%swap3A_1635, %swap3A_1636], %swap3A_1639 {strides = array<i32>} : memref<26x128xi32, #tpu.memory_space<vmem>>, vector<1x16xi32>,
    %get3A_1640 = arith.constant 16 : i32
    %get3A_1641 = arith.index_cast %get3A_1640 : i32 to index
    %get3A_1642 = arith.constant 64 : index
    %get3A_1643 = tpu.vector_load %arg6[%get3A_1641, %get3A_1642] {strides = array<i32>} : memref<26x128xi32, #tpu.memory_space<vmem>>, vector<1x16xi32>,
    %get3A_1644 = vector.shape_cast %get3A_1643 : vector<1x16xi32> to vector<16xi32>
    %add3A_1645 = arith.addi %get3A_1644, %broadcast_in_dim3A_1591 : vector<16xi32>
    %swap3A_1646 = arith.constant 16 : i32
    %swap3A_1647 = arith.index_cast %swap3A_1646 : i32 to index
    %swap3A_1648 = arith.constant 64 : index
    %swap3A_1649 = tpu.vector_load %arg6[%swap3A_1647, %swap3A_1648] {strides = array<i32>} : memref<26x128xi32, #tpu.memory_space<vmem>>, vector<1x16xi32>,
    %swap3A_1650 = vector.shape_cast %swap3A_1649 : vector<1x16xi32> to vector<16xi32>
    %swap3A_1651 = vector.shape_cast %add3A_1645 : vector<16xi32> to vector<1x16xi32>
    tpu.vector_store %arg6[%swap3A_1647, %swap3A_1648], %swap3A_1651 {strides = array<i32>} : memref<26x128xi32, #tpu.memory_space<vmem>>, vector<1x16xi32>,
    %get3A_1652 = arith.constant 16 : i32
    %get3A_1653 = arith.index_cast %get3A_1652 : i32 to index
    %get3A_1654 = arith.constant 80 : index
    %get3A_1655 = tpu.vector_load %arg6[%get3A_1653, %get3A_1654] {strides = array<i32>} : memref<26x128xi32, #tpu.memory_space<vmem>>, vector<1x16xi32>,
    %get3A_1656 = vector.shape_cast %get3A_1655 : vector<1x16xi32> to vector<16xi32>
    %add3A_1657 = arith.addi %get3A_1656, %broadcast_in_dim3A_1591 : vector<16xi32>
    %swap3A_1658 = arith.constant 16 : i32
    %swap3A_1659 = arith.index_cast %swap3A_1658 : i32 to index
    %swap3A_1660 = arith.constant 80 : index
    %swap3A_1661 = tpu.vector_load %arg6[%swap3A_1659, %swap3A_1660] {strides = array<i32>} : memref<26x128xi32, #tpu.memory_space<vmem>>, vector<1x16xi32>,
    %swap3A_1662 = vector.shape_cast %swap3A_1661 : vector<1x16xi32> to vector<16xi32>
    %swap3A_1663 = vector.shape_cast %add3A_1657 : vector<16xi32> to vector<1x16xi32>
    tpu.vector_store %arg6[%swap3A_1659, %swap3A_1660], %swap3A_1663 {strides = array<i32>} : memref<26x128xi32, #tpu.memory_space<vmem>>, vector<1x16xi32>,
    %get3A_1664 = arith.constant 16 : i32
    %get3A_1665 = arith.index_cast %get3A_1664 : i32 to index
    %get3A_1666 = arith.constant 96 : index
    %get3A_1667 = tpu.vector_load %arg6[%get3A_1665, %get3A_1666] {strides = array<i32>} : memref<26x128xi32, #tpu.memory_space<vmem>>, vector<1x16xi32>,
    %get3A_1668 = vector.shape_cast %get3A_1667 : vector<1x16xi32> to vector<16xi32>
    %add3A_1669 = arith.addi %get3A_1668, %broadcast_in_dim3A_1591 : vector<16xi32>
    %swap3A_1670 = arith.constant 16 : i32
    %swap3A_1671 = arith.index_cast %swap3A_1670 : i32 to index
    %swap3A_1672 = arith.constant 96 : index
    %swap3A_1673 = tpu.vector_load %arg6[%swap3A_1671, %swap3A_1672] {strides = array<i32>} : memref<26x128xi32, #tpu.memory_space<vmem>>, vector<1x16xi32>,
    %swap3A_1674 = vector.shape_cast %swap3A_1673 : vector<1x16xi32> to vector<16xi32>
    %swap3A_1675 = vector.shape_cast %add3A_1669 : vector<16xi32> to vector<1x16xi32>
    tpu.vector_store %arg6[%swap3A_1671, %swap3A_1672], %swap3A_1675 {strides = array<i32>} : memref<26x128xi32, #tpu.memory_space<vmem>>, vector<1x16xi32>,
    %get3A_1676 = arith.constant 16 : i32
    %get3A_1677 = arith.index_cast %get3A_1676 : i32 to index
    %get3A_1678 = arith.constant 112 : index
    %get3A_1679 = tpu.vector_load %arg6[%get3A_1677, %get3A_1678] {strides = array<i32>} : memref<26x128xi32, #tpu.memory_space<vmem>>, vector<1x16xi32>,
    %get3A_1680 = vector.shape_cast %get3A_1679 : vector<1x16xi32> to vector<16xi32>
    %add3A_1681 = arith.addi %get3A_1680, %broadcast_in_dim3A_1591 : vector<16xi32>
    %swap3A_1682 = arith.constant 16 : i32
    %swap3A_1683 = arith.index_cast %swap3A_1682 : i32 to index
    %swap3A_1684 = arith.constant 112 : index
    %swap3A_1685 = tpu.vector_load %arg6[%swap3A_1683, %swap3A_1684] {strides = array<i32>} : memref<26x128xi32, #tpu.memory_space<vmem>>, vector<1x16xi32>,
    %swap3A_1686 = vector.shape_cast %swap3A_1685 : vector<1x16xi32> to vector<16xi32>
    %swap3A_1687 = vector.shape_cast %add3A_1681 : vector<16xi32> to vector<1x16xi32>
    tpu.vector_store %arg6[%swap3A_1683, %swap3A_1684], %swap3A_1687 {strides = array<i32>} : memref<26x128xi32, #tpu.memory_space<vmem>>, vector<1x16xi32>,
    %slice3A_1688 = vector.extract_strided_slice %get3A_7 {offsets = [1], sizes = [1], strides = [1]} : vector<16xi32> to vector<1xi32>
    %broadcast_in_dim3A_1689 = vector.shape_cast %slice3A_1688 : vector<1xi32> to vector<1xi32>
    %broadcast_in_dim3A_1690 = vector.broadcast %broadcast_in_dim3A_1689 : vector<1xi32> to vector<16xi32>
    %get3A_1691 = arith.constant 17 : i32
    %get3A_1692 = arith.index_cast %get3A_1691 : i32 to index
    %get3A_1693 = arith.constant 0 : index
    %get3A_1694 = tpu.vector_load %arg6[%get3A_1692, %get3A_1693] {strides = array<i32>} : memref<26x128xi32, #tpu.memory_space<vmem>>, vector<1x16xi32>,
    %get3A_1695 = vector.shape_cast %get3A_1694 : vector<1x16xi32> to vector<16xi32>
    %add3A_1696 = arith.addi %get3A_1695, %broadcast_in_dim3A_1690 : vector<16xi32>
    %swap3A_1697 = arith.constant 17 : i32
    %swap3A_1698 = arith.index_cast %swap3A_1697 : i32 to index
    %swap3A_1699 = arith.constant 0 : index
    %swap3A_1700 = tpu.vector_load %arg6[%swap3A_1698, %swap3A_1699] {strides = array<i32>} : memref<26x128xi32, #tpu.memory_space<vmem>>, vector<1x16xi32>,
    %swap3A_1701 = vector.shape_cast %swap3A_1700 : vector<1x16xi32> to vector<16xi32>
    %swap3A_1702 = vector.shape_cast %add3A_1696 : vector<16xi32> to vector<1x16xi32>
    tpu.vector_store %arg6[%swap3A_1698, %swap3A_1699], %swap3A_1702 {strides = array<i32>} : memref<26x128xi32, #tpu.memory_space<vmem>>, vector<1x16xi32>,
    %get3A_1703 = arith.constant 17 : i32
    %get3A_1704 = arith.index_cast %get3A_1703 : i32 to index
    %get3A_1705 = arith.constant 16 : index
    %get3A_1706 = tpu.vector_load %arg6[%get3A_1704, %get3A_1705] {strides = array<i32>} : memref<26x128xi32, #tpu.memory_space<vmem>>, vector<1x16xi32>,
    %get3A_1707 = vector.shape_cast %get3A_1706 : vector<1x16xi32> to vector<16xi32>
    %add3A_1708 = arith.addi %get3A_1707, %broadcast_in_dim3A_1690 : vector<16xi32>
    %swap3A_1709 = arith.constant 17 : i32
    %swap3A_1710 = arith.index_cast %swap3A_1709 : i32 to index
    %swap3A_1711 = arith.constant 16 : index
    %swap3A_1712 = tpu.vector_load %arg6[%swap3A_1710, %swap3A_1711] {strides = array<i32>} : memref<26x128xi32, #tpu.memory_space<vmem>>, vector<1x16xi32>,
    %swap3A_1713 = vector.shape_cast %swap3A_1712 : vector<1x16xi32> to vector<16xi32>
    %swap3A_1714 = vector.shape_cast %add3A_1708 : vector<16xi32> to vector<1x16xi32>
    tpu.vector_store %arg6[%swap3A_1710, %swap3A_1711], %swap3A_1714 {strides = array<i32>} : memref<26x128xi32, #tpu.memory_space<vmem>>, vector<1x16xi32>,
    %get3A_1715 = arith.constant 17 : i32
    %get3A_1716 = arith.index_cast %get3A_1715 : i32 to index
    %get3A_1717 = arith.constant 32 : index
    %get3A_1718 = tpu.vector_load %arg6[%get3A_1716, %get3A_1717] {strides = array<i32>} : memref<26x128xi32, #tpu.memory_space<vmem>>, vector<1x16xi32>,
    %get3A_1719 = vector.shape_cast %get3A_1718 : vector<1x16xi32> to vector<16xi32>
    %add3A_1720 = arith.addi %get3A_1719, %broadcast_in_dim3A_1690 : vector<16xi32>
    %swap3A_1721 = arith.constant 17 : i32
    %swap3A_1722 = arith.index_cast %swap3A_1721 : i32 to index
    %swap3A_1723 = arith.constant 32 : index
    %swap3A_1724 = tpu.vector_load %arg6[%swap3A_1722, %swap3A_1723] {strides = array<i32>} : memref<26x128xi32, #tpu.memory_space<vmem>>, vector<1x16xi32>,
    %swap3A_1725 = vector.shape_cast %swap3A_1724 : vector<1x16xi32> to vector<16xi32>
    %swap3A_1726 = vector.shape_cast %add3A_1720 : vector<16xi32> to vector<1x16xi32>
    tpu.vector_store %arg6[%swap3A_1722, %swap3A_1723], %swap3A_1726 {strides = array<i32>} : memref<26x128xi32, #tpu.memory_space<vmem>>, vector<1x16xi32>,
    %get3A_1727 = arith.constant 17 : i32
    %get3A_1728 = arith.index_cast %get3A_1727 : i32 to index
    %get3A_1729 = arith.constant 48 : index
    %get3A_1730 = tpu.vector_load %arg6[%get3A_1728, %get3A_1729] {strides = array<i32>} : memref<26x128xi32, #tpu.memory_space<vmem>>, vector<1x16xi32>,
    %get3A_1731 = vector.shape_cast %get3A_1730 : vector<1x16xi32> to vector<16xi32>
    %add3A_1732 = arith.addi %get3A_1731, %broadcast_in_dim3A_1690 : vector<16xi32>
    %swap3A_1733 = arith.constant 17 : i32
    %swap3A_1734 = arith.index_cast %swap3A_1733 : i32 to index
    %swap3A_1735 = arith.constant 48 : index
    %swap3A_1736 = tpu.vector_load %arg6[%swap3A_1734, %swap3A_1735] {strides = array<i32>} : memref<26x128xi32, #tpu.memory_space<vmem>>, vector<1x16xi32>,
    %swap3A_1737 = vector.shape_cast %swap3A_1736 : vector<1x16xi32> to vector<16xi32>
    %swap3A_1738 = vector.shape_cast %add3A_1732 : vector<16xi32> to vector<1x16xi32>
    tpu.vector_store %arg6[%swap3A_1734, %swap3A_1735], %swap3A_1738 {strides = array<i32>} : memref<26x128xi32, #tpu.memory_space<vmem>>, vector<1x16xi32>,
    %get3A_1739 = arith.constant 17 : i32
    %get3A_1740 = arith.index_cast %get3A_1739 : i32 to index
    %get3A_1741 = arith.constant 64 : index
    %get3A_1742 = tpu.vector_load %arg6[%get3A_1740, %get3A_1741] {strides = array<i32>} : memref<26x128xi32, #tpu.memory_space<vmem>>, vector<1x16xi32>,
    %get3A_1743 = vector.shape_cast %get3A_1742 : vector<1x16xi32> to vector<16xi32>
    %add3A_1744 = arith.addi %get3A_1743, %broadcast_in_dim3A_1690 : vector<16xi32>
    %swap3A_1745 = arith.constant 17 : i32
    %swap3A_1746 = arith.index_cast %swap3A_1745 : i32 to index
    %swap3A_1747 = arith.constant 64 : index
    %swap3A_1748 = tpu.vector_load %arg6[%swap3A_1746, %swap3A_1747] {strides = array<i32>} : memref<26x128xi32, #tpu.memory_space<vmem>>, vector<1x16xi32>,
    %swap3A_1749 = vector.shape_cast %swap3A_1748 : vector<1x16xi32> to vector<16xi32>
    %swap3A_1750 = vector.shape_cast %add3A_1744 : vector<16xi32> to vector<1x16xi32>
    tpu.vector_store %arg6[%swap3A_1746, %swap3A_1747], %swap3A_1750 {strides = array<i32>} : memref<26x128xi32, #tpu.memory_space<vmem>>, vector<1x16xi32>,
    %get3A_1751 = arith.constant 17 : i32
    %get3A_1752 = arith.index_cast %get3A_1751 : i32 to index
    %get3A_1753 = arith.constant 80 : index
    %get3A_1754 = tpu.vector_load %arg6[%get3A_1752, %get3A_1753] {strides = array<i32>} : memref<26x128xi32, #tpu.memory_space<vmem>>, vector<1x16xi32>,
    %get3A_1755 = vector.shape_cast %get3A_1754 : vector<1x16xi32> to vector<16xi32>
    %add3A_1756 = arith.addi %get3A_1755, %broadcast_in_dim3A_1690 : vector<16xi32>
    %swap3A_1757 = arith.constant 17 : i32
    %swap3A_1758 = arith.index_cast %swap3A_1757 : i32 to index
    %swap3A_1759 = arith.constant 80 : index
    %swap3A_1760 = tpu.vector_load %arg6[%swap3A_1758, %swap3A_1759] {strides = array<i32>} : memref<26x128xi32, #tpu.memory_space<vmem>>, vector<1x16xi32>,
    %swap3A_1761 = vector.shape_cast %swap3A_1760 : vector<1x16xi32> to vector<16xi32>
    %swap3A_1762 = vector.shape_cast %add3A_1756 : vector<16xi32> to vector<1x16xi32>
    tpu.vector_store %arg6[%swap3A_1758, %swap3A_1759], %swap3A_1762 {strides = array<i32>} : memref<26x128xi32, #tpu.memory_space<vmem>>, vector<1x16xi32>,
    %get3A_1763 = arith.constant 17 : i32
    %get3A_1764 = arith.index_cast %get3A_1763 : i32 to index
    %get3A_1765 = arith.constant 96 : index
    %get3A_1766 = tpu.vector_load %arg6[%get3A_1764, %get3A_1765] {strides = array<i32>} : memref<26x128xi32, #tpu.memory_space<vmem>>, vector<1x16xi32>,
    %get3A_1767 = vector.shape_cast %get3A_1766 : vector<1x16xi32> to vector<16xi32>
    %add3A_1768 = arith.addi %get3A_1767, %broadcast_in_dim3A_1690 : vector<16xi32>
    %swap3A_1769 = arith.constant 17 : i32
    %swap3A_1770 = arith.index_cast %swap3A_1769 : i32 to index
    %swap3A_1771 = arith.constant 96 : index
    %swap3A_1772 = tpu.vector_load %arg6[%swap3A_1770, %swap3A_1771] {strides = array<i32>} : memref<26x128xi32, #tpu.memory_space<vmem>>, vector<1x16xi32>,
    %swap3A_1773 = vector.shape_cast %swap3A_1772 : vector<1x16xi32> to vector<16xi32>
    %swap3A_1774 = vector.shape_cast %add3A_1768 : vector<16xi32> to vector<1x16xi32>
    tpu.vector_store %arg6[%swap3A_1770, %swap3A_1771], %swap3A_1774 {strides = array<i32>} : memref<26x128xi32, #tpu.memory_space<vmem>>, vector<1x16xi32>,
    %get3A_1775 = arith.constant 17 : i32
    %get3A_1776 = arith.index_cast %get3A_1775 : i32 to index
    %get3A_1777 = arith.constant 112 : index
    %get3A_1778 = tpu.vector_load %arg6[%get3A_1776, %get3A_1777] {strides = array<i32>} : memref<26x128xi32, #tpu.memory_space<vmem>>, vector<1x16xi32>,
    %get3A_1779 = vector.shape_cast %get3A_1778 : vector<1x16xi32> to vector<16xi32>
    %add3A_1780 = arith.addi %get3A_1779, %broadcast_in_dim3A_1690 : vector<16xi32>
    %swap3A_1781 = arith.constant 17 : i32
    %swap3A_1782 = arith.index_cast %swap3A_1781 : i32 to index
    %swap3A_1783 = arith.constant 112 : index
    %swap3A_1784 = tpu.vector_load %arg6[%swap3A_1782, %swap3A_1783] {strides = array<i32>} : memref<26x128xi32, #tpu.memory_space<vmem>>, vector<1x16xi32>,
    %swap3A_1785 = vector.shape_cast %swap3A_1784 : vector<1x16xi32> to vector<16xi32>
    %swap3A_1786 = vector.shape_cast %add3A_1780 : vector<16xi32> to vector<1x16xi32>
    tpu.vector_store %arg6[%swap3A_1782, %swap3A_1783], %swap3A_1786 {strides = array<i32>} : memref<26x128xi32, #tpu.memory_space<vmem>>, vector<1x16xi32>,
    %slice3A_1787 = vector.extract_strided_slice %get3A_7 {offsets = [2], sizes = [1], strides = [1]} : vector<16xi32> to vector<1xi32>
    %broadcast_in_dim3A_1788 = vector.shape_cast %slice3A_1787 : vector<1xi32> to vector<1xi32>
    %broadcast_in_dim3A_1789 = vector.broadcast %broadcast_in_dim3A_1788 : vector<1xi32> to vector<16xi32>
    %get3A_1790 = arith.constant 18 : i32
    %get3A_1791 = arith.index_cast %get3A_1790 : i32 to index
    %get3A_1792 = arith.constant 0 : index
    %get3A_1793 = tpu.vector_load %arg6[%get3A_1791, %get3A_1792] {strides = array<i32>} : memref<26x128xi32, #tpu.memory_space<vmem>>, vector<1x16xi32>,
    %get3A_1794 = vector.shape_cast %get3A_1793 : vector<1x16xi32> to vector<16xi32>
    %add3A_1795 = arith.addi %get3A_1794, %broadcast_in_dim3A_1789 : vector<16xi32>
    %swap3A_1796 = arith.constant 18 : i32
    %swap3A_1797 = arith.index_cast %swap3A_1796 : i32 to index
    %swap3A_1798 = arith.constant 0 : index
    %swap3A_1799 = tpu.vector_load %arg6[%swap3A_1797, %swap3A_1798] {strides = array<i32>} : memref<26x128xi32, #tpu.memory_space<vmem>>, vector<1x16xi32>,
    %swap3A_1800 = vector.shape_cast %swap3A_1799 : vector<1x16xi32> to vector<16xi32>
    %swap3A_1801 = vector.shape_cast %add3A_1795 : vector<16xi32> to vector<1x16xi32>
    tpu.vector_store %arg6[%swap3A_1797, %swap3A_1798], %swap3A_1801 {strides = array<i32>} : memref<26x128xi32, #tpu.memory_space<vmem>>, vector<1x16xi32>,
    %get3A_1802 = arith.constant 18 : i32
    %get3A_1803 = arith.index_cast %get3A_1802 : i32 to index
    %get3A_1804 = arith.constant 16 : index
    %get3A_1805 = tpu.vector_load %arg6[%get3A_1803, %get3A_1804] {strides = array<i32>} : memref<26x128xi32, #tpu.memory_space<vmem>>, vector<1x16xi32>,
    %get3A_1806 = vector.shape_cast %get3A_1805 : vector<1x16xi32> to vector<16xi32>
    %add3A_1807 = arith.addi %get3A_1806, %broadcast_in_dim3A_1789 : vector<16xi32>
    %swap3A_1808 = arith.constant 18 : i32
    %swap3A_1809 = arith.index_cast %swap3A_1808 : i32 to index
    %swap3A_1810 = arith.constant 16 : index
    %swap3A_1811 = tpu.vector_load %arg6[%swap3A_1809, %swap3A_1810] {strides = array<i32>} : memref<26x128xi32, #tpu.memory_space<vmem>>, vector<1x16xi32>,
    %swap3A_1812 = vector.shape_cast %swap3A_1811 : vector<1x16xi32> to vector<16xi32>
    %swap3A_1813 = vector.shape_cast %add3A_1807 : vector<16xi32> to vector<1x16xi32>
    tpu.vector_store %arg6[%swap3A_1809, %swap3A_1810], %swap3A_1813 {strides = array<i32>} : memref<26x128xi32, #tpu.memory_space<vmem>>, vector<1x16xi32>,
    %get3A_1814 = arith.constant 18 : i32
    %get3A_1815 = arith.index_cast %get3A_1814 : i32 to index
    %get3A_1816 = arith.constant 32 : index
    %get3A_1817 = tpu.vector_load %arg6[%get3A_1815, %get3A_1816] {strides = array<i32>} : memref<26x128xi32, #tpu.memory_space<vmem>>, vector<1x16xi32>,
    %get3A_1818 = vector.shape_cast %get3A_1817 : vector<1x16xi32> to vector<16xi32>
    %add3A_1819 = arith.addi %get3A_1818, %broadcast_in_dim3A_1789 : vector<16xi32>
    %swap3A_1820 = arith.constant 18 : i32
    %swap3A_1821 = arith.index_cast %swap3A_1820 : i32 to index
    %swap3A_1822 = arith.constant 32 : index
    %swap3A_1823 = tpu.vector_load %arg6[%swap3A_1821, %swap3A_1822] {strides = array<i32>} : memref<26x128xi32, #tpu.memory_space<vmem>>, vector<1x16xi32>,
    %swap3A_1824 = vector.shape_cast %swap3A_1823 : vector<1x16xi32> to vector<16xi32>
    %swap3A_1825 = vector.shape_cast %add3A_1819 : vector<16xi32> to vector<1x16xi32>
    tpu.vector_store %arg6[%swap3A_1821, %swap3A_1822], %swap3A_1825 {strides = array<i32>} : memref<26x128xi32, #tpu.memory_space<vmem>>, vector<1x16xi32>,
    %get3A_1826 = arith.constant 18 : i32
    %get3A_1827 = arith.index_cast %get3A_1826 : i32 to index
    %get3A_1828 = arith.constant 48 : index
    %get3A_1829 = tpu.vector_load %arg6[%get3A_1827, %get3A_1828] {strides = array<i32>} : memref<26x128xi32, #tpu.memory_space<vmem>>, vector<1x16xi32>,
    %get3A_1830 = vector.shape_cast %get3A_1829 : vector<1x16xi32> to vector<16xi32>
    %add3A_1831 = arith.addi %get3A_1830, %broadcast_in_dim3A_1789 : vector<16xi32>
    %swap3A_1832 = arith.constant 18 : i32
    %swap3A_1833 = arith.index_cast %swap3A_1832 : i32 to index
    %swap3A_1834 = arith.constant 48 : index
    %swap3A_1835 = tpu.vector_load %arg6[%swap3A_1833, %swap3A_1834] {strides = array<i32>} : memref<26x128xi32, #tpu.memory_space<vmem>>, vector<1x16xi32>,
    %swap3A_1836 = vector.shape_cast %swap3A_1835 : vector<1x16xi32> to vector<16xi32>
    %swap3A_1837 = vector.shape_cast %add3A_1831 : vector<16xi32> to vector<1x16xi32>
    tpu.vector_store %arg6[%swap3A_1833, %swap3A_1834], %swap3A_1837 {strides = array<i32>} : memref<26x128xi32, #tpu.memory_space<vmem>>, vector<1x16xi32>,
    %get3A_1838 = arith.constant 18 : i32
    %get3A_1839 = arith.index_cast %get3A_1838 : i32 to index
    %get3A_1840 = arith.constant 64 : index
    %get3A_1841 = tpu.vector_load %arg6[%get3A_1839, %get3A_1840] {strides = array<i32>} : memref<26x128xi32, #tpu.memory_space<vmem>>, vector<1x16xi32>,
    %get3A_1842 = vector.shape_cast %get3A_1841 : vector<1x16xi32> to vector<16xi32>
    %add3A_1843 = arith.addi %get3A_1842, %broadcast_in_dim3A_1789 : vector<16xi32>
    %swap3A_1844 = arith.constant 18 : i32
    %swap3A_1845 = arith.index_cast %swap3A_1844 : i32 to index
    %swap3A_1846 = arith.constant 64 : index
    %swap3A_1847 = tpu.vector_load %arg6[%swap3A_1845, %swap3A_1846] {strides = array<i32>} : memref<26x128xi32, #tpu.memory_space<vmem>>, vector<1x16xi32>,
    %swap3A_1848 = vector.shape_cast %swap3A_1847 : vector<1x16xi32> to vector<16xi32>
    %swap3A_1849 = vector.shape_cast %add3A_1843 : vector<16xi32> to vector<1x16xi32>
    tpu.vector_store %arg6[%swap3A_1845, %swap3A_1846], %swap3A_1849 {strides = array<i32>} : memref<26x128xi32, #tpu.memory_space<vmem>>, vector<1x16xi32>,
    %get3A_1850 = arith.constant 18 : i32
    %get3A_1851 = arith.index_cast %get3A_1850 : i32 to index
    %get3A_1852 = arith.constant 80 : index
    %get3A_1853 = tpu.vector_load %arg6[%get3A_1851, %get3A_1852] {strides = array<i32>} : memref<26x128xi32, #tpu.memory_space<vmem>>, vector<1x16xi32>,
    %get3A_1854 = vector.shape_cast %get3A_1853 : vector<1x16xi32> to vector<16xi32>
    %add3A_1855 = arith.addi %get3A_1854, %broadcast_in_dim3A_1789 : vector<16xi32>
    %swap3A_1856 = arith.constant 18 : i32
    %swap3A_1857 = arith.index_cast %swap3A_1856 : i32 to index
    %swap3A_1858 = arith.constant 80 : index
    %swap3A_1859 = tpu.vector_load %arg6[%swap3A_1857, %swap3A_1858] {strides = array<i32>} : memref<26x128xi32, #tpu.memory_space<vmem>>, vector<1x16xi32>,
    %swap3A_1860 = vector.shape_cast %swap3A_1859 : vector<1x16xi32> to vector<16xi32>
    %swap3A_1861 = vector.shape_cast %add3A_1855 : vector<16xi32> to vector<1x16xi32>
    tpu.vector_store %arg6[%swap3A_1857, %swap3A_1858], %swap3A_1861 {strides = array<i32>} : memref<26x128xi32, #tpu.memory_space<vmem>>, vector<1x16xi32>,
    %get3A_1862 = arith.constant 18 : i32
    %get3A_1863 = arith.index_cast %get3A_1862 : i32 to index
    %get3A_1864 = arith.constant 96 : index
    %get3A_1865 = tpu.vector_load %arg6[%get3A_1863, %get3A_1864] {strides = array<i32>} : memref<26x128xi32, #tpu.memory_space<vmem>>, vector<1x16xi32>,
    %get3A_1866 = vector.shape_cast %get3A_1865 : vector<1x16xi32> to vector<16xi32>
    %add3A_1867 = arith.addi %get3A_1866, %broadcast_in_dim3A_1789 : vector<16xi32>
    %swap3A_1868 = arith.constant 18 : i32
    %swap3A_1869 = arith.index_cast %swap3A_1868 : i32 to index
    %swap3A_1870 = arith.constant 96 : index
    %swap3A_1871 = tpu.vector_load %arg6[%swap3A_1869, %swap3A_1870] {strides = array<i32>} : memref<26x128xi32, #tpu.memory_space<vmem>>, vector<1x16xi32>,
    %swap3A_1872 = vector.shape_cast %swap3A_1871 : vector<1x16xi32> to vector<16xi32>
    %swap3A_1873 = vector.shape_cast %add3A_1867 : vector<16xi32> to vector<1x16xi32>
    tpu.vector_store %arg6[%swap3A_1869, %swap3A_1870], %swap3A_1873 {strides = array<i32>} : memref<26x128xi32, #tpu.memory_space<vmem>>, vector<1x16xi32>,
    %get3A_1874 = arith.constant 18 : i32
    %get3A_1875 = arith.index_cast %get3A_1874 : i32 to index
    %get3A_1876 = arith.constant 112 : index
    %get3A_1877 = tpu.vector_load %arg6[%get3A_1875, %get3A_1876] {strides = array<i32>} : memref<26x128xi32, #tpu.memory_space<vmem>>, vector<1x16xi32>,
    %get3A_1878 = vector.shape_cast %get3A_1877 : vector<1x16xi32> to vector<16xi32>
    %add3A_1879 = arith.addi %get3A_1878, %broadcast_in_dim3A_1789 : vector<16xi32>
    %swap3A_1880 = arith.constant 18 : i32
    %swap3A_1881 = arith.index_cast %swap3A_1880 : i32 to index
    %swap3A_1882 = arith.constant 112 : index
    %swap3A_1883 = tpu.vector_load %arg6[%swap3A_1881, %swap3A_1882] {strides = array<i32>} : memref<26x128xi32, #tpu.memory_space<vmem>>, vector<1x16xi32>,
    %swap3A_1884 = vector.shape_cast %swap3A_1883 : vector<1x16xi32> to vector<16xi32>
    %swap3A_1885 = vector.shape_cast %add3A_1879 : vector<16xi32> to vector<1x16xi32>
    tpu.vector_store %arg6[%swap3A_1881, %swap3A_1882], %swap3A_1885 {strides = array<i32>} : memref<26x128xi32, #tpu.memory_space<vmem>>, vector<1x16xi32>,
    %slice3A_1886 = vector.extract_strided_slice %get3A_7 {offsets = [3], sizes = [1], strides = [1]} : vector<16xi32> to vector<1xi32>
    %broadcast_in_dim3A_1887 = vector.shape_cast %slice3A_1886 : vector<1xi32> to vector<1xi32>
    %broadcast_in_dim3A_1888 = vector.broadcast %broadcast_in_dim3A_1887 : vector<1xi32> to vector<16xi32>
    %get3A_1889 = arith.constant 19 : i32
    %get3A_1890 = arith.index_cast %get3A_1889 : i32 to index
    %get3A_1891 = arith.constant 0 : index
    %get3A_1892 = tpu.vector_load %arg6[%get3A_1890, %get3A_1891] {strides = array<i32>} : memref<26x128xi32, #tpu.memory_space<vmem>>, vector<1x16xi32>,
    %get3A_1893 = vector.shape_cast %get3A_1892 : vector<1x16xi32> to vector<16xi32>
    %add3A_1894 = arith.addi %get3A_1893, %broadcast_in_dim3A_1888 : vector<16xi32>
    %swap3A_1895 = arith.constant 19 : i32
    %swap3A_1896 = arith.index_cast %swap3A_1895 : i32 to index
    %swap3A_1897 = arith.constant 0 : index
    %swap3A_1898 = tpu.vector_load %arg6[%swap3A_1896, %swap3A_1897] {strides = array<i32>} : memref<26x128xi32, #tpu.memory_space<vmem>>, vector<1x16xi32>,
    %swap3A_1899 = vector.shape_cast %swap3A_1898 : vector<1x16xi32> to vector<16xi32>
    %swap3A_1900 = vector.shape_cast %add3A_1894 : vector<16xi32> to vector<1x16xi32>
    tpu.vector_store %arg6[%swap3A_1896, %swap3A_1897], %swap3A_1900 {strides = array<i32>} : memref<26x128xi32, #tpu.memory_space<vmem>>, vector<1x16xi32>,
    %get3A_1901 = arith.constant 19 : i32
    %get3A_1902 = arith.index_cast %get3A_1901 : i32 to index
    %get3A_1903 = arith.constant 16 : index
    %get3A_1904 = tpu.vector_load %arg6[%get3A_1902, %get3A_1903] {strides = array<i32>} : memref<26x128xi32, #tpu.memory_space<vmem>>, vector<1x16xi32>,
    %get3A_1905 = vector.shape_cast %get3A_1904 : vector<1x16xi32> to vector<16xi32>
    %add3A_1906 = arith.addi %get3A_1905, %broadcast_in_dim3A_1888 : vector<16xi32>
    %swap3A_1907 = arith.constant 19 : i32
    %swap3A_1908 = arith.index_cast %swap3A_1907 : i32 to index
    %swap3A_1909 = arith.constant 16 : index
    %swap3A_1910 = tpu.vector_load %arg6[%swap3A_1908, %swap3A_1909] {strides = array<i32>} : memref<26x128xi32, #tpu.memory_space<vmem>>, vector<1x16xi32>,
    %swap3A_1911 = vector.shape_cast %swap3A_1910 : vector<1x16xi32> to vector<16xi32>
    %swap3A_1912 = vector.shape_cast %add3A_1906 : vector<16xi32> to vector<1x16xi32>
    tpu.vector_store %arg6[%swap3A_1908, %swap3A_1909], %swap3A_1912 {strides = array<i32>} : memref<26x128xi32, #tpu.memory_space<vmem>>, vector<1x16xi32>,
    %get3A_1913 = arith.constant 19 : i32
    %get3A_1914 = arith.index_cast %get3A_1913 : i32 to index
    %get3A_1915 = arith.constant 32 : index
    %get3A_1916 = tpu.vector_load %arg6[%get3A_1914, %get3A_1915] {strides = array<i32>} : memref<26x128xi32, #tpu.memory_space<vmem>>, vector<1x16xi32>,
    %get3A_1917 = vector.shape_cast %get3A_1916 : vector<1x16xi32> to vector<16xi32>
    %add3A_1918 = arith.addi %get3A_1917, %broadcast_in_dim3A_1888 : vector<16xi32>
    %swap3A_1919 = arith.constant 19 : i32
    %swap3A_1920 = arith.index_cast %swap3A_1919 : i32 to index
    %swap3A_1921 = arith.constant 32 : index
    %swap3A_1922 = tpu.vector_load %arg6[%swap3A_1920, %swap3A_1921] {strides = array<i32>} : memref<26x128xi32, #tpu.memory_space<vmem>>, vector<1x16xi32>,
    %swap3A_1923 = vector.shape_cast %swap3A_1922 : vector<1x16xi32> to vector<16xi32>
    %swap3A_1924 = vector.shape_cast %add3A_1918 : vector<16xi32> to vector<1x16xi32>
    tpu.vector_store %arg6[%swap3A_1920, %swap3A_1921], %swap3A_1924 {strides = array<i32>} : memref<26x128xi32, #tpu.memory_space<vmem>>, vector<1x16xi32>,
    %get3A_1925 = arith.constant 19 : i32
    %get3A_1926 = arith.index_cast %get3A_1925 : i32 to index
    %get3A_1927 = arith.constant 48 : index
    %get3A_1928 = tpu.vector_load %arg6[%get3A_1926, %get3A_1927] {strides = array<i32>} : memref<26x128xi32, #tpu.memory_space<vmem>>, vector<1x16xi32>,
    %get3A_1929 = vector.shape_cast %get3A_1928 : vector<1x16xi32> to vector<16xi32>
    %add3A_1930 = arith.addi %get3A_1929, %broadcast_in_dim3A_1888 : vector<16xi32>
    %swap3A_1931 = arith.constant 19 : i32
    %swap3A_1932 = arith.index_cast %swap3A_1931 : i32 to index
    %swap3A_1933 = arith.constant 48 : index
    %swap3A_1934 = tpu.vector_load %arg6[%swap3A_1932, %swap3A_1933] {strides = array<i32>} : memref<26x128xi32, #tpu.memory_space<vmem>>, vector<1x16xi32>,
    %swap3A_1935 = vector.shape_cast %swap3A_1934 : vector<1x16xi32> to vector<16xi32>
    %swap3A_1936 = vector.shape_cast %add3A_1930 : vector<16xi32> to vector<1x16xi32>
    tpu.vector_store %arg6[%swap3A_1932, %swap3A_1933], %swap3A_1936 {strides = array<i32>} : memref<26x128xi32, #tpu.memory_space<vmem>>, vector<1x16xi32>,
    %get3A_1937 = arith.constant 19 : i32
    %get3A_1938 = arith.index_cast %get3A_1937 : i32 to index
    %get3A_1939 = arith.constant 64 : index
    %get3A_1940 = tpu.vector_load %arg6[%get3A_1938, %get3A_1939] {strides = array<i32>} : memref<26x128xi32, #tpu.memory_space<vmem>>, vector<1x16xi32>,
    %get3A_1941 = vector.shape_cast %get3A_1940 : vector<1x16xi32> to vector<16xi32>
    %add3A_1942 = arith.addi %get3A_1941, %broadcast_in_dim3A_1888 : vector<16xi32>
    %swap3A_1943 = arith.constant 19 : i32
    %swap3A_1944 = arith.index_cast %swap3A_1943 : i32 to index
    %swap3A_1945 = arith.constant 64 : index
    %swap3A_1946 = tpu.vector_load %arg6[%swap3A_1944, %swap3A_1945] {strides = array<i32>} : memref<26x128xi32, #tpu.memory_space<vmem>>, vector<1x16xi32>,
    %swap3A_1947 = vector.shape_cast %swap3A_1946 : vector<1x16xi32> to vector<16xi32>
    %swap3A_1948 = vector.shape_cast %add3A_1942 : vector<16xi32> to vector<1x16xi32>
    tpu.vector_store %arg6[%swap3A_1944, %swap3A_1945], %swap3A_1948 {strides = array<i32>} : memref<26x128xi32, #tpu.memory_space<vmem>>, vector<1x16xi32>,
    %get3A_1949 = arith.constant 19 : i32
    %get3A_1950 = arith.index_cast %get3A_1949 : i32 to index
    %get3A_1951 = arith.constant 80 : index
    %get3A_1952 = tpu.vector_load %arg6[%get3A_1950, %get3A_1951] {strides = array<i32>} : memref<26x128xi32, #tpu.memory_space<vmem>>, vector<1x16xi32>,
    %get3A_1953 = vector.shape_cast %get3A_1952 : vector<1x16xi32> to vector<16xi32>
    %add3A_1954 = arith.addi %get3A_1953, %broadcast_in_dim3A_1888 : vector<16xi32>
    %swap3A_1955 = arith.constant 19 : i32
    %swap3A_1956 = arith.index_cast %swap3A_1955 : i32 to index
    %swap3A_1957 = arith.constant 80 : index
    %swap3A_1958 = tpu.vector_load %arg6[%swap3A_1956, %swap3A_1957] {strides = array<i32>} : memref<26x128xi32, #tpu.memory_space<vmem>>, vector<1x16xi32>,
    %swap3A_1959 = vector.shape_cast %swap3A_1958 : vector<1x16xi32> to vector<16xi32>
    %swap3A_1960 = vector.shape_cast %add3A_1954 : vector<16xi32> to vector<1x16xi32>
    tpu.vector_store %arg6[%swap3A_1956, %swap3A_1957], %swap3A_1960 {strides = array<i32>} : memref<26x128xi32, #tpu.memory_space<vmem>>, vector<1x16xi32>,
    %get3A_1961 = arith.constant 19 : i32
    %get3A_1962 = arith.index_cast %get3A_1961 : i32 to index
    %get3A_1963 = arith.constant 96 : index
    %get3A_1964 = tpu.vector_load %arg6[%get3A_1962, %get3A_1963] {strides = array<i32>} : memref<26x128xi32, #tpu.memory_space<vmem>>, vector<1x16xi32>,
    %get3A_1965 = vector.shape_cast %get3A_1964 : vector<1x16xi32> to vector<16xi32>
    %add3A_1966 = arith.addi %get3A_1965, %broadcast_in_dim3A_1888 : vector<16xi32>
    %swap3A_1967 = arith.constant 19 : i32
    %swap3A_1968 = arith.index_cast %swap3A_1967 : i32 to index
    %swap3A_1969 = arith.constant 96 : index
    %swap3A_1970 = tpu.vector_load %arg6[%swap3A_1968, %swap3A_1969] {strides = array<i32>} : memref<26x128xi32, #tpu.memory_space<vmem>>, vector<1x16xi32>,
    %swap3A_1971 = vector.shape_cast %swap3A_1970 : vector<1x16xi32> to vector<16xi32>
    %swap3A_1972 = vector.shape_cast %add3A_1966 : vector<16xi32> to vector<1x16xi32>
    tpu.vector_store %arg6[%swap3A_1968, %swap3A_1969], %swap3A_1972 {strides = array<i32>} : memref<26x128xi32, #tpu.memory_space<vmem>>, vector<1x16xi32>,
    %get3A_1973 = arith.constant 19 : i32
    %get3A_1974 = arith.index_cast %get3A_1973 : i32 to index
    %get3A_1975 = arith.constant 112 : index
    %get3A_1976 = tpu.vector_load %arg6[%get3A_1974, %get3A_1975] {strides = array<i32>} : memref<26x128xi32, #tpu.memory_space<vmem>>, vector<1x16xi32>,
    %get3A_1977 = vector.shape_cast %get3A_1976 : vector<1x16xi32> to vector<16xi32>
    %add3A_1978 = arith.addi %get3A_1977, %broadcast_in_dim3A_1888 : vector<16xi32>
    %swap3A_1979 = arith.constant 19 : i32
    %swap3A_1980 = arith.index_cast %swap3A_1979 : i32 to index
    %swap3A_1981 = arith.constant 112 : index
    %swap3A_1982 = tpu.vector_load %arg6[%swap3A_1980, %swap3A_1981] {strides = array<i32>} : memref<26x128xi32, #tpu.memory_space<vmem>>, vector<1x16xi32>,
    %swap3A_1983 = vector.shape_cast %swap3A_1982 : vector<1x16xi32> to vector<16xi32>
    %swap3A_1984 = vector.shape_cast %add3A_1978 : vector<16xi32> to vector<1x16xi32>
    tpu.vector_store %arg6[%swap3A_1980, %swap3A_1981], %swap3A_1984 {strides = array<i32>} : memref<26x128xi32, #tpu.memory_space<vmem>>, vector<1x16xi32>,
    %slice3A_1985 = vector.extract_strided_slice %get3A_7 {offsets = [4], sizes = [1], strides = [1]} : vector<16xi32> to vector<1xi32>
    %broadcast_in_dim3A_1986 = vector.shape_cast %slice3A_1985 : vector<1xi32> to vector<1xi32>
    %broadcast_in_dim3A_1987 = vector.broadcast %broadcast_in_dim3A_1986 : vector<1xi32> to vector<16xi32>
    %get3A_1988 = arith.constant 20 : i32
    %get3A_1989 = arith.index_cast %get3A_1988 : i32 to index
    %get3A_1990 = arith.constant 0 : index
    %get3A_1991 = tpu.vector_load %arg6[%get3A_1989, %get3A_1990] {strides = array<i32>} : memref<26x128xi32, #tpu.memory_space<vmem>>, vector<1x16xi32>,
    %get3A_1992 = vector.shape_cast %get3A_1991 : vector<1x16xi32> to vector<16xi32>
    %add3A_1993 = arith.addi %get3A_1992, %broadcast_in_dim3A_1987 : vector<16xi32>
    %swap3A_1994 = arith.constant 20 : i32
    %swap3A_1995 = arith.index_cast %swap3A_1994 : i32 to index
    %swap3A_1996 = arith.constant 0 : index
    %swap3A_1997 = tpu.vector_load %arg6[%swap3A_1995, %swap3A_1996] {strides = array<i32>} : memref<26x128xi32, #tpu.memory_space<vmem>>, vector<1x16xi32>,
    %swap3A_1998 = vector.shape_cast %swap3A_1997 : vector<1x16xi32> to vector<16xi32>
    %swap3A_1999 = vector.shape_cast %add3A_1993 : vector<16xi32> to vector<1x16xi32>
    tpu.vector_store %arg6[%swap3A_1995, %swap3A_1996], %swap3A_1999 {strides = array<i32>} : memref<26x128xi32, #tpu.memory_space<vmem>>, vector<1x16xi32>,
    %get3A_2000 = arith.constant 20 : i32
    %get3A_2001 = arith.index_cast %get3A_2000 : i32 to index
    %get3A_2002 = arith.constant 16 : index
    %get3A_2003 = tpu.vector_load %arg6[%get3A_2001, %get3A_2002] {strides = array<i32>} : memref<26x128xi32, #tpu.memory_space<vmem>>, vector<1x16xi32>,
    %get3A_2004 = vector.shape_cast %get3A_2003 : vector<1x16xi32> to vector<16xi32>
    %add3A_2005 = arith.addi %get3A_2004, %broadcast_in_dim3A_1987 : vector<16xi32>
    %swap3A_2006 = arith.constant 20 : i32
    %swap3A_2007 = arith.index_cast %swap3A_2006 : i32 to index
    %swap3A_2008 = arith.constant 16 : index
    %swap3A_2009 = tpu.vector_load %arg6[%swap3A_2007, %swap3A_2008] {strides = array<i32>} : memref<26x128xi32, #tpu.memory_space<vmem>>, vector<1x16xi32>,
    %swap3A_2010 = vector.shape_cast %swap3A_2009 : vector<1x16xi32> to vector<16xi32>
    %swap3A_2011 = vector.shape_cast %add3A_2005 : vector<16xi32> to vector<1x16xi32>
    tpu.vector_store %arg6[%swap3A_2007, %swap3A_2008], %swap3A_2011 {strides = array<i32>} : memref<26x128xi32, #tpu.memory_space<vmem>>, vector<1x16xi32>,
    %get3A_2012 = arith.constant 20 : i32
    %get3A_2013 = arith.index_cast %get3A_2012 : i32 to index
    %get3A_2014 = arith.constant 32 : index
    %get3A_2015 = tpu.vector_load %arg6[%get3A_2013, %get3A_2014] {strides = array<i32>} : memref<26x128xi32, #tpu.memory_space<vmem>>, vector<1x16xi32>,
    %get3A_2016 = vector.shape_cast %get3A_2015 : vector<1x16xi32> to vector<16xi32>
    %add3A_2017 = arith.addi %get3A_2016, %broadcast_in_dim3A_1987 : vector<16xi32>
    %swap3A_2018 = arith.constant 20 : i32
    %swap3A_2019 = arith.index_cast %swap3A_2018 : i32 to index
    %swap3A_2020 = arith.constant 32 : index
    %swap3A_2021 = tpu.vector_load %arg6[%swap3A_2019, %swap3A_2020] {strides = array<i32>} : memref<26x128xi32, #tpu.memory_space<vmem>>, vector<1x16xi32>,
    %swap3A_2022 = vector.shape_cast %swap3A_2021 : vector<1x16xi32> to vector<16xi32>
    %swap3A_2023 = vector.shape_cast %add3A_2017 : vector<16xi32> to vector<1x16xi32>
    tpu.vector_store %arg6[%swap3A_2019, %swap3A_2020], %swap3A_2023 {strides = array<i32>} : memref<26x128xi32, #tpu.memory_space<vmem>>, vector<1x16xi32>,
    %get3A_2024 = arith.constant 20 : i32
    %get3A_2025 = arith.index_cast %get3A_2024 : i32 to index
    %get3A_2026 = arith.constant 48 : index
    %get3A_2027 = tpu.vector_load %arg6[%get3A_2025, %get3A_2026] {strides = array<i32>} : memref<26x128xi32, #tpu.memory_space<vmem>>, vector<1x16xi32>,
    %get3A_2028 = vector.shape_cast %get3A_2027 : vector<1x16xi32> to vector<16xi32>
    %add3A_2029 = arith.addi %get3A_2028, %broadcast_in_dim3A_1987 : vector<16xi32>
    %swap3A_2030 = arith.constant 20 : i32
    %swap3A_2031 = arith.index_cast %swap3A_2030 : i32 to index
    %swap3A_2032 = arith.constant 48 : index
    %swap3A_2033 = tpu.vector_load %arg6[%swap3A_2031, %swap3A_2032] {strides = array<i32>} : memref<26x128xi32, #tpu.memory_space<vmem>>, vector<1x16xi32>,
    %swap3A_2034 = vector.shape_cast %swap3A_2033 : vector<1x16xi32> to vector<16xi32>
    %swap3A_2035 = vector.shape_cast %add3A_2029 : vector<16xi32> to vector<1x16xi32>
    tpu.vector_store %arg6[%swap3A_2031, %swap3A_2032], %swap3A_2035 {strides = array<i32>} : memref<26x128xi32, #tpu.memory_space<vmem>>, vector<1x16xi32>,
    %get3A_2036 = arith.constant 20 : i32
    %get3A_2037 = arith.index_cast %get3A_2036 : i32 to index
    %get3A_2038 = arith.constant 64 : index
    %get3A_2039 = tpu.vector_load %arg6[%get3A_2037, %get3A_2038] {strides = array<i32>} : memref<26x128xi32, #tpu.memory_space<vmem>>, vector<1x16xi32>,
    %get3A_2040 = vector.shape_cast %get3A_2039 : vector<1x16xi32> to vector<16xi32>
    %add3A_2041 = arith.addi %get3A_2040, %broadcast_in_dim3A_1987 : vector<16xi32>
    %swap3A_2042 = arith.constant 20 : i32
    %swap3A_2043 = arith.index_cast %swap3A_2042 : i32 to index
    %swap3A_2044 = arith.constant 64 : index
    %swap3A_2045 = tpu.vector_load %arg6[%swap3A_2043, %swap3A_2044] {strides = array<i32>} : memref<26x128xi32, #tpu.memory_space<vmem>>, vector<1x16xi32>,
    %swap3A_2046 = vector.shape_cast %swap3A_2045 : vector<1x16xi32> to vector<16xi32>
    %swap3A_2047 = vector.shape_cast %add3A_2041 : vector<16xi32> to vector<1x16xi32>
    tpu.vector_store %arg6[%swap3A_2043, %swap3A_2044], %swap3A_2047 {strides = array<i32>} : memref<26x128xi32, #tpu.memory_space<vmem>>, vector<1x16xi32>,
    %get3A_2048 = arith.constant 20 : i32
    %get3A_2049 = arith.index_cast %get3A_2048 : i32 to index
    %get3A_2050 = arith.constant 80 : index
    %get3A_2051 = tpu.vector_load %arg6[%get3A_2049, %get3A_2050] {strides = array<i32>} : memref<26x128xi32, #tpu.memory_space<vmem>>, vector<1x16xi32>,
    %get3A_2052 = vector.shape_cast %get3A_2051 : vector<1x16xi32> to vector<16xi32>
    %add3A_2053 = arith.addi %get3A_2052, %broadcast_in_dim3A_1987 : vector<16xi32>
    %swap3A_2054 = arith.constant 20 : i32
    %swap3A_2055 = arith.index_cast %swap3A_2054 : i32 to index
    %swap3A_2056 = arith.constant 80 : index
    %swap3A_2057 = tpu.vector_load %arg6[%swap3A_2055, %swap3A_2056] {strides = array<i32>} : memref<26x128xi32, #tpu.memory_space<vmem>>, vector<1x16xi32>,
    %swap3A_2058 = vector.shape_cast %swap3A_2057 : vector<1x16xi32> to vector<16xi32>
    %swap3A_2059 = vector.shape_cast %add3A_2053 : vector<16xi32> to vector<1x16xi32>
    tpu.vector_store %arg6[%swap3A_2055, %swap3A_2056], %swap3A_2059 {strides = array<i32>} : memref<26x128xi32, #tpu.memory_space<vmem>>, vector<1x16xi32>,
    %get3A_2060 = arith.constant 20 : i32
    %get3A_2061 = arith.index_cast %get3A_2060 : i32 to index
    %get3A_2062 = arith.constant 96 : index
    %get3A_2063 = tpu.vector_load %arg6[%get3A_2061, %get3A_2062] {strides = array<i32>} : memref<26x128xi32, #tpu.memory_space<vmem>>, vector<1x16xi32>,
    %get3A_2064 = vector.shape_cast %get3A_2063 : vector<1x16xi32> to vector<16xi32>
    %add3A_2065 = arith.addi %get3A_2064, %broadcast_in_dim3A_1987 : vector<16xi32>
    %swap3A_2066 = arith.constant 20 : i32
    %swap3A_2067 = arith.index_cast %swap3A_2066 : i32 to index
    %swap3A_2068 = arith.constant 96 : index
    %swap3A_2069 = tpu.vector_load %arg6[%swap3A_2067, %swap3A_2068] {strides = array<i32>} : memref<26x128xi32, #tpu.memory_space<vmem>>, vector<1x16xi32>,
    %swap3A_2070 = vector.shape_cast %swap3A_2069 : vector<1x16xi32> to vector<16xi32>
    %swap3A_2071 = vector.shape_cast %add3A_2065 : vector<16xi32> to vector<1x16xi32>
    tpu.vector_store %arg6[%swap3A_2067, %swap3A_2068], %swap3A_2071 {strides = array<i32>} : memref<26x128xi32, #tpu.memory_space<vmem>>, vector<1x16xi32>,
    %get3A_2072 = arith.constant 20 : i32
    %get3A_2073 = arith.index_cast %get3A_2072 : i32 to index
    %get3A_2074 = arith.constant 112 : index
    %get3A_2075 = tpu.vector_load %arg6[%get3A_2073, %get3A_2074] {strides = array<i32>} : memref<26x128xi32, #tpu.memory_space<vmem>>, vector<1x16xi32>,
    %get3A_2076 = vector.shape_cast %get3A_2075 : vector<1x16xi32> to vector<16xi32>
    %add3A_2077 = arith.addi %get3A_2076, %broadcast_in_dim3A_1987 : vector<16xi32>
    %swap3A_2078 = arith.constant 20 : i32
    %swap3A_2079 = arith.index_cast %swap3A_2078 : i32 to index
    %swap3A_2080 = arith.constant 112 : index
    %swap3A_2081 = tpu.vector_load %arg6[%swap3A_2079, %swap3A_2080] {strides = array<i32>} : memref<26x128xi32, #tpu.memory_space<vmem>>, vector<1x16xi32>,
    %swap3A_2082 = vector.shape_cast %swap3A_2081 : vector<1x16xi32> to vector<16xi32>
    %swap3A_2083 = vector.shape_cast %add3A_2077 : vector<16xi32> to vector<1x16xi32>
    tpu.vector_store %arg6[%swap3A_2079, %swap3A_2080], %swap3A_2083 {strides = array<i32>} : memref<26x128xi32, #tpu.memory_space<vmem>>, vector<1x16xi32>,
    %slice3A_2084 = vector.extract_strided_slice %get3A_7 {offsets = [5], sizes = [1], strides = [1]} : vector<16xi32> to vector<1xi32>
    %broadcast_in_dim3A_2085 = vector.shape_cast %slice3A_2084 : vector<1xi32> to vector<1xi32>
    %broadcast_in_dim3A_2086 = vector.broadcast %broadcast_in_dim3A_2085 : vector<1xi32> to vector<16xi32>
    %get3A_2087 = arith.constant 21 : i32
    %get3A_2088 = arith.index_cast %get3A_2087 : i32 to index
    %get3A_2089 = arith.constant 0 : index
    %get3A_2090 = tpu.vector_load %arg6[%get3A_2088, %get3A_2089] {strides = array<i32>} : memref<26x128xi32, #tpu.memory_space<vmem>>, vector<1x16xi32>,
    %get3A_2091 = vector.shape_cast %get3A_2090 : vector<1x16xi32> to vector<16xi32>
    %add3A_2092 = arith.addi %get3A_2091, %broadcast_in_dim3A_2086 : vector<16xi32>
    %swap3A_2093 = arith.constant 21 : i32
    %swap3A_2094 = arith.index_cast %swap3A_2093 : i32 to index
    %swap3A_2095 = arith.constant 0 : index
    %swap3A_2096 = tpu.vector_load %arg6[%swap3A_2094, %swap3A_2095] {strides = array<i32>} : memref<26x128xi32, #tpu.memory_space<vmem>>, vector<1x16xi32>,
    %swap3A_2097 = vector.shape_cast %swap3A_2096 : vector<1x16xi32> to vector<16xi32>
    %swap3A_2098 = vector.shape_cast %add3A_2092 : vector<16xi32> to vector<1x16xi32>
    tpu.vector_store %arg6[%swap3A_2094, %swap3A_2095], %swap3A_2098 {strides = array<i32>} : memref<26x128xi32, #tpu.memory_space<vmem>>, vector<1x16xi32>,
    %get3A_2099 = arith.constant 21 : i32
    %get3A_2100 = arith.index_cast %get3A_2099 : i32 to index
    %get3A_2101 = arith.constant 16 : index
    %get3A_2102 = tpu.vector_load %arg6[%get3A_2100, %get3A_2101] {strides = array<i32>} : memref<26x128xi32, #tpu.memory_space<vmem>>, vector<1x16xi32>,
    %get3A_2103 = vector.shape_cast %get3A_2102 : vector<1x16xi32> to vector<16xi32>
    %add3A_2104 = arith.addi %get3A_2103, %broadcast_in_dim3A_2086 : vector<16xi32>
    %swap3A_2105 = arith.constant 21 : i32
    %swap3A_2106 = arith.index_cast %swap3A_2105 : i32 to index
    %swap3A_2107 = arith.constant 16 : index
    %swap3A_2108 = tpu.vector_load %arg6[%swap3A_2106, %swap3A_2107] {strides = array<i32>} : memref<26x128xi32, #tpu.memory_space<vmem>>, vector<1x16xi32>,
    %swap3A_2109 = vector.shape_cast %swap3A_2108 : vector<1x16xi32> to vector<16xi32>
    %swap3A_2110 = vector.shape_cast %add3A_2104 : vector<16xi32> to vector<1x16xi32>
    tpu.vector_store %arg6[%swap3A_2106, %swap3A_2107], %swap3A_2110 {strides = array<i32>} : memref<26x128xi32, #tpu.memory_space<vmem>>, vector<1x16xi32>,
    %get3A_2111 = arith.constant 21 : i32
    %get3A_2112 = arith.index_cast %get3A_2111 : i32 to index
    %get3A_2113 = arith.constant 32 : index
    %get3A_2114 = tpu.vector_load %arg6[%get3A_2112, %get3A_2113] {strides = array<i32>} : memref<26x128xi32, #tpu.memory_space<vmem>>, vector<1x16xi32>,
    %get3A_2115 = vector.shape_cast %get3A_2114 : vector<1x16xi32> to vector<16xi32>
    %add3A_2116 = arith.addi %get3A_2115, %broadcast_in_dim3A_2086 : vector<16xi32>
    %swap3A_2117 = arith.constant 21 : i32
    %swap3A_2118 = arith.index_cast %swap3A_2117 : i32 to index
    %swap3A_2119 = arith.constant 32 : index
    %swap3A_2120 = tpu.vector_load %arg6[%swap3A_2118, %swap3A_2119] {strides = array<i32>} : memref<26x128xi32, #tpu.memory_space<vmem>>, vector<1x16xi32>,
    %swap3A_2121 = vector.shape_cast %swap3A_2120 : vector<1x16xi32> to vector<16xi32>
    %swap3A_2122 = vector.shape_cast %add3A_2116 : vector<16xi32> to vector<1x16xi32>
    tpu.vector_store %arg6[%swap3A_2118, %swap3A_2119], %swap3A_2122 {strides = array<i32>} : memref<26x128xi32, #tpu.memory_space<vmem>>, vector<1x16xi32>,
    %get3A_2123 = arith.constant 21 : i32
    %get3A_2124 = arith.index_cast %get3A_2123 : i32 to index
    %get3A_2125 = arith.constant 48 : index
    %get3A_2126 = tpu.vector_load %arg6[%get3A_2124, %get3A_2125] {strides = array<i32>} : memref<26x128xi32, #tpu.memory_space<vmem>>, vector<1x16xi32>,
    %get3A_2127 = vector.shape_cast %get3A_2126 : vector<1x16xi32> to vector<16xi32>
    %add3A_2128 = arith.addi %get3A_2127, %broadcast_in_dim3A_2086 : vector<16xi32>
    %swap3A_2129 = arith.constant 21 : i32
    %swap3A_2130 = arith.index_cast %swap3A_2129 : i32 to index
    %swap3A_2131 = arith.constant 48 : index
    %swap3A_2132 = tpu.vector_load %arg6[%swap3A_2130, %swap3A_2131] {strides = array<i32>} : memref<26x128xi32, #tpu.memory_space<vmem>>, vector<1x16xi32>,
    %swap3A_2133 = vector.shape_cast %swap3A_2132 : vector<1x16xi32> to vector<16xi32>
    %swap3A_2134 = vector.shape_cast %add3A_2128 : vector<16xi32> to vector<1x16xi32>
    tpu.vector_store %arg6[%swap3A_2130, %swap3A_2131], %swap3A_2134 {strides = array<i32>} : memref<26x128xi32, #tpu.memory_space<vmem>>, vector<1x16xi32>,
    %get3A_2135 = arith.constant 21 : i32
    %get3A_2136 = arith.index_cast %get3A_2135 : i32 to index
    %get3A_2137 = arith.constant 64 : index
    %get3A_2138 = tpu.vector_load %arg6[%get3A_2136, %get3A_2137] {strides = array<i32>} : memref<26x128xi32, #tpu.memory_space<vmem>>, vector<1x16xi32>,
    %get3A_2139 = vector.shape_cast %get3A_2138 : vector<1x16xi32> to vector<16xi32>
    %add3A_2140 = arith.addi %get3A_2139, %broadcast_in_dim3A_2086 : vector<16xi32>
    %swap3A_2141 = arith.constant 21 : i32
    %swap3A_2142 = arith.index_cast %swap3A_2141 : i32 to index
    %swap3A_2143 = arith.constant 64 : index
    %swap3A_2144 = tpu.vector_load %arg6[%swap3A_2142, %swap3A_2143] {strides = array<i32>} : memref<26x128xi32, #tpu.memory_space<vmem>>, vector<1x16xi32>,
    %swap3A_2145 = vector.shape_cast %swap3A_2144 : vector<1x16xi32> to vector<16xi32>
    %swap3A_2146 = vector.shape_cast %add3A_2140 : vector<16xi32> to vector<1x16xi32>
    tpu.vector_store %arg6[%swap3A_2142, %swap3A_2143], %swap3A_2146 {strides = array<i32>} : memref<26x128xi32, #tpu.memory_space<vmem>>, vector<1x16xi32>,
    %get3A_2147 = arith.constant 21 : i32
    %get3A_2148 = arith.index_cast %get3A_2147 : i32 to index
    %get3A_2149 = arith.constant 80 : index
    %get3A_2150 = tpu.vector_load %arg6[%get3A_2148, %get3A_2149] {strides = array<i32>} : memref<26x128xi32, #tpu.memory_space<vmem>>, vector<1x16xi32>,
    %get3A_2151 = vector.shape_cast %get3A_2150 : vector<1x16xi32> to vector<16xi32>
    %add3A_2152 = arith.addi %get3A_2151, %broadcast_in_dim3A_2086 : vector<16xi32>
    %swap3A_2153 = arith.constant 21 : i32
    %swap3A_2154 = arith.index_cast %swap3A_2153 : i32 to index
    %swap3A_2155 = arith.constant 80 : index
    %swap3A_2156 = tpu.vector_load %arg6[%swap3A_2154, %swap3A_2155] {strides = array<i32>} : memref<26x128xi32, #tpu.memory_space<vmem>>, vector<1x16xi32>,
    %swap3A_2157 = vector.shape_cast %swap3A_2156 : vector<1x16xi32> to vector<16xi32>
    %swap3A_2158 = vector.shape_cast %add3A_2152 : vector<16xi32> to vector<1x16xi32>
    tpu.vector_store %arg6[%swap3A_2154, %swap3A_2155], %swap3A_2158 {strides = array<i32>} : memref<26x128xi32, #tpu.memory_space<vmem>>, vector<1x16xi32>,
    %get3A_2159 = arith.constant 21 : i32
    %get3A_2160 = arith.index_cast %get3A_2159 : i32 to index
    %get3A_2161 = arith.constant 96 : index
    %get3A_2162 = tpu.vector_load %arg6[%get3A_2160, %get3A_2161] {strides = array<i32>} : memref<26x128xi32, #tpu.memory_space<vmem>>, vector<1x16xi32>,
    %get3A_2163 = vector.shape_cast %get3A_2162 : vector<1x16xi32> to vector<16xi32>
    %add3A_2164 = arith.addi %get3A_2163, %broadcast_in_dim3A_2086 : vector<16xi32>
    %swap3A_2165 = arith.constant 21 : i32
    %swap3A_2166 = arith.index_cast %swap3A_2165 : i32 to index
    %swap3A_2167 = arith.constant 96 : index
    %swap3A_2168 = tpu.vector_load %arg6[%swap3A_2166, %swap3A_2167] {strides = array<i32>} : memref<26x128xi32, #tpu.memory_space<vmem>>, vector<1x16xi32>,
    %swap3A_2169 = vector.shape_cast %swap3A_2168 : vector<1x16xi32> to vector<16xi32>
    %swap3A_2170 = vector.shape_cast %add3A_2164 : vector<16xi32> to vector<1x16xi32>
    tpu.vector_store %arg6[%swap3A_2166, %swap3A_2167], %swap3A_2170 {strides = array<i32>} : memref<26x128xi32, #tpu.memory_space<vmem>>, vector<1x16xi32>,
    %get3A_2171 = arith.constant 21 : i32
    %get3A_2172 = arith.index_cast %get3A_2171 : i32 to index
    %get3A_2173 = arith.constant 112 : index
    %get3A_2174 = tpu.vector_load %arg6[%get3A_2172, %get3A_2173] {strides = array<i32>} : memref<26x128xi32, #tpu.memory_space<vmem>>, vector<1x16xi32>,
    %get3A_2175 = vector.shape_cast %get3A_2174 : vector<1x16xi32> to vector<16xi32>
    %add3A_2176 = arith.addi %get3A_2175, %broadcast_in_dim3A_2086 : vector<16xi32>
    %swap3A_2177 = arith.constant 21 : i32
    %swap3A_2178 = arith.index_cast %swap3A_2177 : i32 to index
    %swap3A_2179 = arith.constant 112 : index
    %swap3A_2180 = tpu.vector_load %arg6[%swap3A_2178, %swap3A_2179] {strides = array<i32>} : memref<26x128xi32, #tpu.memory_space<vmem>>, vector<1x16xi32>,
    %swap3A_2181 = vector.shape_cast %swap3A_2180 : vector<1x16xi32> to vector<16xi32>
    %swap3A_2182 = vector.shape_cast %add3A_2176 : vector<16xi32> to vector<1x16xi32>
    tpu.vector_store %arg6[%swap3A_2178, %swap3A_2179], %swap3A_2182 {strides = array<i32>} : memref<26x128xi32, #tpu.memory_space<vmem>>, vector<1x16xi32>,
    %slice3A_2183 = vector.extract_strided_slice %get3A_7 {offsets = [6], sizes = [1], strides = [1]} : vector<16xi32> to vector<1xi32>
    %broadcast_in_dim3A_2184 = vector.shape_cast %slice3A_2183 : vector<1xi32> to vector<1xi32>
    %broadcast_in_dim3A_2185 = vector.broadcast %broadcast_in_dim3A_2184 : vector<1xi32> to vector<16xi32>
    %get3A_2186 = arith.constant 22 : i32
    %get3A_2187 = arith.index_cast %get3A_2186 : i32 to index
    %get3A_2188 = arith.constant 0 : index
    %get3A_2189 = tpu.vector_load %arg6[%get3A_2187, %get3A_2188] {strides = array<i32>} : memref<26x128xi32, #tpu.memory_space<vmem>>, vector<1x16xi32>,
    %get3A_2190 = vector.shape_cast %get3A_2189 : vector<1x16xi32> to vector<16xi32>
    %add3A_2191 = arith.addi %get3A_2190, %broadcast_in_dim3A_2185 : vector<16xi32>
    %swap3A_2192 = arith.constant 22 : i32
    %swap3A_2193 = arith.index_cast %swap3A_2192 : i32 to index
    %swap3A_2194 = arith.constant 0 : index
    %swap3A_2195 = tpu.vector_load %arg6[%swap3A_2193, %swap3A_2194] {strides = array<i32>} : memref<26x128xi32, #tpu.memory_space<vmem>>, vector<1x16xi32>,
    %swap3A_2196 = vector.shape_cast %swap3A_2195 : vector<1x16xi32> to vector<16xi32>
    %swap3A_2197 = vector.shape_cast %add3A_2191 : vector<16xi32> to vector<1x16xi32>
    tpu.vector_store %arg6[%swap3A_2193, %swap3A_2194], %swap3A_2197 {strides = array<i32>} : memref<26x128xi32, #tpu.memory_space<vmem>>, vector<1x16xi32>,
    %get3A_2198 = arith.constant 22 : i32
    %get3A_2199 = arith.index_cast %get3A_2198 : i32 to index
    %get3A_2200 = arith.constant 16 : index
    %get3A_2201 = tpu.vector_load %arg6[%get3A_2199, %get3A_2200] {strides = array<i32>} : memref<26x128xi32, #tpu.memory_space<vmem>>, vector<1x16xi32>,
    %get3A_2202 = vector.shape_cast %get3A_2201 : vector<1x16xi32> to vector<16xi32>
    %add3A_2203 = arith.addi %get3A_2202, %broadcast_in_dim3A_2185 : vector<16xi32>
    %swap3A_2204 = arith.constant 22 : i32
    %swap3A_2205 = arith.index_cast %swap3A_2204 : i32 to index
    %swap3A_2206 = arith.constant 16 : index
    %swap3A_2207 = tpu.vector_load %arg6[%swap3A_2205, %swap3A_2206] {strides = array<i32>} : memref<26x128xi32, #tpu.memory_space<vmem>>, vector<1x16xi32>,
    %swap3A_2208 = vector.shape_cast %swap3A_2207 : vector<1x16xi32> to vector<16xi32>
    %swap3A_2209 = vector.shape_cast %add3A_2203 : vector<16xi32> to vector<1x16xi32>
    tpu.vector_store %arg6[%swap3A_2205, %swap3A_2206], %swap3A_2209 {strides = array<i32>} : memref<26x128xi32, #tpu.memory_space<vmem>>, vector<1x16xi32>,
    %get3A_2210 = arith.constant 22 : i32
    %get3A_2211 = arith.index_cast %get3A_2210 : i32 to index
    %get3A_2212 = arith.constant 32 : index
    %get3A_2213 = tpu.vector_load %arg6[%get3A_2211, %get3A_2212] {strides = array<i32>} : memref<26x128xi32, #tpu.memory_space<vmem>>, vector<1x16xi32>,
    %get3A_2214 = vector.shape_cast %get3A_2213 : vector<1x16xi32> to vector<16xi32>
    %add3A_2215 = arith.addi %get3A_2214, %broadcast_in_dim3A_2185 : vector<16xi32>
    %swap3A_2216 = arith.constant 22 : i32
    %swap3A_2217 = arith.index_cast %swap3A_2216 : i32 to index
    %swap3A_2218 = arith.constant 32 : index
    %swap3A_2219 = tpu.vector_load %arg6[%swap3A_2217, %swap3A_2218] {strides = array<i32>} : memref<26x128xi32, #tpu.memory_space<vmem>>, vector<1x16xi32>,
    %swap3A_2220 = vector.shape_cast %swap3A_2219 : vector<1x16xi32> to vector<16xi32>
    %swap3A_2221 = vector.shape_cast %add3A_2215 : vector<16xi32> to vector<1x16xi32>
    tpu.vector_store %arg6[%swap3A_2217, %swap3A_2218], %swap3A_2221 {strides = array<i32>} : memref<26x128xi32, #tpu.memory_space<vmem>>, vector<1x16xi32>,
    %get3A_2222 = arith.constant 22 : i32
    %get3A_2223 = arith.index_cast %get3A_2222 : i32 to index
    %get3A_2224 = arith.constant 48 : index
    %get3A_2225 = tpu.vector_load %arg6[%get3A_2223, %get3A_2224] {strides = array<i32>} : memref<26x128xi32, #tpu.memory_space<vmem>>, vector<1x16xi32>,
    %get3A_2226 = vector.shape_cast %get3A_2225 : vector<1x16xi32> to vector<16xi32>
    %add3A_2227 = arith.addi %get3A_2226, %broadcast_in_dim3A_2185 : vector<16xi32>
    %swap3A_2228 = arith.constant 22 : i32
    %swap3A_2229 = arith.index_cast %swap3A_2228 : i32 to index
    %swap3A_2230 = arith.constant 48 : index
    %swap3A_2231 = tpu.vector_load %arg6[%swap3A_2229, %swap3A_2230] {strides = array<i32>} : memref<26x128xi32, #tpu.memory_space<vmem>>, vector<1x16xi32>,
    %swap3A_2232 = vector.shape_cast %swap3A_2231 : vector<1x16xi32> to vector<16xi32>
    %swap3A_2233 = vector.shape_cast %add3A_2227 : vector<16xi32> to vector<1x16xi32>
    tpu.vector_store %arg6[%swap3A_2229, %swap3A_2230], %swap3A_2233 {strides = array<i32>} : memref<26x128xi32, #tpu.memory_space<vmem>>, vector<1x16xi32>,
    %get3A_2234 = arith.constant 22 : i32
    %get3A_2235 = arith.index_cast %get3A_2234 : i32 to index
    %get3A_2236 = arith.constant 64 : index
    %get3A_2237 = tpu.vector_load %arg6[%get3A_2235, %get3A_2236] {strides = array<i32>} : memref<26x128xi32, #tpu.memory_space<vmem>>, vector<1x16xi32>,
    %get3A_2238 = vector.shape_cast %get3A_2237 : vector<1x16xi32> to vector<16xi32>
    %add3A_2239 = arith.addi %get3A_2238, %broadcast_in_dim3A_2185 : vector<16xi32>
    %swap3A_2240 = arith.constant 22 : i32
    %swap3A_2241 = arith.index_cast %swap3A_2240 : i32 to index
    %swap3A_2242 = arith.constant 64 : index
    %swap3A_2243 = tpu.vector_load %arg6[%swap3A_2241, %swap3A_2242] {strides = array<i32>} : memref<26x128xi32, #tpu.memory_space<vmem>>, vector<1x16xi32>,
    %swap3A_2244 = vector.shape_cast %swap3A_2243 : vector<1x16xi32> to vector<16xi32>
    %swap3A_2245 = vector.shape_cast %add3A_2239 : vector<16xi32> to vector<1x16xi32>
    tpu.vector_store %arg6[%swap3A_2241, %swap3A_2242], %swap3A_2245 {strides = array<i32>} : memref<26x128xi32, #tpu.memory_space<vmem>>, vector<1x16xi32>,
    %get3A_2246 = arith.constant 22 : i32
    %get3A_2247 = arith.index_cast %get3A_2246 : i32 to index
    %get3A_2248 = arith.constant 80 : index
    %get3A_2249 = tpu.vector_load %arg6[%get3A_2247, %get3A_2248] {strides = array<i32>} : memref<26x128xi32, #tpu.memory_space<vmem>>, vector<1x16xi32>,
    %get3A_2250 = vector.shape_cast %get3A_2249 : vector<1x16xi32> to vector<16xi32>
    %add3A_2251 = arith.addi %get3A_2250, %broadcast_in_dim3A_2185 : vector<16xi32>
    %swap3A_2252 = arith.constant 22 : i32
    %swap3A_2253 = arith.index_cast %swap3A_2252 : i32 to index
    %swap3A_2254 = arith.constant 80 : index
    %swap3A_2255 = tpu.vector_load %arg6[%swap3A_2253, %swap3A_2254] {strides = array<i32>} : memref<26x128xi32, #tpu.memory_space<vmem>>, vector<1x16xi32>,
    %swap3A_2256 = vector.shape_cast %swap3A_2255 : vector<1x16xi32> to vector<16xi32>
    %swap3A_2257 = vector.shape_cast %add3A_2251 : vector<16xi32> to vector<1x16xi32>
    tpu.vector_store %arg6[%swap3A_2253, %swap3A_2254], %swap3A_2257 {strides = array<i32>} : memref<26x128xi32, #tpu.memory_space<vmem>>, vector<1x16xi32>,
    %get3A_2258 = arith.constant 22 : i32
    %get3A_2259 = arith.index_cast %get3A_2258 : i32 to index
    %get3A_2260 = arith.constant 96 : index
    %get3A_2261 = tpu.vector_load %arg6[%get3A_2259, %get3A_2260] {strides = array<i32>} : memref<26x128xi32, #tpu.memory_space<vmem>>, vector<1x16xi32>,
    %get3A_2262 = vector.shape_cast %get3A_2261 : vector<1x16xi32> to vector<16xi32>
    %add3A_2263 = arith.addi %get3A_2262, %broadcast_in_dim3A_2185 : vector<16xi32>
    %swap3A_2264 = arith.constant 22 : i32
    %swap3A_2265 = arith.index_cast %swap3A_2264 : i32 to index
    %swap3A_2266 = arith.constant 96 : index
    %swap3A_2267 = tpu.vector_load %arg6[%swap3A_2265, %swap3A_2266] {strides = array<i32>} : memref<26x128xi32, #tpu.memory_space<vmem>>, vector<1x16xi32>,
    %swap3A_2268 = vector.shape_cast %swap3A_2267 : vector<1x16xi32> to vector<16xi32>
    %swap3A_2269 = vector.shape_cast %add3A_2263 : vector<16xi32> to vector<1x16xi32>
    tpu.vector_store %arg6[%swap3A_2265, %swap3A_2266], %swap3A_2269 {strides = array<i32>} : memref<26x128xi32, #tpu.memory_space<vmem>>, vector<1x16xi32>,
    %get3A_2270 = arith.constant 22 : i32
    %get3A_2271 = arith.index_cast %get3A_2270 : i32 to index
    %get3A_2272 = arith.constant 112 : index
    %get3A_2273 = tpu.vector_load %arg6[%get3A_2271, %get3A_2272] {strides = array<i32>} : memref<26x128xi32, #tpu.memory_space<vmem>>, vector<1x16xi32>,
    %get3A_2274 = vector.shape_cast %get3A_2273 : vector<1x16xi32> to vector<16xi32>
    %add3A_2275 = arith.addi %get3A_2274, %broadcast_in_dim3A_2185 : vector<16xi32>
    %swap3A_2276 = arith.constant 22 : i32
    %swap3A_2277 = arith.index_cast %swap3A_2276 : i32 to index
    %swap3A_2278 = arith.constant 112 : index
    %swap3A_2279 = tpu.vector_load %arg6[%swap3A_2277, %swap3A_2278] {strides = array<i32>} : memref<26x128xi32, #tpu.memory_space<vmem>>, vector<1x16xi32>,
    %swap3A_2280 = vector.shape_cast %swap3A_2279 : vector<1x16xi32> to vector<16xi32>
    %swap3A_2281 = vector.shape_cast %add3A_2275 : vector<16xi32> to vector<1x16xi32>
    tpu.vector_store %arg6[%swap3A_2277, %swap3A_2278], %swap3A_2281 {strides = array<i32>} : memref<26x128xi32, #tpu.memory_space<vmem>>, vector<1x16xi32>,
    %slice3A_2282 = vector.extract_strided_slice %get3A_7 {offsets = [7], sizes = [1], strides = [1]} : vector<16xi32> to vector<1xi32>
    %broadcast_in_dim3A_2283 = vector.shape_cast %slice3A_2282 : vector<1xi32> to vector<1xi32>
    %broadcast_in_dim3A_2284 = vector.broadcast %broadcast_in_dim3A_2283 : vector<1xi32> to vector<16xi32>
    %get3A_2285 = arith.constant 23 : i32
    %get3A_2286 = arith.index_cast %get3A_2285 : i32 to index
    %get3A_2287 = arith.constant 0 : index
    %get3A_2288 = tpu.vector_load %arg6[%get3A_2286, %get3A_2287] {strides = array<i32>} : memref<26x128xi32, #tpu.memory_space<vmem>>, vector<1x16xi32>,
    %get3A_2289 = vector.shape_cast %get3A_2288 : vector<1x16xi32> to vector<16xi32>
    %add3A_2290 = arith.addi %get3A_2289, %broadcast_in_dim3A_2284 : vector<16xi32>
    %swap3A_2291 = arith.constant 23 : i32
    %swap3A_2292 = arith.index_cast %swap3A_2291 : i32 to index
    %swap3A_2293 = arith.constant 0 : index
    %swap3A_2294 = tpu.vector_load %arg6[%swap3A_2292, %swap3A_2293] {strides = array<i32>} : memref<26x128xi32, #tpu.memory_space<vmem>>, vector<1x16xi32>,
    %swap3A_2295 = vector.shape_cast %swap3A_2294 : vector<1x16xi32> to vector<16xi32>
    %swap3A_2296 = vector.shape_cast %add3A_2290 : vector<16xi32> to vector<1x16xi32>
    tpu.vector_store %arg6[%swap3A_2292, %swap3A_2293], %swap3A_2296 {strides = array<i32>} : memref<26x128xi32, #tpu.memory_space<vmem>>, vector<1x16xi32>,
    %get3A_2297 = arith.constant 23 : i32
    %get3A_2298 = arith.index_cast %get3A_2297 : i32 to index
    %get3A_2299 = arith.constant 16 : index
    %get3A_2300 = tpu.vector_load %arg6[%get3A_2298, %get3A_2299] {strides = array<i32>} : memref<26x128xi32, #tpu.memory_space<vmem>>, vector<1x16xi32>,
    %get3A_2301 = vector.shape_cast %get3A_2300 : vector<1x16xi32> to vector<16xi32>
    %add3A_2302 = arith.addi %get3A_2301, %broadcast_in_dim3A_2284 : vector<16xi32>
    %swap3A_2303 = arith.constant 23 : i32
    %swap3A_2304 = arith.index_cast %swap3A_2303 : i32 to index
    %swap3A_2305 = arith.constant 16 : index
    %swap3A_2306 = tpu.vector_load %arg6[%swap3A_2304, %swap3A_2305] {strides = array<i32>} : memref<26x128xi32, #tpu.memory_space<vmem>>, vector<1x16xi32>,
    %swap3A_2307 = vector.shape_cast %swap3A_2306 : vector<1x16xi32> to vector<16xi32>
    %swap3A_2308 = vector.shape_cast %add3A_2302 : vector<16xi32> to vector<1x16xi32>
    tpu.vector_store %arg6[%swap3A_2304, %swap3A_2305], %swap3A_2308 {strides = array<i32>} : memref<26x128xi32, #tpu.memory_space<vmem>>, vector<1x16xi32>,
    %get3A_2309 = arith.constant 23 : i32
    %get3A_2310 = arith.index_cast %get3A_2309 : i32 to index
    %get3A_2311 = arith.constant 32 : index
    %get3A_2312 = tpu.vector_load %arg6[%get3A_2310, %get3A_2311] {strides = array<i32>} : memref<26x128xi32, #tpu.memory_space<vmem>>, vector<1x16xi32>,
    %get3A_2313 = vector.shape_cast %get3A_2312 : vector<1x16xi32> to vector<16xi32>
    %add3A_2314 = arith.addi %get3A_2313, %broadcast_in_dim3A_2284 : vector<16xi32>
    %swap3A_2315 = arith.constant 23 : i32
    %swap3A_2316 = arith.index_cast %swap3A_2315 : i32 to index
    %swap3A_2317 = arith.constant 32 : index
    %swap3A_2318 = tpu.vector_load %arg6[%swap3A_2316, %swap3A_2317] {strides = array<i32>} : memref<26x128xi32, #tpu.memory_space<vmem>>, vector<1x16xi32>,
    %swap3A_2319 = vector.shape_cast %swap3A_2318 : vector<1x16xi32> to vector<16xi32>
    %swap3A_2320 = vector.shape_cast %add3A_2314 : vector<16xi32> to vector<1x16xi32>
    tpu.vector_store %arg6[%swap3A_2316, %swap3A_2317], %swap3A_2320 {strides = array<i32>} : memref<26x128xi32, #tpu.memory_space<vmem>>, vector<1x16xi32>,
    %get3A_2321 = arith.constant 23 : i32
    %get3A_2322 = arith.index_cast %get3A_2321 : i32 to index
    %get3A_2323 = arith.constant 48 : index
    %get3A_2324 = tpu.vector_load %arg6[%get3A_2322, %get3A_2323] {strides = array<i32>} : memref<26x128xi32, #tpu.memory_space<vmem>>, vector<1x16xi32>,
    %get3A_2325 = vector.shape_cast %get3A_2324 : vector<1x16xi32> to vector<16xi32>
    %add3A_2326 = arith.addi %get3A_2325, %broadcast_in_dim3A_2284 : vector<16xi32>
    %swap3A_2327 = arith.constant 23 : i32
    %swap3A_2328 = arith.index_cast %swap3A_2327 : i32 to index
    %swap3A_2329 = arith.constant 48 : index
    %swap3A_2330 = tpu.vector_load %arg6[%swap3A_2328, %swap3A_2329] {strides = array<i32>} : memref<26x128xi32, #tpu.memory_space<vmem>>, vector<1x16xi32>,
    %swap3A_2331 = vector.shape_cast %swap3A_2330 : vector<1x16xi32> to vector<16xi32>
    %swap3A_2332 = vector.shape_cast %add3A_2326 : vector<16xi32> to vector<1x16xi32>
    tpu.vector_store %arg6[%swap3A_2328, %swap3A_2329], %swap3A_2332 {strides = array<i32>} : memref<26x128xi32, #tpu.memory_space<vmem>>, vector<1x16xi32>,
    %get3A_2333 = arith.constant 23 : i32
    %get3A_2334 = arith.index_cast %get3A_2333 : i32 to index
    %get3A_2335 = arith.constant 64 : index
    %get3A_2336 = tpu.vector_load %arg6[%get3A_2334, %get3A_2335] {strides = array<i32>} : memref<26x128xi32, #tpu.memory_space<vmem>>, vector<1x16xi32>,
    %get3A_2337 = vector.shape_cast %get3A_2336 : vector<1x16xi32> to vector<16xi32>
    %add3A_2338 = arith.addi %get3A_2337, %broadcast_in_dim3A_2284 : vector<16xi32>
    %swap3A_2339 = arith.constant 23 : i32
    %swap3A_2340 = arith.index_cast %swap3A_2339 : i32 to index
    %swap3A_2341 = arith.constant 64 : index
    %swap3A_2342 = tpu.vector_load %arg6[%swap3A_2340, %swap3A_2341] {strides = array<i32>} : memref<26x128xi32, #tpu.memory_space<vmem>>, vector<1x16xi32>,
    %swap3A_2343 = vector.shape_cast %swap3A_2342 : vector<1x16xi32> to vector<16xi32>
    %swap3A_2344 = vector.shape_cast %add3A_2338 : vector<16xi32> to vector<1x16xi32>
    tpu.vector_store %arg6[%swap3A_2340, %swap3A_2341], %swap3A_2344 {strides = array<i32>} : memref<26x128xi32, #tpu.memory_space<vmem>>, vector<1x16xi32>,
    %get3A_2345 = arith.constant 23 : i32
    %get3A_2346 = arith.index_cast %get3A_2345 : i32 to index
    %get3A_2347 = arith.constant 80 : index
    %get3A_2348 = tpu.vector_load %arg6[%get3A_2346, %get3A_2347] {strides = array<i32>} : memref<26x128xi32, #tpu.memory_space<vmem>>, vector<1x16xi32>,
    %get3A_2349 = vector.shape_cast %get3A_2348 : vector<1x16xi32> to vector<16xi32>
    %add3A_2350 = arith.addi %get3A_2349, %broadcast_in_dim3A_2284 : vector<16xi32>
    %swap3A_2351 = arith.constant 23 : i32
    %swap3A_2352 = arith.index_cast %swap3A_2351 : i32 to index
    %swap3A_2353 = arith.constant 80 : index
    %swap3A_2354 = tpu.vector_load %arg6[%swap3A_2352, %swap3A_2353] {strides = array<i32>} : memref<26x128xi32, #tpu.memory_space<vmem>>, vector<1x16xi32>,
    %swap3A_2355 = vector.shape_cast %swap3A_2354 : vector<1x16xi32> to vector<16xi32>
    %swap3A_2356 = vector.shape_cast %add3A_2350 : vector<16xi32> to vector<1x16xi32>
    tpu.vector_store %arg6[%swap3A_2352, %swap3A_2353], %swap3A_2356 {strides = array<i32>} : memref<26x128xi32, #tpu.memory_space<vmem>>, vector<1x16xi32>,
    %get3A_2357 = arith.constant 23 : i32
    %get3A_2358 = arith.index_cast %get3A_2357 : i32 to index
    %get3A_2359 = arith.constant 96 : index
    %get3A_2360 = tpu.vector_load %arg6[%get3A_2358, %get3A_2359] {strides = array<i32>} : memref<26x128xi32, #tpu.memory_space<vmem>>, vector<1x16xi32>,
    %get3A_2361 = vector.shape_cast %get3A_2360 : vector<1x16xi32> to vector<16xi32>
    %add3A_2362 = arith.addi %get3A_2361, %broadcast_in_dim3A_2284 : vector<16xi32>
    %swap3A_2363 = arith.constant 23 : i32
    %swap3A_2364 = arith.index_cast %swap3A_2363 : i32 to index
    %swap3A_2365 = arith.constant 96 : index
    %swap3A_2366 = tpu.vector_load %arg6[%swap3A_2364, %swap3A_2365] {strides = array<i32>} : memref<26x128xi32, #tpu.memory_space<vmem>>, vector<1x16xi32>,
    %swap3A_2367 = vector.shape_cast %swap3A_2366 : vector<1x16xi32> to vector<16xi32>
    %swap3A_2368 = vector.shape_cast %add3A_2362 : vector<16xi32> to vector<1x16xi32>
    tpu.vector_store %arg6[%swap3A_2364, %swap3A_2365], %swap3A_2368 {strides = array<i32>} : memref<26x128xi32, #tpu.memory_space<vmem>>, vector<1x16xi32>,
    %get3A_2369 = arith.constant 23 : i32
    %get3A_2370 = arith.index_cast %get3A_2369 : i32 to index
    %get3A_2371 = arith.constant 112 : index
    %get3A_2372 = tpu.vector_load %arg6[%get3A_2370, %get3A_2371] {strides = array<i32>} : memref<26x128xi32, #tpu.memory_space<vmem>>, vector<1x16xi32>,
    %get3A_2373 = vector.shape_cast %get3A_2372 : vector<1x16xi32> to vector<16xi32>
    %add3A_2374 = arith.addi %get3A_2373, %broadcast_in_dim3A_2284 : vector<16xi32>
    %swap3A_2375 = arith.constant 23 : i32
    %swap3A_2376 = arith.index_cast %swap3A_2375 : i32 to index
    %swap3A_2377 = arith.constant 112 : index
    %swap3A_2378 = tpu.vector_load %arg6[%swap3A_2376, %swap3A_2377] {strides = array<i32>} : memref<26x128xi32, #tpu.memory_space<vmem>>, vector<1x16xi32>,
    %swap3A_2379 = vector.shape_cast %swap3A_2378 : vector<1x16xi32> to vector<16xi32>
    %swap3A_2380 = vector.shape_cast %add3A_2374 : vector<16xi32> to vector<1x16xi32>
    tpu.vector_store %arg6[%swap3A_2376, %swap3A_2377], %swap3A_2380 {strides = array<i32>} : memref<26x128xi32, #tpu.memory_space<vmem>>, vector<1x16xi32>,
    %slice3A_2381 = vector.extract_strided_slice %get3A_7 {offsets = [8], sizes = [1], strides = [1]} : vector<16xi32> to vector<1xi32>
    %broadcast_in_dim3A_2382 = vector.shape_cast %slice3A_2381 : vector<1xi32> to vector<1xi32>
    %broadcast_in_dim3A_2383 = vector.broadcast %broadcast_in_dim3A_2382 : vector<1xi32> to vector<16xi32>
    %get3A_2384 = arith.constant 24 : i32
    %get3A_2385 = arith.index_cast %get3A_2384 : i32 to index
    %get3A_2386 = arith.constant 0 : index
    %get3A_2387 = tpu.vector_load %arg6[%get3A_2385, %get3A_2386] {strides = array<i32>} : memref<26x128xi32, #tpu.memory_space<vmem>>, vector<1x16xi32>,
    %get3A_2388 = vector.shape_cast %get3A_2387 : vector<1x16xi32> to vector<16xi32>
    %add3A_2389 = arith.addi %get3A_2388, %broadcast_in_dim3A_2383 : vector<16xi32>
    %swap3A_2390 = arith.constant 24 : i32
    %swap3A_2391 = arith.index_cast %swap3A_2390 : i32 to index
    %swap3A_2392 = arith.constant 0 : index
    %swap3A_2393 = tpu.vector_load %arg6[%swap3A_2391, %swap3A_2392] {strides = array<i32>} : memref<26x128xi32, #tpu.memory_space<vmem>>, vector<1x16xi32>,
    %swap3A_2394 = vector.shape_cast %swap3A_2393 : vector<1x16xi32> to vector<16xi32>
    %swap3A_2395 = vector.shape_cast %add3A_2389 : vector<16xi32> to vector<1x16xi32>
    tpu.vector_store %arg6[%swap3A_2391, %swap3A_2392], %swap3A_2395 {strides = array<i32>} : memref<26x128xi32, #tpu.memory_space<vmem>>, vector<1x16xi32>,
    %get3A_2396 = arith.constant 24 : i32
    %get3A_2397 = arith.index_cast %get3A_2396 : i32 to index
    %get3A_2398 = arith.constant 16 : index
    %get3A_2399 = tpu.vector_load %arg6[%get3A_2397, %get3A_2398] {strides = array<i32>} : memref<26x128xi32, #tpu.memory_space<vmem>>, vector<1x16xi32>,
    %get3A_2400 = vector.shape_cast %get3A_2399 : vector<1x16xi32> to vector<16xi32>
    %add3A_2401 = arith.addi %get3A_2400, %broadcast_in_dim3A_2383 : vector<16xi32>
    %swap3A_2402 = arith.constant 24 : i32
    %swap3A_2403 = arith.index_cast %swap3A_2402 : i32 to index
    %swap3A_2404 = arith.constant 16 : index
    %swap3A_2405 = tpu.vector_load %arg6[%swap3A_2403, %swap3A_2404] {strides = array<i32>} : memref<26x128xi32, #tpu.memory_space<vmem>>, vector<1x16xi32>,
    %swap3A_2406 = vector.shape_cast %swap3A_2405 : vector<1x16xi32> to vector<16xi32>
    %swap3A_2407 = vector.shape_cast %add3A_2401 : vector<16xi32> to vector<1x16xi32>
    tpu.vector_store %arg6[%swap3A_2403, %swap3A_2404], %swap3A_2407 {strides = array<i32>} : memref<26x128xi32, #tpu.memory_space<vmem>>, vector<1x16xi32>,
    %get3A_2408 = arith.constant 24 : i32
    %get3A_2409 = arith.index_cast %get3A_2408 : i32 to index
    %get3A_2410 = arith.constant 32 : index
    %get3A_2411 = tpu.vector_load %arg6[%get3A_2409, %get3A_2410] {strides = array<i32>} : memref<26x128xi32, #tpu.memory_space<vmem>>, vector<1x16xi32>,
    %get3A_2412 = vector.shape_cast %get3A_2411 : vector<1x16xi32> to vector<16xi32>
    %add3A_2413 = arith.addi %get3A_2412, %broadcast_in_dim3A_2383 : vector<16xi32>
    %swap3A_2414 = arith.constant 24 : i32
    %swap3A_2415 = arith.index_cast %swap3A_2414 : i32 to index
    %swap3A_2416 = arith.constant 32 : index
    %swap3A_2417 = tpu.vector_load %arg6[%swap3A_2415, %swap3A_2416] {strides = array<i32>} : memref<26x128xi32, #tpu.memory_space<vmem>>, vector<1x16xi32>,
    %swap3A_2418 = vector.shape_cast %swap3A_2417 : vector<1x16xi32> to vector<16xi32>
    %swap3A_2419 = vector.shape_cast %add3A_2413 : vector<16xi32> to vector<1x16xi32>
    tpu.vector_store %arg6[%swap3A_2415, %swap3A_2416], %swap3A_2419 {strides = array<i32>} : memref<26x128xi32, #tpu.memory_space<vmem>>, vector<1x16xi32>,
    %get3A_2420 = arith.constant 24 : i32
    %get3A_2421 = arith.index_cast %get3A_2420 : i32 to index
    %get3A_2422 = arith.constant 48 : index
    %get3A_2423 = tpu.vector_load %arg6[%get3A_2421, %get3A_2422] {strides = array<i32>} : memref<26x128xi32, #tpu.memory_space<vmem>>, vector<1x16xi32>,
    %get3A_2424 = vector.shape_cast %get3A_2423 : vector<1x16xi32> to vector<16xi32>
    %add3A_2425 = arith.addi %get3A_2424, %broadcast_in_dim3A_2383 : vector<16xi32>
    %swap3A_2426 = arith.constant 24 : i32
    %swap3A_2427 = arith.index_cast %swap3A_2426 : i32 to index
    %swap3A_2428 = arith.constant 48 : index
    %swap3A_2429 = tpu.vector_load %arg6[%swap3A_2427, %swap3A_2428] {strides = array<i32>} : memref<26x128xi32, #tpu.memory_space<vmem>>, vector<1x16xi32>,
    %swap3A_2430 = vector.shape_cast %swap3A_2429 : vector<1x16xi32> to vector<16xi32>
    %swap3A_2431 = vector.shape_cast %add3A_2425 : vector<16xi32> to vector<1x16xi32>
    tpu.vector_store %arg6[%swap3A_2427, %swap3A_2428], %swap3A_2431 {strides = array<i32>} : memref<26x128xi32, #tpu.memory_space<vmem>>, vector<1x16xi32>,
    %get3A_2432 = arith.constant 24 : i32
    %get3A_2433 = arith.index_cast %get3A_2432 : i32 to index
    %get3A_2434 = arith.constant 64 : index
    %get3A_2435 = tpu.vector_load %arg6[%get3A_2433, %get3A_2434] {strides = array<i32>} : memref<26x128xi32, #tpu.memory_space<vmem>>, vector<1x16xi32>,
    %get3A_2436 = vector.shape_cast %get3A_2435 : vector<1x16xi32> to vector<16xi32>
    %add3A_2437 = arith.addi %get3A_2436, %broadcast_in_dim3A_2383 : vector<16xi32>
    %swap3A_2438 = arith.constant 24 : i32
    %swap3A_2439 = arith.index_cast %swap3A_2438 : i32 to index
    %swap3A_2440 = arith.constant 64 : index
    %swap3A_2441 = tpu.vector_load %arg6[%swap3A_2439, %swap3A_2440] {strides = array<i32>} : memref<26x128xi32, #tpu.memory_space<vmem>>, vector<1x16xi32>,
    %swap3A_2442 = vector.shape_cast %swap3A_2441 : vector<1x16xi32> to vector<16xi32>
    %swap3A_2443 = vector.shape_cast %add3A_2437 : vector<16xi32> to vector<1x16xi32>
    tpu.vector_store %arg6[%swap3A_2439, %swap3A_2440], %swap3A_2443 {strides = array<i32>} : memref<26x128xi32, #tpu.memory_space<vmem>>, vector<1x16xi32>,
    %get3A_2444 = arith.constant 24 : i32
    %get3A_2445 = arith.index_cast %get3A_2444 : i32 to index
    %get3A_2446 = arith.constant 80 : index
    %get3A_2447 = tpu.vector_load %arg6[%get3A_2445, %get3A_2446] {strides = array<i32>} : memref<26x128xi32, #tpu.memory_space<vmem>>, vector<1x16xi32>,
    %get3A_2448 = vector.shape_cast %get3A_2447 : vector<1x16xi32> to vector<16xi32>
    %add3A_2449 = arith.addi %get3A_2448, %broadcast_in_dim3A_2383 : vector<16xi32>
    %swap3A_2450 = arith.constant 24 : i32
    %swap3A_2451 = arith.index_cast %swap3A_2450 : i32 to index
    %swap3A_2452 = arith.constant 80 : index
    %swap3A_2453 = tpu.vector_load %arg6[%swap3A_2451, %swap3A_2452] {strides = array<i32>} : memref<26x128xi32, #tpu.memory_space<vmem>>, vector<1x16xi32>,
    %swap3A_2454 = vector.shape_cast %swap3A_2453 : vector<1x16xi32> to vector<16xi32>
    %swap3A_2455 = vector.shape_cast %add3A_2449 : vector<16xi32> to vector<1x16xi32>
    tpu.vector_store %arg6[%swap3A_2451, %swap3A_2452], %swap3A_2455 {strides = array<i32>} : memref<26x128xi32, #tpu.memory_space<vmem>>, vector<1x16xi32>,
    %get3A_2456 = arith.constant 24 : i32
    %get3A_2457 = arith.index_cast %get3A_2456 : i32 to index
    %get3A_2458 = arith.constant 96 : index
    %get3A_2459 = tpu.vector_load %arg6[%get3A_2457, %get3A_2458] {strides = array<i32>} : memref<26x128xi32, #tpu.memory_space<vmem>>, vector<1x16xi32>,
    %get3A_2460 = vector.shape_cast %get3A_2459 : vector<1x16xi32> to vector<16xi32>
    %add3A_2461 = arith.addi %get3A_2460, %broadcast_in_dim3A_2383 : vector<16xi32>
    %swap3A_2462 = arith.constant 24 : i32
    %swap3A_2463 = arith.index_cast %swap3A_2462 : i32 to index
    %swap3A_2464 = arith.constant 96 : index
    %swap3A_2465 = tpu.vector_load %arg6[%swap3A_2463, %swap3A_2464] {strides = array<i32>} : memref<26x128xi32, #tpu.memory_space<vmem>>, vector<1x16xi32>,
    %swap3A_2466 = vector.shape_cast %swap3A_2465 : vector<1x16xi32> to vector<16xi32>
    %swap3A_2467 = vector.shape_cast %add3A_2461 : vector<16xi32> to vector<1x16xi32>
    tpu.vector_store %arg6[%swap3A_2463, %swap3A_2464], %swap3A_2467 {strides = array<i32>} : memref<26x128xi32, #tpu.memory_space<vmem>>, vector<1x16xi32>,
    %get3A_2468 = arith.constant 24 : i32
    %get3A_2469 = arith.index_cast %get3A_2468 : i32 to index
    %get3A_2470 = arith.constant 112 : index
    %get3A_2471 = tpu.vector_load %arg6[%get3A_2469, %get3A_2470] {strides = array<i32>} : memref<26x128xi32, #tpu.memory_space<vmem>>, vector<1x16xi32>,
    %get3A_2472 = vector.shape_cast %get3A_2471 : vector<1x16xi32> to vector<16xi32>
    %add3A_2473 = arith.addi %get3A_2472, %broadcast_in_dim3A_2383 : vector<16xi32>
    %swap3A_2474 = arith.constant 24 : i32
    %swap3A_2475 = arith.index_cast %swap3A_2474 : i32 to index
    %swap3A_2476 = arith.constant 112 : index
    %swap3A_2477 = tpu.vector_load %arg6[%swap3A_2475, %swap3A_2476] {strides = array<i32>} : memref<26x128xi32, #tpu.memory_space<vmem>>, vector<1x16xi32>,
    %swap3A_2478 = vector.shape_cast %swap3A_2477 : vector<1x16xi32> to vector<16xi32>
    %swap3A_2479 = vector.shape_cast %add3A_2473 : vector<16xi32> to vector<1x16xi32>
    tpu.vector_store %arg6[%swap3A_2475, %swap3A_2476], %swap3A_2479 {strides = array<i32>} : memref<26x128xi32, #tpu.memory_space<vmem>>, vector<1x16xi32>,
    %slice3A_2480 = vector.extract_strided_slice %get3A_7 {offsets = [9], sizes = [1], strides = [1]} : vector<16xi32> to vector<1xi32>
    %broadcast_in_dim3A_2481 = vector.shape_cast %slice3A_2480 : vector<1xi32> to vector<1xi32>
    %broadcast_in_dim3A_2482 = vector.broadcast %broadcast_in_dim3A_2481 : vector<1xi32> to vector<16xi32>
    %get3A_2483 = arith.constant 25 : i32
    %get3A_2484 = arith.index_cast %get3A_2483 : i32 to index
    %get3A_2485 = arith.constant 0 : index
    %get3A_2486 = tpu.vector_load %arg6[%get3A_2484, %get3A_2485] {strides = array<i32>} : memref<26x128xi32, #tpu.memory_space<vmem>>, vector<1x16xi32>,
    %get3A_2487 = vector.shape_cast %get3A_2486 : vector<1x16xi32> to vector<16xi32>
    %add3A_2488 = arith.addi %get3A_2487, %broadcast_in_dim3A_2482 : vector<16xi32>
    %swap3A_2489 = arith.constant 25 : i32
    %swap3A_2490 = arith.index_cast %swap3A_2489 : i32 to index
    %swap3A_2491 = arith.constant 0 : index
    %swap3A_2492 = tpu.vector_load %arg6[%swap3A_2490, %swap3A_2491] {strides = array<i32>} : memref<26x128xi32, #tpu.memory_space<vmem>>, vector<1x16xi32>,
    %swap3A_2493 = vector.shape_cast %swap3A_2492 : vector<1x16xi32> to vector<16xi32>
    %swap3A_2494 = vector.shape_cast %add3A_2488 : vector<16xi32> to vector<1x16xi32>
    tpu.vector_store %arg6[%swap3A_2490, %swap3A_2491], %swap3A_2494 {strides = array<i32>} : memref<26x128xi32, #tpu.memory_space<vmem>>, vector<1x16xi32>,
    %get3A_2495 = arith.constant 25 : i32
    %get3A_2496 = arith.index_cast %get3A_2495 : i32 to index
    %get3A_2497 = arith.constant 16 : index
    %get3A_2498 = tpu.vector_load %arg6[%get3A_2496, %get3A_2497] {strides = array<i32>} : memref<26x128xi32, #tpu.memory_space<vmem>>, vector<1x16xi32>,
    %get3A_2499 = vector.shape_cast %get3A_2498 : vector<1x16xi32> to vector<16xi32>
    %add3A_2500 = arith.addi %get3A_2499, %broadcast_in_dim3A_2482 : vector<16xi32>
    %swap3A_2501 = arith.constant 25 : i32
    %swap3A_2502 = arith.index_cast %swap3A_2501 : i32 to index
    %swap3A_2503 = arith.constant 16 : index
    %swap3A_2504 = tpu.vector_load %arg6[%swap3A_2502, %swap3A_2503] {strides = array<i32>} : memref<26x128xi32, #tpu.memory_space<vmem>>, vector<1x16xi32>,
    %swap3A_2505 = vector.shape_cast %swap3A_2504 : vector<1x16xi32> to vector<16xi32>
    %swap3A_2506 = vector.shape_cast %add3A_2500 : vector<16xi32> to vector<1x16xi32>
    tpu.vector_store %arg6[%swap3A_2502, %swap3A_2503], %swap3A_2506 {strides = array<i32>} : memref<26x128xi32, #tpu.memory_space<vmem>>, vector<1x16xi32>,
    %get3A_2507 = arith.constant 25 : i32
    %get3A_2508 = arith.index_cast %get3A_2507 : i32 to index
    %get3A_2509 = arith.constant 32 : index
    %get3A_2510 = tpu.vector_load %arg6[%get3A_2508, %get3A_2509] {strides = array<i32>} : memref<26x128xi32, #tpu.memory_space<vmem>>, vector<1x16xi32>,
    %get3A_2511 = vector.shape_cast %get3A_2510 : vector<1x16xi32> to vector<16xi32>
    %add3A_2512 = arith.addi %get3A_2511, %broadcast_in_dim3A_2482 : vector<16xi32>
    %swap3A_2513 = arith.constant 25 : i32
    %swap3A_2514 = arith.index_cast %swap3A_2513 : i32 to index
    %swap3A_2515 = arith.constant 32 : index
    %swap3A_2516 = tpu.vector_load %arg6[%swap3A_2514, %swap3A_2515] {strides = array<i32>} : memref<26x128xi32, #tpu.memory_space<vmem>>, vector<1x16xi32>,
    %swap3A_2517 = vector.shape_cast %swap3A_2516 : vector<1x16xi32> to vector<16xi32>
    %swap3A_2518 = vector.shape_cast %add3A_2512 : vector<16xi32> to vector<1x16xi32>
    tpu.vector_store %arg6[%swap3A_2514, %swap3A_2515], %swap3A_2518 {strides = array<i32>} : memref<26x128xi32, #tpu.memory_space<vmem>>, vector<1x16xi32>,
    %get3A_2519 = arith.constant 25 : i32
    %get3A_2520 = arith.index_cast %get3A_2519 : i32 to index
    %get3A_2521 = arith.constant 48 : index
    %get3A_2522 = tpu.vector_load %arg6[%get3A_2520, %get3A_2521] {strides = array<i32>} : memref<26x128xi32, #tpu.memory_space<vmem>>, vector<1x16xi32>,
    %get3A_2523 = vector.shape_cast %get3A_2522 : vector<1x16xi32> to vector<16xi32>
    %add3A_2524 = arith.addi %get3A_2523, %broadcast_in_dim3A_2482 : vector<16xi32>
    %swap3A_2525 = arith.constant 25 : i32
    %swap3A_2526 = arith.index_cast %swap3A_2525 : i32 to index
    %swap3A_2527 = arith.constant 48 : index
    %swap3A_2528 = tpu.vector_load %arg6[%swap3A_2526, %swap3A_2527] {strides = array<i32>} : memref<26x128xi32, #tpu.memory_space<vmem>>, vector<1x16xi32>,
    %swap3A_2529 = vector.shape_cast %swap3A_2528 : vector<1x16xi32> to vector<16xi32>
    %swap3A_2530 = vector.shape_cast %add3A_2524 : vector<16xi32> to vector<1x16xi32>
    tpu.vector_store %arg6[%swap3A_2526, %swap3A_2527], %swap3A_2530 {strides = array<i32>} : memref<26x128xi32, #tpu.memory_space<vmem>>, vector<1x16xi32>,
    %get3A_2531 = arith.constant 25 : i32
    %get3A_2532 = arith.index_cast %get3A_2531 : i32 to index
    %get3A_2533 = arith.constant 64 : index
    %get3A_2534 = tpu.vector_load %arg6[%get3A_2532, %get3A_2533] {strides = array<i32>} : memref<26x128xi32, #tpu.memory_space<vmem>>, vector<1x16xi32>,
    %get3A_2535 = vector.shape_cast %get3A_2534 : vector<1x16xi32> to vector<16xi32>
    %add3A_2536 = arith.addi %get3A_2535, %broadcast_in_dim3A_2482 : vector<16xi32>
    %swap3A_2537 = arith.constant 25 : i32
    %swap3A_2538 = arith.index_cast %swap3A_2537 : i32 to index
    %swap3A_2539 = arith.constant 64 : index
    %swap3A_2540 = tpu.vector_load %arg6[%swap3A_2538, %swap3A_2539] {strides = array<i32>} : memref<26x128xi32, #tpu.memory_space<vmem>>, vector<1x16xi32>,
    %swap3A_2541 = vector.shape_cast %swap3A_2540 : vector<1x16xi32> to vector<16xi32>
    %swap3A_2542 = vector.shape_cast %add3A_2536 : vector<16xi32> to vector<1x16xi32>
    tpu.vector_store %arg6[%swap3A_2538, %swap3A_2539], %swap3A_2542 {strides = array<i32>} : memref<26x128xi32, #tpu.memory_space<vmem>>, vector<1x16xi32>,
    %get3A_2543 = arith.constant 25 : i32
    %get3A_2544 = arith.index_cast %get3A_2543 : i32 to index
    %get3A_2545 = arith.constant 80 : index
    %get3A_2546 = tpu.vector_load %arg6[%get3A_2544, %get3A_2545] {strides = array<i32>} : memref<26x128xi32, #tpu.memory_space<vmem>>, vector<1x16xi32>,
    %get3A_2547 = vector.shape_cast %get3A_2546 : vector<1x16xi32> to vector<16xi32>
    %add3A_2548 = arith.addi %get3A_2547, %broadcast_in_dim3A_2482 : vector<16xi32>
    %swap3A_2549 = arith.constant 25 : i32
    %swap3A_2550 = arith.index_cast %swap3A_2549 : i32 to index
    %swap3A_2551 = arith.constant 80 : index
    %swap3A_2552 = tpu.vector_load %arg6[%swap3A_2550, %swap3A_2551] {strides = array<i32>} : memref<26x128xi32, #tpu.memory_space<vmem>>, vector<1x16xi32>,
    %swap3A_2553 = vector.shape_cast %swap3A_2552 : vector<1x16xi32> to vector<16xi32>
    %swap3A_2554 = vector.shape_cast %add3A_2548 : vector<16xi32> to vector<1x16xi32>
    tpu.vector_store %arg6[%swap3A_2550, %swap3A_2551], %swap3A_2554 {strides = array<i32>} : memref<26x128xi32, #tpu.memory_space<vmem>>, vector<1x16xi32>,
    %get3A_2555 = arith.constant 25 : i32
    %get3A_2556 = arith.index_cast %get3A_2555 : i32 to index
    %get3A_2557 = arith.constant 96 : index
    %get3A_2558 = tpu.vector_load %arg6[%get3A_2556, %get3A_2557] {strides = array<i32>} : memref<26x128xi32, #tpu.memory_space<vmem>>, vector<1x16xi32>,
    %get3A_2559 = vector.shape_cast %get3A_2558 : vector<1x16xi32> to vector<16xi32>
    %add3A_2560 = arith.addi %get3A_2559, %broadcast_in_dim3A_2482 : vector<16xi32>
    %swap3A_2561 = arith.constant 25 : i32
    %swap3A_2562 = arith.index_cast %swap3A_2561 : i32 to index
    %swap3A_2563 = arith.constant 96 : index
    %swap3A_2564 = tpu.vector_load %arg6[%swap3A_2562, %swap3A_2563] {strides = array<i32>} : memref<26x128xi32, #tpu.memory_space<vmem>>, vector<1x16xi32>,
    %swap3A_2565 = vector.shape_cast %swap3A_2564 : vector<1x16xi32> to vector<16xi32>
    %swap3A_2566 = vector.shape_cast %add3A_2560 : vector<16xi32> to vector<1x16xi32>
    tpu.vector_store %arg6[%swap3A_2562, %swap3A_2563], %swap3A_2566 {strides = array<i32>} : memref<26x128xi32, #tpu.memory_space<vmem>>, vector<1x16xi32>,
    %get3A_2567 = arith.constant 25 : i32
    %get3A_2568 = arith.index_cast %get3A_2567 : i32 to index
    %get3A_2569 = arith.constant 112 : index
    %get3A_2570 = tpu.vector_load %arg6[%get3A_2568, %get3A_2569] {strides = array<i32>} : memref<26x128xi32, #tpu.memory_space<vmem>>, vector<1x16xi32>,
    %get3A_2571 = vector.shape_cast %get3A_2570 : vector<1x16xi32> to vector<16xi32>
    %add3A_2572 = arith.addi %get3A_2571, %broadcast_in_dim3A_2482 : vector<16xi32>
    %swap3A_2573 = arith.constant 25 : i32
    %swap3A_2574 = arith.index_cast %swap3A_2573 : i32 to index
    %swap3A_2575 = arith.constant 112 : index
    %swap3A_2576 = tpu.vector_load %arg6[%swap3A_2574, %swap3A_2575] {strides = array<i32>} : memref<26x128xi32, #tpu.memory_space<vmem>>, vector<1x16xi32>,
    %swap3A_2577 = vector.shape_cast %swap3A_2576 : vector<1x16xi32> to vector<16xi32>
    %swap3A_2578 = vector.shape_cast %add3A_2572 : vector<16xi32> to vector<1x16xi32>
    tpu.vector_store %arg6[%swap3A_2574, %swap3A_2575], %swap3A_2578 {strides = array<i32>} : memref<26x128xi32, #tpu.memory_space<vmem>>, vector<1x16xi32>,
    %dma_start3A = arith.constant 0 : i32
    %dma_start3A_2579 = arith.constant 0 : i32
    %dma_start3A_2580 = arith.constant 0 : i32
    %dma_start3A_2581 = arith.constant 0 : i32
    %dma_start3A_2582 = tpu.memref_slice %arg8[%dma_start3A_2579, %dma_start3A_2580, %dma_start3A_2581] : memref<4x128x64xf32, #tpu.memory_space<vmem>> -> memref<1x128x64xf32, #tpu.memory_space<vmem>>
    %dma_start3A_2583 = tpu.memref_squeeze %dma_start3A_2582 : memref<1x128x64xf32, #tpu.memory_space<vmem>> -> memref<128x64xf32, #tpu.memory_space<vmem>>
    %dma_start3A_2584 = arith.constant 0 : i32
    %dma_start3A_2585 = tpu.memref_slice %arg6[%dma_start3A, %dma_start3A_2584] : memref<26x128xi32, #tpu.memory_space<vmem>> -> memref<1x128xi32, #tpu.memory_space<vmem>>
    %dma_start3A_2586 = tpu.memref_squeeze %dma_start3A_2585 : memref<1x128xi32, #tpu.memory_space<vmem>> -> memref<128xi32, #tpu.memory_space<vmem>>
    %dma_start3A_2587 = arith.constant 0 : i32
    %dma_start3A_2588 = arith.constant 0 : i32
    %dma_start3A_2589 = tpu.memref_slice %arg3[%dma_start3A_2587, %dma_start3A_2588] : memref<2600000x64xf32, #tpu.memory_space<hbm>> -> memref<2600000x64xf32, #tpu.memory_space<hbm>>
    tpu.enqueue_indirect_dma source(%dma_start3A_2589 : memref<2600000x64xf32, #tpu.memory_space<hbm>>) target(%dma_start3A_2583 : memref<128x64xf32, #tpu.memory_space<vmem>>) offsets(%dma_start3A_2586 : memref<128xi32, #tpu.memory_space<vmem>>) semaphore(%arg9 : memref<!tpu.dma_semaphore, #tpu.memory_space<semaphore_mem>>)
    %dma_start3A_2590 = arith.constant 1 : i32
    %dma_start3A_2591 = arith.constant 1 : i32
    %dma_start3A_2592 = arith.constant 0 : i32
    %dma_start3A_2593 = arith.constant 0 : i32
    %dma_start3A_2594 = tpu.memref_slice %arg8[%dma_start3A_2591, %dma_start3A_2592, %dma_start3A_2593] : memref<4x128x64xf32, #tpu.memory_space<vmem>> -> memref<1x128x64xf32, #tpu.memory_space<vmem>>
    %dma_start3A_2595 = tpu.memref_squeeze %dma_start3A_2594 : memref<1x128x64xf32, #tpu.memory_space<vmem>> -> memref<128x64xf32, #tpu.memory_space<vmem>>
    %dma_start3A_2596 = arith.constant 0 : i32
    %dma_start3A_2597 = tpu.memref_slice %arg6[%dma_start3A_2590, %dma_start3A_2596] : memref<26x128xi32, #tpu.memory_space<vmem>> -> memref<1x128xi32, #tpu.memory_space<vmem>>
    %dma_start3A_2598 = tpu.memref_squeeze %dma_start3A_2597 : memref<1x128xi32, #tpu.memory_space<vmem>> -> memref<128xi32, #tpu.memory_space<vmem>>
    %dma_start3A_2599 = arith.constant 0 : i32
    %dma_start3A_2600 = arith.constant 0 : i32
    %dma_start3A_2601 = tpu.memref_slice %arg3[%dma_start3A_2599, %dma_start3A_2600] : memref<2600000x64xf32, #tpu.memory_space<hbm>> -> memref<2600000x64xf32, #tpu.memory_space<hbm>>
    tpu.enqueue_indirect_dma source(%dma_start3A_2601 : memref<2600000x64xf32, #tpu.memory_space<hbm>>) target(%dma_start3A_2595 : memref<128x64xf32, #tpu.memory_space<vmem>>) offsets(%dma_start3A_2598 : memref<128xi32, #tpu.memory_space<vmem>>) semaphore(%arg10 : memref<!tpu.dma_semaphore, #tpu.memory_space<semaphore_mem>>)
    %dma_start3A_2602 = arith.constant 2 : i32
    %dma_start3A_2603 = arith.constant 2 : i32
    %dma_start3A_2604 = arith.constant 0 : i32
    %dma_start3A_2605 = arith.constant 0 : i32
    %dma_start3A_2606 = tpu.memref_slice %arg8[%dma_start3A_2603, %dma_start3A_2604, %dma_start3A_2605] : memref<4x128x64xf32, #tpu.memory_space<vmem>> -> memref<1x128x64xf32, #tpu.memory_space<vmem>>
    %dma_start3A_2607 = tpu.memref_squeeze %dma_start3A_2606 : memref<1x128x64xf32, #tpu.memory_space<vmem>> -> memref<128x64xf32, #tpu.memory_space<vmem>>
    %dma_start3A_2608 = arith.constant 0 : i32
    %dma_start3A_2609 = tpu.memref_slice %arg6[%dma_start3A_2602, %dma_start3A_2608] : memref<26x128xi32, #tpu.memory_space<vmem>> -> memref<1x128xi32, #tpu.memory_space<vmem>>
    %dma_start3A_2610 = tpu.memref_squeeze %dma_start3A_2609 : memref<1x128xi32, #tpu.memory_space<vmem>> -> memref<128xi32, #tpu.memory_space<vmem>>
    %dma_start3A_2611 = arith.constant 0 : i32
    %dma_start3A_2612 = arith.constant 0 : i32
    %dma_start3A_2613 = tpu.memref_slice %arg3[%dma_start3A_2611, %dma_start3A_2612] : memref<2600000x64xf32, #tpu.memory_space<hbm>> -> memref<2600000x64xf32, #tpu.memory_space<hbm>>
    tpu.enqueue_indirect_dma source(%dma_start3A_2613 : memref<2600000x64xf32, #tpu.memory_space<hbm>>) target(%dma_start3A_2607 : memref<128x64xf32, #tpu.memory_space<vmem>>) offsets(%dma_start3A_2610 : memref<128xi32, #tpu.memory_space<vmem>>) semaphore(%arg11 : memref<!tpu.dma_semaphore, #tpu.memory_space<semaphore_mem>>)
    %dma_start3A_2614 = arith.constant 3 : i32
    %dma_start3A_2615 = arith.constant 3 : i32
    %dma_start3A_2616 = arith.constant 0 : i32
    %dma_start3A_2617 = arith.constant 0 : i32
    %dma_start3A_2618 = tpu.memref_slice %arg8[%dma_start3A_2615, %dma_start3A_2616, %dma_start3A_2617] : memref<4x128x64xf32, #tpu.memory_space<vmem>> -> memref<1x128x64xf32, #tpu.memory_space<vmem>>
    %dma_start3A_2619 = tpu.memref_squeeze %dma_start3A_2618 : memref<1x128x64xf32, #tpu.memory_space<vmem>> -> memref<128x64xf32, #tpu.memory_space<vmem>>
    %dma_start3A_2620 = arith.constant 0 : i32
    %dma_start3A_2621 = tpu.memref_slice %arg6[%dma_start3A_2614, %dma_start3A_2620] : memref<26x128xi32, #tpu.memory_space<vmem>> -> memref<1x128xi32, #tpu.memory_space<vmem>>
    %dma_start3A_2622 = tpu.memref_squeeze %dma_start3A_2621 : memref<1x128xi32, #tpu.memory_space<vmem>> -> memref<128xi32, #tpu.memory_space<vmem>>
    %dma_start3A_2623 = arith.constant 0 : i32
    %dma_start3A_2624 = arith.constant 0 : i32
    %dma_start3A_2625 = tpu.memref_slice %arg3[%dma_start3A_2623, %dma_start3A_2624] : memref<2600000x64xf32, #tpu.memory_space<hbm>> -> memref<2600000x64xf32, #tpu.memory_space<hbm>>
    tpu.enqueue_indirect_dma source(%dma_start3A_2625 : memref<2600000x64xf32, #tpu.memory_space<hbm>>) target(%dma_start3A_2619 : memref<128x64xf32, #tpu.memory_space<vmem>>) offsets(%dma_start3A_2622 : memref<128xi32, #tpu.memory_space<vmem>>) semaphore(%arg12 : memref<!tpu.dma_semaphore, #tpu.memory_space<semaphore_mem>>)
    %dma_wait3A = arith.constant 0 : i32
    %dma_wait3A_2626 = arith.constant 0 : i32
    %dma_wait3A_2627 = arith.constant 0 : i32
    %dma_wait3A_2628 = arith.constant 0 : i32
    %dma_wait3A_2629 = tpu.memref_slice %arg8[%dma_wait3A_2626, %dma_wait3A_2627, %dma_wait3A_2628] : memref<4x128x64xf32, #tpu.memory_space<vmem>> -> memref<1x128x64xf32, #tpu.memory_space<vmem>>
    %dma_wait3A_2630 = tpu.memref_squeeze %dma_wait3A_2629 : memref<1x128x64xf32, #tpu.memory_space<vmem>> -> memref<128x64xf32, #tpu.memory_space<vmem>>
    %dma_wait3A_2631 = arith.constant 0 : i32
    %dma_wait3A_2632 = tpu.memref_slice %arg6[%dma_wait3A, %dma_wait3A_2631] : memref<26x128xi32, #tpu.memory_space<vmem>> -> memref<1x128xi32, #tpu.memory_space<vmem>>
    %dma_wait3A_2633 = tpu.memref_squeeze %dma_wait3A_2632 : memref<1x128xi32, #tpu.memory_space<vmem>> -> memref<128xi32, #tpu.memory_space<vmem>>
    %dma_wait3A_2634 = arith.constant 0 : i32
    %dma_wait3A_2635 = arith.constant 0 : i32
    %dma_wait3A_2636 = tpu.memref_slice %arg3[%dma_wait3A_2634, %dma_wait3A_2635] : memref<2600000x64xf32, #tpu.memory_space<hbm>> -> memref<2600000x64xf32, #tpu.memory_space<hbm>>
    tpu.wait_indirect_dma semaphore(%arg9 : memref<!tpu.dma_semaphore, #tpu.memory_space<semaphore_mem>>) src(%dma_wait3A_2636 : memref<2600000x64xf32, #tpu.memory_space<hbm>>) dst(%dma_wait3A_2630 : memref<128x64xf32, #tpu.memory_space<vmem>>)
    %dma_start3A_2637 = arith.constant 0 : i32
    %dma_start3A_2638 = arith.constant 0 : i32
    %dma_start3A_2639 = arith.constant 0 : i32
    %dma_start3A_2640 = tpu.memref_slice %arg8[%dma_start3A_2637, %dma_start3A_2638, %dma_start3A_2639] : memref<4x128x64xf32, #tpu.memory_space<vmem>> -> memref<1x128x64xf32, #tpu.memory_space<vmem>>
    %dma_start3A_2641 = tpu.memref_squeeze %dma_start3A_2640 : memref<1x128x64xf32, #tpu.memory_space<vmem>> -> memref<128x64xf32, #tpu.memory_space<vmem>>
    %dma_start3A_2642 = arith.constant 0 : i32
    %dma_start3A_2643 = tpu.memref_slice %arg5[%mul3A_2, %dma_start3A_2642] : memref<4096x1664xf32, #tpu.memory_space<hbm>> -> memref<128x64xf32, #tpu.memory_space<hbm>>
    %dma_start3A_2644 = arith.constant 0 : i32
    %dma_start3A_2645 = tpu.memref_slice %arg5[%mul3A_2, %dma_start3A_2644] : memref<4096x1664xf32, #tpu.memory_space<hbm>> -> memref<128x64xf32, #tpu.memory_space<hbm>>
    %dma_start3A_2646 = arith.constant 0 : i32
    %dma_start3A_2647 = arith.constant 0 : i32
    %dma_start3A_2648 = tpu.memref_slice %arg8[%dma_start3A_2637, %dma_start3A_2646, %dma_start3A_2647] : memref<4x128x64xf32, #tpu.memory_space<vmem>> -> memref<1x128x64xf32, #tpu.memory_space<vmem>>
    %dma_start3A_2649 = tpu.memref_squeeze %dma_start3A_2648 : memref<1x128x64xf32, #tpu.memory_space<vmem>> -> memref<128x64xf32, #tpu.memory_space<vmem>>
    tpu.enqueue_dma source(%dma_start3A_2649 : memref<128x64xf32, #tpu.memory_space<vmem>>) target(%dma_start3A_2645 : memref<128x64xf32, #tpu.memory_space<hbm>>) target_semaphore(%arg13 : memref<!tpu.dma_semaphore, #tpu.memory_space<semaphore_mem>>)
    %dma_wait3A_2650 = arith.constant 0 : i32
    %dma_wait3A_2651 = arith.constant 0 : i32
    %dma_wait3A_2652 = arith.constant 0 : i32
    %dma_wait3A_2653 = tpu.memref_slice %arg8[%dma_wait3A_2650, %dma_wait3A_2651, %dma_wait3A_2652] : memref<4x128x64xf32, #tpu.memory_space<vmem>> -> memref<1x128x64xf32, #tpu.memory_space<vmem>>
    %dma_wait3A_2654 = tpu.memref_squeeze %dma_wait3A_2653 : memref<1x128x64xf32, #tpu.memory_space<vmem>> -> memref<128x64xf32, #tpu.memory_space<vmem>>
    %dma_wait3A_2655 = arith.constant 0 : i32
    %dma_wait3A_2656 = tpu.memref_slice %arg5[%mul3A_2, %dma_wait3A_2655] : memref<4096x1664xf32, #tpu.memory_space<hbm>> -> memref<128x64xf32, #tpu.memory_space<hbm>>
    %dma_wait3A_2657 = arith.constant 0 : i32
    %dma_wait3A_2658 = tpu.memref_slice %arg5[%mul3A_2, %dma_wait3A_2657] : memref<4096x1664xf32, #tpu.memory_space<hbm>> -> memref<128x64xf32, #tpu.memory_space<hbm>>
    %dma_wait3A_2659 = arith.constant 0 : i32
    %dma_wait3A_2660 = arith.constant 0 : i32
    %dma_wait3A_2661 = tpu.memref_slice %arg8[%dma_wait3A_2650, %dma_wait3A_2659, %dma_wait3A_2660] : memref<4x128x64xf32, #tpu.memory_space<vmem>> -> memref<1x128x64xf32, #tpu.memory_space<vmem>>
    %dma_wait3A_2662 = tpu.memref_squeeze %dma_wait3A_2661 : memref<1x128x64xf32, #tpu.memory_space<vmem>> -> memref<128x64xf32, #tpu.memory_space<vmem>>
    tpu.wait_dma2 semaphore(%arg13 : memref<!tpu.dma_semaphore, #tpu.memory_space<semaphore_mem>>) src(%dma_wait3A_2662 : memref<128x64xf32, #tpu.memory_space<vmem>>) dst(%dma_wait3A_2658 : memref<128x64xf32, #tpu.memory_space<hbm>>)
    %dma_start3A_2663 = arith.constant 4 : i32
    %dma_start3A_2664 = arith.constant 0 : i32
    %dma_start3A_2665 = arith.constant 0 : i32
    %dma_start3A_2666 = arith.constant 0 : i32
    %dma_start3A_2667 = tpu.memref_slice %arg8[%dma_start3A_2664, %dma_start3A_2665, %dma_start3A_2666] : memref<4x128x64xf32, #tpu.memory_space<vmem>> -> memref<1x128x64xf32, #tpu.memory_space<vmem>>
    %dma_start3A_2668 = tpu.memref_squeeze %dma_start3A_2667 : memref<1x128x64xf32, #tpu.memory_space<vmem>> -> memref<128x64xf32, #tpu.memory_space<vmem>>
    %dma_start3A_2669 = arith.constant 0 : i32
    %dma_start3A_2670 = tpu.memref_slice %arg6[%dma_start3A_2663, %dma_start3A_2669] : memref<26x128xi32, #tpu.memory_space<vmem>> -> memref<1x128xi32, #tpu.memory_space<vmem>>
    %dma_start3A_2671 = tpu.memref_squeeze %dma_start3A_2670 : memref<1x128xi32, #tpu.memory_space<vmem>> -> memref<128xi32, #tpu.memory_space<vmem>>
    %dma_start3A_2672 = arith.constant 0 : i32
    %dma_start3A_2673 = arith.constant 0 : i32
    %dma_start3A_2674 = tpu.memref_slice %arg3[%dma_start3A_2672, %dma_start3A_2673] : memref<2600000x64xf32, #tpu.memory_space<hbm>> -> memref<2600000x64xf32, #tpu.memory_space<hbm>>
    tpu.enqueue_indirect_dma source(%dma_start3A_2674 : memref<2600000x64xf32, #tpu.memory_space<hbm>>) target(%dma_start3A_2668 : memref<128x64xf32, #tpu.memory_space<vmem>>) offsets(%dma_start3A_2671 : memref<128xi32, #tpu.memory_space<vmem>>) semaphore(%arg9 : memref<!tpu.dma_semaphore, #tpu.memory_space<semaphore_mem>>)
    %dma_wait3A_2675 = arith.constant 1 : i32
    %dma_wait3A_2676 = arith.constant 1 : i32
    %dma_wait3A_2677 = arith.constant 0 : i32
    %dma_wait3A_2678 = arith.constant 0 : i32
    %dma_wait3A_2679 = tpu.memref_slice %arg8[%dma_wait3A_2676, %dma_wait3A_2677, %dma_wait3A_2678] : memref<4x128x64xf32, #tpu.memory_space<vmem>> -> memref<1x128x64xf32, #tpu.memory_space<vmem>>
    %dma_wait3A_2680 = tpu.memref_squeeze %dma_wait3A_2679 : memref<1x128x64xf32, #tpu.memory_space<vmem>> -> memref<128x64xf32, #tpu.memory_space<vmem>>
    %dma_wait3A_2681 = arith.constant 0 : i32
    %dma_wait3A_2682 = tpu.memref_slice %arg6[%dma_wait3A_2675, %dma_wait3A_2681] : memref<26x128xi32, #tpu.memory_space<vmem>> -> memref<1x128xi32, #tpu.memory_space<vmem>>
    %dma_wait3A_2683 = tpu.memref_squeeze %dma_wait3A_2682 : memref<1x128xi32, #tpu.memory_space<vmem>> -> memref<128xi32, #tpu.memory_space<vmem>>
    %dma_wait3A_2684 = arith.constant 0 : i32
    %dma_wait3A_2685 = arith.constant 0 : i32
    %dma_wait3A_2686 = tpu.memref_slice %arg3[%dma_wait3A_2684, %dma_wait3A_2685] : memref<2600000x64xf32, #tpu.memory_space<hbm>> -> memref<2600000x64xf32, #tpu.memory_space<hbm>>
    tpu.wait_indirect_dma semaphore(%arg10 : memref<!tpu.dma_semaphore, #tpu.memory_space<semaphore_mem>>) src(%dma_wait3A_2686 : memref<2600000x64xf32, #tpu.memory_space<hbm>>) dst(%dma_wait3A_2680 : memref<128x64xf32, #tpu.memory_space<vmem>>)
    %dma_start3A_2687 = arith.constant 1 : i32
    %dma_start3A_2688 = arith.constant 0 : i32
    %dma_start3A_2689 = arith.constant 0 : i32
    %dma_start3A_2690 = tpu.memref_slice %arg8[%dma_start3A_2687, %dma_start3A_2688, %dma_start3A_2689] : memref<4x128x64xf32, #tpu.memory_space<vmem>> -> memref<1x128x64xf32, #tpu.memory_space<vmem>>
    %dma_start3A_2691 = tpu.memref_squeeze %dma_start3A_2690 : memref<1x128x64xf32, #tpu.memory_space<vmem>> -> memref<128x64xf32, #tpu.memory_space<vmem>>
    %dma_start3A_2692 = arith.constant 64 : i32
    %dma_start3A_2693 = tpu.memref_slice %arg5[%mul3A_2, %dma_start3A_2692] : memref<4096x1664xf32, #tpu.memory_space<hbm>> -> memref<128x64xf32, #tpu.memory_space<hbm>>
    %dma_start3A_2694 = arith.constant 64 : i32
    %dma_start3A_2695 = tpu.memref_slice %arg5[%mul3A_2, %dma_start3A_2694] : memref<4096x1664xf32, #tpu.memory_space<hbm>> -> memref<128x64xf32, #tpu.memory_space<hbm>>
    %dma_start3A_2696 = arith.constant 0 : i32
    %dma_start3A_2697 = arith.constant 0 : i32
    %dma_start3A_2698 = tpu.memref_slice %arg8[%dma_start3A_2687, %dma_start3A_2696, %dma_start3A_2697] : memref<4x128x64xf32, #tpu.memory_space<vmem>> -> memref<1x128x64xf32, #tpu.memory_space<vmem>>
    %dma_start3A_2699 = tpu.memref_squeeze %dma_start3A_2698 : memref<1x128x64xf32, #tpu.memory_space<vmem>> -> memref<128x64xf32, #tpu.memory_space<vmem>>
    tpu.enqueue_dma source(%dma_start3A_2699 : memref<128x64xf32, #tpu.memory_space<vmem>>) target(%dma_start3A_2695 : memref<128x64xf32, #tpu.memory_space<hbm>>) target_semaphore(%arg14 : memref<!tpu.dma_semaphore, #tpu.memory_space<semaphore_mem>>)
    %dma_wait3A_2700 = arith.constant 1 : i32
    %dma_wait3A_2701 = arith.constant 0 : i32
    %dma_wait3A_2702 = arith.constant 0 : i32
    %dma_wait3A_2703 = tpu.memref_slice %arg8[%dma_wait3A_2700, %dma_wait3A_2701, %dma_wait3A_2702] : memref<4x128x64xf32, #tpu.memory_space<vmem>> -> memref<1x128x64xf32, #tpu.memory_space<vmem>>
    %dma_wait3A_2704 = tpu.memref_squeeze %dma_wait3A_2703 : memref<1x128x64xf32, #tpu.memory_space<vmem>> -> memref<128x64xf32, #tpu.memory_space<vmem>>
    %dma_wait3A_2705 = arith.constant 64 : i32
    %dma_wait3A_2706 = tpu.memref_slice %arg5[%mul3A_2, %dma_wait3A_2705] : memref<4096x1664xf32, #tpu.memory_space<hbm>> -> memref<128x64xf32, #tpu.memory_space<hbm>>
    %dma_wait3A_2707 = arith.constant 64 : i32
    %dma_wait3A_2708 = tpu.memref_slice %arg5[%mul3A_2, %dma_wait3A_2707] : memref<4096x1664xf32, #tpu.memory_space<hbm>> -> memref<128x64xf32, #tpu.memory_space<hbm>>
    %dma_wait3A_2709 = arith.constant 0 : i32
    %dma_wait3A_2710 = arith.constant 0 : i32
    %dma_wait3A_2711 = tpu.memref_slice %arg8[%dma_wait3A_2700, %dma_wait3A_2709, %dma_wait3A_2710] : memref<4x128x64xf32, #tpu.memory_space<vmem>> -> memref<1x128x64xf32, #tpu.memory_space<vmem>>
    %dma_wait3A_2712 = tpu.memref_squeeze %dma_wait3A_2711 : memref<1x128x64xf32, #tpu.memory_space<vmem>> -> memref<128x64xf32, #tpu.memory_space<vmem>>
    tpu.wait_dma2 semaphore(%arg14 : memref<!tpu.dma_semaphore, #tpu.memory_space<semaphore_mem>>) src(%dma_wait3A_2712 : memref<128x64xf32, #tpu.memory_space<vmem>>) dst(%dma_wait3A_2708 : memref<128x64xf32, #tpu.memory_space<hbm>>)
    %dma_start3A_2713 = arith.constant 5 : i32
    %dma_start3A_2714 = arith.constant 1 : i32
    %dma_start3A_2715 = arith.constant 0 : i32
    %dma_start3A_2716 = arith.constant 0 : i32
    %dma_start3A_2717 = tpu.memref_slice %arg8[%dma_start3A_2714, %dma_start3A_2715, %dma_start3A_2716] : memref<4x128x64xf32, #tpu.memory_space<vmem>> -> memref<1x128x64xf32, #tpu.memory_space<vmem>>
    %dma_start3A_2718 = tpu.memref_squeeze %dma_start3A_2717 : memref<1x128x64xf32, #tpu.memory_space<vmem>> -> memref<128x64xf32, #tpu.memory_space<vmem>>
    %dma_start3A_2719 = arith.constant 0 : i32
    %dma_start3A_2720 = tpu.memref_slice %arg6[%dma_start3A_2713, %dma_start3A_2719] : memref<26x128xi32, #tpu.memory_space<vmem>> -> memref<1x128xi32, #tpu.memory_space<vmem>>
    %dma_start3A_2721 = tpu.memref_squeeze %dma_start3A_2720 : memref<1x128xi32, #tpu.memory_space<vmem>> -> memref<128xi32, #tpu.memory_space<vmem>>
    %dma_start3A_2722 = arith.constant 0 : i32
    %dma_start3A_2723 = arith.constant 0 : i32
    %dma_start3A_2724 = tpu.memref_slice %arg3[%dma_start3A_2722, %dma_start3A_2723] : memref<2600000x64xf32, #tpu.memory_space<hbm>> -> memref<2600000x64xf32, #tpu.memory_space<hbm>>
    tpu.enqueue_indirect_dma source(%dma_start3A_2724 : memref<2600000x64xf32, #tpu.memory_space<hbm>>) target(%dma_start3A_2718 : memref<128x64xf32, #tpu.memory_space<vmem>>) offsets(%dma_start3A_2721 : memref<128xi32, #tpu.memory_space<vmem>>) semaphore(%arg10 : memref<!tpu.dma_semaphore, #tpu.memory_space<semaphore_mem>>)
    %dma_wait3A_2725 = arith.constant 2 : i32
    %dma_wait3A_2726 = arith.constant 2 : i32
    %dma_wait3A_2727 = arith.constant 0 : i32
    %dma_wait3A_2728 = arith.constant 0 : i32
    %dma_wait3A_2729 = tpu.memref_slice %arg8[%dma_wait3A_2726, %dma_wait3A_2727, %dma_wait3A_2728] : memref<4x128x64xf32, #tpu.memory_space<vmem>> -> memref<1x128x64xf32, #tpu.memory_space<vmem>>
    %dma_wait3A_2730 = tpu.memref_squeeze %dma_wait3A_2729 : memref<1x128x64xf32, #tpu.memory_space<vmem>> -> memref<128x64xf32, #tpu.memory_space<vmem>>
    %dma_wait3A_2731 = arith.constant 0 : i32
    %dma_wait3A_2732 = tpu.memref_slice %arg6[%dma_wait3A_2725, %dma_wait3A_2731] : memref<26x128xi32, #tpu.memory_space<vmem>> -> memref<1x128xi32, #tpu.memory_space<vmem>>
    %dma_wait3A_2733 = tpu.memref_squeeze %dma_wait3A_2732 : memref<1x128xi32, #tpu.memory_space<vmem>> -> memref<128xi32, #tpu.memory_space<vmem>>
    %dma_wait3A_2734 = arith.constant 0 : i32
    %dma_wait3A_2735 = arith.constant 0 : i32
    %dma_wait3A_2736 = tpu.memref_slice %arg3[%dma_wait3A_2734, %dma_wait3A_2735] : memref<2600000x64xf32, #tpu.memory_space<hbm>> -> memref<2600000x64xf32, #tpu.memory_space<hbm>>
    tpu.wait_indirect_dma semaphore(%arg11 : memref<!tpu.dma_semaphore, #tpu.memory_space<semaphore_mem>>) src(%dma_wait3A_2736 : memref<2600000x64xf32, #tpu.memory_space<hbm>>) dst(%dma_wait3A_2730 : memref<128x64xf32, #tpu.memory_space<vmem>>)
    %dma_start3A_2737 = arith.constant 2 : i32
    %dma_start3A_2738 = arith.constant 0 : i32
    %dma_start3A_2739 = arith.constant 0 : i32
    %dma_start3A_2740 = tpu.memref_slice %arg8[%dma_start3A_2737, %dma_start3A_2738, %dma_start3A_2739] : memref<4x128x64xf32, #tpu.memory_space<vmem>> -> memref<1x128x64xf32, #tpu.memory_space<vmem>>
    %dma_start3A_2741 = tpu.memref_squeeze %dma_start3A_2740 : memref<1x128x64xf32, #tpu.memory_space<vmem>> -> memref<128x64xf32, #tpu.memory_space<vmem>>
    %dma_start3A_2742 = arith.constant 128 : i32
    %dma_start3A_2743 = tpu.memref_slice %arg5[%mul3A_2, %dma_start3A_2742] : memref<4096x1664xf32, #tpu.memory_space<hbm>> -> memref<128x64xf32, #tpu.memory_space<hbm>>
    %dma_start3A_2744 = arith.constant 128 : i32
    %dma_start3A_2745 = tpu.memref_slice %arg5[%mul3A_2, %dma_start3A_2744] : memref<4096x1664xf32, #tpu.memory_space<hbm>> -> memref<128x64xf32, #tpu.memory_space<hbm>>
    %dma_start3A_2746 = arith.constant 0 : i32
    %dma_start3A_2747 = arith.constant 0 : i32
    %dma_start3A_2748 = tpu.memref_slice %arg8[%dma_start3A_2737, %dma_start3A_2746, %dma_start3A_2747] : memref<4x128x64xf32, #tpu.memory_space<vmem>> -> memref<1x128x64xf32, #tpu.memory_space<vmem>>
    %dma_start3A_2749 = tpu.memref_squeeze %dma_start3A_2748 : memref<1x128x64xf32, #tpu.memory_space<vmem>> -> memref<128x64xf32, #tpu.memory_space<vmem>>
    tpu.enqueue_dma source(%dma_start3A_2749 : memref<128x64xf32, #tpu.memory_space<vmem>>) target(%dma_start3A_2745 : memref<128x64xf32, #tpu.memory_space<hbm>>) target_semaphore(%arg15 : memref<!tpu.dma_semaphore, #tpu.memory_space<semaphore_mem>>)
    %dma_wait3A_2750 = arith.constant 2 : i32
    %dma_wait3A_2751 = arith.constant 0 : i32
    %dma_wait3A_2752 = arith.constant 0 : i32
    %dma_wait3A_2753 = tpu.memref_slice %arg8[%dma_wait3A_2750, %dma_wait3A_2751, %dma_wait3A_2752] : memref<4x128x64xf32, #tpu.memory_space<vmem>> -> memref<1x128x64xf32, #tpu.memory_space<vmem>>
    %dma_wait3A_2754 = tpu.memref_squeeze %dma_wait3A_2753 : memref<1x128x64xf32, #tpu.memory_space<vmem>> -> memref<128x64xf32, #tpu.memory_space<vmem>>
    %dma_wait3A_2755 = arith.constant 128 : i32
    %dma_wait3A_2756 = tpu.memref_slice %arg5[%mul3A_2, %dma_wait3A_2755] : memref<4096x1664xf32, #tpu.memory_space<hbm>> -> memref<128x64xf32, #tpu.memory_space<hbm>>
    %dma_wait3A_2757 = arith.constant 128 : i32
    %dma_wait3A_2758 = tpu.memref_slice %arg5[%mul3A_2, %dma_wait3A_2757] : memref<4096x1664xf32, #tpu.memory_space<hbm>> -> memref<128x64xf32, #tpu.memory_space<hbm>>
    %dma_wait3A_2759 = arith.constant 0 : i32
    %dma_wait3A_2760 = arith.constant 0 : i32
    %dma_wait3A_2761 = tpu.memref_slice %arg8[%dma_wait3A_2750, %dma_wait3A_2759, %dma_wait3A_2760] : memref<4x128x64xf32, #tpu.memory_space<vmem>> -> memref<1x128x64xf32, #tpu.memory_space<vmem>>
    %dma_wait3A_2762 = tpu.memref_squeeze %dma_wait3A_2761 : memref<1x128x64xf32, #tpu.memory_space<vmem>> -> memref<128x64xf32, #tpu.memory_space<vmem>>
    tpu.wait_dma2 semaphore(%arg15 : memref<!tpu.dma_semaphore, #tpu.memory_space<semaphore_mem>>) src(%dma_wait3A_2762 : memref<128x64xf32, #tpu.memory_space<vmem>>) dst(%dma_wait3A_2758 : memref<128x64xf32, #tpu.memory_space<hbm>>)
    %dma_start3A_2763 = arith.constant 6 : i32
    %dma_start3A_2764 = arith.constant 2 : i32
    %dma_start3A_2765 = arith.constant 0 : i32
    %dma_start3A_2766 = arith.constant 0 : i32
    %dma_start3A_2767 = tpu.memref_slice %arg8[%dma_start3A_2764, %dma_start3A_2765, %dma_start3A_2766] : memref<4x128x64xf32, #tpu.memory_space<vmem>> -> memref<1x128x64xf32, #tpu.memory_space<vmem>>
    %dma_start3A_2768 = tpu.memref_squeeze %dma_start3A_2767 : memref<1x128x64xf32, #tpu.memory_space<vmem>> -> memref<128x64xf32, #tpu.memory_space<vmem>>
    %dma_start3A_2769 = arith.constant 0 : i32
    %dma_start3A_2770 = tpu.memref_slice %arg6[%dma_start3A_2763, %dma_start3A_2769] : memref<26x128xi32, #tpu.memory_space<vmem>> -> memref<1x128xi32, #tpu.memory_space<vmem>>
    %dma_start3A_2771 = tpu.memref_squeeze %dma_start3A_2770 : memref<1x128xi32, #tpu.memory_space<vmem>> -> memref<128xi32, #tpu.memory_space<vmem>>
    %dma_start3A_2772 = arith.constant 0 : i32
    %dma_start3A_2773 = arith.constant 0 : i32
    %dma_start3A_2774 = tpu.memref_slice %arg3[%dma_start3A_2772, %dma_start3A_2773] : memref<2600000x64xf32, #tpu.memory_space<hbm>> -> memref<2600000x64xf32, #tpu.memory_space<hbm>>
    tpu.enqueue_indirect_dma source(%dma_start3A_2774 : memref<2600000x64xf32, #tpu.memory_space<hbm>>) target(%dma_start3A_2768 : memref<128x64xf32, #tpu.memory_space<vmem>>) offsets(%dma_start3A_2771 : memref<128xi32, #tpu.memory_space<vmem>>) semaphore(%arg11 : memref<!tpu.dma_semaphore, #tpu.memory_space<semaphore_mem>>)
    %dma_wait3A_2775 = arith.constant 3 : i32
    %dma_wait3A_2776 = arith.constant 3 : i32
    %dma_wait3A_2777 = arith.constant 0 : i32
    %dma_wait3A_2778 = arith.constant 0 : i32
    %dma_wait3A_2779 = tpu.memref_slice %arg8[%dma_wait3A_2776, %dma_wait3A_2777, %dma_wait3A_2778] : memref<4x128x64xf32, #tpu.memory_space<vmem>> -> memref<1x128x64xf32, #tpu.memory_space<vmem>>
    %dma_wait3A_2780 = tpu.memref_squeeze %dma_wait3A_2779 : memref<1x128x64xf32, #tpu.memory_space<vmem>> -> memref<128x64xf32, #tpu.memory_space<vmem>>
    %dma_wait3A_2781 = arith.constant 0 : i32
    %dma_wait3A_2782 = tpu.memref_slice %arg6[%dma_wait3A_2775, %dma_wait3A_2781] : memref<26x128xi32, #tpu.memory_space<vmem>> -> memref<1x128xi32, #tpu.memory_space<vmem>>
    %dma_wait3A_2783 = tpu.memref_squeeze %dma_wait3A_2782 : memref<1x128xi32, #tpu.memory_space<vmem>> -> memref<128xi32, #tpu.memory_space<vmem>>
    %dma_wait3A_2784 = arith.constant 0 : i32
    %dma_wait3A_2785 = arith.constant 0 : i32
    %dma_wait3A_2786 = tpu.memref_slice %arg3[%dma_wait3A_2784, %dma_wait3A_2785] : memref<2600000x64xf32, #tpu.memory_space<hbm>> -> memref<2600000x64xf32, #tpu.memory_space<hbm>>
    tpu.wait_indirect_dma semaphore(%arg12 : memref<!tpu.dma_semaphore, #tpu.memory_space<semaphore_mem>>) src(%dma_wait3A_2786 : memref<2600000x64xf32, #tpu.memory_space<hbm>>) dst(%dma_wait3A_2780 : memref<128x64xf32, #tpu.memory_space<vmem>>)
    %dma_start3A_2787 = arith.constant 3 : i32
    %dma_start3A_2788 = arith.constant 0 : i32
    %dma_start3A_2789 = arith.constant 0 : i32
    %dma_start3A_2790 = tpu.memref_slice %arg8[%dma_start3A_2787, %dma_start3A_2788, %dma_start3A_2789] : memref<4x128x64xf32, #tpu.memory_space<vmem>> -> memref<1x128x64xf32, #tpu.memory_space<vmem>>
    %dma_start3A_2791 = tpu.memref_squeeze %dma_start3A_2790 : memref<1x128x64xf32, #tpu.memory_space<vmem>> -> memref<128x64xf32, #tpu.memory_space<vmem>>
    %dma_start3A_2792 = arith.constant 192 : i32
    %dma_start3A_2793 = tpu.memref_slice %arg5[%mul3A_2, %dma_start3A_2792] : memref<4096x1664xf32, #tpu.memory_space<hbm>> -> memref<128x64xf32, #tpu.memory_space<hbm>>
    %dma_start3A_2794 = arith.constant 192 : i32
    %dma_start3A_2795 = tpu.memref_slice %arg5[%mul3A_2, %dma_start3A_2794] : memref<4096x1664xf32, #tpu.memory_space<hbm>> -> memref<128x64xf32, #tpu.memory_space<hbm>>
    %dma_start3A_2796 = arith.constant 0 : i32
    %dma_start3A_2797 = arith.constant 0 : i32
    %dma_start3A_2798 = tpu.memref_slice %arg8[%dma_start3A_2787, %dma_start3A_2796, %dma_start3A_2797] : memref<4x128x64xf32, #tpu.memory_space<vmem>> -> memref<1x128x64xf32, #tpu.memory_space<vmem>>
    %dma_start3A_2799 = tpu.memref_squeeze %dma_start3A_2798 : memref<1x128x64xf32, #tpu.memory_space<vmem>> -> memref<128x64xf32, #tpu.memory_space<vmem>>
    tpu.enqueue_dma source(%dma_start3A_2799 : memref<128x64xf32, #tpu.memory_space<vmem>>) target(%dma_start3A_2795 : memref<128x64xf32, #tpu.memory_space<hbm>>) target_semaphore(%arg16 : memref<!tpu.dma_semaphore, #tpu.memory_space<semaphore_mem>>)
    %dma_wait3A_2800 = arith.constant 3 : i32
    %dma_wait3A_2801 = arith.constant 0 : i32
    %dma_wait3A_2802 = arith.constant 0 : i32
    %dma_wait3A_2803 = tpu.memref_slice %arg8[%dma_wait3A_2800, %dma_wait3A_2801, %dma_wait3A_2802] : memref<4x128x64xf32, #tpu.memory_space<vmem>> -> memref<1x128x64xf32, #tpu.memory_space<vmem>>
    %dma_wait3A_2804 = tpu.memref_squeeze %dma_wait3A_2803 : memref<1x128x64xf32, #tpu.memory_space<vmem>> -> memref<128x64xf32, #tpu.memory_space<vmem>>
    %dma_wait3A_2805 = arith.constant 192 : i32
    %dma_wait3A_2806 = tpu.memref_slice %arg5[%mul3A_2, %dma_wait3A_2805] : memref<4096x1664xf32, #tpu.memory_space<hbm>> -> memref<128x64xf32, #tpu.memory_space<hbm>>
    %dma_wait3A_2807 = arith.constant 192 : i32
    %dma_wait3A_2808 = tpu.memref_slice %arg5[%mul3A_2, %dma_wait3A_2807] : memref<4096x1664xf32, #tpu.memory_space<hbm>> -> memref<128x64xf32, #tpu.memory_space<hbm>>
    %dma_wait3A_2809 = arith.constant 0 : i32
    %dma_wait3A_2810 = arith.constant 0 : i32
    %dma_wait3A_2811 = tpu.memref_slice %arg8[%dma_wait3A_2800, %dma_wait3A_2809, %dma_wait3A_2810] : memref<4x128x64xf32, #tpu.memory_space<vmem>> -> memref<1x128x64xf32, #tpu.memory_space<vmem>>
    %dma_wait3A_2812 = tpu.memref_squeeze %dma_wait3A_2811 : memref<1x128x64xf32, #tpu.memory_space<vmem>> -> memref<128x64xf32, #tpu.memory_space<vmem>>
    tpu.wait_dma2 semaphore(%arg16 : memref<!tpu.dma_semaphore, #tpu.memory_space<semaphore_mem>>) src(%dma_wait3A_2812 : memref<128x64xf32, #tpu.memory_space<vmem>>) dst(%dma_wait3A_2808 : memref<128x64xf32, #tpu.memory_space<hbm>>)
    %dma_start3A_2813 = arith.constant 7 : i32
    %dma_start3A_2814 = arith.constant 3 : i32
    %dma_start3A_2815 = arith.constant 0 : i32
    %dma_start3A_2816 = arith.constant 0 : i32
    %dma_start3A_2817 = tpu.memref_slice %arg8[%dma_start3A_2814, %dma_start3A_2815, %dma_start3A_2816] : memref<4x128x64xf32, #tpu.memory_space<vmem>> -> memref<1x128x64xf32, #tpu.memory_space<vmem>>
    %dma_start3A_2818 = tpu.memref_squeeze %dma_start3A_2817 : memref<1x128x64xf32, #tpu.memory_space<vmem>> -> memref<128x64xf32, #tpu.memory_space<vmem>>
    %dma_start3A_2819 = arith.constant 0 : i32
    %dma_start3A_2820 = tpu.memref_slice %arg6[%dma_start3A_2813, %dma_start3A_2819] : memref<26x128xi32, #tpu.memory_space<vmem>> -> memref<1x128xi32, #tpu.memory_space<vmem>>
    %dma_start3A_2821 = tpu.memref_squeeze %dma_start3A_2820 : memref<1x128xi32, #tpu.memory_space<vmem>> -> memref<128xi32, #tpu.memory_space<vmem>>
    %dma_start3A_2822 = arith.constant 0 : i32
    %dma_start3A_2823 = arith.constant 0 : i32
    %dma_start3A_2824 = tpu.memref_slice %arg3[%dma_start3A_2822, %dma_start3A_2823] : memref<2600000x64xf32, #tpu.memory_space<hbm>> -> memref<2600000x64xf32, #tpu.memory_space<hbm>>
    tpu.enqueue_indirect_dma source(%dma_start3A_2824 : memref<2600000x64xf32, #tpu.memory_space<hbm>>) target(%dma_start3A_2818 : memref<128x64xf32, #tpu.memory_space<vmem>>) offsets(%dma_start3A_2821 : memref<128xi32, #tpu.memory_space<vmem>>) semaphore(%arg12 : memref<!tpu.dma_semaphore, #tpu.memory_space<semaphore_mem>>)
    %dma_wait3A_2825 = arith.constant 4 : i32
    %dma_wait3A_2826 = arith.constant 0 : i32
    %dma_wait3A_2827 = arith.constant 0 : i32
    %dma_wait3A_2828 = arith.constant 0 : i32
    %dma_wait3A_2829 = tpu.memref_slice %arg8[%dma_wait3A_2826, %dma_wait3A_2827, %dma_wait3A_2828] : memref<4x128x64xf32, #tpu.memory_space<vmem>> -> memref<1x128x64xf32, #tpu.memory_space<vmem>>
    %dma_wait3A_2830 = tpu.memref_squeeze %dma_wait3A_2829 : memref<1x128x64xf32, #tpu.memory_space<vmem>> -> memref<128x64xf32, #tpu.memory_space<vmem>>
    %dma_wait3A_2831 = arith.constant 0 : i32
    %dma_wait3A_2832 = tpu.memref_slice %arg6[%dma_wait3A_2825, %dma_wait3A_2831] : memref<26x128xi32, #tpu.memory_space<vmem>> -> memref<1x128xi32, #tpu.memory_space<vmem>>
    %dma_wait3A_2833 = tpu.memref_squeeze %dma_wait3A_2832 : memref<1x128xi32, #tpu.memory_space<vmem>> -> memref<128xi32, #tpu.memory_space<vmem>>
    %dma_wait3A_2834 = arith.constant 0 : i32
    %dma_wait3A_2835 = arith.constant 0 : i32
    %dma_wait3A_2836 = tpu.memref_slice %arg3[%dma_wait3A_2834, %dma_wait3A_2835] : memref<2600000x64xf32, #tpu.memory_space<hbm>> -> memref<2600000x64xf32, #tpu.memory_space<hbm>>
    tpu.wait_indirect_dma semaphore(%arg9 : memref<!tpu.dma_semaphore, #tpu.memory_space<semaphore_mem>>) src(%dma_wait3A_2836 : memref<2600000x64xf32, #tpu.memory_space<hbm>>) dst(%dma_wait3A_2830 : memref<128x64xf32, #tpu.memory_space<vmem>>)
    %dma_start3A_2837 = arith.constant 0 : i32
    %dma_start3A_2838 = arith.constant 0 : i32
    %dma_start3A_2839 = arith.constant 0 : i32
    %dma_start3A_2840 = tpu.memref_slice %arg8[%dma_start3A_2837, %dma_start3A_2838, %dma_start3A_2839] : memref<4x128x64xf32, #tpu.memory_space<vmem>> -> memref<1x128x64xf32, #tpu.memory_space<vmem>>
    %dma_start3A_2841 = tpu.memref_squeeze %dma_start3A_2840 : memref<1x128x64xf32, #tpu.memory_space<vmem>> -> memref<128x64xf32, #tpu.memory_space<vmem>>
    %dma_start3A_2842 = arith.constant 256 : i32
    %dma_start3A_2843 = tpu.memref_slice %arg5[%mul3A_2, %dma_start3A_2842] : memref<4096x1664xf32, #tpu.memory_space<hbm>> -> memref<128x64xf32, #tpu.memory_space<hbm>>
    %dma_start3A_2844 = arith.constant 256 : i32
    %dma_start3A_2845 = tpu.memref_slice %arg5[%mul3A_2, %dma_start3A_2844] : memref<4096x1664xf32, #tpu.memory_space<hbm>> -> memref<128x64xf32, #tpu.memory_space<hbm>>
    %dma_start3A_2846 = arith.constant 0 : i32
    %dma_start3A_2847 = arith.constant 0 : i32
    %dma_start3A_2848 = tpu.memref_slice %arg8[%dma_start3A_2837, %dma_start3A_2846, %dma_start3A_2847] : memref<4x128x64xf32, #tpu.memory_space<vmem>> -> memref<1x128x64xf32, #tpu.memory_space<vmem>>
    %dma_start3A_2849 = tpu.memref_squeeze %dma_start3A_2848 : memref<1x128x64xf32, #tpu.memory_space<vmem>> -> memref<128x64xf32, #tpu.memory_space<vmem>>
    tpu.enqueue_dma source(%dma_start3A_2849 : memref<128x64xf32, #tpu.memory_space<vmem>>) target(%dma_start3A_2845 : memref<128x64xf32, #tpu.memory_space<hbm>>) target_semaphore(%arg13 : memref<!tpu.dma_semaphore, #tpu.memory_space<semaphore_mem>>)
    %dma_wait3A_2850 = arith.constant 0 : i32
    %dma_wait3A_2851 = arith.constant 0 : i32
    %dma_wait3A_2852 = arith.constant 0 : i32
    %dma_wait3A_2853 = tpu.memref_slice %arg8[%dma_wait3A_2850, %dma_wait3A_2851, %dma_wait3A_2852] : memref<4x128x64xf32, #tpu.memory_space<vmem>> -> memref<1x128x64xf32, #tpu.memory_space<vmem>>
    %dma_wait3A_2854 = tpu.memref_squeeze %dma_wait3A_2853 : memref<1x128x64xf32, #tpu.memory_space<vmem>> -> memref<128x64xf32, #tpu.memory_space<vmem>>
    %dma_wait3A_2855 = arith.constant 256 : i32
    %dma_wait3A_2856 = tpu.memref_slice %arg5[%mul3A_2, %dma_wait3A_2855] : memref<4096x1664xf32, #tpu.memory_space<hbm>> -> memref<128x64xf32, #tpu.memory_space<hbm>>
    %dma_wait3A_2857 = arith.constant 256 : i32
    %dma_wait3A_2858 = tpu.memref_slice %arg5[%mul3A_2, %dma_wait3A_2857] : memref<4096x1664xf32, #tpu.memory_space<hbm>> -> memref<128x64xf32, #tpu.memory_space<hbm>>
    %dma_wait3A_2859 = arith.constant 0 : i32
    %dma_wait3A_2860 = arith.constant 0 : i32
    %dma_wait3A_2861 = tpu.memref_slice %arg8[%dma_wait3A_2850, %dma_wait3A_2859, %dma_wait3A_2860] : memref<4x128x64xf32, #tpu.memory_space<vmem>> -> memref<1x128x64xf32, #tpu.memory_space<vmem>>
    %dma_wait3A_2862 = tpu.memref_squeeze %dma_wait3A_2861 : memref<1x128x64xf32, #tpu.memory_space<vmem>> -> memref<128x64xf32, #tpu.memory_space<vmem>>
    tpu.wait_dma2 semaphore(%arg13 : memref<!tpu.dma_semaphore, #tpu.memory_space<semaphore_mem>>) src(%dma_wait3A_2862 : memref<128x64xf32, #tpu.memory_space<vmem>>) dst(%dma_wait3A_2858 : memref<128x64xf32, #tpu.memory_space<hbm>>)
    %dma_start3A_2863 = arith.constant 8 : i32
    %dma_start3A_2864 = arith.constant 0 : i32
    %dma_start3A_2865 = arith.constant 0 : i32
    %dma_start3A_2866 = arith.constant 0 : i32
    %dma_start3A_2867 = tpu.memref_slice %arg8[%dma_start3A_2864, %dma_start3A_2865, %dma_start3A_2866] : memref<4x128x64xf32, #tpu.memory_space<vmem>> -> memref<1x128x64xf32, #tpu.memory_space<vmem>>
    %dma_start3A_2868 = tpu.memref_squeeze %dma_start3A_2867 : memref<1x128x64xf32, #tpu.memory_space<vmem>> -> memref<128x64xf32, #tpu.memory_space<vmem>>
    %dma_start3A_2869 = arith.constant 0 : i32
    %dma_start3A_2870 = tpu.memref_slice %arg6[%dma_start3A_2863, %dma_start3A_2869] : memref<26x128xi32, #tpu.memory_space<vmem>> -> memref<1x128xi32, #tpu.memory_space<vmem>>
    %dma_start3A_2871 = tpu.memref_squeeze %dma_start3A_2870 : memref<1x128xi32, #tpu.memory_space<vmem>> -> memref<128xi32, #tpu.memory_space<vmem>>
    %dma_start3A_2872 = arith.constant 0 : i32
    %dma_start3A_2873 = arith.constant 0 : i32
    %dma_start3A_2874 = tpu.memref_slice %arg3[%dma_start3A_2872, %dma_start3A_2873] : memref<2600000x64xf32, #tpu.memory_space<hbm>> -> memref<2600000x64xf32, #tpu.memory_space<hbm>>
    tpu.enqueue_indirect_dma source(%dma_start3A_2874 : memref<2600000x64xf32, #tpu.memory_space<hbm>>) target(%dma_start3A_2868 : memref<128x64xf32, #tpu.memory_space<vmem>>) offsets(%dma_start3A_2871 : memref<128xi32, #tpu.memory_space<vmem>>) semaphore(%arg9 : memref<!tpu.dma_semaphore, #tpu.memory_space<semaphore_mem>>)
    %dma_wait3A_2875 = arith.constant 5 : i32
    %dma_wait3A_2876 = arith.constant 1 : i32
    %dma_wait3A_2877 = arith.constant 0 : i32
    %dma_wait3A_2878 = arith.constant 0 : i32
    %dma_wait3A_2879 = tpu.memref_slice %arg8[%dma_wait3A_2876, %dma_wait3A_2877, %dma_wait3A_2878] : memref<4x128x64xf32, #tpu.memory_space<vmem>> -> memref<1x128x64xf32, #tpu.memory_space<vmem>>
    %dma_wait3A_2880 = tpu.memref_squeeze %dma_wait3A_2879 : memref<1x128x64xf32, #tpu.memory_space<vmem>> -> memref<128x64xf32, #tpu.memory_space<vmem>>
    %dma_wait3A_2881 = arith.constant 0 : i32
    %dma_wait3A_2882 = tpu.memref_slice %arg6[%dma_wait3A_2875, %dma_wait3A_2881] : memref<26x128xi32, #tpu.memory_space<vmem>> -> memref<1x128xi32, #tpu.memory_space<vmem>>
    %dma_wait3A_2883 = tpu.memref_squeeze %dma_wait3A_2882 : memref<1x128xi32, #tpu.memory_space<vmem>> -> memref<128xi32, #tpu.memory_space<vmem>>
    %dma_wait3A_2884 = arith.constant 0 : i32
    %dma_wait3A_2885 = arith.constant 0 : i32
    %dma_wait3A_2886 = tpu.memref_slice %arg3[%dma_wait3A_2884, %dma_wait3A_2885] : memref<2600000x64xf32, #tpu.memory_space<hbm>> -> memref<2600000x64xf32, #tpu.memory_space<hbm>>
    tpu.wait_indirect_dma semaphore(%arg10 : memref<!tpu.dma_semaphore, #tpu.memory_space<semaphore_mem>>) src(%dma_wait3A_2886 : memref<2600000x64xf32, #tpu.memory_space<hbm>>) dst(%dma_wait3A_2880 : memref<128x64xf32, #tpu.memory_space<vmem>>)
    %dma_start3A_2887 = arith.constant 1 : i32
    %dma_start3A_2888 = arith.constant 0 : i32
    %dma_start3A_2889 = arith.constant 0 : i32
    %dma_start3A_2890 = tpu.memref_slice %arg8[%dma_start3A_2887, %dma_start3A_2888, %dma_start3A_2889] : memref<4x128x64xf32, #tpu.memory_space<vmem>> -> memref<1x128x64xf32, #tpu.memory_space<vmem>>
    %dma_start3A_2891 = tpu.memref_squeeze %dma_start3A_2890 : memref<1x128x64xf32, #tpu.memory_space<vmem>> -> memref<128x64xf32, #tpu.memory_space<vmem>>
    %dma_start3A_2892 = arith.constant 320 : i32
    %dma_start3A_2893 = tpu.memref_slice %arg5[%mul3A_2, %dma_start3A_2892] : memref<4096x1664xf32, #tpu.memory_space<hbm>> -> memref<128x64xf32, #tpu.memory_space<hbm>>
    %dma_start3A_2894 = arith.constant 320 : i32
    %dma_start3A_2895 = tpu.memref_slice %arg5[%mul3A_2, %dma_start3A_2894] : memref<4096x1664xf32, #tpu.memory_space<hbm>> -> memref<128x64xf32, #tpu.memory_space<hbm>>
    %dma_start3A_2896 = arith.constant 0 : i32
    %dma_start3A_2897 = arith.constant 0 : i32
    %dma_start3A_2898 = tpu.memref_slice %arg8[%dma_start3A_2887, %dma_start3A_2896, %dma_start3A_2897] : memref<4x128x64xf32, #tpu.memory_space<vmem>> -> memref<1x128x64xf32, #tpu.memory_space<vmem>>
    %dma_start3A_2899 = tpu.memref_squeeze %dma_start3A_2898 : memref<1x128x64xf32, #tpu.memory_space<vmem>> -> memref<128x64xf32, #tpu.memory_space<vmem>>
    tpu.enqueue_dma source(%dma_start3A_2899 : memref<128x64xf32, #tpu.memory_space<vmem>>) target(%dma_start3A_2895 : memref<128x64xf32, #tpu.memory_space<hbm>>) target_semaphore(%arg14 : memref<!tpu.dma_semaphore, #tpu.memory_space<semaphore_mem>>)
    %dma_wait3A_2900 = arith.constant 1 : i32
    %dma_wait3A_2901 = arith.constant 0 : i32
    %dma_wait3A_2902 = arith.constant 0 : i32
    %dma_wait3A_2903 = tpu.memref_slice %arg8[%dma_wait3A_2900, %dma_wait3A_2901, %dma_wait3A_2902] : memref<4x128x64xf32, #tpu.memory_space<vmem>> -> memref<1x128x64xf32, #tpu.memory_space<vmem>>
    %dma_wait3A_2904 = tpu.memref_squeeze %dma_wait3A_2903 : memref<1x128x64xf32, #tpu.memory_space<vmem>> -> memref<128x64xf32, #tpu.memory_space<vmem>>
    %dma_wait3A_2905 = arith.constant 320 : i32
    %dma_wait3A_2906 = tpu.memref_slice %arg5[%mul3A_2, %dma_wait3A_2905] : memref<4096x1664xf32, #tpu.memory_space<hbm>> -> memref<128x64xf32, #tpu.memory_space<hbm>>
    %dma_wait3A_2907 = arith.constant 320 : i32
    %dma_wait3A_2908 = tpu.memref_slice %arg5[%mul3A_2, %dma_wait3A_2907] : memref<4096x1664xf32, #tpu.memory_space<hbm>> -> memref<128x64xf32, #tpu.memory_space<hbm>>
    %dma_wait3A_2909 = arith.constant 0 : i32
    %dma_wait3A_2910 = arith.constant 0 : i32
    %dma_wait3A_2911 = tpu.memref_slice %arg8[%dma_wait3A_2900, %dma_wait3A_2909, %dma_wait3A_2910] : memref<4x128x64xf32, #tpu.memory_space<vmem>> -> memref<1x128x64xf32, #tpu.memory_space<vmem>>
    %dma_wait3A_2912 = tpu.memref_squeeze %dma_wait3A_2911 : memref<1x128x64xf32, #tpu.memory_space<vmem>> -> memref<128x64xf32, #tpu.memory_space<vmem>>
    tpu.wait_dma2 semaphore(%arg14 : memref<!tpu.dma_semaphore, #tpu.memory_space<semaphore_mem>>) src(%dma_wait3A_2912 : memref<128x64xf32, #tpu.memory_space<vmem>>) dst(%dma_wait3A_2908 : memref<128x64xf32, #tpu.memory_space<hbm>>)
    %dma_start3A_2913 = arith.constant 9 : i32
    %dma_start3A_2914 = arith.constant 1 : i32
    %dma_start3A_2915 = arith.constant 0 : i32
    %dma_start3A_2916 = arith.constant 0 : i32
    %dma_start3A_2917 = tpu.memref_slice %arg8[%dma_start3A_2914, %dma_start3A_2915, %dma_start3A_2916] : memref<4x128x64xf32, #tpu.memory_space<vmem>> -> memref<1x128x64xf32, #tpu.memory_space<vmem>>
    %dma_start3A_2918 = tpu.memref_squeeze %dma_start3A_2917 : memref<1x128x64xf32, #tpu.memory_space<vmem>> -> memref<128x64xf32, #tpu.memory_space<vmem>>
    %dma_start3A_2919 = arith.constant 0 : i32
    %dma_start3A_2920 = tpu.memref_slice %arg6[%dma_start3A_2913, %dma_start3A_2919] : memref<26x128xi32, #tpu.memory_space<vmem>> -> memref<1x128xi32, #tpu.memory_space<vmem>>
    %dma_start3A_2921 = tpu.memref_squeeze %dma_start3A_2920 : memref<1x128xi32, #tpu.memory_space<vmem>> -> memref<128xi32, #tpu.memory_space<vmem>>
    %dma_start3A_2922 = arith.constant 0 : i32
    %dma_start3A_2923 = arith.constant 0 : i32
    %dma_start3A_2924 = tpu.memref_slice %arg3[%dma_start3A_2922, %dma_start3A_2923] : memref<2600000x64xf32, #tpu.memory_space<hbm>> -> memref<2600000x64xf32, #tpu.memory_space<hbm>>
    tpu.enqueue_indirect_dma source(%dma_start3A_2924 : memref<2600000x64xf32, #tpu.memory_space<hbm>>) target(%dma_start3A_2918 : memref<128x64xf32, #tpu.memory_space<vmem>>) offsets(%dma_start3A_2921 : memref<128xi32, #tpu.memory_space<vmem>>) semaphore(%arg10 : memref<!tpu.dma_semaphore, #tpu.memory_space<semaphore_mem>>)
    %dma_wait3A_2925 = arith.constant 6 : i32
    %dma_wait3A_2926 = arith.constant 2 : i32
    %dma_wait3A_2927 = arith.constant 0 : i32
    %dma_wait3A_2928 = arith.constant 0 : i32
    %dma_wait3A_2929 = tpu.memref_slice %arg8[%dma_wait3A_2926, %dma_wait3A_2927, %dma_wait3A_2928] : memref<4x128x64xf32, #tpu.memory_space<vmem>> -> memref<1x128x64xf32, #tpu.memory_space<vmem>>
    %dma_wait3A_2930 = tpu.memref_squeeze %dma_wait3A_2929 : memref<1x128x64xf32, #tpu.memory_space<vmem>> -> memref<128x64xf32, #tpu.memory_space<vmem>>
    %dma_wait3A_2931 = arith.constant 0 : i32
    %dma_wait3A_2932 = tpu.memref_slice %arg6[%dma_wait3A_2925, %dma_wait3A_2931] : memref<26x128xi32, #tpu.memory_space<vmem>> -> memref<1x128xi32, #tpu.memory_space<vmem>>
    %dma_wait3A_2933 = tpu.memref_squeeze %dma_wait3A_2932 : memref<1x128xi32, #tpu.memory_space<vmem>> -> memref<128xi32, #tpu.memory_space<vmem>>
    %dma_wait3A_2934 = arith.constant 0 : i32
    %dma_wait3A_2935 = arith.constant 0 : i32
    %dma_wait3A_2936 = tpu.memref_slice %arg3[%dma_wait3A_2934, %dma_wait3A_2935] : memref<2600000x64xf32, #tpu.memory_space<hbm>> -> memref<2600000x64xf32, #tpu.memory_space<hbm>>
    tpu.wait_indirect_dma semaphore(%arg11 : memref<!tpu.dma_semaphore, #tpu.memory_space<semaphore_mem>>) src(%dma_wait3A_2936 : memref<2600000x64xf32, #tpu.memory_space<hbm>>) dst(%dma_wait3A_2930 : memref<128x64xf32, #tpu.memory_space<vmem>>)
    %dma_start3A_2937 = arith.constant 2 : i32
    %dma_start3A_2938 = arith.constant 0 : i32
    %dma_start3A_2939 = arith.constant 0 : i32
    %dma_start3A_2940 = tpu.memref_slice %arg8[%dma_start3A_2937, %dma_start3A_2938, %dma_start3A_2939] : memref<4x128x64xf32, #tpu.memory_space<vmem>> -> memref<1x128x64xf32, #tpu.memory_space<vmem>>
    %dma_start3A_2941 = tpu.memref_squeeze %dma_start3A_2940 : memref<1x128x64xf32, #tpu.memory_space<vmem>> -> memref<128x64xf32, #tpu.memory_space<vmem>>
    %dma_start3A_2942 = arith.constant 384 : i32
    %dma_start3A_2943 = tpu.memref_slice %arg5[%mul3A_2, %dma_start3A_2942] : memref<4096x1664xf32, #tpu.memory_space<hbm>> -> memref<128x64xf32, #tpu.memory_space<hbm>>
    %dma_start3A_2944 = arith.constant 384 : i32
    %dma_start3A_2945 = tpu.memref_slice %arg5[%mul3A_2, %dma_start3A_2944] : memref<4096x1664xf32, #tpu.memory_space<hbm>> -> memref<128x64xf32, #tpu.memory_space<hbm>>
    %dma_start3A_2946 = arith.constant 0 : i32
    %dma_start3A_2947 = arith.constant 0 : i32
    %dma_start3A_2948 = tpu.memref_slice %arg8[%dma_start3A_2937, %dma_start3A_2946, %dma_start3A_2947] : memref<4x128x64xf32, #tpu.memory_space<vmem>> -> memref<1x128x64xf32, #tpu.memory_space<vmem>>
    %dma_start3A_2949 = tpu.memref_squeeze %dma_start3A_2948 : memref<1x128x64xf32, #tpu.memory_space<vmem>> -> memref<128x64xf32, #tpu.memory_space<vmem>>
    tpu.enqueue_dma source(%dma_start3A_2949 : memref<128x64xf32, #tpu.memory_space<vmem>>) target(%dma_start3A_2945 : memref<128x64xf32, #tpu.memory_space<hbm>>) target_semaphore(%arg15 : memref<!tpu.dma_semaphore, #tpu.memory_space<semaphore_mem>>)
    %dma_wait3A_2950 = arith.constant 2 : i32
    %dma_wait3A_2951 = arith.constant 0 : i32
    %dma_wait3A_2952 = arith.constant 0 : i32
    %dma_wait3A_2953 = tpu.memref_slice %arg8[%dma_wait3A_2950, %dma_wait3A_2951, %dma_wait3A_2952] : memref<4x128x64xf32, #tpu.memory_space<vmem>> -> memref<1x128x64xf32, #tpu.memory_space<vmem>>
    %dma_wait3A_2954 = tpu.memref_squeeze %dma_wait3A_2953 : memref<1x128x64xf32, #tpu.memory_space<vmem>> -> memref<128x64xf32, #tpu.memory_space<vmem>>
    %dma_wait3A_2955 = arith.constant 384 : i32
    %dma_wait3A_2956 = tpu.memref_slice %arg5[%mul3A_2, %dma_wait3A_2955] : memref<4096x1664xf32, #tpu.memory_space<hbm>> -> memref<128x64xf32, #tpu.memory_space<hbm>>
    %dma_wait3A_2957 = arith.constant 384 : i32
    %dma_wait3A_2958 = tpu.memref_slice %arg5[%mul3A_2, %dma_wait3A_2957] : memref<4096x1664xf32, #tpu.memory_space<hbm>> -> memref<128x64xf32, #tpu.memory_space<hbm>>
    %dma_wait3A_2959 = arith.constant 0 : i32
    %dma_wait3A_2960 = arith.constant 0 : i32
    %dma_wait3A_2961 = tpu.memref_slice %arg8[%dma_wait3A_2950, %dma_wait3A_2959, %dma_wait3A_2960] : memref<4x128x64xf32, #tpu.memory_space<vmem>> -> memref<1x128x64xf32, #tpu.memory_space<vmem>>
    %dma_wait3A_2962 = tpu.memref_squeeze %dma_wait3A_2961 : memref<1x128x64xf32, #tpu.memory_space<vmem>> -> memref<128x64xf32, #tpu.memory_space<vmem>>
    tpu.wait_dma2 semaphore(%arg15 : memref<!tpu.dma_semaphore, #tpu.memory_space<semaphore_mem>>) src(%dma_wait3A_2962 : memref<128x64xf32, #tpu.memory_space<vmem>>) dst(%dma_wait3A_2958 : memref<128x64xf32, #tpu.memory_space<hbm>>)
    %dma_start3A_2963 = arith.constant 10 : i32
    %dma_start3A_2964 = arith.constant 2 : i32
    %dma_start3A_2965 = arith.constant 0 : i32
    %dma_start3A_2966 = arith.constant 0 : i32
    %dma_start3A_2967 = tpu.memref_slice %arg8[%dma_start3A_2964, %dma_start3A_2965, %dma_start3A_2966] : memref<4x128x64xf32, #tpu.memory_space<vmem>> -> memref<1x128x64xf32, #tpu.memory_space<vmem>>
    %dma_start3A_2968 = tpu.memref_squeeze %dma_start3A_2967 : memref<1x128x64xf32, #tpu.memory_space<vmem>> -> memref<128x64xf32, #tpu.memory_space<vmem>>
    %dma_start3A_2969 = arith.constant 0 : i32
    %dma_start3A_2970 = tpu.memref_slice %arg6[%dma_start3A_2963, %dma_start3A_2969] : memref<26x128xi32, #tpu.memory_space<vmem>> -> memref<1x128xi32, #tpu.memory_space<vmem>>
    %dma_start3A_2971 = tpu.memref_squeeze %dma_start3A_2970 : memref<1x128xi32, #tpu.memory_space<vmem>> -> memref<128xi32, #tpu.memory_space<vmem>>
    %dma_start3A_2972 = arith.constant 0 : i32
    %dma_start3A_2973 = arith.constant 0 : i32
    %dma_start3A_2974 = tpu.memref_slice %arg3[%dma_start3A_2972, %dma_start3A_2973] : memref<2600000x64xf32, #tpu.memory_space<hbm>> -> memref<2600000x64xf32, #tpu.memory_space<hbm>>
    tpu.enqueue_indirect_dma source(%dma_start3A_2974 : memref<2600000x64xf32, #tpu.memory_space<hbm>>) target(%dma_start3A_2968 : memref<128x64xf32, #tpu.memory_space<vmem>>) offsets(%dma_start3A_2971 : memref<128xi32, #tpu.memory_space<vmem>>) semaphore(%arg11 : memref<!tpu.dma_semaphore, #tpu.memory_space<semaphore_mem>>)
    %dma_wait3A_2975 = arith.constant 7 : i32
    %dma_wait3A_2976 = arith.constant 3 : i32
    %dma_wait3A_2977 = arith.constant 0 : i32
    %dma_wait3A_2978 = arith.constant 0 : i32
    %dma_wait3A_2979 = tpu.memref_slice %arg8[%dma_wait3A_2976, %dma_wait3A_2977, %dma_wait3A_2978] : memref<4x128x64xf32, #tpu.memory_space<vmem>> -> memref<1x128x64xf32, #tpu.memory_space<vmem>>
    %dma_wait3A_2980 = tpu.memref_squeeze %dma_wait3A_2979 : memref<1x128x64xf32, #tpu.memory_space<vmem>> -> memref<128x64xf32, #tpu.memory_space<vmem>>
    %dma_wait3A_2981 = arith.constant 0 : i32
    %dma_wait3A_2982 = tpu.memref_slice %arg6[%dma_wait3A_2975, %dma_wait3A_2981] : memref<26x128xi32, #tpu.memory_space<vmem>> -> memref<1x128xi32, #tpu.memory_space<vmem>>
    %dma_wait3A_2983 = tpu.memref_squeeze %dma_wait3A_2982 : memref<1x128xi32, #tpu.memory_space<vmem>> -> memref<128xi32, #tpu.memory_space<vmem>>
    %dma_wait3A_2984 = arith.constant 0 : i32
    %dma_wait3A_2985 = arith.constant 0 : i32
    %dma_wait3A_2986 = tpu.memref_slice %arg3[%dma_wait3A_2984, %dma_wait3A_2985] : memref<2600000x64xf32, #tpu.memory_space<hbm>> -> memref<2600000x64xf32, #tpu.memory_space<hbm>>
    tpu.wait_indirect_dma semaphore(%arg12 : memref<!tpu.dma_semaphore, #tpu.memory_space<semaphore_mem>>) src(%dma_wait3A_2986 : memref<2600000x64xf32, #tpu.memory_space<hbm>>) dst(%dma_wait3A_2980 : memref<128x64xf32, #tpu.memory_space<vmem>>)
    %dma_start3A_2987 = arith.constant 3 : i32
    %dma_start3A_2988 = arith.constant 0 : i32
    %dma_start3A_2989 = arith.constant 0 : i32
    %dma_start3A_2990 = tpu.memref_slice %arg8[%dma_start3A_2987, %dma_start3A_2988, %dma_start3A_2989] : memref<4x128x64xf32, #tpu.memory_space<vmem>> -> memref<1x128x64xf32, #tpu.memory_space<vmem>>
    %dma_start3A_2991 = tpu.memref_squeeze %dma_start3A_2990 : memref<1x128x64xf32, #tpu.memory_space<vmem>> -> memref<128x64xf32, #tpu.memory_space<vmem>>
    %dma_start3A_2992 = arith.constant 448 : i32
    %dma_start3A_2993 = tpu.memref_slice %arg5[%mul3A_2, %dma_start3A_2992] : memref<4096x1664xf32, #tpu.memory_space<hbm>> -> memref<128x64xf32, #tpu.memory_space<hbm>>
    %dma_start3A_2994 = arith.constant 448 : i32
    %dma_start3A_2995 = tpu.memref_slice %arg5[%mul3A_2, %dma_start3A_2994] : memref<4096x1664xf32, #tpu.memory_space<hbm>> -> memref<128x64xf32, #tpu.memory_space<hbm>>
    %dma_start3A_2996 = arith.constant 0 : i32
    %dma_start3A_2997 = arith.constant 0 : i32
    %dma_start3A_2998 = tpu.memref_slice %arg8[%dma_start3A_2987, %dma_start3A_2996, %dma_start3A_2997] : memref<4x128x64xf32, #tpu.memory_space<vmem>> -> memref<1x128x64xf32, #tpu.memory_space<vmem>>
    %dma_start3A_2999 = tpu.memref_squeeze %dma_start3A_2998 : memref<1x128x64xf32, #tpu.memory_space<vmem>> -> memref<128x64xf32, #tpu.memory_space<vmem>>
    tpu.enqueue_dma source(%dma_start3A_2999 : memref<128x64xf32, #tpu.memory_space<vmem>>) target(%dma_start3A_2995 : memref<128x64xf32, #tpu.memory_space<hbm>>) target_semaphore(%arg16 : memref<!tpu.dma_semaphore, #tpu.memory_space<semaphore_mem>>)
    %dma_wait3A_3000 = arith.constant 3 : i32
    %dma_wait3A_3001 = arith.constant 0 : i32
    %dma_wait3A_3002 = arith.constant 0 : i32
    %dma_wait3A_3003 = tpu.memref_slice %arg8[%dma_wait3A_3000, %dma_wait3A_3001, %dma_wait3A_3002] : memref<4x128x64xf32, #tpu.memory_space<vmem>> -> memref<1x128x64xf32, #tpu.memory_space<vmem>>
    %dma_wait3A_3004 = tpu.memref_squeeze %dma_wait3A_3003 : memref<1x128x64xf32, #tpu.memory_space<vmem>> -> memref<128x64xf32, #tpu.memory_space<vmem>>
    %dma_wait3A_3005 = arith.constant 448 : i32
    %dma_wait3A_3006 = tpu.memref_slice %arg5[%mul3A_2, %dma_wait3A_3005] : memref<4096x1664xf32, #tpu.memory_space<hbm>> -> memref<128x64xf32, #tpu.memory_space<hbm>>
    %dma_wait3A_3007 = arith.constant 448 : i32
    %dma_wait3A_3008 = tpu.memref_slice %arg5[%mul3A_2, %dma_wait3A_3007] : memref<4096x1664xf32, #tpu.memory_space<hbm>> -> memref<128x64xf32, #tpu.memory_space<hbm>>
    %dma_wait3A_3009 = arith.constant 0 : i32
    %dma_wait3A_3010 = arith.constant 0 : i32
    %dma_wait3A_3011 = tpu.memref_slice %arg8[%dma_wait3A_3000, %dma_wait3A_3009, %dma_wait3A_3010] : memref<4x128x64xf32, #tpu.memory_space<vmem>> -> memref<1x128x64xf32, #tpu.memory_space<vmem>>
    %dma_wait3A_3012 = tpu.memref_squeeze %dma_wait3A_3011 : memref<1x128x64xf32, #tpu.memory_space<vmem>> -> memref<128x64xf32, #tpu.memory_space<vmem>>
    tpu.wait_dma2 semaphore(%arg16 : memref<!tpu.dma_semaphore, #tpu.memory_space<semaphore_mem>>) src(%dma_wait3A_3012 : memref<128x64xf32, #tpu.memory_space<vmem>>) dst(%dma_wait3A_3008 : memref<128x64xf32, #tpu.memory_space<hbm>>)
    %dma_start3A_3013 = arith.constant 11 : i32
    %dma_start3A_3014 = arith.constant 3 : i32
    %dma_start3A_3015 = arith.constant 0 : i32
    %dma_start3A_3016 = arith.constant 0 : i32
    %dma_start3A_3017 = tpu.memref_slice %arg8[%dma_start3A_3014, %dma_start3A_3015, %dma_start3A_3016] : memref<4x128x64xf32, #tpu.memory_space<vmem>> -> memref<1x128x64xf32, #tpu.memory_space<vmem>>
    %dma_start3A_3018 = tpu.memref_squeeze %dma_start3A_3017 : memref<1x128x64xf32, #tpu.memory_space<vmem>> -> memref<128x64xf32, #tpu.memory_space<vmem>>
    %dma_start3A_3019 = arith.constant 0 : i32
    %dma_start3A_3020 = tpu.memref_slice %arg6[%dma_start3A_3013, %dma_start3A_3019] : memref<26x128xi32, #tpu.memory_space<vmem>> -> memref<1x128xi32, #tpu.memory_space<vmem>>
    %dma_start3A_3021 = tpu.memref_squeeze %dma_start3A_3020 : memref<1x128xi32, #tpu.memory_space<vmem>> -> memref<128xi32, #tpu.memory_space<vmem>>
    %dma_start3A_3022 = arith.constant 0 : i32
    %dma_start3A_3023 = arith.constant 0 : i32
    %dma_start3A_3024 = tpu.memref_slice %arg3[%dma_start3A_3022, %dma_start3A_3023] : memref<2600000x64xf32, #tpu.memory_space<hbm>> -> memref<2600000x64xf32, #tpu.memory_space<hbm>>
    tpu.enqueue_indirect_dma source(%dma_start3A_3024 : memref<2600000x64xf32, #tpu.memory_space<hbm>>) target(%dma_start3A_3018 : memref<128x64xf32, #tpu.memory_space<vmem>>) offsets(%dma_start3A_3021 : memref<128xi32, #tpu.memory_space<vmem>>) semaphore(%arg12 : memref<!tpu.dma_semaphore, #tpu.memory_space<semaphore_mem>>)
    %dma_wait3A_3025 = arith.constant 8 : i32
    %dma_wait3A_3026 = arith.constant 0 : i32
    %dma_wait3A_3027 = arith.constant 0 : i32
    %dma_wait3A_3028 = arith.constant 0 : i32
    %dma_wait3A_3029 = tpu.memref_slice %arg8[%dma_wait3A_3026, %dma_wait3A_3027, %dma_wait3A_3028] : memref<4x128x64xf32, #tpu.memory_space<vmem>> -> memref<1x128x64xf32, #tpu.memory_space<vmem>>
    %dma_wait3A_3030 = tpu.memref_squeeze %dma_wait3A_3029 : memref<1x128x64xf32, #tpu.memory_space<vmem>> -> memref<128x64xf32, #tpu.memory_space<vmem>>
    %dma_wait3A_3031 = arith.constant 0 : i32
    %dma_wait3A_3032 = tpu.memref_slice %arg6[%dma_wait3A_3025, %dma_wait3A_3031] : memref<26x128xi32, #tpu.memory_space<vmem>> -> memref<1x128xi32, #tpu.memory_space<vmem>>
    %dma_wait3A_3033 = tpu.memref_squeeze %dma_wait3A_3032 : memref<1x128xi32, #tpu.memory_space<vmem>> -> memref<128xi32, #tpu.memory_space<vmem>>
    %dma_wait3A_3034 = arith.constant 0 : i32
    %dma_wait3A_3035 = arith.constant 0 : i32
    %dma_wait3A_3036 = tpu.memref_slice %arg3[%dma_wait3A_3034, %dma_wait3A_3035] : memref<2600000x64xf32, #tpu.memory_space<hbm>> -> memref<2600000x64xf32, #tpu.memory_space<hbm>>
    tpu.wait_indirect_dma semaphore(%arg9 : memref<!tpu.dma_semaphore, #tpu.memory_space<semaphore_mem>>) src(%dma_wait3A_3036 : memref<2600000x64xf32, #tpu.memory_space<hbm>>) dst(%dma_wait3A_3030 : memref<128x64xf32, #tpu.memory_space<vmem>>)
    %dma_start3A_3037 = arith.constant 0 : i32
    %dma_start3A_3038 = arith.constant 0 : i32
    %dma_start3A_3039 = arith.constant 0 : i32
    %dma_start3A_3040 = tpu.memref_slice %arg8[%dma_start3A_3037, %dma_start3A_3038, %dma_start3A_3039] : memref<4x128x64xf32, #tpu.memory_space<vmem>> -> memref<1x128x64xf32, #tpu.memory_space<vmem>>
    %dma_start3A_3041 = tpu.memref_squeeze %dma_start3A_3040 : memref<1x128x64xf32, #tpu.memory_space<vmem>> -> memref<128x64xf32, #tpu.memory_space<vmem>>
    %dma_start3A_3042 = arith.constant 512 : i32
    %dma_start3A_3043 = tpu.memref_slice %arg5[%mul3A_2, %dma_start3A_3042] : memref<4096x1664xf32, #tpu.memory_space<hbm>> -> memref<128x64xf32, #tpu.memory_space<hbm>>
    %dma_start3A_3044 = arith.constant 512 : i32
    %dma_start3A_3045 = tpu.memref_slice %arg5[%mul3A_2, %dma_start3A_3044] : memref<4096x1664xf32, #tpu.memory_space<hbm>> -> memref<128x64xf32, #tpu.memory_space<hbm>>
    %dma_start3A_3046 = arith.constant 0 : i32
    %dma_start3A_3047 = arith.constant 0 : i32
    %dma_start3A_3048 = tpu.memref_slice %arg8[%dma_start3A_3037, %dma_start3A_3046, %dma_start3A_3047] : memref<4x128x64xf32, #tpu.memory_space<vmem>> -> memref<1x128x64xf32, #tpu.memory_space<vmem>>
    %dma_start3A_3049 = tpu.memref_squeeze %dma_start3A_3048 : memref<1x128x64xf32, #tpu.memory_space<vmem>> -> memref<128x64xf32, #tpu.memory_space<vmem>>
    tpu.enqueue_dma source(%dma_start3A_3049 : memref<128x64xf32, #tpu.memory_space<vmem>>) target(%dma_start3A_3045 : memref<128x64xf32, #tpu.memory_space<hbm>>) target_semaphore(%arg13 : memref<!tpu.dma_semaphore, #tpu.memory_space<semaphore_mem>>)
    %dma_wait3A_3050 = arith.constant 0 : i32
    %dma_wait3A_3051 = arith.constant 0 : i32
    %dma_wait3A_3052 = arith.constant 0 : i32
    %dma_wait3A_3053 = tpu.memref_slice %arg8[%dma_wait3A_3050, %dma_wait3A_3051, %dma_wait3A_3052] : memref<4x128x64xf32, #tpu.memory_space<vmem>> -> memref<1x128x64xf32, #tpu.memory_space<vmem>>
    %dma_wait3A_3054 = tpu.memref_squeeze %dma_wait3A_3053 : memref<1x128x64xf32, #tpu.memory_space<vmem>> -> memref<128x64xf32, #tpu.memory_space<vmem>>
    %dma_wait3A_3055 = arith.constant 512 : i32
    %dma_wait3A_3056 = tpu.memref_slice %arg5[%mul3A_2, %dma_wait3A_3055] : memref<4096x1664xf32, #tpu.memory_space<hbm>> -> memref<128x64xf32, #tpu.memory_space<hbm>>
    %dma_wait3A_3057 = arith.constant 512 : i32
    %dma_wait3A_3058 = tpu.memref_slice %arg5[%mul3A_2, %dma_wait3A_3057] : memref<4096x1664xf32, #tpu.memory_space<hbm>> -> memref<128x64xf32, #tpu.memory_space<hbm>>
    %dma_wait3A_3059 = arith.constant 0 : i32
    %dma_wait3A_3060 = arith.constant 0 : i32
    %dma_wait3A_3061 = tpu.memref_slice %arg8[%dma_wait3A_3050, %dma_wait3A_3059, %dma_wait3A_3060] : memref<4x128x64xf32, #tpu.memory_space<vmem>> -> memref<1x128x64xf32, #tpu.memory_space<vmem>>
    %dma_wait3A_3062 = tpu.memref_squeeze %dma_wait3A_3061 : memref<1x128x64xf32, #tpu.memory_space<vmem>> -> memref<128x64xf32, #tpu.memory_space<vmem>>
    tpu.wait_dma2 semaphore(%arg13 : memref<!tpu.dma_semaphore, #tpu.memory_space<semaphore_mem>>) src(%dma_wait3A_3062 : memref<128x64xf32, #tpu.memory_space<vmem>>) dst(%dma_wait3A_3058 : memref<128x64xf32, #tpu.memory_space<hbm>>)
    %dma_start3A_3063 = arith.constant 12 : i32
    %dma_start3A_3064 = arith.constant 0 : i32
    %dma_start3A_3065 = arith.constant 0 : i32
    %dma_start3A_3066 = arith.constant 0 : i32
    %dma_start3A_3067 = tpu.memref_slice %arg8[%dma_start3A_3064, %dma_start3A_3065, %dma_start3A_3066] : memref<4x128x64xf32, #tpu.memory_space<vmem>> -> memref<1x128x64xf32, #tpu.memory_space<vmem>>
    %dma_start3A_3068 = tpu.memref_squeeze %dma_start3A_3067 : memref<1x128x64xf32, #tpu.memory_space<vmem>> -> memref<128x64xf32, #tpu.memory_space<vmem>>
    %dma_start3A_3069 = arith.constant 0 : i32
    %dma_start3A_3070 = tpu.memref_slice %arg6[%dma_start3A_3063, %dma_start3A_3069] : memref<26x128xi32, #tpu.memory_space<vmem>> -> memref<1x128xi32, #tpu.memory_space<vmem>>
    %dma_start3A_3071 = tpu.memref_squeeze %dma_start3A_3070 : memref<1x128xi32, #tpu.memory_space<vmem>> -> memref<128xi32, #tpu.memory_space<vmem>>
    %dma_start3A_3072 = arith.constant 0 : i32
    %dma_start3A_3073 = arith.constant 0 : i32
    %dma_start3A_3074 = tpu.memref_slice %arg3[%dma_start3A_3072, %dma_start3A_3073] : memref<2600000x64xf32, #tpu.memory_space<hbm>> -> memref<2600000x64xf32, #tpu.memory_space<hbm>>
    tpu.enqueue_indirect_dma source(%dma_start3A_3074 : memref<2600000x64xf32, #tpu.memory_space<hbm>>) target(%dma_start3A_3068 : memref<128x64xf32, #tpu.memory_space<vmem>>) offsets(%dma_start3A_3071 : memref<128xi32, #tpu.memory_space<vmem>>) semaphore(%arg9 : memref<!tpu.dma_semaphore, #tpu.memory_space<semaphore_mem>>)
    %dma_wait3A_3075 = arith.constant 9 : i32
    %dma_wait3A_3076 = arith.constant 1 : i32
    %dma_wait3A_3077 = arith.constant 0 : i32
    %dma_wait3A_3078 = arith.constant 0 : i32
    %dma_wait3A_3079 = tpu.memref_slice %arg8[%dma_wait3A_3076, %dma_wait3A_3077, %dma_wait3A_3078] : memref<4x128x64xf32, #tpu.memory_space<vmem>> -> memref<1x128x64xf32, #tpu.memory_space<vmem>>
    %dma_wait3A_3080 = tpu.memref_squeeze %dma_wait3A_3079 : memref<1x128x64xf32, #tpu.memory_space<vmem>> -> memref<128x64xf32, #tpu.memory_space<vmem>>
    %dma_wait3A_3081 = arith.constant 0 : i32
    %dma_wait3A_3082 = tpu.memref_slice %arg6[%dma_wait3A_3075, %dma_wait3A_3081] : memref<26x128xi32, #tpu.memory_space<vmem>> -> memref<1x128xi32, #tpu.memory_space<vmem>>
    %dma_wait3A_3083 = tpu.memref_squeeze %dma_wait3A_3082 : memref<1x128xi32, #tpu.memory_space<vmem>> -> memref<128xi32, #tpu.memory_space<vmem>>
    %dma_wait3A_3084 = arith.constant 0 : i32
    %dma_wait3A_3085 = arith.constant 0 : i32
    %dma_wait3A_3086 = tpu.memref_slice %arg3[%dma_wait3A_3084, %dma_wait3A_3085] : memref<2600000x64xf32, #tpu.memory_space<hbm>> -> memref<2600000x64xf32, #tpu.memory_space<hbm>>
    tpu.wait_indirect_dma semaphore(%arg10 : memref<!tpu.dma_semaphore, #tpu.memory_space<semaphore_mem>>) src(%dma_wait3A_3086 : memref<2600000x64xf32, #tpu.memory_space<hbm>>) dst(%dma_wait3A_3080 : memref<128x64xf32, #tpu.memory_space<vmem>>)
    %dma_start3A_3087 = arith.constant 1 : i32
    %dma_start3A_3088 = arith.constant 0 : i32
    %dma_start3A_3089 = arith.constant 0 : i32
    %dma_start3A_3090 = tpu.memref_slice %arg8[%dma_start3A_3087, %dma_start3A_3088, %dma_start3A_3089] : memref<4x128x64xf32, #tpu.memory_space<vmem>> -> memref<1x128x64xf32, #tpu.memory_space<vmem>>
    %dma_start3A_3091 = tpu.memref_squeeze %dma_start3A_3090 : memref<1x128x64xf32, #tpu.memory_space<vmem>> -> memref<128x64xf32, #tpu.memory_space<vmem>>
    %dma_start3A_3092 = arith.constant 576 : i32
    %dma_start3A_3093 = tpu.memref_slice %arg5[%mul3A_2, %dma_start3A_3092] : memref<4096x1664xf32, #tpu.memory_space<hbm>> -> memref<128x64xf32, #tpu.memory_space<hbm>>
    %dma_start3A_3094 = arith.constant 576 : i32
    %dma_start3A_3095 = tpu.memref_slice %arg5[%mul3A_2, %dma_start3A_3094] : memref<4096x1664xf32, #tpu.memory_space<hbm>> -> memref<128x64xf32, #tpu.memory_space<hbm>>
    %dma_start3A_3096 = arith.constant 0 : i32
    %dma_start3A_3097 = arith.constant 0 : i32
    %dma_start3A_3098 = tpu.memref_slice %arg8[%dma_start3A_3087, %dma_start3A_3096, %dma_start3A_3097] : memref<4x128x64xf32, #tpu.memory_space<vmem>> -> memref<1x128x64xf32, #tpu.memory_space<vmem>>
    %dma_start3A_3099 = tpu.memref_squeeze %dma_start3A_3098 : memref<1x128x64xf32, #tpu.memory_space<vmem>> -> memref<128x64xf32, #tpu.memory_space<vmem>>
    tpu.enqueue_dma source(%dma_start3A_3099 : memref<128x64xf32, #tpu.memory_space<vmem>>) target(%dma_start3A_3095 : memref<128x64xf32, #tpu.memory_space<hbm>>) target_semaphore(%arg14 : memref<!tpu.dma_semaphore, #tpu.memory_space<semaphore_mem>>)
    %dma_wait3A_3100 = arith.constant 1 : i32
    %dma_wait3A_3101 = arith.constant 0 : i32
    %dma_wait3A_3102 = arith.constant 0 : i32
    %dma_wait3A_3103 = tpu.memref_slice %arg8[%dma_wait3A_3100, %dma_wait3A_3101, %dma_wait3A_3102] : memref<4x128x64xf32, #tpu.memory_space<vmem>> -> memref<1x128x64xf32, #tpu.memory_space<vmem>>
    %dma_wait3A_3104 = tpu.memref_squeeze %dma_wait3A_3103 : memref<1x128x64xf32, #tpu.memory_space<vmem>> -> memref<128x64xf32, #tpu.memory_space<vmem>>
    %dma_wait3A_3105 = arith.constant 576 : i32
    %dma_wait3A_3106 = tpu.memref_slice %arg5[%mul3A_2, %dma_wait3A_3105] : memref<4096x1664xf32, #tpu.memory_space<hbm>> -> memref<128x64xf32, #tpu.memory_space<hbm>>
    %dma_wait3A_3107 = arith.constant 576 : i32
    %dma_wait3A_3108 = tpu.memref_slice %arg5[%mul3A_2, %dma_wait3A_3107] : memref<4096x1664xf32, #tpu.memory_space<hbm>> -> memref<128x64xf32, #tpu.memory_space<hbm>>
    %dma_wait3A_3109 = arith.constant 0 : i32
    %dma_wait3A_3110 = arith.constant 0 : i32
    %dma_wait3A_3111 = tpu.memref_slice %arg8[%dma_wait3A_3100, %dma_wait3A_3109, %dma_wait3A_3110] : memref<4x128x64xf32, #tpu.memory_space<vmem>> -> memref<1x128x64xf32, #tpu.memory_space<vmem>>
    %dma_wait3A_3112 = tpu.memref_squeeze %dma_wait3A_3111 : memref<1x128x64xf32, #tpu.memory_space<vmem>> -> memref<128x64xf32, #tpu.memory_space<vmem>>
    tpu.wait_dma2 semaphore(%arg14 : memref<!tpu.dma_semaphore, #tpu.memory_space<semaphore_mem>>) src(%dma_wait3A_3112 : memref<128x64xf32, #tpu.memory_space<vmem>>) dst(%dma_wait3A_3108 : memref<128x64xf32, #tpu.memory_space<hbm>>)
    %dma_start3A_3113 = arith.constant 13 : i32
    %dma_start3A_3114 = arith.constant 1 : i32
    %dma_start3A_3115 = arith.constant 0 : i32
    %dma_start3A_3116 = arith.constant 0 : i32
    %dma_start3A_3117 = tpu.memref_slice %arg8[%dma_start3A_3114, %dma_start3A_3115, %dma_start3A_3116] : memref<4x128x64xf32, #tpu.memory_space<vmem>> -> memref<1x128x64xf32, #tpu.memory_space<vmem>>
    %dma_start3A_3118 = tpu.memref_squeeze %dma_start3A_3117 : memref<1x128x64xf32, #tpu.memory_space<vmem>> -> memref<128x64xf32, #tpu.memory_space<vmem>>
    %dma_start3A_3119 = arith.constant 0 : i32
    %dma_start3A_3120 = tpu.memref_slice %arg6[%dma_start3A_3113, %dma_start3A_3119] : memref<26x128xi32, #tpu.memory_space<vmem>> -> memref<1x128xi32, #tpu.memory_space<vmem>>
    %dma_start3A_3121 = tpu.memref_squeeze %dma_start3A_3120 : memref<1x128xi32, #tpu.memory_space<vmem>> -> memref<128xi32, #tpu.memory_space<vmem>>
    %dma_start3A_3122 = arith.constant 0 : i32
    %dma_start3A_3123 = arith.constant 0 : i32
    %dma_start3A_3124 = tpu.memref_slice %arg3[%dma_start3A_3122, %dma_start3A_3123] : memref<2600000x64xf32, #tpu.memory_space<hbm>> -> memref<2600000x64xf32, #tpu.memory_space<hbm>>
    tpu.enqueue_indirect_dma source(%dma_start3A_3124 : memref<2600000x64xf32, #tpu.memory_space<hbm>>) target(%dma_start3A_3118 : memref<128x64xf32, #tpu.memory_space<vmem>>) offsets(%dma_start3A_3121 : memref<128xi32, #tpu.memory_space<vmem>>) semaphore(%arg10 : memref<!tpu.dma_semaphore, #tpu.memory_space<semaphore_mem>>)
    %dma_wait3A_3125 = arith.constant 10 : i32
    %dma_wait3A_3126 = arith.constant 2 : i32
    %dma_wait3A_3127 = arith.constant 0 : i32
    %dma_wait3A_3128 = arith.constant 0 : i32
    %dma_wait3A_3129 = tpu.memref_slice %arg8[%dma_wait3A_3126, %dma_wait3A_3127, %dma_wait3A_3128] : memref<4x128x64xf32, #tpu.memory_space<vmem>> -> memref<1x128x64xf32, #tpu.memory_space<vmem>>
    %dma_wait3A_3130 = tpu.memref_squeeze %dma_wait3A_3129 : memref<1x128x64xf32, #tpu.memory_space<vmem>> -> memref<128x64xf32, #tpu.memory_space<vmem>>
    %dma_wait3A_3131 = arith.constant 0 : i32
    %dma_wait3A_3132 = tpu.memref_slice %arg6[%dma_wait3A_3125, %dma_wait3A_3131] : memref<26x128xi32, #tpu.memory_space<vmem>> -> memref<1x128xi32, #tpu.memory_space<vmem>>
    %dma_wait3A_3133 = tpu.memref_squeeze %dma_wait3A_3132 : memref<1x128xi32, #tpu.memory_space<vmem>> -> memref<128xi32, #tpu.memory_space<vmem>>
    %dma_wait3A_3134 = arith.constant 0 : i32
    %dma_wait3A_3135 = arith.constant 0 : i32
    %dma_wait3A_3136 = tpu.memref_slice %arg3[%dma_wait3A_3134, %dma_wait3A_3135] : memref<2600000x64xf32, #tpu.memory_space<hbm>> -> memref<2600000x64xf32, #tpu.memory_space<hbm>>
    tpu.wait_indirect_dma semaphore(%arg11 : memref<!tpu.dma_semaphore, #tpu.memory_space<semaphore_mem>>) src(%dma_wait3A_3136 : memref<2600000x64xf32, #tpu.memory_space<hbm>>) dst(%dma_wait3A_3130 : memref<128x64xf32, #tpu.memory_space<vmem>>)
    %dma_start3A_3137 = arith.constant 2 : i32
    %dma_start3A_3138 = arith.constant 0 : i32
    %dma_start3A_3139 = arith.constant 0 : i32
    %dma_start3A_3140 = tpu.memref_slice %arg8[%dma_start3A_3137, %dma_start3A_3138, %dma_start3A_3139] : memref<4x128x64xf32, #tpu.memory_space<vmem>> -> memref<1x128x64xf32, #tpu.memory_space<vmem>>
    %dma_start3A_3141 = tpu.memref_squeeze %dma_start3A_3140 : memref<1x128x64xf32, #tpu.memory_space<vmem>> -> memref<128x64xf32, #tpu.memory_space<vmem>>
    %dma_start3A_3142 = arith.constant 640 : i32
    %dma_start3A_3143 = tpu.memref_slice %arg5[%mul3A_2, %dma_start3A_3142] : memref<4096x1664xf32, #tpu.memory_space<hbm>> -> memref<128x64xf32, #tpu.memory_space<hbm>>
    %dma_start3A_3144 = arith.constant 640 : i32
    %dma_start3A_3145 = tpu.memref_slice %arg5[%mul3A_2, %dma_start3A_3144] : memref<4096x1664xf32, #tpu.memory_space<hbm>> -> memref<128x64xf32, #tpu.memory_space<hbm>>
    %dma_start3A_3146 = arith.constant 0 : i32
    %dma_start3A_3147 = arith.constant 0 : i32
    %dma_start3A_3148 = tpu.memref_slice %arg8[%dma_start3A_3137, %dma_start3A_3146, %dma_start3A_3147] : memref<4x128x64xf32, #tpu.memory_space<vmem>> -> memref<1x128x64xf32, #tpu.memory_space<vmem>>
    %dma_start3A_3149 = tpu.memref_squeeze %dma_start3A_3148 : memref<1x128x64xf32, #tpu.memory_space<vmem>> -> memref<128x64xf32, #tpu.memory_space<vmem>>
    tpu.enqueue_dma source(%dma_start3A_3149 : memref<128x64xf32, #tpu.memory_space<vmem>>) target(%dma_start3A_3145 : memref<128x64xf32, #tpu.memory_space<hbm>>) target_semaphore(%arg15 : memref<!tpu.dma_semaphore, #tpu.memory_space<semaphore_mem>>)
    %dma_wait3A_3150 = arith.constant 2 : i32
    %dma_wait3A_3151 = arith.constant 0 : i32
    %dma_wait3A_3152 = arith.constant 0 : i32
    %dma_wait3A_3153 = tpu.memref_slice %arg8[%dma_wait3A_3150, %dma_wait3A_3151, %dma_wait3A_3152] : memref<4x128x64xf32, #tpu.memory_space<vmem>> -> memref<1x128x64xf32, #tpu.memory_space<vmem>>
    %dma_wait3A_3154 = tpu.memref_squeeze %dma_wait3A_3153 : memref<1x128x64xf32, #tpu.memory_space<vmem>> -> memref<128x64xf32, #tpu.memory_space<vmem>>
    %dma_wait3A_3155 = arith.constant 640 : i32
    %dma_wait3A_3156 = tpu.memref_slice %arg5[%mul3A_2, %dma_wait3A_3155] : memref<4096x1664xf32, #tpu.memory_space<hbm>> -> memref<128x64xf32, #tpu.memory_space<hbm>>
    %dma_wait3A_3157 = arith.constant 640 : i32
    %dma_wait3A_3158 = tpu.memref_slice %arg5[%mul3A_2, %dma_wait3A_3157] : memref<4096x1664xf32, #tpu.memory_space<hbm>> -> memref<128x64xf32, #tpu.memory_space<hbm>>
    %dma_wait3A_3159 = arith.constant 0 : i32
    %dma_wait3A_3160 = arith.constant 0 : i32
    %dma_wait3A_3161 = tpu.memref_slice %arg8[%dma_wait3A_3150, %dma_wait3A_3159, %dma_wait3A_3160] : memref<4x128x64xf32, #tpu.memory_space<vmem>> -> memref<1x128x64xf32, #tpu.memory_space<vmem>>
    %dma_wait3A_3162 = tpu.memref_squeeze %dma_wait3A_3161 : memref<1x128x64xf32, #tpu.memory_space<vmem>> -> memref<128x64xf32, #tpu.memory_space<vmem>>
    tpu.wait_dma2 semaphore(%arg15 : memref<!tpu.dma_semaphore, #tpu.memory_space<semaphore_mem>>) src(%dma_wait3A_3162 : memref<128x64xf32, #tpu.memory_space<vmem>>) dst(%dma_wait3A_3158 : memref<128x64xf32, #tpu.memory_space<hbm>>)
    %dma_start3A_3163 = arith.constant 14 : i32
    %dma_start3A_3164 = arith.constant 2 : i32
    %dma_start3A_3165 = arith.constant 0 : i32
    %dma_start3A_3166 = arith.constant 0 : i32
    %dma_start3A_3167 = tpu.memref_slice %arg8[%dma_start3A_3164, %dma_start3A_3165, %dma_start3A_3166] : memref<4x128x64xf32, #tpu.memory_space<vmem>> -> memref<1x128x64xf32, #tpu.memory_space<vmem>>
    %dma_start3A_3168 = tpu.memref_squeeze %dma_start3A_3167 : memref<1x128x64xf32, #tpu.memory_space<vmem>> -> memref<128x64xf32, #tpu.memory_space<vmem>>
    %dma_start3A_3169 = arith.constant 0 : i32
    %dma_start3A_3170 = tpu.memref_slice %arg6[%dma_start3A_3163, %dma_start3A_3169] : memref<26x128xi32, #tpu.memory_space<vmem>> -> memref<1x128xi32, #tpu.memory_space<vmem>>
    %dma_start3A_3171 = tpu.memref_squeeze %dma_start3A_3170 : memref<1x128xi32, #tpu.memory_space<vmem>> -> memref<128xi32, #tpu.memory_space<vmem>>
    %dma_start3A_3172 = arith.constant 0 : i32
    %dma_start3A_3173 = arith.constant 0 : i32
    %dma_start3A_3174 = tpu.memref_slice %arg3[%dma_start3A_3172, %dma_start3A_3173] : memref<2600000x64xf32, #tpu.memory_space<hbm>> -> memref<2600000x64xf32, #tpu.memory_space<hbm>>
    tpu.enqueue_indirect_dma source(%dma_start3A_3174 : memref<2600000x64xf32, #tpu.memory_space<hbm>>) target(%dma_start3A_3168 : memref<128x64xf32, #tpu.memory_space<vmem>>) offsets(%dma_start3A_3171 : memref<128xi32, #tpu.memory_space<vmem>>) semaphore(%arg11 : memref<!tpu.dma_semaphore, #tpu.memory_space<semaphore_mem>>)
    %dma_wait3A_3175 = arith.constant 11 : i32
    %dma_wait3A_3176 = arith.constant 3 : i32
    %dma_wait3A_3177 = arith.constant 0 : i32
    %dma_wait3A_3178 = arith.constant 0 : i32
    %dma_wait3A_3179 = tpu.memref_slice %arg8[%dma_wait3A_3176, %dma_wait3A_3177, %dma_wait3A_3178] : memref<4x128x64xf32, #tpu.memory_space<vmem>> -> memref<1x128x64xf32, #tpu.memory_space<vmem>>
    %dma_wait3A_3180 = tpu.memref_squeeze %dma_wait3A_3179 : memref<1x128x64xf32, #tpu.memory_space<vmem>> -> memref<128x64xf32, #tpu.memory_space<vmem>>
    %dma_wait3A_3181 = arith.constant 0 : i32
    %dma_wait3A_3182 = tpu.memref_slice %arg6[%dma_wait3A_3175, %dma_wait3A_3181] : memref<26x128xi32, #tpu.memory_space<vmem>> -> memref<1x128xi32, #tpu.memory_space<vmem>>
    %dma_wait3A_3183 = tpu.memref_squeeze %dma_wait3A_3182 : memref<1x128xi32, #tpu.memory_space<vmem>> -> memref<128xi32, #tpu.memory_space<vmem>>
    %dma_wait3A_3184 = arith.constant 0 : i32
    %dma_wait3A_3185 = arith.constant 0 : i32
    %dma_wait3A_3186 = tpu.memref_slice %arg3[%dma_wait3A_3184, %dma_wait3A_3185] : memref<2600000x64xf32, #tpu.memory_space<hbm>> -> memref<2600000x64xf32, #tpu.memory_space<hbm>>
    tpu.wait_indirect_dma semaphore(%arg12 : memref<!tpu.dma_semaphore, #tpu.memory_space<semaphore_mem>>) src(%dma_wait3A_3186 : memref<2600000x64xf32, #tpu.memory_space<hbm>>) dst(%dma_wait3A_3180 : memref<128x64xf32, #tpu.memory_space<vmem>>)
    %dma_start3A_3187 = arith.constant 3 : i32
    %dma_start3A_3188 = arith.constant 0 : i32
    %dma_start3A_3189 = arith.constant 0 : i32
    %dma_start3A_3190 = tpu.memref_slice %arg8[%dma_start3A_3187, %dma_start3A_3188, %dma_start3A_3189] : memref<4x128x64xf32, #tpu.memory_space<vmem>> -> memref<1x128x64xf32, #tpu.memory_space<vmem>>
    %dma_start3A_3191 = tpu.memref_squeeze %dma_start3A_3190 : memref<1x128x64xf32, #tpu.memory_space<vmem>> -> memref<128x64xf32, #tpu.memory_space<vmem>>
    %dma_start3A_3192 = arith.constant 704 : i32
    %dma_start3A_3193 = tpu.memref_slice %arg5[%mul3A_2, %dma_start3A_3192] : memref<4096x1664xf32, #tpu.memory_space<hbm>> -> memref<128x64xf32, #tpu.memory_space<hbm>>
    %dma_start3A_3194 = arith.constant 704 : i32
    %dma_start3A_3195 = tpu.memref_slice %arg5[%mul3A_2, %dma_start3A_3194] : memref<4096x1664xf32, #tpu.memory_space<hbm>> -> memref<128x64xf32, #tpu.memory_space<hbm>>
    %dma_start3A_3196 = arith.constant 0 : i32
    %dma_start3A_3197 = arith.constant 0 : i32
    %dma_start3A_3198 = tpu.memref_slice %arg8[%dma_start3A_3187, %dma_start3A_3196, %dma_start3A_3197] : memref<4x128x64xf32, #tpu.memory_space<vmem>> -> memref<1x128x64xf32, #tpu.memory_space<vmem>>
    %dma_start3A_3199 = tpu.memref_squeeze %dma_start3A_3198 : memref<1x128x64xf32, #tpu.memory_space<vmem>> -> memref<128x64xf32, #tpu.memory_space<vmem>>
    tpu.enqueue_dma source(%dma_start3A_3199 : memref<128x64xf32, #tpu.memory_space<vmem>>) target(%dma_start3A_3195 : memref<128x64xf32, #tpu.memory_space<hbm>>) target_semaphore(%arg16 : memref<!tpu.dma_semaphore, #tpu.memory_space<semaphore_mem>>)
    %dma_wait3A_3200 = arith.constant 3 : i32
    %dma_wait3A_3201 = arith.constant 0 : i32
    %dma_wait3A_3202 = arith.constant 0 : i32
    %dma_wait3A_3203 = tpu.memref_slice %arg8[%dma_wait3A_3200, %dma_wait3A_3201, %dma_wait3A_3202] : memref<4x128x64xf32, #tpu.memory_space<vmem>> -> memref<1x128x64xf32, #tpu.memory_space<vmem>>
    %dma_wait3A_3204 = tpu.memref_squeeze %dma_wait3A_3203 : memref<1x128x64xf32, #tpu.memory_space<vmem>> -> memref<128x64xf32, #tpu.memory_space<vmem>>
    %dma_wait3A_3205 = arith.constant 704 : i32
    %dma_wait3A_3206 = tpu.memref_slice %arg5[%mul3A_2, %dma_wait3A_3205] : memref<4096x1664xf32, #tpu.memory_space<hbm>> -> memref<128x64xf32, #tpu.memory_space<hbm>>
    %dma_wait3A_3207 = arith.constant 704 : i32
    %dma_wait3A_3208 = tpu.memref_slice %arg5[%mul3A_2, %dma_wait3A_3207] : memref<4096x1664xf32, #tpu.memory_space<hbm>> -> memref<128x64xf32, #tpu.memory_space<hbm>>
    %dma_wait3A_3209 = arith.constant 0 : i32
    %dma_wait3A_3210 = arith.constant 0 : i32
    %dma_wait3A_3211 = tpu.memref_slice %arg8[%dma_wait3A_3200, %dma_wait3A_3209, %dma_wait3A_3210] : memref<4x128x64xf32, #tpu.memory_space<vmem>> -> memref<1x128x64xf32, #tpu.memory_space<vmem>>
    %dma_wait3A_3212 = tpu.memref_squeeze %dma_wait3A_3211 : memref<1x128x64xf32, #tpu.memory_space<vmem>> -> memref<128x64xf32, #tpu.memory_space<vmem>>
    tpu.wait_dma2 semaphore(%arg16 : memref<!tpu.dma_semaphore, #tpu.memory_space<semaphore_mem>>) src(%dma_wait3A_3212 : memref<128x64xf32, #tpu.memory_space<vmem>>) dst(%dma_wait3A_3208 : memref<128x64xf32, #tpu.memory_space<hbm>>)
    %dma_start3A_3213 = arith.constant 15 : i32
    %dma_start3A_3214 = arith.constant 3 : i32
    %dma_start3A_3215 = arith.constant 0 : i32
    %dma_start3A_3216 = arith.constant 0 : i32
    %dma_start3A_3217 = tpu.memref_slice %arg8[%dma_start3A_3214, %dma_start3A_3215, %dma_start3A_3216] : memref<4x128x64xf32, #tpu.memory_space<vmem>> -> memref<1x128x64xf32, #tpu.memory_space<vmem>>
    %dma_start3A_3218 = tpu.memref_squeeze %dma_start3A_3217 : memref<1x128x64xf32, #tpu.memory_space<vmem>> -> memref<128x64xf32, #tpu.memory_space<vmem>>
    %dma_start3A_3219 = arith.constant 0 : i32
    %dma_start3A_3220 = tpu.memref_slice %arg6[%dma_start3A_3213, %dma_start3A_3219] : memref<26x128xi32, #tpu.memory_space<vmem>> -> memref<1x128xi32, #tpu.memory_space<vmem>>
    %dma_start3A_3221 = tpu.memref_squeeze %dma_start3A_3220 : memref<1x128xi32, #tpu.memory_space<vmem>> -> memref<128xi32, #tpu.memory_space<vmem>>
    %dma_start3A_3222 = arith.constant 0 : i32
    %dma_start3A_3223 = arith.constant 0 : i32
    %dma_start3A_3224 = tpu.memref_slice %arg3[%dma_start3A_3222, %dma_start3A_3223] : memref<2600000x64xf32, #tpu.memory_space<hbm>> -> memref<2600000x64xf32, #tpu.memory_space<hbm>>
    tpu.enqueue_indirect_dma source(%dma_start3A_3224 : memref<2600000x64xf32, #tpu.memory_space<hbm>>) target(%dma_start3A_3218 : memref<128x64xf32, #tpu.memory_space<vmem>>) offsets(%dma_start3A_3221 : memref<128xi32, #tpu.memory_space<vmem>>) semaphore(%arg12 : memref<!tpu.dma_semaphore, #tpu.memory_space<semaphore_mem>>)
    %dma_wait3A_3225 = arith.constant 12 : i32
    %dma_wait3A_3226 = arith.constant 0 : i32
    %dma_wait3A_3227 = arith.constant 0 : i32
    %dma_wait3A_3228 = arith.constant 0 : i32
    %dma_wait3A_3229 = tpu.memref_slice %arg8[%dma_wait3A_3226, %dma_wait3A_3227, %dma_wait3A_3228] : memref<4x128x64xf32, #tpu.memory_space<vmem>> -> memref<1x128x64xf32, #tpu.memory_space<vmem>>
    %dma_wait3A_3230 = tpu.memref_squeeze %dma_wait3A_3229 : memref<1x128x64xf32, #tpu.memory_space<vmem>> -> memref<128x64xf32, #tpu.memory_space<vmem>>
    %dma_wait3A_3231 = arith.constant 0 : i32
    %dma_wait3A_3232 = tpu.memref_slice %arg6[%dma_wait3A_3225, %dma_wait3A_3231] : memref<26x128xi32, #tpu.memory_space<vmem>> -> memref<1x128xi32, #tpu.memory_space<vmem>>
    %dma_wait3A_3233 = tpu.memref_squeeze %dma_wait3A_3232 : memref<1x128xi32, #tpu.memory_space<vmem>> -> memref<128xi32, #tpu.memory_space<vmem>>
    %dma_wait3A_3234 = arith.constant 0 : i32
    %dma_wait3A_3235 = arith.constant 0 : i32
    %dma_wait3A_3236 = tpu.memref_slice %arg3[%dma_wait3A_3234, %dma_wait3A_3235] : memref<2600000x64xf32, #tpu.memory_space<hbm>> -> memref<2600000x64xf32, #tpu.memory_space<hbm>>
    tpu.wait_indirect_dma semaphore(%arg9 : memref<!tpu.dma_semaphore, #tpu.memory_space<semaphore_mem>>) src(%dma_wait3A_3236 : memref<2600000x64xf32, #tpu.memory_space<hbm>>) dst(%dma_wait3A_3230 : memref<128x64xf32, #tpu.memory_space<vmem>>)
    %dma_start3A_3237 = arith.constant 0 : i32
    %dma_start3A_3238 = arith.constant 0 : i32
    %dma_start3A_3239 = arith.constant 0 : i32
    %dma_start3A_3240 = tpu.memref_slice %arg8[%dma_start3A_3237, %dma_start3A_3238, %dma_start3A_3239] : memref<4x128x64xf32, #tpu.memory_space<vmem>> -> memref<1x128x64xf32, #tpu.memory_space<vmem>>
    %dma_start3A_3241 = tpu.memref_squeeze %dma_start3A_3240 : memref<1x128x64xf32, #tpu.memory_space<vmem>> -> memref<128x64xf32, #tpu.memory_space<vmem>>
    %dma_start3A_3242 = arith.constant 768 : i32
    %dma_start3A_3243 = tpu.memref_slice %arg5[%mul3A_2, %dma_start3A_3242] : memref<4096x1664xf32, #tpu.memory_space<hbm>> -> memref<128x64xf32, #tpu.memory_space<hbm>>
    %dma_start3A_3244 = arith.constant 768 : i32
    %dma_start3A_3245 = tpu.memref_slice %arg5[%mul3A_2, %dma_start3A_3244] : memref<4096x1664xf32, #tpu.memory_space<hbm>> -> memref<128x64xf32, #tpu.memory_space<hbm>>
    %dma_start3A_3246 = arith.constant 0 : i32
    %dma_start3A_3247 = arith.constant 0 : i32
    %dma_start3A_3248 = tpu.memref_slice %arg8[%dma_start3A_3237, %dma_start3A_3246, %dma_start3A_3247] : memref<4x128x64xf32, #tpu.memory_space<vmem>> -> memref<1x128x64xf32, #tpu.memory_space<vmem>>
    %dma_start3A_3249 = tpu.memref_squeeze %dma_start3A_3248 : memref<1x128x64xf32, #tpu.memory_space<vmem>> -> memref<128x64xf32, #tpu.memory_space<vmem>>
    tpu.enqueue_dma source(%dma_start3A_3249 : memref<128x64xf32, #tpu.memory_space<vmem>>) target(%dma_start3A_3245 : memref<128x64xf32, #tpu.memory_space<hbm>>) target_semaphore(%arg13 : memref<!tpu.dma_semaphore, #tpu.memory_space<semaphore_mem>>)
    %dma_wait3A_3250 = arith.constant 0 : i32
    %dma_wait3A_3251 = arith.constant 0 : i32
    %dma_wait3A_3252 = arith.constant 0 : i32
    %dma_wait3A_3253 = tpu.memref_slice %arg8[%dma_wait3A_3250, %dma_wait3A_3251, %dma_wait3A_3252] : memref<4x128x64xf32, #tpu.memory_space<vmem>> -> memref<1x128x64xf32, #tpu.memory_space<vmem>>
    %dma_wait3A_3254 = tpu.memref_squeeze %dma_wait3A_3253 : memref<1x128x64xf32, #tpu.memory_space<vmem>> -> memref<128x64xf32, #tpu.memory_space<vmem>>
    %dma_wait3A_3255 = arith.constant 768 : i32
    %dma_wait3A_3256 = tpu.memref_slice %arg5[%mul3A_2, %dma_wait3A_3255] : memref<4096x1664xf32, #tpu.memory_space<hbm>> -> memref<128x64xf32, #tpu.memory_space<hbm>>
    %dma_wait3A_3257 = arith.constant 768 : i32
    %dma_wait3A_3258 = tpu.memref_slice %arg5[%mul3A_2, %dma_wait3A_3257] : memref<4096x1664xf32, #tpu.memory_space<hbm>> -> memref<128x64xf32, #tpu.memory_space<hbm>>
    %dma_wait3A_3259 = arith.constant 0 : i32
    %dma_wait3A_3260 = arith.constant 0 : i32
    %dma_wait3A_3261 = tpu.memref_slice %arg8[%dma_wait3A_3250, %dma_wait3A_3259, %dma_wait3A_3260] : memref<4x128x64xf32, #tpu.memory_space<vmem>> -> memref<1x128x64xf32, #tpu.memory_space<vmem>>
    %dma_wait3A_3262 = tpu.memref_squeeze %dma_wait3A_3261 : memref<1x128x64xf32, #tpu.memory_space<vmem>> -> memref<128x64xf32, #tpu.memory_space<vmem>>
    tpu.wait_dma2 semaphore(%arg13 : memref<!tpu.dma_semaphore, #tpu.memory_space<semaphore_mem>>) src(%dma_wait3A_3262 : memref<128x64xf32, #tpu.memory_space<vmem>>) dst(%dma_wait3A_3258 : memref<128x64xf32, #tpu.memory_space<hbm>>)
    %dma_start3A_3263 = arith.constant 16 : i32
    %dma_start3A_3264 = arith.constant 0 : i32
    %dma_start3A_3265 = arith.constant 0 : i32
    %dma_start3A_3266 = arith.constant 0 : i32
    %dma_start3A_3267 = tpu.memref_slice %arg8[%dma_start3A_3264, %dma_start3A_3265, %dma_start3A_3266] : memref<4x128x64xf32, #tpu.memory_space<vmem>> -> memref<1x128x64xf32, #tpu.memory_space<vmem>>
    %dma_start3A_3268 = tpu.memref_squeeze %dma_start3A_3267 : memref<1x128x64xf32, #tpu.memory_space<vmem>> -> memref<128x64xf32, #tpu.memory_space<vmem>>
    %dma_start3A_3269 = arith.constant 0 : i32
    %dma_start3A_3270 = tpu.memref_slice %arg6[%dma_start3A_3263, %dma_start3A_3269] : memref<26x128xi32, #tpu.memory_space<vmem>> -> memref<1x128xi32, #tpu.memory_space<vmem>>
    %dma_start3A_3271 = tpu.memref_squeeze %dma_start3A_3270 : memref<1x128xi32, #tpu.memory_space<vmem>> -> memref<128xi32, #tpu.memory_space<vmem>>
    %dma_start3A_3272 = arith.constant 0 : i32
    %dma_start3A_3273 = arith.constant 0 : i32
    %dma_start3A_3274 = tpu.memref_slice %arg3[%dma_start3A_3272, %dma_start3A_3273] : memref<2600000x64xf32, #tpu.memory_space<hbm>> -> memref<2600000x64xf32, #tpu.memory_space<hbm>>
    tpu.enqueue_indirect_dma source(%dma_start3A_3274 : memref<2600000x64xf32, #tpu.memory_space<hbm>>) target(%dma_start3A_3268 : memref<128x64xf32, #tpu.memory_space<vmem>>) offsets(%dma_start3A_3271 : memref<128xi32, #tpu.memory_space<vmem>>) semaphore(%arg9 : memref<!tpu.dma_semaphore, #tpu.memory_space<semaphore_mem>>)
    %dma_wait3A_3275 = arith.constant 13 : i32
    %dma_wait3A_3276 = arith.constant 1 : i32
    %dma_wait3A_3277 = arith.constant 0 : i32
    %dma_wait3A_3278 = arith.constant 0 : i32
    %dma_wait3A_3279 = tpu.memref_slice %arg8[%dma_wait3A_3276, %dma_wait3A_3277, %dma_wait3A_3278] : memref<4x128x64xf32, #tpu.memory_space<vmem>> -> memref<1x128x64xf32, #tpu.memory_space<vmem>>
    %dma_wait3A_3280 = tpu.memref_squeeze %dma_wait3A_3279 : memref<1x128x64xf32, #tpu.memory_space<vmem>> -> memref<128x64xf32, #tpu.memory_space<vmem>>
    %dma_wait3A_3281 = arith.constant 0 : i32
    %dma_wait3A_3282 = tpu.memref_slice %arg6[%dma_wait3A_3275, %dma_wait3A_3281] : memref<26x128xi32, #tpu.memory_space<vmem>> -> memref<1x128xi32, #tpu.memory_space<vmem>>
    %dma_wait3A_3283 = tpu.memref_squeeze %dma_wait3A_3282 : memref<1x128xi32, #tpu.memory_space<vmem>> -> memref<128xi32, #tpu.memory_space<vmem>>
    %dma_wait3A_3284 = arith.constant 0 : i32
    %dma_wait3A_3285 = arith.constant 0 : i32
    %dma_wait3A_3286 = tpu.memref_slice %arg3[%dma_wait3A_3284, %dma_wait3A_3285] : memref<2600000x64xf32, #tpu.memory_space<hbm>> -> memref<2600000x64xf32, #tpu.memory_space<hbm>>
    tpu.wait_indirect_dma semaphore(%arg10 : memref<!tpu.dma_semaphore, #tpu.memory_space<semaphore_mem>>) src(%dma_wait3A_3286 : memref<2600000x64xf32, #tpu.memory_space<hbm>>) dst(%dma_wait3A_3280 : memref<128x64xf32, #tpu.memory_space<vmem>>)
    %dma_start3A_3287 = arith.constant 1 : i32
    %dma_start3A_3288 = arith.constant 0 : i32
    %dma_start3A_3289 = arith.constant 0 : i32
    %dma_start3A_3290 = tpu.memref_slice %arg8[%dma_start3A_3287, %dma_start3A_3288, %dma_start3A_3289] : memref<4x128x64xf32, #tpu.memory_space<vmem>> -> memref<1x128x64xf32, #tpu.memory_space<vmem>>
    %dma_start3A_3291 = tpu.memref_squeeze %dma_start3A_3290 : memref<1x128x64xf32, #tpu.memory_space<vmem>> -> memref<128x64xf32, #tpu.memory_space<vmem>>
    %dma_start3A_3292 = arith.constant 832 : i32
    %dma_start3A_3293 = tpu.memref_slice %arg5[%mul3A_2, %dma_start3A_3292] : memref<4096x1664xf32, #tpu.memory_space<hbm>> -> memref<128x64xf32, #tpu.memory_space<hbm>>
    %dma_start3A_3294 = arith.constant 832 : i32
    %dma_start3A_3295 = tpu.memref_slice %arg5[%mul3A_2, %dma_start3A_3294] : memref<4096x1664xf32, #tpu.memory_space<hbm>> -> memref<128x64xf32, #tpu.memory_space<hbm>>
    %dma_start3A_3296 = arith.constant 0 : i32
    %dma_start3A_3297 = arith.constant 0 : i32
    %dma_start3A_3298 = tpu.memref_slice %arg8[%dma_start3A_3287, %dma_start3A_3296, %dma_start3A_3297] : memref<4x128x64xf32, #tpu.memory_space<vmem>> -> memref<1x128x64xf32, #tpu.memory_space<vmem>>
    %dma_start3A_3299 = tpu.memref_squeeze %dma_start3A_3298 : memref<1x128x64xf32, #tpu.memory_space<vmem>> -> memref<128x64xf32, #tpu.memory_space<vmem>>
    tpu.enqueue_dma source(%dma_start3A_3299 : memref<128x64xf32, #tpu.memory_space<vmem>>) target(%dma_start3A_3295 : memref<128x64xf32, #tpu.memory_space<hbm>>) target_semaphore(%arg14 : memref<!tpu.dma_semaphore, #tpu.memory_space<semaphore_mem>>)
    %dma_wait3A_3300 = arith.constant 1 : i32
    %dma_wait3A_3301 = arith.constant 0 : i32
    %dma_wait3A_3302 = arith.constant 0 : i32
    %dma_wait3A_3303 = tpu.memref_slice %arg8[%dma_wait3A_3300, %dma_wait3A_3301, %dma_wait3A_3302] : memref<4x128x64xf32, #tpu.memory_space<vmem>> -> memref<1x128x64xf32, #tpu.memory_space<vmem>>
    %dma_wait3A_3304 = tpu.memref_squeeze %dma_wait3A_3303 : memref<1x128x64xf32, #tpu.memory_space<vmem>> -> memref<128x64xf32, #tpu.memory_space<vmem>>
    %dma_wait3A_3305 = arith.constant 832 : i32
    %dma_wait3A_3306 = tpu.memref_slice %arg5[%mul3A_2, %dma_wait3A_3305] : memref<4096x1664xf32, #tpu.memory_space<hbm>> -> memref<128x64xf32, #tpu.memory_space<hbm>>
    %dma_wait3A_3307 = arith.constant 832 : i32
    %dma_wait3A_3308 = tpu.memref_slice %arg5[%mul3A_2, %dma_wait3A_3307] : memref<4096x1664xf32, #tpu.memory_space<hbm>> -> memref<128x64xf32, #tpu.memory_space<hbm>>
    %dma_wait3A_3309 = arith.constant 0 : i32
    %dma_wait3A_3310 = arith.constant 0 : i32
    %dma_wait3A_3311 = tpu.memref_slice %arg8[%dma_wait3A_3300, %dma_wait3A_3309, %dma_wait3A_3310] : memref<4x128x64xf32, #tpu.memory_space<vmem>> -> memref<1x128x64xf32, #tpu.memory_space<vmem>>
    %dma_wait3A_3312 = tpu.memref_squeeze %dma_wait3A_3311 : memref<1x128x64xf32, #tpu.memory_space<vmem>> -> memref<128x64xf32, #tpu.memory_space<vmem>>
    tpu.wait_dma2 semaphore(%arg14 : memref<!tpu.dma_semaphore, #tpu.memory_space<semaphore_mem>>) src(%dma_wait3A_3312 : memref<128x64xf32, #tpu.memory_space<vmem>>) dst(%dma_wait3A_3308 : memref<128x64xf32, #tpu.memory_space<hbm>>)
    %dma_start3A_3313 = arith.constant 17 : i32
    %dma_start3A_3314 = arith.constant 1 : i32
    %dma_start3A_3315 = arith.constant 0 : i32
    %dma_start3A_3316 = arith.constant 0 : i32
    %dma_start3A_3317 = tpu.memref_slice %arg8[%dma_start3A_3314, %dma_start3A_3315, %dma_start3A_3316] : memref<4x128x64xf32, #tpu.memory_space<vmem>> -> memref<1x128x64xf32, #tpu.memory_space<vmem>>
    %dma_start3A_3318 = tpu.memref_squeeze %dma_start3A_3317 : memref<1x128x64xf32, #tpu.memory_space<vmem>> -> memref<128x64xf32, #tpu.memory_space<vmem>>
    %dma_start3A_3319 = arith.constant 0 : i32
    %dma_start3A_3320 = tpu.memref_slice %arg6[%dma_start3A_3313, %dma_start3A_3319] : memref<26x128xi32, #tpu.memory_space<vmem>> -> memref<1x128xi32, #tpu.memory_space<vmem>>
    %dma_start3A_3321 = tpu.memref_squeeze %dma_start3A_3320 : memref<1x128xi32, #tpu.memory_space<vmem>> -> memref<128xi32, #tpu.memory_space<vmem>>
    %dma_start3A_3322 = arith.constant 0 : i32
    %dma_start3A_3323 = arith.constant 0 : i32
    %dma_start3A_3324 = tpu.memref_slice %arg3[%dma_start3A_3322, %dma_start3A_3323] : memref<2600000x64xf32, #tpu.memory_space<hbm>> -> memref<2600000x64xf32, #tpu.memory_space<hbm>>
    tpu.enqueue_indirect_dma source(%dma_start3A_3324 : memref<2600000x64xf32, #tpu.memory_space<hbm>>) target(%dma_start3A_3318 : memref<128x64xf32, #tpu.memory_space<vmem>>) offsets(%dma_start3A_3321 : memref<128xi32, #tpu.memory_space<vmem>>) semaphore(%arg10 : memref<!tpu.dma_semaphore, #tpu.memory_space<semaphore_mem>>)
    %dma_wait3A_3325 = arith.constant 14 : i32
    %dma_wait3A_3326 = arith.constant 2 : i32
    %dma_wait3A_3327 = arith.constant 0 : i32
    %dma_wait3A_3328 = arith.constant 0 : i32
    %dma_wait3A_3329 = tpu.memref_slice %arg8[%dma_wait3A_3326, %dma_wait3A_3327, %dma_wait3A_3328] : memref<4x128x64xf32, #tpu.memory_space<vmem>> -> memref<1x128x64xf32, #tpu.memory_space<vmem>>
    %dma_wait3A_3330 = tpu.memref_squeeze %dma_wait3A_3329 : memref<1x128x64xf32, #tpu.memory_space<vmem>> -> memref<128x64xf32, #tpu.memory_space<vmem>>
    %dma_wait3A_3331 = arith.constant 0 : i32
    %dma_wait3A_3332 = tpu.memref_slice %arg6[%dma_wait3A_3325, %dma_wait3A_3331] : memref<26x128xi32, #tpu.memory_space<vmem>> -> memref<1x128xi32, #tpu.memory_space<vmem>>
    %dma_wait3A_3333 = tpu.memref_squeeze %dma_wait3A_3332 : memref<1x128xi32, #tpu.memory_space<vmem>> -> memref<128xi32, #tpu.memory_space<vmem>>
    %dma_wait3A_3334 = arith.constant 0 : i32
    %dma_wait3A_3335 = arith.constant 0 : i32
    %dma_wait3A_3336 = tpu.memref_slice %arg3[%dma_wait3A_3334, %dma_wait3A_3335] : memref<2600000x64xf32, #tpu.memory_space<hbm>> -> memref<2600000x64xf32, #tpu.memory_space<hbm>>
    tpu.wait_indirect_dma semaphore(%arg11 : memref<!tpu.dma_semaphore, #tpu.memory_space<semaphore_mem>>) src(%dma_wait3A_3336 : memref<2600000x64xf32, #tpu.memory_space<hbm>>) dst(%dma_wait3A_3330 : memref<128x64xf32, #tpu.memory_space<vmem>>)
    %dma_start3A_3337 = arith.constant 2 : i32
    %dma_start3A_3338 = arith.constant 0 : i32
    %dma_start3A_3339 = arith.constant 0 : i32
    %dma_start3A_3340 = tpu.memref_slice %arg8[%dma_start3A_3337, %dma_start3A_3338, %dma_start3A_3339] : memref<4x128x64xf32, #tpu.memory_space<vmem>> -> memref<1x128x64xf32, #tpu.memory_space<vmem>>
    %dma_start3A_3341 = tpu.memref_squeeze %dma_start3A_3340 : memref<1x128x64xf32, #tpu.memory_space<vmem>> -> memref<128x64xf32, #tpu.memory_space<vmem>>
    %dma_start3A_3342 = arith.constant 896 : i32
    %dma_start3A_3343 = tpu.memref_slice %arg5[%mul3A_2, %dma_start3A_3342] : memref<4096x1664xf32, #tpu.memory_space<hbm>> -> memref<128x64xf32, #tpu.memory_space<hbm>>
    %dma_start3A_3344 = arith.constant 896 : i32
    %dma_start3A_3345 = tpu.memref_slice %arg5[%mul3A_2, %dma_start3A_3344] : memref<4096x1664xf32, #tpu.memory_space<hbm>> -> memref<128x64xf32, #tpu.memory_space<hbm>>
    %dma_start3A_3346 = arith.constant 0 : i32
    %dma_start3A_3347 = arith.constant 0 : i32
    %dma_start3A_3348 = tpu.memref_slice %arg8[%dma_start3A_3337, %dma_start3A_3346, %dma_start3A_3347] : memref<4x128x64xf32, #tpu.memory_space<vmem>> -> memref<1x128x64xf32, #tpu.memory_space<vmem>>
    %dma_start3A_3349 = tpu.memref_squeeze %dma_start3A_3348 : memref<1x128x64xf32, #tpu.memory_space<vmem>> -> memref<128x64xf32, #tpu.memory_space<vmem>>
    tpu.enqueue_dma source(%dma_start3A_3349 : memref<128x64xf32, #tpu.memory_space<vmem>>) target(%dma_start3A_3345 : memref<128x64xf32, #tpu.memory_space<hbm>>) target_semaphore(%arg15 : memref<!tpu.dma_semaphore, #tpu.memory_space<semaphore_mem>>)
    %dma_wait3A_3350 = arith.constant 2 : i32
    %dma_wait3A_3351 = arith.constant 0 : i32
    %dma_wait3A_3352 = arith.constant 0 : i32
    %dma_wait3A_3353 = tpu.memref_slice %arg8[%dma_wait3A_3350, %dma_wait3A_3351, %dma_wait3A_3352] : memref<4x128x64xf32, #tpu.memory_space<vmem>> -> memref<1x128x64xf32, #tpu.memory_space<vmem>>
    %dma_wait3A_3354 = tpu.memref_squeeze %dma_wait3A_3353 : memref<1x128x64xf32, #tpu.memory_space<vmem>> -> memref<128x64xf32, #tpu.memory_space<vmem>>
    %dma_wait3A_3355 = arith.constant 896 : i32
    %dma_wait3A_3356 = tpu.memref_slice %arg5[%mul3A_2, %dma_wait3A_3355] : memref<4096x1664xf32, #tpu.memory_space<hbm>> -> memref<128x64xf32, #tpu.memory_space<hbm>>
    %dma_wait3A_3357 = arith.constant 896 : i32
    %dma_wait3A_3358 = tpu.memref_slice %arg5[%mul3A_2, %dma_wait3A_3357] : memref<4096x1664xf32, #tpu.memory_space<hbm>> -> memref<128x64xf32, #tpu.memory_space<hbm>>
    %dma_wait3A_3359 = arith.constant 0 : i32
    %dma_wait3A_3360 = arith.constant 0 : i32
    %dma_wait3A_3361 = tpu.memref_slice %arg8[%dma_wait3A_3350, %dma_wait3A_3359, %dma_wait3A_3360] : memref<4x128x64xf32, #tpu.memory_space<vmem>> -> memref<1x128x64xf32, #tpu.memory_space<vmem>>
    %dma_wait3A_3362 = tpu.memref_squeeze %dma_wait3A_3361 : memref<1x128x64xf32, #tpu.memory_space<vmem>> -> memref<128x64xf32, #tpu.memory_space<vmem>>
    tpu.wait_dma2 semaphore(%arg15 : memref<!tpu.dma_semaphore, #tpu.memory_space<semaphore_mem>>) src(%dma_wait3A_3362 : memref<128x64xf32, #tpu.memory_space<vmem>>) dst(%dma_wait3A_3358 : memref<128x64xf32, #tpu.memory_space<hbm>>)
    %dma_start3A_3363 = arith.constant 18 : i32
    %dma_start3A_3364 = arith.constant 2 : i32
    %dma_start3A_3365 = arith.constant 0 : i32
    %dma_start3A_3366 = arith.constant 0 : i32
    %dma_start3A_3367 = tpu.memref_slice %arg8[%dma_start3A_3364, %dma_start3A_3365, %dma_start3A_3366] : memref<4x128x64xf32, #tpu.memory_space<vmem>> -> memref<1x128x64xf32, #tpu.memory_space<vmem>>
    %dma_start3A_3368 = tpu.memref_squeeze %dma_start3A_3367 : memref<1x128x64xf32, #tpu.memory_space<vmem>> -> memref<128x64xf32, #tpu.memory_space<vmem>>
    %dma_start3A_3369 = arith.constant 0 : i32
    %dma_start3A_3370 = tpu.memref_slice %arg6[%dma_start3A_3363, %dma_start3A_3369] : memref<26x128xi32, #tpu.memory_space<vmem>> -> memref<1x128xi32, #tpu.memory_space<vmem>>
    %dma_start3A_3371 = tpu.memref_squeeze %dma_start3A_3370 : memref<1x128xi32, #tpu.memory_space<vmem>> -> memref<128xi32, #tpu.memory_space<vmem>>
    %dma_start3A_3372 = arith.constant 0 : i32
    %dma_start3A_3373 = arith.constant 0 : i32
    %dma_start3A_3374 = tpu.memref_slice %arg3[%dma_start3A_3372, %dma_start3A_3373] : memref<2600000x64xf32, #tpu.memory_space<hbm>> -> memref<2600000x64xf32, #tpu.memory_space<hbm>>
    tpu.enqueue_indirect_dma source(%dma_start3A_3374 : memref<2600000x64xf32, #tpu.memory_space<hbm>>) target(%dma_start3A_3368 : memref<128x64xf32, #tpu.memory_space<vmem>>) offsets(%dma_start3A_3371 : memref<128xi32, #tpu.memory_space<vmem>>) semaphore(%arg11 : memref<!tpu.dma_semaphore, #tpu.memory_space<semaphore_mem>>)
    %dma_wait3A_3375 = arith.constant 15 : i32
    %dma_wait3A_3376 = arith.constant 3 : i32
    %dma_wait3A_3377 = arith.constant 0 : i32
    %dma_wait3A_3378 = arith.constant 0 : i32
    %dma_wait3A_3379 = tpu.memref_slice %arg8[%dma_wait3A_3376, %dma_wait3A_3377, %dma_wait3A_3378] : memref<4x128x64xf32, #tpu.memory_space<vmem>> -> memref<1x128x64xf32, #tpu.memory_space<vmem>>
    %dma_wait3A_3380 = tpu.memref_squeeze %dma_wait3A_3379 : memref<1x128x64xf32, #tpu.memory_space<vmem>> -> memref<128x64xf32, #tpu.memory_space<vmem>>
    %dma_wait3A_3381 = arith.constant 0 : i32
    %dma_wait3A_3382 = tpu.memref_slice %arg6[%dma_wait3A_3375, %dma_wait3A_3381] : memref<26x128xi32, #tpu.memory_space<vmem>> -> memref<1x128xi32, #tpu.memory_space<vmem>>
    %dma_wait3A_3383 = tpu.memref_squeeze %dma_wait3A_3382 : memref<1x128xi32, #tpu.memory_space<vmem>> -> memref<128xi32, #tpu.memory_space<vmem>>
    %dma_wait3A_3384 = arith.constant 0 : i32
    %dma_wait3A_3385 = arith.constant 0 : i32
    %dma_wait3A_3386 = tpu.memref_slice %arg3[%dma_wait3A_3384, %dma_wait3A_3385] : memref<2600000x64xf32, #tpu.memory_space<hbm>> -> memref<2600000x64xf32, #tpu.memory_space<hbm>>
    tpu.wait_indirect_dma semaphore(%arg12 : memref<!tpu.dma_semaphore, #tpu.memory_space<semaphore_mem>>) src(%dma_wait3A_3386 : memref<2600000x64xf32, #tpu.memory_space<hbm>>) dst(%dma_wait3A_3380 : memref<128x64xf32, #tpu.memory_space<vmem>>)
    %dma_start3A_3387 = arith.constant 3 : i32
    %dma_start3A_3388 = arith.constant 0 : i32
    %dma_start3A_3389 = arith.constant 0 : i32
    %dma_start3A_3390 = tpu.memref_slice %arg8[%dma_start3A_3387, %dma_start3A_3388, %dma_start3A_3389] : memref<4x128x64xf32, #tpu.memory_space<vmem>> -> memref<1x128x64xf32, #tpu.memory_space<vmem>>
    %dma_start3A_3391 = tpu.memref_squeeze %dma_start3A_3390 : memref<1x128x64xf32, #tpu.memory_space<vmem>> -> memref<128x64xf32, #tpu.memory_space<vmem>>
    %dma_start3A_3392 = arith.constant 960 : i32
    %dma_start3A_3393 = tpu.memref_slice %arg5[%mul3A_2, %dma_start3A_3392] : memref<4096x1664xf32, #tpu.memory_space<hbm>> -> memref<128x64xf32, #tpu.memory_space<hbm>>
    %dma_start3A_3394 = arith.constant 960 : i32
    %dma_start3A_3395 = tpu.memref_slice %arg5[%mul3A_2, %dma_start3A_3394] : memref<4096x1664xf32, #tpu.memory_space<hbm>> -> memref<128x64xf32, #tpu.memory_space<hbm>>
    %dma_start3A_3396 = arith.constant 0 : i32
    %dma_start3A_3397 = arith.constant 0 : i32
    %dma_start3A_3398 = tpu.memref_slice %arg8[%dma_start3A_3387, %dma_start3A_3396, %dma_start3A_3397] : memref<4x128x64xf32, #tpu.memory_space<vmem>> -> memref<1x128x64xf32, #tpu.memory_space<vmem>>
    %dma_start3A_3399 = tpu.memref_squeeze %dma_start3A_3398 : memref<1x128x64xf32, #tpu.memory_space<vmem>> -> memref<128x64xf32, #tpu.memory_space<vmem>>
    tpu.enqueue_dma source(%dma_start3A_3399 : memref<128x64xf32, #tpu.memory_space<vmem>>) target(%dma_start3A_3395 : memref<128x64xf32, #tpu.memory_space<hbm>>) target_semaphore(%arg16 : memref<!tpu.dma_semaphore, #tpu.memory_space<semaphore_mem>>)
    %dma_wait3A_3400 = arith.constant 3 : i32
    %dma_wait3A_3401 = arith.constant 0 : i32
    %dma_wait3A_3402 = arith.constant 0 : i32
    %dma_wait3A_3403 = tpu.memref_slice %arg8[%dma_wait3A_3400, %dma_wait3A_3401, %dma_wait3A_3402] : memref<4x128x64xf32, #tpu.memory_space<vmem>> -> memref<1x128x64xf32, #tpu.memory_space<vmem>>
    %dma_wait3A_3404 = tpu.memref_squeeze %dma_wait3A_3403 : memref<1x128x64xf32, #tpu.memory_space<vmem>> -> memref<128x64xf32, #tpu.memory_space<vmem>>
    %dma_wait3A_3405 = arith.constant 960 : i32
    %dma_wait3A_3406 = tpu.memref_slice %arg5[%mul3A_2, %dma_wait3A_3405] : memref<4096x1664xf32, #tpu.memory_space<hbm>> -> memref<128x64xf32, #tpu.memory_space<hbm>>
    %dma_wait3A_3407 = arith.constant 960 : i32
    %dma_wait3A_3408 = tpu.memref_slice %arg5[%mul3A_2, %dma_wait3A_3407] : memref<4096x1664xf32, #tpu.memory_space<hbm>> -> memref<128x64xf32, #tpu.memory_space<hbm>>
    %dma_wait3A_3409 = arith.constant 0 : i32
    %dma_wait3A_3410 = arith.constant 0 : i32
    %dma_wait3A_3411 = tpu.memref_slice %arg8[%dma_wait3A_3400, %dma_wait3A_3409, %dma_wait3A_3410] : memref<4x128x64xf32, #tpu.memory_space<vmem>> -> memref<1x128x64xf32, #tpu.memory_space<vmem>>
    %dma_wait3A_3412 = tpu.memref_squeeze %dma_wait3A_3411 : memref<1x128x64xf32, #tpu.memory_space<vmem>> -> memref<128x64xf32, #tpu.memory_space<vmem>>
    tpu.wait_dma2 semaphore(%arg16 : memref<!tpu.dma_semaphore, #tpu.memory_space<semaphore_mem>>) src(%dma_wait3A_3412 : memref<128x64xf32, #tpu.memory_space<vmem>>) dst(%dma_wait3A_3408 : memref<128x64xf32, #tpu.memory_space<hbm>>)
    %dma_start3A_3413 = arith.constant 19 : i32
    %dma_start3A_3414 = arith.constant 3 : i32
    %dma_start3A_3415 = arith.constant 0 : i32
    %dma_start3A_3416 = arith.constant 0 : i32
    %dma_start3A_3417 = tpu.memref_slice %arg8[%dma_start3A_3414, %dma_start3A_3415, %dma_start3A_3416] : memref<4x128x64xf32, #tpu.memory_space<vmem>> -> memref<1x128x64xf32, #tpu.memory_space<vmem>>
    %dma_start3A_3418 = tpu.memref_squeeze %dma_start3A_3417 : memref<1x128x64xf32, #tpu.memory_space<vmem>> -> memref<128x64xf32, #tpu.memory_space<vmem>>
    %dma_start3A_3419 = arith.constant 0 : i32
    %dma_start3A_3420 = tpu.memref_slice %arg6[%dma_start3A_3413, %dma_start3A_3419] : memref<26x128xi32, #tpu.memory_space<vmem>> -> memref<1x128xi32, #tpu.memory_space<vmem>>
    %dma_start3A_3421 = tpu.memref_squeeze %dma_start3A_3420 : memref<1x128xi32, #tpu.memory_space<vmem>> -> memref<128xi32, #tpu.memory_space<vmem>>
    %dma_start3A_3422 = arith.constant 0 : i32
    %dma_start3A_3423 = arith.constant 0 : i32
    %dma_start3A_3424 = tpu.memref_slice %arg3[%dma_start3A_3422, %dma_start3A_3423] : memref<2600000x64xf32, #tpu.memory_space<hbm>> -> memref<2600000x64xf32, #tpu.memory_space<hbm>>
    tpu.enqueue_indirect_dma source(%dma_start3A_3424 : memref<2600000x64xf32, #tpu.memory_space<hbm>>) target(%dma_start3A_3418 : memref<128x64xf32, #tpu.memory_space<vmem>>) offsets(%dma_start3A_3421 : memref<128xi32, #tpu.memory_space<vmem>>) semaphore(%arg12 : memref<!tpu.dma_semaphore, #tpu.memory_space<semaphore_mem>>)
    %dma_wait3A_3425 = arith.constant 16 : i32
    %dma_wait3A_3426 = arith.constant 0 : i32
    %dma_wait3A_3427 = arith.constant 0 : i32
    %dma_wait3A_3428 = arith.constant 0 : i32
    %dma_wait3A_3429 = tpu.memref_slice %arg8[%dma_wait3A_3426, %dma_wait3A_3427, %dma_wait3A_3428] : memref<4x128x64xf32, #tpu.memory_space<vmem>> -> memref<1x128x64xf32, #tpu.memory_space<vmem>>
    %dma_wait3A_3430 = tpu.memref_squeeze %dma_wait3A_3429 : memref<1x128x64xf32, #tpu.memory_space<vmem>> -> memref<128x64xf32, #tpu.memory_space<vmem>>
    %dma_wait3A_3431 = arith.constant 0 : i32
    %dma_wait3A_3432 = tpu.memref_slice %arg6[%dma_wait3A_3425, %dma_wait3A_3431] : memref<26x128xi32, #tpu.memory_space<vmem>> -> memref<1x128xi32, #tpu.memory_space<vmem>>
    %dma_wait3A_3433 = tpu.memref_squeeze %dma_wait3A_3432 : memref<1x128xi32, #tpu.memory_space<vmem>> -> memref<128xi32, #tpu.memory_space<vmem>>
    %dma_wait3A_3434 = arith.constant 0 : i32
    %dma_wait3A_3435 = arith.constant 0 : i32
    %dma_wait3A_3436 = tpu.memref_slice %arg3[%dma_wait3A_3434, %dma_wait3A_3435] : memref<2600000x64xf32, #tpu.memory_space<hbm>> -> memref<2600000x64xf32, #tpu.memory_space<hbm>>
    tpu.wait_indirect_dma semaphore(%arg9 : memref<!tpu.dma_semaphore, #tpu.memory_space<semaphore_mem>>) src(%dma_wait3A_3436 : memref<2600000x64xf32, #tpu.memory_space<hbm>>) dst(%dma_wait3A_3430 : memref<128x64xf32, #tpu.memory_space<vmem>>)
    %dma_start3A_3437 = arith.constant 0 : i32
    %dma_start3A_3438 = arith.constant 0 : i32
    %dma_start3A_3439 = arith.constant 0 : i32
    %dma_start3A_3440 = tpu.memref_slice %arg8[%dma_start3A_3437, %dma_start3A_3438, %dma_start3A_3439] : memref<4x128x64xf32, #tpu.memory_space<vmem>> -> memref<1x128x64xf32, #tpu.memory_space<vmem>>
    %dma_start3A_3441 = tpu.memref_squeeze %dma_start3A_3440 : memref<1x128x64xf32, #tpu.memory_space<vmem>> -> memref<128x64xf32, #tpu.memory_space<vmem>>
    %dma_start3A_3442 = arith.constant 1024 : i32
    %dma_start3A_3443 = tpu.memref_slice %arg5[%mul3A_2, %dma_start3A_3442] : memref<4096x1664xf32, #tpu.memory_space<hbm>> -> memref<128x64xf32, #tpu.memory_space<hbm>>
    %dma_start3A_3444 = arith.constant 1024 : i32
    %dma_start3A_3445 = tpu.memref_slice %arg5[%mul3A_2, %dma_start3A_3444] : memref<4096x1664xf32, #tpu.memory_space<hbm>> -> memref<128x64xf32, #tpu.memory_space<hbm>>
    %dma_start3A_3446 = arith.constant 0 : i32
    %dma_start3A_3447 = arith.constant 0 : i32
    %dma_start3A_3448 = tpu.memref_slice %arg8[%dma_start3A_3437, %dma_start3A_3446, %dma_start3A_3447] : memref<4x128x64xf32, #tpu.memory_space<vmem>> -> memref<1x128x64xf32, #tpu.memory_space<vmem>>
    %dma_start3A_3449 = tpu.memref_squeeze %dma_start3A_3448 : memref<1x128x64xf32, #tpu.memory_space<vmem>> -> memref<128x64xf32, #tpu.memory_space<vmem>>
    tpu.enqueue_dma source(%dma_start3A_3449 : memref<128x64xf32, #tpu.memory_space<vmem>>) target(%dma_start3A_3445 : memref<128x64xf32, #tpu.memory_space<hbm>>) target_semaphore(%arg13 : memref<!tpu.dma_semaphore, #tpu.memory_space<semaphore_mem>>)
    %dma_wait3A_3450 = arith.constant 0 : i32
    %dma_wait3A_3451 = arith.constant 0 : i32
    %dma_wait3A_3452 = arith.constant 0 : i32
    %dma_wait3A_3453 = tpu.memref_slice %arg8[%dma_wait3A_3450, %dma_wait3A_3451, %dma_wait3A_3452] : memref<4x128x64xf32, #tpu.memory_space<vmem>> -> memref<1x128x64xf32, #tpu.memory_space<vmem>>
    %dma_wait3A_3454 = tpu.memref_squeeze %dma_wait3A_3453 : memref<1x128x64xf32, #tpu.memory_space<vmem>> -> memref<128x64xf32, #tpu.memory_space<vmem>>
    %dma_wait3A_3455 = arith.constant 1024 : i32
    %dma_wait3A_3456 = tpu.memref_slice %arg5[%mul3A_2, %dma_wait3A_3455] : memref<4096x1664xf32, #tpu.memory_space<hbm>> -> memref<128x64xf32, #tpu.memory_space<hbm>>
    %dma_wait3A_3457 = arith.constant 1024 : i32
    %dma_wait3A_3458 = tpu.memref_slice %arg5[%mul3A_2, %dma_wait3A_3457] : memref<4096x1664xf32, #tpu.memory_space<hbm>> -> memref<128x64xf32, #tpu.memory_space<hbm>>
    %dma_wait3A_3459 = arith.constant 0 : i32
    %dma_wait3A_3460 = arith.constant 0 : i32
    %dma_wait3A_3461 = tpu.memref_slice %arg8[%dma_wait3A_3450, %dma_wait3A_3459, %dma_wait3A_3460] : memref<4x128x64xf32, #tpu.memory_space<vmem>> -> memref<1x128x64xf32, #tpu.memory_space<vmem>>
    %dma_wait3A_3462 = tpu.memref_squeeze %dma_wait3A_3461 : memref<1x128x64xf32, #tpu.memory_space<vmem>> -> memref<128x64xf32, #tpu.memory_space<vmem>>
    tpu.wait_dma2 semaphore(%arg13 : memref<!tpu.dma_semaphore, #tpu.memory_space<semaphore_mem>>) src(%dma_wait3A_3462 : memref<128x64xf32, #tpu.memory_space<vmem>>) dst(%dma_wait3A_3458 : memref<128x64xf32, #tpu.memory_space<hbm>>)
    %dma_start3A_3463 = arith.constant 20 : i32
    %dma_start3A_3464 = arith.constant 0 : i32
    %dma_start3A_3465 = arith.constant 0 : i32
    %dma_start3A_3466 = arith.constant 0 : i32
    %dma_start3A_3467 = tpu.memref_slice %arg8[%dma_start3A_3464, %dma_start3A_3465, %dma_start3A_3466] : memref<4x128x64xf32, #tpu.memory_space<vmem>> -> memref<1x128x64xf32, #tpu.memory_space<vmem>>
    %dma_start3A_3468 = tpu.memref_squeeze %dma_start3A_3467 : memref<1x128x64xf32, #tpu.memory_space<vmem>> -> memref<128x64xf32, #tpu.memory_space<vmem>>
    %dma_start3A_3469 = arith.constant 0 : i32
    %dma_start3A_3470 = tpu.memref_slice %arg6[%dma_start3A_3463, %dma_start3A_3469] : memref<26x128xi32, #tpu.memory_space<vmem>> -> memref<1x128xi32, #tpu.memory_space<vmem>>
    %dma_start3A_3471 = tpu.memref_squeeze %dma_start3A_3470 : memref<1x128xi32, #tpu.memory_space<vmem>> -> memref<128xi32, #tpu.memory_space<vmem>>
    %dma_start3A_3472 = arith.constant 0 : i32
    %dma_start3A_3473 = arith.constant 0 : i32
    %dma_start3A_3474 = tpu.memref_slice %arg3[%dma_start3A_3472, %dma_start3A_3473] : memref<2600000x64xf32, #tpu.memory_space<hbm>> -> memref<2600000x64xf32, #tpu.memory_space<hbm>>
    tpu.enqueue_indirect_dma source(%dma_start3A_3474 : memref<2600000x64xf32, #tpu.memory_space<hbm>>) target(%dma_start3A_3468 : memref<128x64xf32, #tpu.memory_space<vmem>>) offsets(%dma_start3A_3471 : memref<128xi32, #tpu.memory_space<vmem>>) semaphore(%arg9 : memref<!tpu.dma_semaphore, #tpu.memory_space<semaphore_mem>>)
    %dma_wait3A_3475 = arith.constant 17 : i32
    %dma_wait3A_3476 = arith.constant 1 : i32
    %dma_wait3A_3477 = arith.constant 0 : i32
    %dma_wait3A_3478 = arith.constant 0 : i32
    %dma_wait3A_3479 = tpu.memref_slice %arg8[%dma_wait3A_3476, %dma_wait3A_3477, %dma_wait3A_3478] : memref<4x128x64xf32, #tpu.memory_space<vmem>> -> memref<1x128x64xf32, #tpu.memory_space<vmem>>
    %dma_wait3A_3480 = tpu.memref_squeeze %dma_wait3A_3479 : memref<1x128x64xf32, #tpu.memory_space<vmem>> -> memref<128x64xf32, #tpu.memory_space<vmem>>
    %dma_wait3A_3481 = arith.constant 0 : i32
    %dma_wait3A_3482 = tpu.memref_slice %arg6[%dma_wait3A_3475, %dma_wait3A_3481] : memref<26x128xi32, #tpu.memory_space<vmem>> -> memref<1x128xi32, #tpu.memory_space<vmem>>
    %dma_wait3A_3483 = tpu.memref_squeeze %dma_wait3A_3482 : memref<1x128xi32, #tpu.memory_space<vmem>> -> memref<128xi32, #tpu.memory_space<vmem>>
    %dma_wait3A_3484 = arith.constant 0 : i32
    %dma_wait3A_3485 = arith.constant 0 : i32
    %dma_wait3A_3486 = tpu.memref_slice %arg3[%dma_wait3A_3484, %dma_wait3A_3485] : memref<2600000x64xf32, #tpu.memory_space<hbm>> -> memref<2600000x64xf32, #tpu.memory_space<hbm>>
    tpu.wait_indirect_dma semaphore(%arg10 : memref<!tpu.dma_semaphore, #tpu.memory_space<semaphore_mem>>) src(%dma_wait3A_3486 : memref<2600000x64xf32, #tpu.memory_space<hbm>>) dst(%dma_wait3A_3480 : memref<128x64xf32, #tpu.memory_space<vmem>>)
    %dma_start3A_3487 = arith.constant 1 : i32
    %dma_start3A_3488 = arith.constant 0 : i32
    %dma_start3A_3489 = arith.constant 0 : i32
    %dma_start3A_3490 = tpu.memref_slice %arg8[%dma_start3A_3487, %dma_start3A_3488, %dma_start3A_3489] : memref<4x128x64xf32, #tpu.memory_space<vmem>> -> memref<1x128x64xf32, #tpu.memory_space<vmem>>
    %dma_start3A_3491 = tpu.memref_squeeze %dma_start3A_3490 : memref<1x128x64xf32, #tpu.memory_space<vmem>> -> memref<128x64xf32, #tpu.memory_space<vmem>>
    %dma_start3A_3492 = arith.constant 1088 : i32
    %dma_start3A_3493 = tpu.memref_slice %arg5[%mul3A_2, %dma_start3A_3492] : memref<4096x1664xf32, #tpu.memory_space<hbm>> -> memref<128x64xf32, #tpu.memory_space<hbm>>
    %dma_start3A_3494 = arith.constant 1088 : i32
    %dma_start3A_3495 = tpu.memref_slice %arg5[%mul3A_2, %dma_start3A_3494] : memref<4096x1664xf32, #tpu.memory_space<hbm>> -> memref<128x64xf32, #tpu.memory_space<hbm>>
    %dma_start3A_3496 = arith.constant 0 : i32
    %dma_start3A_3497 = arith.constant 0 : i32
    %dma_start3A_3498 = tpu.memref_slice %arg8[%dma_start3A_3487, %dma_start3A_3496, %dma_start3A_3497] : memref<4x128x64xf32, #tpu.memory_space<vmem>> -> memref<1x128x64xf32, #tpu.memory_space<vmem>>
    %dma_start3A_3499 = tpu.memref_squeeze %dma_start3A_3498 : memref<1x128x64xf32, #tpu.memory_space<vmem>> -> memref<128x64xf32, #tpu.memory_space<vmem>>
    tpu.enqueue_dma source(%dma_start3A_3499 : memref<128x64xf32, #tpu.memory_space<vmem>>) target(%dma_start3A_3495 : memref<128x64xf32, #tpu.memory_space<hbm>>) target_semaphore(%arg14 : memref<!tpu.dma_semaphore, #tpu.memory_space<semaphore_mem>>)
    %dma_wait3A_3500 = arith.constant 1 : i32
    %dma_wait3A_3501 = arith.constant 0 : i32
    %dma_wait3A_3502 = arith.constant 0 : i32
    %dma_wait3A_3503 = tpu.memref_slice %arg8[%dma_wait3A_3500, %dma_wait3A_3501, %dma_wait3A_3502] : memref<4x128x64xf32, #tpu.memory_space<vmem>> -> memref<1x128x64xf32, #tpu.memory_space<vmem>>
    %dma_wait3A_3504 = tpu.memref_squeeze %dma_wait3A_3503 : memref<1x128x64xf32, #tpu.memory_space<vmem>> -> memref<128x64xf32, #tpu.memory_space<vmem>>
    %dma_wait3A_3505 = arith.constant 1088 : i32
    %dma_wait3A_3506 = tpu.memref_slice %arg5[%mul3A_2, %dma_wait3A_3505] : memref<4096x1664xf32, #tpu.memory_space<hbm>> -> memref<128x64xf32, #tpu.memory_space<hbm>>
    %dma_wait3A_3507 = arith.constant 1088 : i32
    %dma_wait3A_3508 = tpu.memref_slice %arg5[%mul3A_2, %dma_wait3A_3507] : memref<4096x1664xf32, #tpu.memory_space<hbm>> -> memref<128x64xf32, #tpu.memory_space<hbm>>
    %dma_wait3A_3509 = arith.constant 0 : i32
    %dma_wait3A_3510 = arith.constant 0 : i32
    %dma_wait3A_3511 = tpu.memref_slice %arg8[%dma_wait3A_3500, %dma_wait3A_3509, %dma_wait3A_3510] : memref<4x128x64xf32, #tpu.memory_space<vmem>> -> memref<1x128x64xf32, #tpu.memory_space<vmem>>
    %dma_wait3A_3512 = tpu.memref_squeeze %dma_wait3A_3511 : memref<1x128x64xf32, #tpu.memory_space<vmem>> -> memref<128x64xf32, #tpu.memory_space<vmem>>
    tpu.wait_dma2 semaphore(%arg14 : memref<!tpu.dma_semaphore, #tpu.memory_space<semaphore_mem>>) src(%dma_wait3A_3512 : memref<128x64xf32, #tpu.memory_space<vmem>>) dst(%dma_wait3A_3508 : memref<128x64xf32, #tpu.memory_space<hbm>>)
    %dma_start3A_3513 = arith.constant 21 : i32
    %dma_start3A_3514 = arith.constant 1 : i32
    %dma_start3A_3515 = arith.constant 0 : i32
    %dma_start3A_3516 = arith.constant 0 : i32
    %dma_start3A_3517 = tpu.memref_slice %arg8[%dma_start3A_3514, %dma_start3A_3515, %dma_start3A_3516] : memref<4x128x64xf32, #tpu.memory_space<vmem>> -> memref<1x128x64xf32, #tpu.memory_space<vmem>>
    %dma_start3A_3518 = tpu.memref_squeeze %dma_start3A_3517 : memref<1x128x64xf32, #tpu.memory_space<vmem>> -> memref<128x64xf32, #tpu.memory_space<vmem>>
    %dma_start3A_3519 = arith.constant 0 : i32
    %dma_start3A_3520 = tpu.memref_slice %arg6[%dma_start3A_3513, %dma_start3A_3519] : memref<26x128xi32, #tpu.memory_space<vmem>> -> memref<1x128xi32, #tpu.memory_space<vmem>>
    %dma_start3A_3521 = tpu.memref_squeeze %dma_start3A_3520 : memref<1x128xi32, #tpu.memory_space<vmem>> -> memref<128xi32, #tpu.memory_space<vmem>>
    %dma_start3A_3522 = arith.constant 0 : i32
    %dma_start3A_3523 = arith.constant 0 : i32
    %dma_start3A_3524 = tpu.memref_slice %arg3[%dma_start3A_3522, %dma_start3A_3523] : memref<2600000x64xf32, #tpu.memory_space<hbm>> -> memref<2600000x64xf32, #tpu.memory_space<hbm>>
    tpu.enqueue_indirect_dma source(%dma_start3A_3524 : memref<2600000x64xf32, #tpu.memory_space<hbm>>) target(%dma_start3A_3518 : memref<128x64xf32, #tpu.memory_space<vmem>>) offsets(%dma_start3A_3521 : memref<128xi32, #tpu.memory_space<vmem>>) semaphore(%arg10 : memref<!tpu.dma_semaphore, #tpu.memory_space<semaphore_mem>>)
    %dma_wait3A_3525 = arith.constant 18 : i32
    %dma_wait3A_3526 = arith.constant 2 : i32
    %dma_wait3A_3527 = arith.constant 0 : i32
    %dma_wait3A_3528 = arith.constant 0 : i32
    %dma_wait3A_3529 = tpu.memref_slice %arg8[%dma_wait3A_3526, %dma_wait3A_3527, %dma_wait3A_3528] : memref<4x128x64xf32, #tpu.memory_space<vmem>> -> memref<1x128x64xf32, #tpu.memory_space<vmem>>
    %dma_wait3A_3530 = tpu.memref_squeeze %dma_wait3A_3529 : memref<1x128x64xf32, #tpu.memory_space<vmem>> -> memref<128x64xf32, #tpu.memory_space<vmem>>
    %dma_wait3A_3531 = arith.constant 0 : i32
    %dma_wait3A_3532 = tpu.memref_slice %arg6[%dma_wait3A_3525, %dma_wait3A_3531] : memref<26x128xi32, #tpu.memory_space<vmem>> -> memref<1x128xi32, #tpu.memory_space<vmem>>
    %dma_wait3A_3533 = tpu.memref_squeeze %dma_wait3A_3532 : memref<1x128xi32, #tpu.memory_space<vmem>> -> memref<128xi32, #tpu.memory_space<vmem>>
    %dma_wait3A_3534 = arith.constant 0 : i32
    %dma_wait3A_3535 = arith.constant 0 : i32
    %dma_wait3A_3536 = tpu.memref_slice %arg3[%dma_wait3A_3534, %dma_wait3A_3535] : memref<2600000x64xf32, #tpu.memory_space<hbm>> -> memref<2600000x64xf32, #tpu.memory_space<hbm>>
    tpu.wait_indirect_dma semaphore(%arg11 : memref<!tpu.dma_semaphore, #tpu.memory_space<semaphore_mem>>) src(%dma_wait3A_3536 : memref<2600000x64xf32, #tpu.memory_space<hbm>>) dst(%dma_wait3A_3530 : memref<128x64xf32, #tpu.memory_space<vmem>>)
    %dma_start3A_3537 = arith.constant 2 : i32
    %dma_start3A_3538 = arith.constant 0 : i32
    %dma_start3A_3539 = arith.constant 0 : i32
    %dma_start3A_3540 = tpu.memref_slice %arg8[%dma_start3A_3537, %dma_start3A_3538, %dma_start3A_3539] : memref<4x128x64xf32, #tpu.memory_space<vmem>> -> memref<1x128x64xf32, #tpu.memory_space<vmem>>
    %dma_start3A_3541 = tpu.memref_squeeze %dma_start3A_3540 : memref<1x128x64xf32, #tpu.memory_space<vmem>> -> memref<128x64xf32, #tpu.memory_space<vmem>>
    %dma_start3A_3542 = arith.constant 1152 : i32
    %dma_start3A_3543 = tpu.memref_slice %arg5[%mul3A_2, %dma_start3A_3542] : memref<4096x1664xf32, #tpu.memory_space<hbm>> -> memref<128x64xf32, #tpu.memory_space<hbm>>
    %dma_start3A_3544 = arith.constant 1152 : i32
    %dma_start3A_3545 = tpu.memref_slice %arg5[%mul3A_2, %dma_start3A_3544] : memref<4096x1664xf32, #tpu.memory_space<hbm>> -> memref<128x64xf32, #tpu.memory_space<hbm>>
    %dma_start3A_3546 = arith.constant 0 : i32
    %dma_start3A_3547 = arith.constant 0 : i32
    %dma_start3A_3548 = tpu.memref_slice %arg8[%dma_start3A_3537, %dma_start3A_3546, %dma_start3A_3547] : memref<4x128x64xf32, #tpu.memory_space<vmem>> -> memref<1x128x64xf32, #tpu.memory_space<vmem>>
    %dma_start3A_3549 = tpu.memref_squeeze %dma_start3A_3548 : memref<1x128x64xf32, #tpu.memory_space<vmem>> -> memref<128x64xf32, #tpu.memory_space<vmem>>
    tpu.enqueue_dma source(%dma_start3A_3549 : memref<128x64xf32, #tpu.memory_space<vmem>>) target(%dma_start3A_3545 : memref<128x64xf32, #tpu.memory_space<hbm>>) target_semaphore(%arg15 : memref<!tpu.dma_semaphore, #tpu.memory_space<semaphore_mem>>)
    %dma_wait3A_3550 = arith.constant 2 : i32
    %dma_wait3A_3551 = arith.constant 0 : i32
    %dma_wait3A_3552 = arith.constant 0 : i32
    %dma_wait3A_3553 = tpu.memref_slice %arg8[%dma_wait3A_3550, %dma_wait3A_3551, %dma_wait3A_3552] : memref<4x128x64xf32, #tpu.memory_space<vmem>> -> memref<1x128x64xf32, #tpu.memory_space<vmem>>
    %dma_wait3A_3554 = tpu.memref_squeeze %dma_wait3A_3553 : memref<1x128x64xf32, #tpu.memory_space<vmem>> -> memref<128x64xf32, #tpu.memory_space<vmem>>
    %dma_wait3A_3555 = arith.constant 1152 : i32
    %dma_wait3A_3556 = tpu.memref_slice %arg5[%mul3A_2, %dma_wait3A_3555] : memref<4096x1664xf32, #tpu.memory_space<hbm>> -> memref<128x64xf32, #tpu.memory_space<hbm>>
    %dma_wait3A_3557 = arith.constant 1152 : i32
    %dma_wait3A_3558 = tpu.memref_slice %arg5[%mul3A_2, %dma_wait3A_3557] : memref<4096x1664xf32, #tpu.memory_space<hbm>> -> memref<128x64xf32, #tpu.memory_space<hbm>>
    %dma_wait3A_3559 = arith.constant 0 : i32
    %dma_wait3A_3560 = arith.constant 0 : i32
    %dma_wait3A_3561 = tpu.memref_slice %arg8[%dma_wait3A_3550, %dma_wait3A_3559, %dma_wait3A_3560] : memref<4x128x64xf32, #tpu.memory_space<vmem>> -> memref<1x128x64xf32, #tpu.memory_space<vmem>>
    %dma_wait3A_3562 = tpu.memref_squeeze %dma_wait3A_3561 : memref<1x128x64xf32, #tpu.memory_space<vmem>> -> memref<128x64xf32, #tpu.memory_space<vmem>>
    tpu.wait_dma2 semaphore(%arg15 : memref<!tpu.dma_semaphore, #tpu.memory_space<semaphore_mem>>) src(%dma_wait3A_3562 : memref<128x64xf32, #tpu.memory_space<vmem>>) dst(%dma_wait3A_3558 : memref<128x64xf32, #tpu.memory_space<hbm>>)
    %dma_start3A_3563 = arith.constant 22 : i32
    %dma_start3A_3564 = arith.constant 2 : i32
    %dma_start3A_3565 = arith.constant 0 : i32
    %dma_start3A_3566 = arith.constant 0 : i32
    %dma_start3A_3567 = tpu.memref_slice %arg8[%dma_start3A_3564, %dma_start3A_3565, %dma_start3A_3566] : memref<4x128x64xf32, #tpu.memory_space<vmem>> -> memref<1x128x64xf32, #tpu.memory_space<vmem>>
    %dma_start3A_3568 = tpu.memref_squeeze %dma_start3A_3567 : memref<1x128x64xf32, #tpu.memory_space<vmem>> -> memref<128x64xf32, #tpu.memory_space<vmem>>
    %dma_start3A_3569 = arith.constant 0 : i32
    %dma_start3A_3570 = tpu.memref_slice %arg6[%dma_start3A_3563, %dma_start3A_3569] : memref<26x128xi32, #tpu.memory_space<vmem>> -> memref<1x128xi32, #tpu.memory_space<vmem>>
    %dma_start3A_3571 = tpu.memref_squeeze %dma_start3A_3570 : memref<1x128xi32, #tpu.memory_space<vmem>> -> memref<128xi32, #tpu.memory_space<vmem>>
    %dma_start3A_3572 = arith.constant 0 : i32
    %dma_start3A_3573 = arith.constant 0 : i32
    %dma_start3A_3574 = tpu.memref_slice %arg3[%dma_start3A_3572, %dma_start3A_3573] : memref<2600000x64xf32, #tpu.memory_space<hbm>> -> memref<2600000x64xf32, #tpu.memory_space<hbm>>
    tpu.enqueue_indirect_dma source(%dma_start3A_3574 : memref<2600000x64xf32, #tpu.memory_space<hbm>>) target(%dma_start3A_3568 : memref<128x64xf32, #tpu.memory_space<vmem>>) offsets(%dma_start3A_3571 : memref<128xi32, #tpu.memory_space<vmem>>) semaphore(%arg11 : memref<!tpu.dma_semaphore, #tpu.memory_space<semaphore_mem>>)
    %dma_wait3A_3575 = arith.constant 19 : i32
    %dma_wait3A_3576 = arith.constant 3 : i32
    %dma_wait3A_3577 = arith.constant 0 : i32
    %dma_wait3A_3578 = arith.constant 0 : i32
    %dma_wait3A_3579 = tpu.memref_slice %arg8[%dma_wait3A_3576, %dma_wait3A_3577, %dma_wait3A_3578] : memref<4x128x64xf32, #tpu.memory_space<vmem>> -> memref<1x128x64xf32, #tpu.memory_space<vmem>>
    %dma_wait3A_3580 = tpu.memref_squeeze %dma_wait3A_3579 : memref<1x128x64xf32, #tpu.memory_space<vmem>> -> memref<128x64xf32, #tpu.memory_space<vmem>>
    %dma_wait3A_3581 = arith.constant 0 : i32
    %dma_wait3A_3582 = tpu.memref_slice %arg6[%dma_wait3A_3575, %dma_wait3A_3581] : memref<26x128xi32, #tpu.memory_space<vmem>> -> memref<1x128xi32, #tpu.memory_space<vmem>>
    %dma_wait3A_3583 = tpu.memref_squeeze %dma_wait3A_3582 : memref<1x128xi32, #tpu.memory_space<vmem>> -> memref<128xi32, #tpu.memory_space<vmem>>
    %dma_wait3A_3584 = arith.constant 0 : i32
    %dma_wait3A_3585 = arith.constant 0 : i32
    %dma_wait3A_3586 = tpu.memref_slice %arg3[%dma_wait3A_3584, %dma_wait3A_3585] : memref<2600000x64xf32, #tpu.memory_space<hbm>> -> memref<2600000x64xf32, #tpu.memory_space<hbm>>
    tpu.wait_indirect_dma semaphore(%arg12 : memref<!tpu.dma_semaphore, #tpu.memory_space<semaphore_mem>>) src(%dma_wait3A_3586 : memref<2600000x64xf32, #tpu.memory_space<hbm>>) dst(%dma_wait3A_3580 : memref<128x64xf32, #tpu.memory_space<vmem>>)
    %dma_start3A_3587 = arith.constant 3 : i32
    %dma_start3A_3588 = arith.constant 0 : i32
    %dma_start3A_3589 = arith.constant 0 : i32
    %dma_start3A_3590 = tpu.memref_slice %arg8[%dma_start3A_3587, %dma_start3A_3588, %dma_start3A_3589] : memref<4x128x64xf32, #tpu.memory_space<vmem>> -> memref<1x128x64xf32, #tpu.memory_space<vmem>>
    %dma_start3A_3591 = tpu.memref_squeeze %dma_start3A_3590 : memref<1x128x64xf32, #tpu.memory_space<vmem>> -> memref<128x64xf32, #tpu.memory_space<vmem>>
    %dma_start3A_3592 = arith.constant 1216 : i32
    %dma_start3A_3593 = tpu.memref_slice %arg5[%mul3A_2, %dma_start3A_3592] : memref<4096x1664xf32, #tpu.memory_space<hbm>> -> memref<128x64xf32, #tpu.memory_space<hbm>>
    %dma_start3A_3594 = arith.constant 1216 : i32
    %dma_start3A_3595 = tpu.memref_slice %arg5[%mul3A_2, %dma_start3A_3594] : memref<4096x1664xf32, #tpu.memory_space<hbm>> -> memref<128x64xf32, #tpu.memory_space<hbm>>
    %dma_start3A_3596 = arith.constant 0 : i32
    %dma_start3A_3597 = arith.constant 0 : i32
    %dma_start3A_3598 = tpu.memref_slice %arg8[%dma_start3A_3587, %dma_start3A_3596, %dma_start3A_3597] : memref<4x128x64xf32, #tpu.memory_space<vmem>> -> memref<1x128x64xf32, #tpu.memory_space<vmem>>
    %dma_start3A_3599 = tpu.memref_squeeze %dma_start3A_3598 : memref<1x128x64xf32, #tpu.memory_space<vmem>> -> memref<128x64xf32, #tpu.memory_space<vmem>>
    tpu.enqueue_dma source(%dma_start3A_3599 : memref<128x64xf32, #tpu.memory_space<vmem>>) target(%dma_start3A_3595 : memref<128x64xf32, #tpu.memory_space<hbm>>) target_semaphore(%arg16 : memref<!tpu.dma_semaphore, #tpu.memory_space<semaphore_mem>>)
    %dma_wait3A_3600 = arith.constant 3 : i32
    %dma_wait3A_3601 = arith.constant 0 : i32
    %dma_wait3A_3602 = arith.constant 0 : i32
    %dma_wait3A_3603 = tpu.memref_slice %arg8[%dma_wait3A_3600, %dma_wait3A_3601, %dma_wait3A_3602] : memref<4x128x64xf32, #tpu.memory_space<vmem>> -> memref<1x128x64xf32, #tpu.memory_space<vmem>>
    %dma_wait3A_3604 = tpu.memref_squeeze %dma_wait3A_3603 : memref<1x128x64xf32, #tpu.memory_space<vmem>> -> memref<128x64xf32, #tpu.memory_space<vmem>>
    %dma_wait3A_3605 = arith.constant 1216 : i32
    %dma_wait3A_3606 = tpu.memref_slice %arg5[%mul3A_2, %dma_wait3A_3605] : memref<4096x1664xf32, #tpu.memory_space<hbm>> -> memref<128x64xf32, #tpu.memory_space<hbm>>
    %dma_wait3A_3607 = arith.constant 1216 : i32
    %dma_wait3A_3608 = tpu.memref_slice %arg5[%mul3A_2, %dma_wait3A_3607] : memref<4096x1664xf32, #tpu.memory_space<hbm>> -> memref<128x64xf32, #tpu.memory_space<hbm>>
    %dma_wait3A_3609 = arith.constant 0 : i32
    %dma_wait3A_3610 = arith.constant 0 : i32
    %dma_wait3A_3611 = tpu.memref_slice %arg8[%dma_wait3A_3600, %dma_wait3A_3609, %dma_wait3A_3610] : memref<4x128x64xf32, #tpu.memory_space<vmem>> -> memref<1x128x64xf32, #tpu.memory_space<vmem>>
    %dma_wait3A_3612 = tpu.memref_squeeze %dma_wait3A_3611 : memref<1x128x64xf32, #tpu.memory_space<vmem>> -> memref<128x64xf32, #tpu.memory_space<vmem>>
    tpu.wait_dma2 semaphore(%arg16 : memref<!tpu.dma_semaphore, #tpu.memory_space<semaphore_mem>>) src(%dma_wait3A_3612 : memref<128x64xf32, #tpu.memory_space<vmem>>) dst(%dma_wait3A_3608 : memref<128x64xf32, #tpu.memory_space<hbm>>)
    %dma_start3A_3613 = arith.constant 23 : i32
    %dma_start3A_3614 = arith.constant 3 : i32
    %dma_start3A_3615 = arith.constant 0 : i32
    %dma_start3A_3616 = arith.constant 0 : i32
    %dma_start3A_3617 = tpu.memref_slice %arg8[%dma_start3A_3614, %dma_start3A_3615, %dma_start3A_3616] : memref<4x128x64xf32, #tpu.memory_space<vmem>> -> memref<1x128x64xf32, #tpu.memory_space<vmem>>
    %dma_start3A_3618 = tpu.memref_squeeze %dma_start3A_3617 : memref<1x128x64xf32, #tpu.memory_space<vmem>> -> memref<128x64xf32, #tpu.memory_space<vmem>>
    %dma_start3A_3619 = arith.constant 0 : i32
    %dma_start3A_3620 = tpu.memref_slice %arg6[%dma_start3A_3613, %dma_start3A_3619] : memref<26x128xi32, #tpu.memory_space<vmem>> -> memref<1x128xi32, #tpu.memory_space<vmem>>
    %dma_start3A_3621 = tpu.memref_squeeze %dma_start3A_3620 : memref<1x128xi32, #tpu.memory_space<vmem>> -> memref<128xi32, #tpu.memory_space<vmem>>
    %dma_start3A_3622 = arith.constant 0 : i32
    %dma_start3A_3623 = arith.constant 0 : i32
    %dma_start3A_3624 = tpu.memref_slice %arg3[%dma_start3A_3622, %dma_start3A_3623] : memref<2600000x64xf32, #tpu.memory_space<hbm>> -> memref<2600000x64xf32, #tpu.memory_space<hbm>>
    tpu.enqueue_indirect_dma source(%dma_start3A_3624 : memref<2600000x64xf32, #tpu.memory_space<hbm>>) target(%dma_start3A_3618 : memref<128x64xf32, #tpu.memory_space<vmem>>) offsets(%dma_start3A_3621 : memref<128xi32, #tpu.memory_space<vmem>>) semaphore(%arg12 : memref<!tpu.dma_semaphore, #tpu.memory_space<semaphore_mem>>)
    %dma_wait3A_3625 = arith.constant 20 : i32
    %dma_wait3A_3626 = arith.constant 0 : i32
    %dma_wait3A_3627 = arith.constant 0 : i32
    %dma_wait3A_3628 = arith.constant 0 : i32
    %dma_wait3A_3629 = tpu.memref_slice %arg8[%dma_wait3A_3626, %dma_wait3A_3627, %dma_wait3A_3628] : memref<4x128x64xf32, #tpu.memory_space<vmem>> -> memref<1x128x64xf32, #tpu.memory_space<vmem>>
    %dma_wait3A_3630 = tpu.memref_squeeze %dma_wait3A_3629 : memref<1x128x64xf32, #tpu.memory_space<vmem>> -> memref<128x64xf32, #tpu.memory_space<vmem>>
    %dma_wait3A_3631 = arith.constant 0 : i32
    %dma_wait3A_3632 = tpu.memref_slice %arg6[%dma_wait3A_3625, %dma_wait3A_3631] : memref<26x128xi32, #tpu.memory_space<vmem>> -> memref<1x128xi32, #tpu.memory_space<vmem>>
    %dma_wait3A_3633 = tpu.memref_squeeze %dma_wait3A_3632 : memref<1x128xi32, #tpu.memory_space<vmem>> -> memref<128xi32, #tpu.memory_space<vmem>>
    %dma_wait3A_3634 = arith.constant 0 : i32
    %dma_wait3A_3635 = arith.constant 0 : i32
    %dma_wait3A_3636 = tpu.memref_slice %arg3[%dma_wait3A_3634, %dma_wait3A_3635] : memref<2600000x64xf32, #tpu.memory_space<hbm>> -> memref<2600000x64xf32, #tpu.memory_space<hbm>>
    tpu.wait_indirect_dma semaphore(%arg9 : memref<!tpu.dma_semaphore, #tpu.memory_space<semaphore_mem>>) src(%dma_wait3A_3636 : memref<2600000x64xf32, #tpu.memory_space<hbm>>) dst(%dma_wait3A_3630 : memref<128x64xf32, #tpu.memory_space<vmem>>)
    %dma_start3A_3637 = arith.constant 0 : i32
    %dma_start3A_3638 = arith.constant 0 : i32
    %dma_start3A_3639 = arith.constant 0 : i32
    %dma_start3A_3640 = tpu.memref_slice %arg8[%dma_start3A_3637, %dma_start3A_3638, %dma_start3A_3639] : memref<4x128x64xf32, #tpu.memory_space<vmem>> -> memref<1x128x64xf32, #tpu.memory_space<vmem>>
    %dma_start3A_3641 = tpu.memref_squeeze %dma_start3A_3640 : memref<1x128x64xf32, #tpu.memory_space<vmem>> -> memref<128x64xf32, #tpu.memory_space<vmem>>
    %dma_start3A_3642 = arith.constant 1280 : i32
    %dma_start3A_3643 = tpu.memref_slice %arg5[%mul3A_2, %dma_start3A_3642] : memref<4096x1664xf32, #tpu.memory_space<hbm>> -> memref<128x64xf32, #tpu.memory_space<hbm>>
    %dma_start3A_3644 = arith.constant 1280 : i32
    %dma_start3A_3645 = tpu.memref_slice %arg5[%mul3A_2, %dma_start3A_3644] : memref<4096x1664xf32, #tpu.memory_space<hbm>> -> memref<128x64xf32, #tpu.memory_space<hbm>>
    %dma_start3A_3646 = arith.constant 0 : i32
    %dma_start3A_3647 = arith.constant 0 : i32
    %dma_start3A_3648 = tpu.memref_slice %arg8[%dma_start3A_3637, %dma_start3A_3646, %dma_start3A_3647] : memref<4x128x64xf32, #tpu.memory_space<vmem>> -> memref<1x128x64xf32, #tpu.memory_space<vmem>>
    %dma_start3A_3649 = tpu.memref_squeeze %dma_start3A_3648 : memref<1x128x64xf32, #tpu.memory_space<vmem>> -> memref<128x64xf32, #tpu.memory_space<vmem>>
    tpu.enqueue_dma source(%dma_start3A_3649 : memref<128x64xf32, #tpu.memory_space<vmem>>) target(%dma_start3A_3645 : memref<128x64xf32, #tpu.memory_space<hbm>>) target_semaphore(%arg13 : memref<!tpu.dma_semaphore, #tpu.memory_space<semaphore_mem>>)
    %dma_wait3A_3650 = arith.constant 0 : i32
    %dma_wait3A_3651 = arith.constant 0 : i32
    %dma_wait3A_3652 = arith.constant 0 : i32
    %dma_wait3A_3653 = tpu.memref_slice %arg8[%dma_wait3A_3650, %dma_wait3A_3651, %dma_wait3A_3652] : memref<4x128x64xf32, #tpu.memory_space<vmem>> -> memref<1x128x64xf32, #tpu.memory_space<vmem>>
    %dma_wait3A_3654 = tpu.memref_squeeze %dma_wait3A_3653 : memref<1x128x64xf32, #tpu.memory_space<vmem>> -> memref<128x64xf32, #tpu.memory_space<vmem>>
    %dma_wait3A_3655 = arith.constant 1280 : i32
    %dma_wait3A_3656 = tpu.memref_slice %arg5[%mul3A_2, %dma_wait3A_3655] : memref<4096x1664xf32, #tpu.memory_space<hbm>> -> memref<128x64xf32, #tpu.memory_space<hbm>>
    %dma_wait3A_3657 = arith.constant 1280 : i32
    %dma_wait3A_3658 = tpu.memref_slice %arg5[%mul3A_2, %dma_wait3A_3657] : memref<4096x1664xf32, #tpu.memory_space<hbm>> -> memref<128x64xf32, #tpu.memory_space<hbm>>
    %dma_wait3A_3659 = arith.constant 0 : i32
    %dma_wait3A_3660 = arith.constant 0 : i32
    %dma_wait3A_3661 = tpu.memref_slice %arg8[%dma_wait3A_3650, %dma_wait3A_3659, %dma_wait3A_3660] : memref<4x128x64xf32, #tpu.memory_space<vmem>> -> memref<1x128x64xf32, #tpu.memory_space<vmem>>
    %dma_wait3A_3662 = tpu.memref_squeeze %dma_wait3A_3661 : memref<1x128x64xf32, #tpu.memory_space<vmem>> -> memref<128x64xf32, #tpu.memory_space<vmem>>
    tpu.wait_dma2 semaphore(%arg13 : memref<!tpu.dma_semaphore, #tpu.memory_space<semaphore_mem>>) src(%dma_wait3A_3662 : memref<128x64xf32, #tpu.memory_space<vmem>>) dst(%dma_wait3A_3658 : memref<128x64xf32, #tpu.memory_space<hbm>>)
    %dma_start3A_3663 = arith.constant 24 : i32
    %dma_start3A_3664 = arith.constant 0 : i32
    %dma_start3A_3665 = arith.constant 0 : i32
    %dma_start3A_3666 = arith.constant 0 : i32
    %dma_start3A_3667 = tpu.memref_slice %arg8[%dma_start3A_3664, %dma_start3A_3665, %dma_start3A_3666] : memref<4x128x64xf32, #tpu.memory_space<vmem>> -> memref<1x128x64xf32, #tpu.memory_space<vmem>>
    %dma_start3A_3668 = tpu.memref_squeeze %dma_start3A_3667 : memref<1x128x64xf32, #tpu.memory_space<vmem>> -> memref<128x64xf32, #tpu.memory_space<vmem>>
    %dma_start3A_3669 = arith.constant 0 : i32
    %dma_start3A_3670 = tpu.memref_slice %arg6[%dma_start3A_3663, %dma_start3A_3669] : memref<26x128xi32, #tpu.memory_space<vmem>> -> memref<1x128xi32, #tpu.memory_space<vmem>>
    %dma_start3A_3671 = tpu.memref_squeeze %dma_start3A_3670 : memref<1x128xi32, #tpu.memory_space<vmem>> -> memref<128xi32, #tpu.memory_space<vmem>>
    %dma_start3A_3672 = arith.constant 0 : i32
    %dma_start3A_3673 = arith.constant 0 : i32
    %dma_start3A_3674 = tpu.memref_slice %arg3[%dma_start3A_3672, %dma_start3A_3673] : memref<2600000x64xf32, #tpu.memory_space<hbm>> -> memref<2600000x64xf32, #tpu.memory_space<hbm>>
    tpu.enqueue_indirect_dma source(%dma_start3A_3674 : memref<2600000x64xf32, #tpu.memory_space<hbm>>) target(%dma_start3A_3668 : memref<128x64xf32, #tpu.memory_space<vmem>>) offsets(%dma_start3A_3671 : memref<128xi32, #tpu.memory_space<vmem>>) semaphore(%arg9 : memref<!tpu.dma_semaphore, #tpu.memory_space<semaphore_mem>>)
    %dma_wait3A_3675 = arith.constant 21 : i32
    %dma_wait3A_3676 = arith.constant 1 : i32
    %dma_wait3A_3677 = arith.constant 0 : i32
    %dma_wait3A_3678 = arith.constant 0 : i32
    %dma_wait3A_3679 = tpu.memref_slice %arg8[%dma_wait3A_3676, %dma_wait3A_3677, %dma_wait3A_3678] : memref<4x128x64xf32, #tpu.memory_space<vmem>> -> memref<1x128x64xf32, #tpu.memory_space<vmem>>
    %dma_wait3A_3680 = tpu.memref_squeeze %dma_wait3A_3679 : memref<1x128x64xf32, #tpu.memory_space<vmem>> -> memref<128x64xf32, #tpu.memory_space<vmem>>
    %dma_wait3A_3681 = arith.constant 0 : i32
    %dma_wait3A_3682 = tpu.memref_slice %arg6[%dma_wait3A_3675, %dma_wait3A_3681] : memref<26x128xi32, #tpu.memory_space<vmem>> -> memref<1x128xi32, #tpu.memory_space<vmem>>
    %dma_wait3A_3683 = tpu.memref_squeeze %dma_wait3A_3682 : memref<1x128xi32, #tpu.memory_space<vmem>> -> memref<128xi32, #tpu.memory_space<vmem>>
    %dma_wait3A_3684 = arith.constant 0 : i32
    %dma_wait3A_3685 = arith.constant 0 : i32
    %dma_wait3A_3686 = tpu.memref_slice %arg3[%dma_wait3A_3684, %dma_wait3A_3685] : memref<2600000x64xf32, #tpu.memory_space<hbm>> -> memref<2600000x64xf32, #tpu.memory_space<hbm>>
    tpu.wait_indirect_dma semaphore(%arg10 : memref<!tpu.dma_semaphore, #tpu.memory_space<semaphore_mem>>) src(%dma_wait3A_3686 : memref<2600000x64xf32, #tpu.memory_space<hbm>>) dst(%dma_wait3A_3680 : memref<128x64xf32, #tpu.memory_space<vmem>>)
    %dma_start3A_3687 = arith.constant 1 : i32
    %dma_start3A_3688 = arith.constant 0 : i32
    %dma_start3A_3689 = arith.constant 0 : i32
    %dma_start3A_3690 = tpu.memref_slice %arg8[%dma_start3A_3687, %dma_start3A_3688, %dma_start3A_3689] : memref<4x128x64xf32, #tpu.memory_space<vmem>> -> memref<1x128x64xf32, #tpu.memory_space<vmem>>
    %dma_start3A_3691 = tpu.memref_squeeze %dma_start3A_3690 : memref<1x128x64xf32, #tpu.memory_space<vmem>> -> memref<128x64xf32, #tpu.memory_space<vmem>>
    %dma_start3A_3692 = arith.constant 1344 : i32
    %dma_start3A_3693 = tpu.memref_slice %arg5[%mul3A_2, %dma_start3A_3692] : memref<4096x1664xf32, #tpu.memory_space<hbm>> -> memref<128x64xf32, #tpu.memory_space<hbm>>
    %dma_start3A_3694 = arith.constant 1344 : i32
    %dma_start3A_3695 = tpu.memref_slice %arg5[%mul3A_2, %dma_start3A_3694] : memref<4096x1664xf32, #tpu.memory_space<hbm>> -> memref<128x64xf32, #tpu.memory_space<hbm>>
    %dma_start3A_3696 = arith.constant 0 : i32
    %dma_start3A_3697 = arith.constant 0 : i32
    %dma_start3A_3698 = tpu.memref_slice %arg8[%dma_start3A_3687, %dma_start3A_3696, %dma_start3A_3697] : memref<4x128x64xf32, #tpu.memory_space<vmem>> -> memref<1x128x64xf32, #tpu.memory_space<vmem>>
    %dma_start3A_3699 = tpu.memref_squeeze %dma_start3A_3698 : memref<1x128x64xf32, #tpu.memory_space<vmem>> -> memref<128x64xf32, #tpu.memory_space<vmem>>
    tpu.enqueue_dma source(%dma_start3A_3699 : memref<128x64xf32, #tpu.memory_space<vmem>>) target(%dma_start3A_3695 : memref<128x64xf32, #tpu.memory_space<hbm>>) target_semaphore(%arg14 : memref<!tpu.dma_semaphore, #tpu.memory_space<semaphore_mem>>)
    %dma_wait3A_3700 = arith.constant 1 : i32
    %dma_wait3A_3701 = arith.constant 0 : i32
    %dma_wait3A_3702 = arith.constant 0 : i32
    %dma_wait3A_3703 = tpu.memref_slice %arg8[%dma_wait3A_3700, %dma_wait3A_3701, %dma_wait3A_3702] : memref<4x128x64xf32, #tpu.memory_space<vmem>> -> memref<1x128x64xf32, #tpu.memory_space<vmem>>
    %dma_wait3A_3704 = tpu.memref_squeeze %dma_wait3A_3703 : memref<1x128x64xf32, #tpu.memory_space<vmem>> -> memref<128x64xf32, #tpu.memory_space<vmem>>
    %dma_wait3A_3705 = arith.constant 1344 : i32
    %dma_wait3A_3706 = tpu.memref_slice %arg5[%mul3A_2, %dma_wait3A_3705] : memref<4096x1664xf32, #tpu.memory_space<hbm>> -> memref<128x64xf32, #tpu.memory_space<hbm>>
    %dma_wait3A_3707 = arith.constant 1344 : i32
    %dma_wait3A_3708 = tpu.memref_slice %arg5[%mul3A_2, %dma_wait3A_3707] : memref<4096x1664xf32, #tpu.memory_space<hbm>> -> memref<128x64xf32, #tpu.memory_space<hbm>>
    %dma_wait3A_3709 = arith.constant 0 : i32
    %dma_wait3A_3710 = arith.constant 0 : i32
    %dma_wait3A_3711 = tpu.memref_slice %arg8[%dma_wait3A_3700, %dma_wait3A_3709, %dma_wait3A_3710] : memref<4x128x64xf32, #tpu.memory_space<vmem>> -> memref<1x128x64xf32, #tpu.memory_space<vmem>>
    %dma_wait3A_3712 = tpu.memref_squeeze %dma_wait3A_3711 : memref<1x128x64xf32, #tpu.memory_space<vmem>> -> memref<128x64xf32, #tpu.memory_space<vmem>>
    tpu.wait_dma2 semaphore(%arg14 : memref<!tpu.dma_semaphore, #tpu.memory_space<semaphore_mem>>) src(%dma_wait3A_3712 : memref<128x64xf32, #tpu.memory_space<vmem>>) dst(%dma_wait3A_3708 : memref<128x64xf32, #tpu.memory_space<hbm>>)
    %dma_start3A_3713 = arith.constant 25 : i32
    %dma_start3A_3714 = arith.constant 1 : i32
    %dma_start3A_3715 = arith.constant 0 : i32
    %dma_start3A_3716 = arith.constant 0 : i32
    %dma_start3A_3717 = tpu.memref_slice %arg8[%dma_start3A_3714, %dma_start3A_3715, %dma_start3A_3716] : memref<4x128x64xf32, #tpu.memory_space<vmem>> -> memref<1x128x64xf32, #tpu.memory_space<vmem>>
    %dma_start3A_3718 = tpu.memref_squeeze %dma_start3A_3717 : memref<1x128x64xf32, #tpu.memory_space<vmem>> -> memref<128x64xf32, #tpu.memory_space<vmem>>
    %dma_start3A_3719 = arith.constant 0 : i32
    %dma_start3A_3720 = tpu.memref_slice %arg6[%dma_start3A_3713, %dma_start3A_3719] : memref<26x128xi32, #tpu.memory_space<vmem>> -> memref<1x128xi32, #tpu.memory_space<vmem>>
    %dma_start3A_3721 = tpu.memref_squeeze %dma_start3A_3720 : memref<1x128xi32, #tpu.memory_space<vmem>> -> memref<128xi32, #tpu.memory_space<vmem>>
    %dma_start3A_3722 = arith.constant 0 : i32
    %dma_start3A_3723 = arith.constant 0 : i32
    %dma_start3A_3724 = tpu.memref_slice %arg3[%dma_start3A_3722, %dma_start3A_3723] : memref<2600000x64xf32, #tpu.memory_space<hbm>> -> memref<2600000x64xf32, #tpu.memory_space<hbm>>
    tpu.enqueue_indirect_dma source(%dma_start3A_3724 : memref<2600000x64xf32, #tpu.memory_space<hbm>>) target(%dma_start3A_3718 : memref<128x64xf32, #tpu.memory_space<vmem>>) offsets(%dma_start3A_3721 : memref<128xi32, #tpu.memory_space<vmem>>) semaphore(%arg10 : memref<!tpu.dma_semaphore, #tpu.memory_space<semaphore_mem>>)
    %dma_wait3A_3725 = arith.constant 22 : i32
    %dma_wait3A_3726 = arith.constant 2 : i32
    %dma_wait3A_3727 = arith.constant 0 : i32
    %dma_wait3A_3728 = arith.constant 0 : i32
    %dma_wait3A_3729 = tpu.memref_slice %arg8[%dma_wait3A_3726, %dma_wait3A_3727, %dma_wait3A_3728] : memref<4x128x64xf32, #tpu.memory_space<vmem>> -> memref<1x128x64xf32, #tpu.memory_space<vmem>>
    %dma_wait3A_3730 = tpu.memref_squeeze %dma_wait3A_3729 : memref<1x128x64xf32, #tpu.memory_space<vmem>> -> memref<128x64xf32, #tpu.memory_space<vmem>>
    %dma_wait3A_3731 = arith.constant 0 : i32
    %dma_wait3A_3732 = tpu.memref_slice %arg6[%dma_wait3A_3725, %dma_wait3A_3731] : memref<26x128xi32, #tpu.memory_space<vmem>> -> memref<1x128xi32, #tpu.memory_space<vmem>>
    %dma_wait3A_3733 = tpu.memref_squeeze %dma_wait3A_3732 : memref<1x128xi32, #tpu.memory_space<vmem>> -> memref<128xi32, #tpu.memory_space<vmem>>
    %dma_wait3A_3734 = arith.constant 0 : i32
    %dma_wait3A_3735 = arith.constant 0 : i32
    %dma_wait3A_3736 = tpu.memref_slice %arg3[%dma_wait3A_3734, %dma_wait3A_3735] : memref<2600000x64xf32, #tpu.memory_space<hbm>> -> memref<2600000x64xf32, #tpu.memory_space<hbm>>
    tpu.wait_indirect_dma semaphore(%arg11 : memref<!tpu.dma_semaphore, #tpu.memory_space<semaphore_mem>>) src(%dma_wait3A_3736 : memref<2600000x64xf32, #tpu.memory_space<hbm>>) dst(%dma_wait3A_3730 : memref<128x64xf32, #tpu.memory_space<vmem>>)
    %dma_start3A_3737 = arith.constant 2 : i32
    %dma_start3A_3738 = arith.constant 0 : i32
    %dma_start3A_3739 = arith.constant 0 : i32
    %dma_start3A_3740 = tpu.memref_slice %arg8[%dma_start3A_3737, %dma_start3A_3738, %dma_start3A_3739] : memref<4x128x64xf32, #tpu.memory_space<vmem>> -> memref<1x128x64xf32, #tpu.memory_space<vmem>>
    %dma_start3A_3741 = tpu.memref_squeeze %dma_start3A_3740 : memref<1x128x64xf32, #tpu.memory_space<vmem>> -> memref<128x64xf32, #tpu.memory_space<vmem>>
    %dma_start3A_3742 = arith.constant 1408 : i32
    %dma_start3A_3743 = tpu.memref_slice %arg5[%mul3A_2, %dma_start3A_3742] : memref<4096x1664xf32, #tpu.memory_space<hbm>> -> memref<128x64xf32, #tpu.memory_space<hbm>>
    %dma_start3A_3744 = arith.constant 1408 : i32
    %dma_start3A_3745 = tpu.memref_slice %arg5[%mul3A_2, %dma_start3A_3744] : memref<4096x1664xf32, #tpu.memory_space<hbm>> -> memref<128x64xf32, #tpu.memory_space<hbm>>
    %dma_start3A_3746 = arith.constant 0 : i32
    %dma_start3A_3747 = arith.constant 0 : i32
    %dma_start3A_3748 = tpu.memref_slice %arg8[%dma_start3A_3737, %dma_start3A_3746, %dma_start3A_3747] : memref<4x128x64xf32, #tpu.memory_space<vmem>> -> memref<1x128x64xf32, #tpu.memory_space<vmem>>
    %dma_start3A_3749 = tpu.memref_squeeze %dma_start3A_3748 : memref<1x128x64xf32, #tpu.memory_space<vmem>> -> memref<128x64xf32, #tpu.memory_space<vmem>>
    tpu.enqueue_dma source(%dma_start3A_3749 : memref<128x64xf32, #tpu.memory_space<vmem>>) target(%dma_start3A_3745 : memref<128x64xf32, #tpu.memory_space<hbm>>) target_semaphore(%arg15 : memref<!tpu.dma_semaphore, #tpu.memory_space<semaphore_mem>>)
    %dma_wait3A_3750 = arith.constant 23 : i32
    %dma_wait3A_3751 = arith.constant 3 : i32
    %dma_wait3A_3752 = arith.constant 0 : i32
    %dma_wait3A_3753 = arith.constant 0 : i32
    %dma_wait3A_3754 = tpu.memref_slice %arg8[%dma_wait3A_3751, %dma_wait3A_3752, %dma_wait3A_3753] : memref<4x128x64xf32, #tpu.memory_space<vmem>> -> memref<1x128x64xf32, #tpu.memory_space<vmem>>
    %dma_wait3A_3755 = tpu.memref_squeeze %dma_wait3A_3754 : memref<1x128x64xf32, #tpu.memory_space<vmem>> -> memref<128x64xf32, #tpu.memory_space<vmem>>
    %dma_wait3A_3756 = arith.constant 0 : i32
    %dma_wait3A_3757 = tpu.memref_slice %arg6[%dma_wait3A_3750, %dma_wait3A_3756] : memref<26x128xi32, #tpu.memory_space<vmem>> -> memref<1x128xi32, #tpu.memory_space<vmem>>
    %dma_wait3A_3758 = tpu.memref_squeeze %dma_wait3A_3757 : memref<1x128xi32, #tpu.memory_space<vmem>> -> memref<128xi32, #tpu.memory_space<vmem>>
    %dma_wait3A_3759 = arith.constant 0 : i32
    %dma_wait3A_3760 = arith.constant 0 : i32
    %dma_wait3A_3761 = tpu.memref_slice %arg3[%dma_wait3A_3759, %dma_wait3A_3760] : memref<2600000x64xf32, #tpu.memory_space<hbm>> -> memref<2600000x64xf32, #tpu.memory_space<hbm>>
    tpu.wait_indirect_dma semaphore(%arg12 : memref<!tpu.dma_semaphore, #tpu.memory_space<semaphore_mem>>) src(%dma_wait3A_3761 : memref<2600000x64xf32, #tpu.memory_space<hbm>>) dst(%dma_wait3A_3755 : memref<128x64xf32, #tpu.memory_space<vmem>>)
    %dma_start3A_3762 = arith.constant 3 : i32
    %dma_start3A_3763 = arith.constant 0 : i32
    %dma_start3A_3764 = arith.constant 0 : i32
    %dma_start3A_3765 = tpu.memref_slice %arg8[%dma_start3A_3762, %dma_start3A_3763, %dma_start3A_3764] : memref<4x128x64xf32, #tpu.memory_space<vmem>> -> memref<1x128x64xf32, #tpu.memory_space<vmem>>
    %dma_start3A_3766 = tpu.memref_squeeze %dma_start3A_3765 : memref<1x128x64xf32, #tpu.memory_space<vmem>> -> memref<128x64xf32, #tpu.memory_space<vmem>>
    %dma_start3A_3767 = arith.constant 1472 : i32
    %dma_start3A_3768 = tpu.memref_slice %arg5[%mul3A_2, %dma_start3A_3767] : memref<4096x1664xf32, #tpu.memory_space<hbm>> -> memref<128x64xf32, #tpu.memory_space<hbm>>
    %dma_start3A_3769 = arith.constant 1472 : i32
    %dma_start3A_3770 = tpu.memref_slice %arg5[%mul3A_2, %dma_start3A_3769] : memref<4096x1664xf32, #tpu.memory_space<hbm>> -> memref<128x64xf32, #tpu.memory_space<hbm>>
    %dma_start3A_3771 = arith.constant 0 : i32
    %dma_start3A_3772 = arith.constant 0 : i32
    %dma_start3A_3773 = tpu.memref_slice %arg8[%dma_start3A_3762, %dma_start3A_3771, %dma_start3A_3772] : memref<4x128x64xf32, #tpu.memory_space<vmem>> -> memref<1x128x64xf32, #tpu.memory_space<vmem>>
    %dma_start3A_3774 = tpu.memref_squeeze %dma_start3A_3773 : memref<1x128x64xf32, #tpu.memory_space<vmem>> -> memref<128x64xf32, #tpu.memory_space<vmem>>
    tpu.enqueue_dma source(%dma_start3A_3774 : memref<128x64xf32, #tpu.memory_space<vmem>>) target(%dma_start3A_3770 : memref<128x64xf32, #tpu.memory_space<hbm>>) target_semaphore(%arg16 : memref<!tpu.dma_semaphore, #tpu.memory_space<semaphore_mem>>)
    %dma_wait3A_3775 = arith.constant 24 : i32
    %dma_wait3A_3776 = arith.constant 0 : i32
    %dma_wait3A_3777 = arith.constant 0 : i32
    %dma_wait3A_3778 = arith.constant 0 : i32
    %dma_wait3A_3779 = tpu.memref_slice %arg8[%dma_wait3A_3776, %dma_wait3A_3777, %dma_wait3A_3778] : memref<4x128x64xf32, #tpu.memory_space<vmem>> -> memref<1x128x64xf32, #tpu.memory_space<vmem>>
    %dma_wait3A_3780 = tpu.memref_squeeze %dma_wait3A_3779 : memref<1x128x64xf32, #tpu.memory_space<vmem>> -> memref<128x64xf32, #tpu.memory_space<vmem>>
    %dma_wait3A_3781 = arith.constant 0 : i32
    %dma_wait3A_3782 = tpu.memref_slice %arg6[%dma_wait3A_3775, %dma_wait3A_3781] : memref<26x128xi32, #tpu.memory_space<vmem>> -> memref<1x128xi32, #tpu.memory_space<vmem>>
    %dma_wait3A_3783 = tpu.memref_squeeze %dma_wait3A_3782 : memref<1x128xi32, #tpu.memory_space<vmem>> -> memref<128xi32, #tpu.memory_space<vmem>>
    %dma_wait3A_3784 = arith.constant 0 : i32
    %dma_wait3A_3785 = arith.constant 0 : i32
    %dma_wait3A_3786 = tpu.memref_slice %arg3[%dma_wait3A_3784, %dma_wait3A_3785] : memref<2600000x64xf32, #tpu.memory_space<hbm>> -> memref<2600000x64xf32, #tpu.memory_space<hbm>>
    tpu.wait_indirect_dma semaphore(%arg9 : memref<!tpu.dma_semaphore, #tpu.memory_space<semaphore_mem>>) src(%dma_wait3A_3786 : memref<2600000x64xf32, #tpu.memory_space<hbm>>) dst(%dma_wait3A_3780 : memref<128x64xf32, #tpu.memory_space<vmem>>)
    %dma_start3A_3787 = arith.constant 0 : i32
    %dma_start3A_3788 = arith.constant 0 : i32
    %dma_start3A_3789 = arith.constant 0 : i32
    %dma_start3A_3790 = tpu.memref_slice %arg8[%dma_start3A_3787, %dma_start3A_3788, %dma_start3A_3789] : memref<4x128x64xf32, #tpu.memory_space<vmem>> -> memref<1x128x64xf32, #tpu.memory_space<vmem>>
    %dma_start3A_3791 = tpu.memref_squeeze %dma_start3A_3790 : memref<1x128x64xf32, #tpu.memory_space<vmem>> -> memref<128x64xf32, #tpu.memory_space<vmem>>
    %dma_start3A_3792 = arith.constant 1536 : i32
    %dma_start3A_3793 = tpu.memref_slice %arg5[%mul3A_2, %dma_start3A_3792] : memref<4096x1664xf32, #tpu.memory_space<hbm>> -> memref<128x64xf32, #tpu.memory_space<hbm>>
    %dma_start3A_3794 = arith.constant 1536 : i32
    %dma_start3A_3795 = tpu.memref_slice %arg5[%mul3A_2, %dma_start3A_3794] : memref<4096x1664xf32, #tpu.memory_space<hbm>> -> memref<128x64xf32, #tpu.memory_space<hbm>>
    %dma_start3A_3796 = arith.constant 0 : i32
    %dma_start3A_3797 = arith.constant 0 : i32
    %dma_start3A_3798 = tpu.memref_slice %arg8[%dma_start3A_3787, %dma_start3A_3796, %dma_start3A_3797] : memref<4x128x64xf32, #tpu.memory_space<vmem>> -> memref<1x128x64xf32, #tpu.memory_space<vmem>>
    %dma_start3A_3799 = tpu.memref_squeeze %dma_start3A_3798 : memref<1x128x64xf32, #tpu.memory_space<vmem>> -> memref<128x64xf32, #tpu.memory_space<vmem>>
    tpu.enqueue_dma source(%dma_start3A_3799 : memref<128x64xf32, #tpu.memory_space<vmem>>) target(%dma_start3A_3795 : memref<128x64xf32, #tpu.memory_space<hbm>>) target_semaphore(%arg13 : memref<!tpu.dma_semaphore, #tpu.memory_space<semaphore_mem>>)
    %dma_wait3A_3800 = arith.constant 25 : i32
    %dma_wait3A_3801 = arith.constant 1 : i32
    %dma_wait3A_3802 = arith.constant 0 : i32
    %dma_wait3A_3803 = arith.constant 0 : i32
    %dma_wait3A_3804 = tpu.memref_slice %arg8[%dma_wait3A_3801, %dma_wait3A_3802, %dma_wait3A_3803] : memref<4x128x64xf32, #tpu.memory_space<vmem>> -> memref<1x128x64xf32, #tpu.memory_space<vmem>>
    %dma_wait3A_3805 = tpu.memref_squeeze %dma_wait3A_3804 : memref<1x128x64xf32, #tpu.memory_space<vmem>> -> memref<128x64xf32, #tpu.memory_space<vmem>>
    %dma_wait3A_3806 = arith.constant 0 : i32
    %dma_wait3A_3807 = tpu.memref_slice %arg6[%dma_wait3A_3800, %dma_wait3A_3806] : memref<26x128xi32, #tpu.memory_space<vmem>> -> memref<1x128xi32, #tpu.memory_space<vmem>>
    %dma_wait3A_3808 = tpu.memref_squeeze %dma_wait3A_3807 : memref<1x128xi32, #tpu.memory_space<vmem>> -> memref<128xi32, #tpu.memory_space<vmem>>
    %dma_wait3A_3809 = arith.constant 0 : i32
    %dma_wait3A_3810 = arith.constant 0 : i32
    %dma_wait3A_3811 = tpu.memref_slice %arg3[%dma_wait3A_3809, %dma_wait3A_3810] : memref<2600000x64xf32, #tpu.memory_space<hbm>> -> memref<2600000x64xf32, #tpu.memory_space<hbm>>
    tpu.wait_indirect_dma semaphore(%arg10 : memref<!tpu.dma_semaphore, #tpu.memory_space<semaphore_mem>>) src(%dma_wait3A_3811 : memref<2600000x64xf32, #tpu.memory_space<hbm>>) dst(%dma_wait3A_3805 : memref<128x64xf32, #tpu.memory_space<vmem>>)
    %dma_start3A_3812 = arith.constant 1 : i32
    %dma_start3A_3813 = arith.constant 0 : i32
    %dma_start3A_3814 = arith.constant 0 : i32
    %dma_start3A_3815 = tpu.memref_slice %arg8[%dma_start3A_3812, %dma_start3A_3813, %dma_start3A_3814] : memref<4x128x64xf32, #tpu.memory_space<vmem>> -> memref<1x128x64xf32, #tpu.memory_space<vmem>>
    %dma_start3A_3816 = tpu.memref_squeeze %dma_start3A_3815 : memref<1x128x64xf32, #tpu.memory_space<vmem>> -> memref<128x64xf32, #tpu.memory_space<vmem>>
    %dma_start3A_3817 = arith.constant 1600 : i32
    %dma_start3A_3818 = tpu.memref_slice %arg5[%mul3A_2, %dma_start3A_3817] : memref<4096x1664xf32, #tpu.memory_space<hbm>> -> memref<128x64xf32, #tpu.memory_space<hbm>>
    %dma_start3A_3819 = arith.constant 1600 : i32
    %dma_start3A_3820 = tpu.memref_slice %arg5[%mul3A_2, %dma_start3A_3819] : memref<4096x1664xf32, #tpu.memory_space<hbm>> -> memref<128x64xf32, #tpu.memory_space<hbm>>
    %dma_start3A_3821 = arith.constant 0 : i32
    %dma_start3A_3822 = arith.constant 0 : i32
    %dma_start3A_3823 = tpu.memref_slice %arg8[%dma_start3A_3812, %dma_start3A_3821, %dma_start3A_3822] : memref<4x128x64xf32, #tpu.memory_space<vmem>> -> memref<1x128x64xf32, #tpu.memory_space<vmem>>
    %dma_start3A_3824 = tpu.memref_squeeze %dma_start3A_3823 : memref<1x128x64xf32, #tpu.memory_space<vmem>> -> memref<128x64xf32, #tpu.memory_space<vmem>>
    tpu.enqueue_dma source(%dma_start3A_3824 : memref<128x64xf32, #tpu.memory_space<vmem>>) target(%dma_start3A_3820 : memref<128x64xf32, #tpu.memory_space<hbm>>) target_semaphore(%arg14 : memref<!tpu.dma_semaphore, #tpu.memory_space<semaphore_mem>>)
    %dma_wait3A_3825 = arith.constant 2 : i32
    %dma_wait3A_3826 = arith.constant 0 : i32
    %dma_wait3A_3827 = arith.constant 0 : i32
    %dma_wait3A_3828 = tpu.memref_slice %arg8[%dma_wait3A_3825, %dma_wait3A_3826, %dma_wait3A_3827] : memref<4x128x64xf32, #tpu.memory_space<vmem>> -> memref<1x128x64xf32, #tpu.memory_space<vmem>>
    %dma_wait3A_3829 = tpu.memref_squeeze %dma_wait3A_3828 : memref<1x128x64xf32, #tpu.memory_space<vmem>> -> memref<128x64xf32, #tpu.memory_space<vmem>>
    %dma_wait3A_3830 = arith.constant 1408 : i32
    %dma_wait3A_3831 = tpu.memref_slice %arg5[%mul3A_2, %dma_wait3A_3830] : memref<4096x1664xf32, #tpu.memory_space<hbm>> -> memref<128x64xf32, #tpu.memory_space<hbm>>
    %dma_wait3A_3832 = arith.constant 1408 : i32
    %dma_wait3A_3833 = tpu.memref_slice %arg5[%mul3A_2, %dma_wait3A_3832] : memref<4096x1664xf32, #tpu.memory_space<hbm>> -> memref<128x64xf32, #tpu.memory_space<hbm>>
    %dma_wait3A_3834 = arith.constant 0 : i32
    %dma_wait3A_3835 = arith.constant 0 : i32
    %dma_wait3A_3836 = tpu.memref_slice %arg8[%dma_wait3A_3825, %dma_wait3A_3834, %dma_wait3A_3835] : memref<4x128x64xf32, #tpu.memory_space<vmem>> -> memref<1x128x64xf32, #tpu.memory_space<vmem>>
    %dma_wait3A_3837 = tpu.memref_squeeze %dma_wait3A_3836 : memref<1x128x64xf32, #tpu.memory_space<vmem>> -> memref<128x64xf32, #tpu.memory_space<vmem>>
    tpu.wait_dma2 semaphore(%arg15 : memref<!tpu.dma_semaphore, #tpu.memory_space<semaphore_mem>>) src(%dma_wait3A_3837 : memref<128x64xf32, #tpu.memory_space<vmem>>) dst(%dma_wait3A_3833 : memref<128x64xf32, #tpu.memory_space<hbm>>)
    %dma_wait3A_3838 = arith.constant 3 : i32
    %dma_wait3A_3839 = arith.constant 0 : i32
    %dma_wait3A_3840 = arith.constant 0 : i32
    %dma_wait3A_3841 = tpu.memref_slice %arg8[%dma_wait3A_3838, %dma_wait3A_3839, %dma_wait3A_3840] : memref<4x128x64xf32, #tpu.memory_space<vmem>> -> memref<1x128x64xf32, #tpu.memory_space<vmem>>
    %dma_wait3A_3842 = tpu.memref_squeeze %dma_wait3A_3841 : memref<1x128x64xf32, #tpu.memory_space<vmem>> -> memref<128x64xf32, #tpu.memory_space<vmem>>
    %dma_wait3A_3843 = arith.constant 1472 : i32
    %dma_wait3A_3844 = tpu.memref_slice %arg5[%mul3A_2, %dma_wait3A_3843] : memref<4096x1664xf32, #tpu.memory_space<hbm>> -> memref<128x64xf32, #tpu.memory_space<hbm>>
    %dma_wait3A_3845 = arith.constant 1472 : i32
    %dma_wait3A_3846 = tpu.memref_slice %arg5[%mul3A_2, %dma_wait3A_3845] : memref<4096x1664xf32, #tpu.memory_space<hbm>> -> memref<128x64xf32, #tpu.memory_space<hbm>>
    %dma_wait3A_3847 = arith.constant 0 : i32
    %dma_wait3A_3848 = arith.constant 0 : i32
    %dma_wait3A_3849 = tpu.memref_slice %arg8[%dma_wait3A_3838, %dma_wait3A_3847, %dma_wait3A_3848] : memref<4x128x64xf32, #tpu.memory_space<vmem>> -> memref<1x128x64xf32, #tpu.memory_space<vmem>>
    %dma_wait3A_3850 = tpu.memref_squeeze %dma_wait3A_3849 : memref<1x128x64xf32, #tpu.memory_space<vmem>> -> memref<128x64xf32, #tpu.memory_space<vmem>>
    tpu.wait_dma2 semaphore(%arg16 : memref<!tpu.dma_semaphore, #tpu.memory_space<semaphore_mem>>) src(%dma_wait3A_3850 : memref<128x64xf32, #tpu.memory_space<vmem>>) dst(%dma_wait3A_3846 : memref<128x64xf32, #tpu.memory_space<hbm>>)
    %dma_wait3A_3851 = arith.constant 0 : i32
    %dma_wait3A_3852 = arith.constant 0 : i32
    %dma_wait3A_3853 = arith.constant 0 : i32
    %dma_wait3A_3854 = tpu.memref_slice %arg8[%dma_wait3A_3851, %dma_wait3A_3852, %dma_wait3A_3853] : memref<4x128x64xf32, #tpu.memory_space<vmem>> -> memref<1x128x64xf32, #tpu.memory_space<vmem>>
    %dma_wait3A_3855 = tpu.memref_squeeze %dma_wait3A_3854 : memref<1x128x64xf32, #tpu.memory_space<vmem>> -> memref<128x64xf32, #tpu.memory_space<vmem>>
    %dma_wait3A_3856 = arith.constant 1536 : i32
    %dma_wait3A_3857 = tpu.memref_slice %arg5[%mul3A_2, %dma_wait3A_3856] : memref<4096x1664xf32, #tpu.memory_space<hbm>> -> memref<128x64xf32, #tpu.memory_space<hbm>>
    %dma_wait3A_3858 = arith.constant 1536 : i32
    %dma_wait3A_3859 = tpu.memref_slice %arg5[%mul3A_2, %dma_wait3A_3858] : memref<4096x1664xf32, #tpu.memory_space<hbm>> -> memref<128x64xf32, #tpu.memory_space<hbm>>
    %dma_wait3A_3860 = arith.constant 0 : i32
    %dma_wait3A_3861 = arith.constant 0 : i32
    %dma_wait3A_3862 = tpu.memref_slice %arg8[%dma_wait3A_3851, %dma_wait3A_3860, %dma_wait3A_3861] : memref<4x128x64xf32, #tpu.memory_space<vmem>> -> memref<1x128x64xf32, #tpu.memory_space<vmem>>
    %dma_wait3A_3863 = tpu.memref_squeeze %dma_wait3A_3862 : memref<1x128x64xf32, #tpu.memory_space<vmem>> -> memref<128x64xf32, #tpu.memory_space<vmem>>
    tpu.wait_dma2 semaphore(%arg13 : memref<!tpu.dma_semaphore, #tpu.memory_space<semaphore_mem>>) src(%dma_wait3A_3863 : memref<128x64xf32, #tpu.memory_space<vmem>>) dst(%dma_wait3A_3859 : memref<128x64xf32, #tpu.memory_space<hbm>>)
    %dma_wait3A_3864 = arith.constant 1 : i32
    %dma_wait3A_3865 = arith.constant 0 : i32
    %dma_wait3A_3866 = arith.constant 0 : i32
    %dma_wait3A_3867 = tpu.memref_slice %arg8[%dma_wait3A_3864, %dma_wait3A_3865, %dma_wait3A_3866] : memref<4x128x64xf32, #tpu.memory_space<vmem>> -> memref<1x128x64xf32, #tpu.memory_space<vmem>>
    %dma_wait3A_3868 = tpu.memref_squeeze %dma_wait3A_3867 : memref<1x128x64xf32, #tpu.memory_space<vmem>> -> memref<128x64xf32, #tpu.memory_space<vmem>>
    %dma_wait3A_3869 = arith.constant 1600 : i32
    %dma_wait3A_3870 = tpu.memref_slice %arg5[%mul3A_2, %dma_wait3A_3869] : memref<4096x1664xf32, #tpu.memory_space<hbm>> -> memref<128x64xf32, #tpu.memory_space<hbm>>
    %dma_wait3A_3871 = arith.constant 1600 : i32
    %dma_wait3A_3872 = tpu.memref_slice %arg5[%mul3A_2, %dma_wait3A_3871] : memref<4096x1664xf32, #tpu.memory_space<hbm>> -> memref<128x64xf32, #tpu.memory_space<hbm>>
    %dma_wait3A_3873 = arith.constant 0 : i32
    %dma_wait3A_3874 = arith.constant 0 : i32
    %dma_wait3A_3875 = tpu.memref_slice %arg8[%dma_wait3A_3864, %dma_wait3A_3873, %dma_wait3A_3874] : memref<4x128x64xf32, #tpu.memory_space<vmem>> -> memref<1x128x64xf32, #tpu.memory_space<vmem>>
    %dma_wait3A_3876 = tpu.memref_squeeze %dma_wait3A_3875 : memref<1x128x64xf32, #tpu.memory_space<vmem>> -> memref<128x64xf32, #tpu.memory_space<vmem>>
    tpu.wait_dma2 semaphore(%arg14 : memref<!tpu.dma_semaphore, #tpu.memory_space<semaphore_mem>>) src(%dma_wait3A_3876 : memref<128x64xf32, #tpu.memory_space<vmem>>) dst(%dma_wait3A_3872 : memref<128x64xf32, #tpu.memory_space<hbm>>)
    return
  }
}

</mosaic_0001>

<sc_bundles>
// kernel: kernel.3.cloned.1.call-start
scs
__scs_entry_jumppad:
0x0: {  	(pc) =	sbr.rel $0x88, $3  }
0x1: {  	(tag) =	ssettag $0x0;
	lr =	simm.s32 $0x1  }
0x2: {  	[smem:$0x3F9E] =	sst lr;
	_ =	strace $0xD0000000  }
0x3: {  	_ = 	snop  }
0x4: {  	_ = 	snop  }
0x5: {  	_ = 	snop  }
0x6: {  	_ = 	snop  }
0x7: {  	_ = 	snop  }
__scs_overlays_trampoline_lowered:
0x8: {  	[smem:$0x3FAD] =	sst s0  }
0x9: {  	[smem:$0x3FAE] =	sst s1  }
0xa: {  	[smem:$0x3FAF] =	sst s2  }
0xb: {  	[smem:$0x3FB0] =	sst s3  }
0xc: {  	[smem:$0x3FB1] =	sst s4  }
0xd: {  	[smem:$0x3FB2] =	sst s5  }
0xe: {  	[smem:$0x3FB3] =	sst s6  }
0xf: {  	[smem:$0x3FB4] =	sst s7  }
0x10: {  	[smem:$0x3FB5] =	sst s8  }
0x11: {  	[smem:$0x3FB6] =	sst s9;
	s0 =	simm.s32 @!p0 $0x0  }
0x12: {  	s1 =	sld [smem:$0x3F9C];
	s0 =	simm.s32 @p0 $0x1  }
0x13: {  	[smem:$0x3FB7] =	sst s0;
	s0 =	simm.s32 @!p1 $0x0  }
0x14: {  	s2 =	sld [smem:$0x3F9B];
	s0 =	simm.s32 @p1 $0x1  }
0x15: {  	[smem:$0x3FB8] =	sst s0;
	s0 =	simm.s32 @!p2 $0x0  }
0x16: {  	s3 =	sld [smem:$0x3FDB];
	s0 =	simm.s32 @p2 $0x1  }
0x17: {  	s4 =	simm.s32 $0x1BF5;
	[smem:$0x3FBA] =	sst s0  }
0x18: {  	s0 =	sld [smem:$0x3F9D];
	_ =	swait.ge [sflag:s4], $0x0  }
0x19: {  	s7 =	sld [smem:$0x3F9E]  }
0x1a: {  	s8 =	sadd.s32 $0xFFFFE003, lr  }
0x1b: {  	s9 =	sadd.s32 $0xFFFFFEF7, lr;
	s5 =	simm.s32 $0xFFFFFFFF;
	p2 =	slt.u32 s8, $0xFFFFF086  }
0x1c: {  	p1 =	slt.u32 s9, $0xF7A;
	s5 =	simm.s32 @!p2 $0x0  }
0x1d: {  	s5 =	simm.s32 @p1 $0x1;
	p0 =	seq.s32 s7, s2  }
0x1e: {  	s7 =	smul.u32 @!p0 $0xF7A, s2;
	p2 =	seq.s32 @!p0 s5, $0x0  }
0x1f: {  	s9 =	smul.u32 $0xF7A, s1;
	s8 =	simm.s32 @!p0 $0x1BF5;
	p2 =	por !p2, p0  }
0x20: {  	[sflag:s8] =	ssyncset.s32 @!p0 $0xFFFFF086;
	s6 =	sadd.s32 @!p0 s3, s7;
	s7 =	simm.s32 @!p0 $0x108  }
0x21: {  	s3 =	sadd.s32 s3, s9;
	s6 =	sadd.s32 @!p0 $0x88, s6;
	s7 =	simm.s32 @p2 $0x1082  }
0x22: {  	[simem:s7], [sflag:s8] =	dma.local @!p0 [hbm:s6], $0xF7A  }
0x23: {  	s9 =	sor.u32 $0xD0000000, s2;
	s6 =	simm.s32 $0x108;
	_ =	swait.ge @!p0 [sflag:s8], $0x0  }
0x24: {  	s3 =	sadd.s32 $0x88, s3;
	s6 =	simm.s32 @!p1 $0x1082;
	[sflag:s4] =	ssyncset.s32 $0xFFFFF086  }
0x25: {  	[simem:s6], [sflag:s4] =	dma.local [hbm:s3], $0xF7A  }
0x26: {  	[smem:$0x3F9E] =	sst s1;
	(tag) =	ssettag s2;
	_ =	strace s9  }
0x27: {  	s1 =	sld [smem:$0x3FAE]  }
0x28: {  	s2 =	sld [smem:$0x3FAF]  }
0x29: {  	s4 =	sld [smem:$0x3FB1]  }
0x2a: {  	p0 =	seq.s32 s5, $0x0;
	s5 =	sld [smem:$0x3FB2]  }
0x2b: {  	s6 =	sld [smem:$0x3FB3]  }
0x2c: {  	s7 =	sld [smem:$0x3FB4]  }
0x2d: {  	s3 =	simm.s32 $0x108;
	s8 =	sld [smem:$0x3FB5]  }
0x2e: {  	s3 =	simm.s32 @!p0 $0x1082;
	s9 =	sld [smem:$0x3FB6]  }
0x2f: {  	lr =	sadd.s32 s0, s3;
	s0 =	sld [smem:$0x3FAD]  }
0x30: {  	s3 =	sld [smem:$0x3FB0]  }
0x31: {  	[smem:$0x3FB9] =	sst s10  }
0x32: {  	s10 =	sld [smem:$0x3FB7];
	_ =	sdelay $0x3  }
0x33: {  	p0 =	seq.s32 s10, $0x1;
	s10 =	sld [smem:$0x3FB9];
	_ =	sdelay $0x3  }
0x34: {  	[smem:$0x3FB9] =	sst s10  }
0x35: {  	s10 =	sld [smem:$0x3FB8];
	_ =	sdelay $0x3  }
0x36: {  	p1 =	seq.s32 s10, $0x1;
	s10 =	sld [smem:$0x3FB9];
	_ =	sdelay $0x3  }
0x37: {  	[smem:$0x3FB9] =	sst s10  }
0x38: {  	s10 =	sld [smem:$0x3FBA]  }
0x39: {  	_ = 	snop;
	(pc) =	sbr.ind lr, $3  }
0x3a: {  	_ = 	snop  }
0x3b: {  	_ = 	snop  }
0x3c: {  	p2 =	seq.s32 s10, $0x1;
	s10 =	sld [smem:$0x3FB9]  }
0x3d: {  	_ =	shalt  }
0x3e: {  	_ =	shalt  }
0x3f: {  	_ =	shalt  }
0x40: {  	_ =	shalt  }
0x41: {  	_ =	shalt  }
0x42: {  	_ =	shalt  }
0x43: {  	_ =	shalt  }
0x44: {  	_ =	shalt  }
0x45: {  	_ =	shalt  }
0x46: {  	_ =	shalt  }
0x47: {  	_ =	shalt  }
0x48: {  	_ =	shalt  }
0x49: {  	_ =	shalt  }
0x4a: {  	_ =	shalt  }
0x4b: {  	_ =	shalt  }
0x4c: {  	_ =	shalt  }
0x4d: {  	_ =	shalt  }
0x4e: {  	_ =	shalt  }
0x4f: {  	_ =	shalt  }
0x50: {  	_ =	shalt  }
0x51: {  	_ =	shalt  }
0x52: {  	_ =	shalt  }
0x53: {  	_ =	shalt  }
0x54: {  	_ =	shalt  }
0x55: {  	_ =	shalt  }
0x56: {  	_ =	shalt  }
0x57: {  	_ =	shalt  }
0x58: {  	_ =	shalt  }
0x59: {  	_ =	shalt  }
0x5a: {  	_ =	shalt  }
0x5b: {  	_ =	shalt  }
0x5c: {  	_ =	shalt  }
0x5d: {  	_ =	shalt  }
0x5e: {  	_ =	shalt  }
0x5f: {  	_ =	shalt  }
0x60: {  	_ =	shalt  }
0x61: {  	_ =	shalt  }
0x62: {  	_ =	shalt  }
0x63: {  	_ =	shalt  }
0x64: {  	_ =	shalt  }
0x65: {  	_ =	shalt  }
0x66: {  	_ =	shalt  }
0x67: {  	_ =	shalt  }
0x68: {  	_ =	shalt  }
0x69: {  	_ =	shalt  }
0x6a: {  	_ =	shalt  }
0x6b: {  	_ =	shalt  }
0x6c: {  	_ =	shalt  }
0x6d: {  	_ =	shalt  }
0x6e: {  	_ =	shalt  }
0x6f: {  	_ =	shalt  }
0x70: {  	_ =	shalt  }
0x71: {  	_ =	shalt  }
0x72: {  	_ =	shalt  }
0x73: {  	_ =	shalt  }
0x74: {  	_ =	shalt  }
0x75: {  	_ =	shalt  }
0x76: {  	_ =	shalt  }
0x77: {  	_ =	shalt  }
0x78: {  	_ =	shalt  }
0x79: {  	_ =	shalt  }
0x7a: {  	_ =	shalt  }
0x7b: {  	_ =	shalt  }
0x7c: {  	_ =	shalt  }
0x7d: {  	_ =	shalt  }
0x7e: {  	_ =	shalt  }
0x7f: {  	_ =	shalt  }
0x80: {  	_ =	shalt  }
0x81: {  	_ =	shalt  }
0x82: {  	_ =	shalt  }
0x83: {  	_ =	shalt  }
0x84: {  	_ =	shalt  }
0x85: {  	_ =	shalt  }
0x86: {  	_ =	shalt  }
0x87: {  	_ =	shalt  }
.Lfunc_end0:
.L_simem_size_0:
called_computation_lowered:
.L_overlay_start_0:
0x88: {  	s2 =	sld [smem:$0x3FD9]  }
0x89: {  	s3 =	sld [smem:$0x3FFE];
	_ =	sdelay $0x1  }
0x8a: {  	s1 =	srdreg.scid  }
0x8b: {  	s0 =	sand.u32 $0x1, s1  }
0x8c: {  	s17 =	sshll.u32 s0, $0xA;
	s2 =	sadd.s32 s3, s2  }
0x8d: {  	s2 =	sadd.s32 s2, s17  }
0x8e: {  	[smem:$0x3FC5] =	sst s2  }
0x8f: {  	_ = 	snop  }
0x90: {  	s2 =	sld [smem:$0x3FC9]  }
0x91: {  	s18 =	sld [smem:$0x3FC7]  }
0x92: {  	s4 =	sld [smem:$0x3FD0];
	(tm) =	ssettm $0x1  }
0x93: {  	s5 =	sld [smem:$0x3FFB];
	_ =	sdelay $0x3  }
0x94: {  	_ =	strace s5  }
0x95: {  	s5 =	sld [smem:$0x3FFC];
	_ =	sdelay $0x3  }
0x96: {  	_ =	strace s5  }
0x97: {  	s5 =	sld [smem:$0x3FFD];
	_ =	sdelay $0x3  }
0x98: {  	_ =	strace s5  }
0x99: {  	_ =	strace $0x8FFFFFFF  }
0x9a: {  	s19 =	sld [smem:$0x3FDB];
	_ =	sdelay $0x1  }
0x9b: {  	s6 =	simm.s32 $_scs_section_size  }
0x9c: {  	s7 =	simm.s32 $_size__tile_overlayer_lowered;
	s8 =	simm.s32 $_tile_overlayer_lowered  }
0x9d: {  	s22 =	simm.s32 $0x1BFF;
	s21 =	sshll.u32 s8, $0x1;
	s5 =	sadd.s32 s6, s19  }
0x9e: {  	s9 =	simm.s32 $0x0;
	s20 =	sshll.u32 s7, $0x1;
	s7 =	sadd.s32 s21, s5  }
0x9f: {  	[timem:s9], [sflag:s22] =	dma.local [hbm:s7], s20  }
0xa0: {  	_ =	swait.ge [sflag:s22], s20  }
0xa1: {  	s6 =	ssub.s32 $0x0, s20;
	[sflag:s22] =	ssyncset.done $0x0  }
0xa2: {  	[sflag:s22] =	ssyncadd.s32 s6;
	_ =	sdelay $0x1  }
0xa3: {  	s23 =	simm.s32 $0x1B8B  }
0xa4: {  	_ =	swait.ge [sflag:s23], $0x1  }
0xa5: {  	[sflag:s23] =	ssyncset.done $0x0  }
0xa6: {  	s25 =	simm.s32 $0x1B8E;
	s24 =	sld [smem:$0x3FFE];
	[sflag:s23] =	ssyncadd.s32 $0xFFFFFFFF  }
0xa7: {  	s26 =	simm.s32 $execute0_lowered;
	[smem:$0x3FD2] =	sst s25  }
0xa8: {  	s7 =	sshll.u32 s26, $0x1;
	_ =	strace $0x80000046;
	[dreg:$0x1] =	wrdreg $0xFFFFFFFF  }
0xa9: {  	s28 =	simm.s32 $_size_execute0_lowered;
	s5 =	sadd.s32 s5, s7;
	[dreg:$0x0] =	wrdreg $0x0  }
0xaa: {  	s7 =	sshll.u32 s28, $0x1;
	[dreg:$0x2] =	wrdreg s5  }
0xab: {  	[dreg:$0x3] =	wrdreg s7  }
0xac: {  	[dreg:$0x4] =	wrdreg $0xC0  }
0xad: {  	_ =	task [dreg:s9], $0x5FFFF  }
0xae: {  	[dreg:$0x1] =	wrdreg $0xFFFFFFFF  }
0xaf: {  	[dreg:$0x0] =	wrdreg $0x60  }
0xb0: {  	[dreg:$0x2] =	wrdreg s2  }
0xb1: {  	[dreg:$0x3] =	wrdreg s24  }
0xb2: {  	[dreg:$0x4] =	wrdreg s18  }
0xb3: {  	[dreg:$0x5] =	wrdreg s4  }
0xb4: {  	[dreg:$0x6] =	wrdreg $0x9  }
0xb5: {  	_ =	task.clear_ibuf [dreg:s9], $0x7FFFF;
	_ =	strace $0x90000046  }
0xb6: {  	s29 =	simm.s32 $0x9;
	_ =	strace $0x80000048  }
0xb7: {  	_ =	swait.ge [sflag:s29], $0x1  }
0xb8: {  	[sflag:s29] =	ssyncadd.s32 $0xFFFFFFFF  }
0xb9: {  	_ =	strace $0x90000048  }
0xba: {  	_ =	sfence  }
0xbb: {  	s30 =	sld [smem:$0x0];
	_ =	sdelay $0x2  }
0xbc: {  	s31 =	sshll.u32 s1, $0xD;
	s1 =	sshrl.u32 s1, $0x2  }
0xbd: {  	s3 =	sand.u32 $0x4000, s31;
	s1 =	sadd.s32 s1, s30  }
0xbe: {  	s0 =	sor.u32 s3, s0;
	s1 =	sshll.u32 s1, $0x11  }
0xbf: {  	s0 =	sor.u32 s1, s0  }
0xc0: {  	s0 =	sadd.s32 $0x8F2B, s0  }
0xc1: {  	[sflag:s0] =	ssyncadd.remote.s32 $0x1  }
0xc2: {  	_ =	sfence.sel $0xFFFF  }
0xc3: {  	[dreg:$0x0] =	wrdreg $0xFFFFFFFF;
	(pc) =	sbr.abs _section_cstart, $3  }
0xc4: {  	[dreg:$0x1] =	wrdreg $0xFFFFFFFF  }
0xc5: {  	_ =	task.clear_ibuf [dreg:s9], $0x2FFFF;
	_ =	strace $0x9FFFFFFF  }
0xc6: {  	(tm) =	ssettm $0x7FFFFFFF  }
0xc7: {  	_ =	shalt  }
tec
execute0_lowered:
.L_overlay_start_1:
0x0: {  	(tag) =	ssettag $0x1  }
0x1: {  	s2 =	srdreg.scid  }
0x2: {  	s4 =	rddreg [dreg:$0x2];
	s0 =	stileid.u32;
	s5 =	sand.u32 $0x1, s2  }
0x3: {  	[dreg:$0x5] =	wrdreg s4;
	s4 =	sshll.u32 s0, $0x8;
	s7 =	sshll.u32 s5, $0x7  }
0x4: {  	s3 =	rddreg [dreg:$0x0];
	s4 =	sor.u32 s7, s4  }
0x5: {  	s1 =	rddreg [dreg:$0x1];
	s7 =	smul.u32 $0xD0, s4  }
0x6: {  	s6 =	rddreg [dreg:$0x3];
	s2 =	simm.s32 $0x0;
	s4 =	sshrl.u32 s4, $0x3  }
0x7: {  	[smem:$0x7FF] =	sst s2;
	s4 =	sadd.s32 s3, s4;
	s3 =	sadd.s32 s6, s7  }
0x8: {  	_ =	strace $0x80000047;
	[dreg:$0x6] =	wrdreg s4;
	s8 =	sadd.s32 $0x8, s3  }
0x9: {  	s9 =	sadd.s32 $0x10, s3;
	[dreg:$0x7] =	wrdreg s8  }
0xa: {  	s10 =	sadd.s32 $0x18, s3;
	[dreg:$0x8] =	wrdreg s9  }
0xb: {  	s11 =	sadd.s32 $0x20, s3;
	[dreg:$0x9] =	wrdreg s10  }
0xc: {  	s12 =	sadd.s32 $0x28, s3;
	[dreg:$0xa] =	wrdreg s11  }
0xd: {  	s13 =	sadd.s32 $0x30, s3;
	[dreg:$0xb] =	wrdreg s12  }
0xe: {  	s14 =	sadd.s32 $0x38, s3;
	[dreg:$0xc] =	wrdreg s13  }
0xf: {  	s15 =	sadd.s32 $0x40, s3;
	[dreg:$0xd] =	wrdreg s14  }
0x10: {  	s16 =	sadd.s32 $0x48, s3;
	[dreg:$0xe] =	wrdreg s15  }
0x11: {  	s17 =	sadd.s32 $0x50, s3;
	[dreg:$0xf] =	wrdreg s16  }
0x12: {  	s18 =	sadd.s32 $0x58, s3;
	[dreg:$0x10] =	wrdreg s17  }
0x13: {  	s19 =	sadd.s32 $0x60, s3;
	[dreg:$0x11] =	wrdreg s18  }
0x14: {  	s20 =	sadd.s32 $0x68, s3;
	[dreg:$0x12] =	wrdreg s19  }
0x15: {  	s21 =	sadd.s32 $0x70, s3;
	[dreg:$0x13] =	wrdreg s20  }
0x16: {  	s22 =	sadd.s32 $0x78, s3;
	[dreg:$0x14] =	wrdreg s21  }
0x17: {  	s23 =	sadd.s32 $0x80, s3;
	[dreg:$0x15] =	wrdreg s22  }
0x18: {  	s24 =	sadd.s32 $0x88, s3;
	[dreg:$0x16] =	wrdreg s23  }
0x19: {  	s25 =	sadd.s32 $0x90, s3;
	[dreg:$0x17] =	wrdreg s24  }
0x1a: {  	s28 =	simm.s32 $0xA80;
	s26 =	sadd.s32 $0x98, s3;
	[dreg:$0x18] =	wrdreg s25  }
0x1b: {  	s29 =	simm.s32 $0xB00;
	s0 =	sadd.s32 $0xA0, s3;
	[dreg:$0x19] =	wrdreg s26  }
0x1c: {  	s30 =	simm.s32 $0xB80;
	s6 =	sadd.s32 $0xA8, s3;
	[dreg:$0x1a] =	wrdreg s0  }
0x1d: {  	s31 =	simm.s32 $0xC00;
	s7 =	sadd.s32 $0xB0, s3;
	[dreg:$0x1b] =	wrdreg s6  }
0x1e: {  	s5 =	ssub.s32 $0x2, s5;
	[dreg:$0x1c] =	wrdreg s7;
	s8 =	sadd.s32 $0xB8, s3  }
0x1f: {  	s4 =	sadd.s32 $0x27AC800, s1;
	s9 =	sadd.s32 $0xC0, s3;
	[dreg:$0x1d] =	wrdreg s8  }
0x20: {  	s1 =	simm.s32 $0xC80;
	s7 =	sadd.s32 $0xC8, s3;
	[dreg:$0x1e] =	wrdreg s9  }
0x21: {  	s10 =	sshrl.u32 s5, $0x1;
	s12 =	simm.s32 $0x1000;
	[dreg:$0x1f] =	wrdreg s7  }
0x22: {  	s6 =	simm.s32 $0x80;
	s13 =	simm.s32 $0xD00;
	[smem:$0x7EF] =	sst s12  }
0x23: {  	s14 =	simm.s32 $0x100;
	s15 =	simm.s32 $0x180;
	[smem:$0x7F0] =	sst s13  }
0x24: {  	s16 =	simm.s32 $0x200;
	s17 =	simm.s32 $0x280;
	[smem:$0x7F1] =	sst s14  }
0x25: {  	s18 =	simm.s32 $0x300;
	s19 =	simm.s32 $0x380;
	[smem:$0x7F2] =	sst s15  }
0x26: {  	s20 =	simm.s32 $0x400;
	s21 =	simm.s32 $0x480;
	[smem:$0x7F3] =	sst s16  }
0x27: {  	s22 =	simm.s32 $0x500;
	s23 =	simm.s32 $0x580;
	[smem:$0x7F4] =	sst s17  }
0x28: {  	s24 =	simm.s32 $0x600;
	s25 =	simm.s32 $0x700;
	[smem:$0x7F5] =	sst s18  }
0x29: {  	s26 =	simm.s32 $0x780;
	s11 =	ssub.s32 s5, s10;
	[smem:$0x7F6] =	sst s19  }
0x2a: {  	s7 =	simm.s32 $0x9;
	s8 =	simm.s32 $0xD20;
	[smem:$0x7F7] =	sst s20  }
0x2b: {  	s9 =	simm.s32 $0x2D20;
	s10 =	simm.s32 $0x4D20;
	[smem:$0x7F8] =	sst s21  }
0x2c: {  	s12 =	simm.s32 $0x1;
	s13 =	simm.s32 $0x40;
	[smem:$0x7F9] =	sst s22  }
0x2d: {  	v0 =	vimm.s32 $0x0;
	s14 =	simm.s32 $0x680;
	s15 =	simm.s32 $0x5;
	[smem:$0x7FA] =	sst s23  }
0x2e: {  	v1 =	vimm.s32 $0x1;
	v2 =	vimm.s32 $0x2;
	v3 =	vimm.s32 $0x3;
	s16 =	simm.s32 $0x2;
	s17 =	simm.s32 $0x6;
	[smem:$0x7FB] =	sst s24  }
0x2f: {  	v4 =	vimm.s32 $0x4;
	v5 =	vimm.s32 $0x5;
	v6 =	vimm.s32 $0x6;
	s18 =	simm.s32 $0x3;
	s19 =	simm.s32 $0x7;
	[smem:$0x7FC] =	sst s25  }
0x30: {  	v7 =	vimm.s32 $0x7;
	v8 =	vimm.s32 $0x8;
	v9 =	vimm.s32 $0x9;
	s20 =	simm.s32 $0x4;
	s21 =	simm.s32 $0x8;
	[smem:$0x7FD] =	sst s26  }
0x31: {  	v10 =	vimm.s32 $0xA;
	v11 =	vimm.s32 $0xB;
	v12 =	vimm.s32 $0xC;
	s23 =	simm.s32 $0x880;
	s24 =	simm.s32 $0x900;
	s25 =	simm.s32 $0x980  }
0x32: {  	v13 =	vimm.s32 $0xD;
	v14 =	vimm.s32 $0xE;
	v15 =	vimm.s32 $0xF;
	s26 =	simm.s32 $0xA00;
	s5 =	smax.u32 s11, $0x1;
	s11 =	simm.s32 $0x6D20  }
.LBB2_1:
0x33: {  	s22 =	sld [smem:$0x7EF];
	_ =	sdelay $0x1  }
0x34: {  	s0 =	rddreg [dreg:$0x6]  }
0x35: {  	[tilespmem:s2], [sflag:$0x9] =	stream.strided.gather [hbm4b:s0+s6], $0xD00, s22, s6, $0x38;
	[tilespmem:$0x8D20] =	vst v63  }
0x36: {  	_ =	swait.ge [sflag:s7], $0xD00  }
0x37: {  	s22 =	sld [smem:$0x7F0]  }
0x38: {  	[sflag:s7] =	ssyncset.done $0x0  }
0x39: {  	s0 =	rddreg [dreg:$0x5];
	[sflag:s7] =	ssyncadd.s32 $0xFFFFF300  }
0x3a: {  	[tilespmem:s22], [sflag:$0x9] =	stream.linear.gather [hbm4b:s0+s2], $0x1A, $0x38;
	[tilespmem:$0x8D20] =	vst v63  }
0x3b: {  	_ =	swait.ge [sflag:s7], $0x1A  }
0x3c: {  	[sflag:s7] =	ssyncset.done $0x0  }
0x3d: {  	[sflag:s7] =	ssyncadd.s32 $0xFFFFFFE6  }
0x3e: {  	v17 =	vld [tilespmem:$0xD00];
	_ =	sdelay $0x1  }
0x3f: {  	v16 =	vld [tilespmem:$0x0]  }
0x40: {  	v18 =	vld [tilespmem:$0x10]  }
0x41: {  	v19 =	vld [tilespmem:$0x20]  }
0x42: {  	v21 =	vld [tilespmem:$0x30];
	v20 =	vperm.xlane v17, v0  }
0x43: {  	v22 =	vld [tilespmem:$0x40]  }
0x44: {  	v23 =	vld [tilespmem:$0x50];
	v16 =	vadd.s32 v20, v16  }
0x45: {  	v62 =	vld [tilespmem:$0x60];
	[tilespmem:$0x0] =	vst v16;
	v16 =	vadd.s32 v20, v18  }
0x46: {  	v63 =	vld [tilespmem:$0x70];
	[tilespmem:$0x10] =	vst v16;
	v16 =	vadd.s32 v20, v19  }
0x47: {  	v28 =	vld [tilespmem:$0x80];
	[tilespmem:$0x20] =	vst v16;
	v16 =	vadd.s32 v20, v21  }
0x48: {  	v29 =	vld [tilespmem:$0x90];
	[tilespmem:$0x30] =	vst v16;
	v16 =	vadd.s32 v20, v22  }
0x49: {  	v30 =	vld [tilespmem:$0xA0];
	[tilespmem:$0x40] =	vst v16;
	v16 =	vadd.s32 v20, v23  }
0x4a: {  	v24 =	vld [tilespmem:$0xB0];
	v31 =	vperm.xlane v17, v1;
	[tilespmem:$0x50] =	vst v16;
	v16 =	vadd.s32 v20, v62  }
0x4b: {  	v32 =	vld [tilespmem:$0xC0];
	[tilespmem:$0x60] =	vst v16;
	v16 =	vadd.s32 v20, v63  }
0x4c: {  	v33 =	vld [tilespmem:$0xD0];
	[tilespmem:$0x70] =	vst v16;
	v16 =	vadd.s32 v31, v28  }
0x4d: {  	v34 =	vld [tilespmem:$0xE0];
	[tilespmem:$0x80] =	vst v16;
	v16 =	vadd.s32 v31, v29  }
0x4e: {  	v35 =	vld [tilespmem:$0xF0];
	[tilespmem:$0x90] =	vst v16;
	v16 =	vadd.s32 v31, v30  }
0x4f: {  	v36 =	vld [tilespmem:$0x100];
	[tilespmem:$0xA0] =	vst v16;
	v16 =	vadd.s32 v31, v24  }
0x50: {  	v37 =	vld [tilespmem:$0x110];
	[tilespmem:$0xB0] =	vst v16;
	v16 =	vadd.s32 v31, v32  }
0x51: {  	v38 =	vld [tilespmem:$0x120];
	[tilespmem:$0xC0] =	vst v16;
	v16 =	vadd.s32 v31, v33  }
0x52: {  	v40 =	vld [tilespmem:$0x130];
	v39 =	vperm.xlane v17, v2;
	[tilespmem:$0xD0] =	vst v16;
	v16 =	vadd.s32 v31, v34  }
0x53: {  	v41 =	vld [tilespmem:$0x140];
	[tilespmem:$0xE0] =	vst v16;
	v16 =	vadd.s32 v31, v35  }
0x54: {  	v42 =	vld [tilespmem:$0x150];
	[tilespmem:$0xF0] =	vst v16;
	v16 =	vadd.s32 v39, v36  }
0x55: {  	v43 =	vld [tilespmem:$0x160];
	[tilespmem:$0x100] =	vst v16;
	v16 =	vadd.s32 v39, v37  }
0x56: {  	v44 =	vld [tilespmem:$0x170];
	[tilespmem:$0x110] =	vst v16;
	v16 =	vadd.s32 v39, v38  }
0x57: {  	v45 =	vld [tilespmem:$0x180];
	[tilespmem:$0x120] =	vst v16;
	v16 =	vadd.s32 v39, v40  }
0x58: {  	v46 =	vld [tilespmem:$0x190];
	[tilespmem:$0x130] =	vst v16;
	v16 =	vadd.s32 v39, v41  }
0x59: {  	v47 =	vld [tilespmem:$0x1A0];
	[tilespmem:$0x140] =	vst v16;
	v16 =	vadd.s32 v39, v42  }
0x5a: {  	v49 =	vld [tilespmem:$0x1B0];
	v48 =	vperm.xlane v17, v3;
	[tilespmem:$0x150] =	vst v16;
	v16 =	vadd.s32 v39, v43  }
0x5b: {  	v43 =	vld [tilespmem:$0x360];
	[tilespmem:$0x160] =	vst v16;
	v16 =	vadd.s32 v39, v44  }
0x5c: {  	v50 =	vld [tilespmem:$0x1C0];
	[tilespmem:$0x170] =	vst v16;
	v16 =	vadd.s32 v48, v45  }
0x5d: {  	v51 =	vld [tilespmem:$0x1D0];
	[tilespmem:$0x180] =	vst v16;
	v16 =	vadd.s32 v48, v46  }
0x5e: {  	v52 =	vld [tilespmem:$0x1E0];
	v39 =	vperm.xlane v17, v6;
	[tilespmem:$0x190] =	vst v16;
	v16 =	vadd.s32 v48, v47  }
0x5f: {  	v53 =	vld [tilespmem:$0x1F0];
	[tilespmem:$0x1A0] =	vst v16;
	v16 =	vadd.s32 v48, v49  }
0x60: {  	v54 =	vld [tilespmem:$0x200];
	v18 =	vadd.s32 v39, v43;
	[tilespmem:$0x1B0] =	vst v16  }
0x61: {  	v55 =	vld [tilespmem:$0x210];
	v16 =	vadd.s32 v48, v50;
	[tilespmem:$0x360] =	vst v18  }
0x62: {  	v56 =	vld [tilespmem:$0x220];
	[tilespmem:$0x1C0] =	vst v16;
	v16 =	vadd.s32 v48, v51  }
0x63: {  	v58 =	vld [tilespmem:$0x230];
	v57 =	vperm.xlane v17, v4;
	[tilespmem:$0x1D0] =	vst v16;
	v16 =	vadd.s32 v48, v52  }
0x64: {  	v59 =	vld [tilespmem:$0x240];
	[tilespmem:$0x1E0] =	vst v16;
	v16 =	vadd.s32 v48, v53  }
0x65: {  	v60 =	vld [tilespmem:$0x250];
	[tilespmem:$0x1F0] =	vst v16;
	v16 =	vadd.s32 v57, v54  }
0x66: {  	v61 =	vld [tilespmem:$0x260];
	[tilespmem:$0x200] =	vst v16;
	v16 =	vadd.s32 v57, v55  }
0x67: {  	v62 =	vld [tilespmem:$0x270];
	[tilespmem:$0x210] =	vst v16;
	v16 =	vadd.s32 v57, v56  }
0x68: {  	v63 =	vld [tilespmem:$0x280];
	[tilespmem:$0x220] =	vst v16;
	v16 =	vadd.s32 v57, v58  }
0x69: {  	v28 =	vld [tilespmem:$0x290];
	[tilespmem:$0x230] =	vst v16;
	v16 =	vadd.s32 v57, v59  }
0x6a: {  	v29 =	vld [tilespmem:$0x2A0];
	[tilespmem:$0x240] =	vst v16;
	v16 =	vadd.s32 v57, v60  }
0x6b: {  	v30 =	vperm.xlane v17, v5;
	v31 =	vld [tilespmem:$0x2B0];
	[tilespmem:$0x250] =	vst v16;
	v16 =	vadd.s32 v57, v61  }
0x6c: {  	v32 =	vld [tilespmem:$0x2C0];
	[tilespmem:$0x260] =	vst v16;
	v16 =	vadd.s32 v57, v62  }
0x6d: {  	v33 =	vld [tilespmem:$0x2D0];
	[tilespmem:$0x270] =	vst v16;
	v16 =	vadd.s32 v30, v63  }
0x6e: {  	v34 =	vld [tilespmem:$0x2E0];
	[tilespmem:$0x280] =	vst v16;
	v16 =	vadd.s32 v30, v28  }
0x6f: {  	v35 =	vld [tilespmem:$0x2F0];
	[tilespmem:$0x290] =	vst v16;
	v16 =	vadd.s32 v30, v29  }
0x70: {  	v36 =	vld [tilespmem:$0x300];
	[tilespmem:$0x2A0] =	vst v16;
	v16 =	vadd.s32 v30, v31  }
0x71: {  	v37 =	vld [tilespmem:$0x310];
	[tilespmem:$0x2B0] =	vst v16;
	v16 =	vadd.s32 v30, v32  }
0x72: {  	v38 =	vld [tilespmem:$0x320];
	[tilespmem:$0x2C0] =	vst v16;
	v16 =	vadd.s32 v30, v33  }
0x73: {  	v40 =	vld [tilespmem:$0x330];
	[tilespmem:$0x2D0] =	vst v16;
	v16 =	vadd.s32 v30, v34  }
0x74: {  	v41 =	vld [tilespmem:$0x340];
	[tilespmem:$0x2E0] =	vst v16;
	v16 =	vadd.s32 v30, v35  }
0x75: {  	v42 =	vld [tilespmem:$0x350];
	[tilespmem:$0x2F0] =	vst v16;
	v16 =	vadd.s32 v39, v36  }
0x76: {  	[tilespmem:$0x300] =	vst v16;
	v16 =	vadd.s32 v39, v37  }
0x77: {  	[tilespmem:$0x310] =	vst v16;
	v16 =	vadd.s32 v39, v38  }
0x78: {  	[tilespmem:$0x320] =	vst v16;
	v16 =	vadd.s32 v39, v40  }
0x79: {  	[tilespmem:$0x330] =	vst v16;
	v16 =	vadd.s32 v39, v41  }
0x7a: {  	[tilespmem:$0x340] =	vst v16;
	v16 =	vadd.s32 v39, v42  }
0x7b: {  	[tilespmem:$0x350] =	vst v16;
	v16 =	vld [tilespmem:$0xD10]  }
0x7c: {  	v18 =	vld [tilespmem:$0x370]  }
0x7d: {  	v44 =	vld [tilespmem:$0x380]  }
0x7e: {  	v45 =	vld [tilespmem:$0x390]  }
0x7f: {  	v46 =	vld [tilespmem:$0x3A0]  }
0x80: {  	v47 =	vperm.xlane v17, v7;
	v48 =	vld [tilespmem:$0x3B0]  }
0x81: {  	v49 =	vld [tilespmem:$0x3C0];
	v18 =	vadd.s32 v39, v18  }
0x82: {  	v51 =	vld [tilespmem:$0x3D0];
	v50 =	vadd.s32 v47, v44;
	[tilespmem:$0x370] =	vst v18  }
0x83: {  	v53 =	vld [tilespmem:$0x3E0];
	v52 =	vadd.s32 v47, v45;
	[tilespmem:$0x380] =	vst v50  }
0x84: {  	v55 =	vld [tilespmem:$0x3F0];
	v54 =	vadd.s32 v47, v46;
	[tilespmem:$0x390] =	vst v52  }
0x85: {  	v57 =	vld [tilespmem:$0x400];
	v56 =	vadd.s32 v47, v48;
	[tilespmem:$0x3A0] =	vst v54  }
0x86: {  	v59 =	vld [tilespmem:$0x410];
	v58 =	vadd.s32 v47, v49;
	[tilespmem:$0x3B0] =	vst v56  }
0x87: {  	v61 =	vld [tilespmem:$0x420];
	v60 =	vadd.s32 v47, v51;
	[tilespmem:$0x3C0] =	vst v58  }
0x88: {  	v63 =	vperm.xlane v17, v8;
	v25 =	vld [tilespmem:$0x430];
	v62 =	vadd.s32 v47, v53;
	[tilespmem:$0x3D0] =	vst v60  }
0x89: {  	v29 =	vld [tilespmem:$0x440];
	v28 =	vadd.s32 v47, v55;
	[tilespmem:$0x3E0] =	vst v62  }
0x8a: {  	v31 =	vld [tilespmem:$0x450];
	v30 =	vadd.s32 v63, v57;
	[tilespmem:$0x3F0] =	vst v28  }
0x8b: {  	v33 =	vld [tilespmem:$0x460];
	v32 =	vadd.s32 v63, v59;
	[tilespmem:$0x400] =	vst v30  }
0x8c: {  	v35 =	vld [tilespmem:$0x470];
	v34 =	vadd.s32 v63, v61;
	[tilespmem:$0x410] =	vst v32  }
0x8d: {  	v37 =	vld [tilespmem:$0x480];
	v36 =	vadd.s32 v63, v25;
	[tilespmem:$0x420] =	vst v34  }
0x8e: {  	v41 =	vld [tilespmem:$0x4A0];
	v38 =	vadd.s32 v63, v29;
	[tilespmem:$0x430] =	vst v36  }
0x8f: {  	v39 =	vld [tilespmem:$0x490];
	v40 =	vadd.s32 v63, v31;
	[tilespmem:$0x440] =	vst v38  }
0x90: {  	v43 =	vperm.xlane v17, v9;
	v42 =	vadd.s32 v63, v33;
	v44 =	vld [tilespmem:$0x4B0];
	[tilespmem:$0x450] =	vst v40  }
0x91: {  	v45 =	vadd.s32 v63, v35;
	v46 =	vld [tilespmem:$0x4C0];
	[tilespmem:$0x460] =	vst v42  }
0x92: {  	v47 =	vadd.s32 v43, v37;
	v48 =	vld [tilespmem:$0x4D0];
	[tilespmem:$0x470] =	vst v45  }
0x93: {  	v51 =	vadd.s32 v43, v41;
	v61 =	vld [tilespmem:$0x530];
	[tilespmem:$0x480] =	vst v47  }
0x94: {  	v63 =	vld [tilespmem:$0x540];
	[tilespmem:$0x4A0] =	vst v51;
	v49 =	vadd.s32 v43, v39  }
0x95: {  	v29 =	vld [tilespmem:$0x550];
	v53 =	vadd.s32 v43, v44;
	[tilespmem:$0x490] =	vst v49  }
0x96: {  	v31 =	vld [tilespmem:$0x560];
	v60 =	vperm.xlane v17, v10;
	v55 =	vadd.s32 v43, v46;
	[tilespmem:$0x4B0] =	vst v53  }
0x97: {  	v35 =	vld [tilespmem:$0x580];
	v57 =	vadd.s32 v43, v48;
	[tilespmem:$0x4C0] =	vst v55  }
0x98: {  	v37 =	vld [tilespmem:$0x590];
	v34 =	vadd.s32 v60, v61;
	[tilespmem:$0x4D0] =	vst v57  }
0x99: {  	v50 =	vld [tilespmem:$0x4E0];
	v36 =	vadd.s32 v60, v63;
	[tilespmem:$0x530] =	vst v34  }
0x9a: {  	v41 =	vperm.xlane v17, v11;
	v52 =	vld [tilespmem:$0x4F0];
	v38 =	vadd.s32 v60, v29;
	[tilespmem:$0x540] =	vst v36  }
0x9b: {  	v54 =	vld [tilespmem:$0x500];
	v40 =	vadd.s32 v60, v31;
	[tilespmem:$0x550] =	vst v38  }
0x9c: {  	v56 =	vld [tilespmem:$0x510];
	v45 =	vadd.s32 v41, v35;
	[tilespmem:$0x560] =	vst v40  }
0x9d: {  	v58 =	vld [tilespmem:$0x520];
	v47 =	vadd.s32 v41, v37;
	[tilespmem:$0x580] =	vst v45  }
0x9e: {  	v33 =	vld [tilespmem:$0x570];
	v59 =	vadd.s32 v43, v50;
	[tilespmem:$0x590] =	vst v47  }
0x9f: {  	v42 =	vld [tilespmem:$0x5B0];
	v62 =	vadd.s32 v43, v52;
	[tilespmem:$0x4E0] =	vst v59  }
0xa0: {  	v39 =	vld [tilespmem:$0x5A0];
	v28 =	vadd.s32 v60, v54;
	[tilespmem:$0x4F0] =	vst v62  }
0xa1: {  	v44 =	vld [tilespmem:$0x5C0];
	v30 =	vadd.s32 v60, v56;
	[tilespmem:$0x500] =	vst v28  }
0xa2: {  	v46 =	vld [tilespmem:$0x5D0];
	v32 =	vadd.s32 v60, v58;
	[tilespmem:$0x510] =	vst v30  }
0xa3: {  	v48 =	vld [tilespmem:$0x5E0];
	v43 =	vadd.s32 v60, v33;
	[tilespmem:$0x520] =	vst v32  }
0xa4: {  	v61 =	vld [tilespmem:$0x640];
	v51 =	vadd.s32 v41, v42;
	[tilespmem:$0x570] =	vst v43  }
0xa5: {  	v63 =	vld [tilespmem:$0x650];
	[tilespmem:$0x5B0] =	vst v51;
	v49 =	vadd.s32 v41, v39  }
0xa6: {  	v29 =	vld [tilespmem:$0x660];
	v53 =	vadd.s32 v41, v44;
	[tilespmem:$0x5A0] =	vst v49  }
0xa7: {  	v50 =	vld [tilespmem:$0x5F0];
	v58 =	vperm.xlane v17, v12;
	v55 =	vadd.s32 v41, v46;
	[tilespmem:$0x5C0] =	vst v53  }
0xa8: {  	v52 =	vld [tilespmem:$0x600];
	v57 =	vadd.s32 v41, v48;
	[tilespmem:$0x5D0] =	vst v55  }
0xa9: {  	v54 =	vld [tilespmem:$0x610];
	v34 =	vadd.s32 v58, v61;
	[tilespmem:$0x5E0] =	vst v57  }
0xaa: {  	v56 =	vld [tilespmem:$0x620];
	v36 =	vadd.s32 v58, v63;
	[tilespmem:$0x640] =	vst v34  }
0xab: {  	v31 =	vld [tilespmem:$0x670];
	v38 =	vadd.s32 v58, v29;
	[tilespmem:$0x650] =	vst v36  }
0xac: {  	v59 =	vld [tilespmem:$0x630];
	v60 =	vadd.s32 v41, v50;
	[tilespmem:$0x660] =	vst v38  }
0xad: {  	v33 =	vld [tilespmem:$0x680];
	v62 =	vadd.s32 v58, v52;
	[tilespmem:$0x5F0] =	vst v60  }
0xae: {  	v35 =	vld [tilespmem:$0x690];
	v28 =	vadd.s32 v58, v54;
	[tilespmem:$0x600] =	vst v62  }
0xaf: {  	v37 =	vld [tilespmem:$0x6A0];
	v30 =	vadd.s32 v58, v56;
	[tilespmem:$0x610] =	vst v28  }
0xb0: {  	v40 =	vld [tilespmem:$0x6B0];
	v39 =	vperm.xlane v17, v13;
	v41 =	vadd.s32 v58, v31;
	[tilespmem:$0x620] =	vst v30  }
0xb1: {  	v42 =	vld [tilespmem:$0x6C0];
	v32 =	vadd.s32 v58, v59;
	[tilespmem:$0x670] =	vst v41  }
0xb2: {  	v44 =	vld [tilespmem:$0x6D0];
	v43 =	vadd.s32 v39, v33;
	[tilespmem:$0x630] =	vst v32  }
0xb3: {  	v46 =	vld [tilespmem:$0x6E0];
	v45 =	vadd.s32 v39, v35;
	[tilespmem:$0x680] =	vst v43  }
0xb4: {  	v48 =	vld [tilespmem:$0x6F0];
	v47 =	vadd.s32 v39, v37;
	[tilespmem:$0x690] =	vst v45  }
0xb5: {  	v61 =	vld [tilespmem:$0x750];
	v49 =	vadd.s32 v39, v40;
	[tilespmem:$0x6A0] =	vst v47  }
0xb6: {  	v63 =	vld [tilespmem:$0x760];
	v51 =	vadd.s32 v39, v42;
	[tilespmem:$0x6B0] =	vst v49  }
0xb7: {  	v29 =	vld [tilespmem:$0x770];
	[tilespmem:$0x6C0] =	vst v51;
	v53 =	vadd.s32 v39, v44  }
0xb8: {  	v50 =	vld [tilespmem:$0x700];
	v56 =	vperm.xlane v17, v14;
	v55 =	vadd.s32 v39, v46;
	[tilespmem:$0x6D0] =	vst v53  }
0xb9: {  	v52 =	vld [tilespmem:$0x710];
	v58 =	vadd.s32 v39, v48;
	[tilespmem:$0x6E0] =	vst v55  }
0xba: {  	v54 =	vld [tilespmem:$0x720];
	v34 =	vadd.s32 v56, v61;
	[tilespmem:$0x6F0] =	vst v58  }
0xbb: {  	v57 =	vld [tilespmem:$0x730];
	v36 =	vadd.s32 v56, v63;
	[tilespmem:$0x750] =	vst v34  }
0xbc: {  	v31 =	vld [tilespmem:$0x780];
	v38 =	vadd.s32 v56, v29;
	[tilespmem:$0x760] =	vst v36  }
0xbd: {  	v59 =	vld [tilespmem:$0x740];
	v60 =	vadd.s32 v56, v50;
	[tilespmem:$0x770] =	vst v38  }
0xbe: {  	v33 =	vld [tilespmem:$0x790];
	v62 =	vadd.s32 v56, v52;
	[tilespmem:$0x700] =	vst v60  }
0xbf: {  	v17 =	vperm.xlane v17, v15;
	v35 =	vld [tilespmem:$0x7A0];
	v28 =	vadd.s32 v56, v54;
	[tilespmem:$0x710] =	vst v62  }
0xc0: {  	v37 =	vld [tilespmem:$0x7B0];
	v30 =	vadd.s32 v56, v57;
	[tilespmem:$0x720] =	vst v28  }
0xc1: {  	v41 =	vld [tilespmem:$0x7D0];
	v40 =	vadd.s32 v17, v31;
	[tilespmem:$0x730] =	vst v30  }
0xc2: {  	v43 =	vld [tilespmem:$0x7E0];
	v32 =	vadd.s32 v56, v59;
	[tilespmem:$0x780] =	vst v40  }
0xc3: {  	v39 =	vld [tilespmem:$0x7C0];
	v42 =	vadd.s32 v17, v33;
	[tilespmem:$0x740] =	vst v32  }
0xc4: {  	v45 =	vld [tilespmem:$0x7F0];
	v44 =	vadd.s32 v17, v35;
	[tilespmem:$0x790] =	vst v42  }
0xc5: {  	v47 =	vld [tilespmem:$0x800];
	v46 =	vadd.s32 v17, v37;
	[tilespmem:$0x7A0] =	vst v44  }
0xc6: {  	v49 =	vld [tilespmem:$0x810];
	v50 =	vadd.s32 v17, v41;
	[tilespmem:$0x7B0] =	vst v46  }
0xc7: {  	v51 =	vld [tilespmem:$0x820];
	[tilespmem:$0x7D0] =	vst v50;
	v52 =	vadd.s32 v17, v43  }
0xc8: {  	v53 =	vperm.xlane v16, v0;
	v54 =	vld [tilespmem:$0x830];
	[tilespmem:$0x7E0] =	vst v52;
	v48 =	vadd.s32 v17, v39  }
0xc9: {  	v55 =	vld [tilespmem:$0x840];
	v17 =	vadd.s32 v17, v45;
	[tilespmem:$0x7C0] =	vst v48  }
0xca: {  	v56 =	vld [tilespmem:$0x850];
	[tilespmem:$0x7F0] =	vst v17;
	v17 =	vadd.s32 v53, v47  }
0xcb: {  	v57 =	vld [tilespmem:$0x860];
	[tilespmem:$0x800] =	vst v17;
	v17 =	vadd.s32 v53, v49  }
0xcc: {  	v58 =	vld [tilespmem:$0x870];
	[tilespmem:$0x810] =	vst v17;
	v17 =	vadd.s32 v53, v51  }
0xcd: {  	v59 =	vld [tilespmem:$0x880];
	[tilespmem:$0x820] =	vst v17;
	v17 =	vadd.s32 v53, v54  }
0xce: {  	v60 =	vld [tilespmem:$0x890];
	[tilespmem:$0x830] =	vst v17;
	v17 =	vadd.s32 v53, v55  }
0xcf: {  	v61 =	vld [tilespmem:$0x8A0];
	[tilespmem:$0x840] =	vst v17;
	v17 =	vadd.s32 v53, v56  }
0xd0: {  	v63 =	vld [tilespmem:$0x8B0];
	v62 =	vperm.xlane v16, v1;
	[tilespmem:$0x850] =	vst v17;
	v17 =	vadd.s32 v53, v57  }
0xd1: {  	v28 =	vld [tilespmem:$0x8C0];
	[tilespmem:$0x860] =	vst v17;
	v17 =	vadd.s32 v53, v58  }
0xd2: {  	v29 =	vld [tilespmem:$0x8D0];
	[tilespmem:$0x870] =	vst v17;
	v17 =	vadd.s32 v62, v59  }
0xd3: {  	v30 =	vld [tilespmem:$0x8E0];
	[tilespmem:$0x880] =	vst v17;
	v17 =	vadd.s32 v62, v60  }
0xd4: {  	v31 =	vld [tilespmem:$0x8F0];
	[tilespmem:$0x890] =	vst v17;
	v17 =	vadd.s32 v62, v61  }
0xd5: {  	v32 =	vld [tilespmem:$0x900];
	[tilespmem:$0x8A0] =	vst v17;
	v17 =	vadd.s32 v62, v63  }
0xd6: {  	v33 =	vld [tilespmem:$0x910];
	[tilespmem:$0x8B0] =	vst v17;
	v17 =	vadd.s32 v62, v28  }
0xd7: {  	v34 =	vld [tilespmem:$0x920];
	[tilespmem:$0x8C0] =	vst v17;
	v17 =	vadd.s32 v62, v29  }
0xd8: {  	v36 =	vld [tilespmem:$0x930];
	v35 =	vperm.xlane v16, v2;
	[tilespmem:$0x8D0] =	vst v17;
	v17 =	vadd.s32 v62, v30  }
0xd9: {  	v37 =	vld [tilespmem:$0x940];
	[tilespmem:$0x8E0] =	vst v17;
	v17 =	vadd.s32 v62, v31  }
0xda: {  	v38 =	vld [tilespmem:$0x950];
	[tilespmem:$0x8F0] =	vst v17;
	v17 =	vadd.s32 v35, v32  }
0xdb: {  	v39 =	vld [tilespmem:$0x960];
	[tilespmem:$0x900] =	vst v17;
	v17 =	vadd.s32 v35, v33  }
0xdc: {  	v40 =	vld [tilespmem:$0x970];
	[tilespmem:$0x910] =	vst v17;
	v17 =	vadd.s32 v35, v34  }
0xdd: {  	v41 =	vld [tilespmem:$0x980];
	[tilespmem:$0x920] =	vst v17;
	v17 =	vadd.s32 v35, v36  }
0xde: {  	v42 =	vld [tilespmem:$0x990];
	[tilespmem:$0x930] =	vst v17;
	v17 =	vadd.s32 v35, v37  }
0xdf: {  	v43 =	vld [tilespmem:$0x9A0];
	[tilespmem:$0x940] =	vst v17;
	v17 =	vadd.s32 v35, v38  }
0xe0: {  	v44 =	vperm.xlane v16, v3;
	v45 =	vld [tilespmem:$0x9B0];
	[tilespmem:$0x950] =	vst v17;
	v17 =	vadd.s32 v35, v39  }
0xe1: {  	v46 =	vld [tilespmem:$0x9C0];
	[tilespmem:$0x960] =	vst v17;
	v17 =	vadd.s32 v35, v40  }
0xe2: {  	v47 =	vld [tilespmem:$0x9D0];
	[tilespmem:$0x970] =	vst v17;
	v17 =	vadd.s32 v44, v41  }
0xe3: {  	v48 =	vld [tilespmem:$0x9E0];
	[tilespmem:$0x980] =	vst v17;
	v17 =	vadd.s32 v44, v42  }
0xe4: {  	v49 =	vld [tilespmem:$0x9F0];
	[tilespmem:$0x990] =	vst v17;
	v17 =	vadd.s32 v44, v43  }
0xe5: {  	v50 =	vld [tilespmem:$0xA00];
	[tilespmem:$0x9A0] =	vst v17;
	v17 =	vadd.s32 v44, v45  }
0xe6: {  	v51 =	vld [tilespmem:$0xA10];
	[tilespmem:$0x9B0] =	vst v17;
	v17 =	vadd.s32 v44, v46  }
0xe7: {  	v52 =	vld [tilespmem:$0xA20];
	[tilespmem:$0x9C0] =	vst v17;
	v17 =	vadd.s32 v44, v47  }
0xe8: {  	v54 =	vld [tilespmem:$0xA30];
	v53 =	vperm.xlane v16, v4;
	[tilespmem:$0x9D0] =	vst v17;
	v17 =	vadd.s32 v44, v48  }
0xe9: {  	v55 =	vld [tilespmem:$0xA40];
	[tilespmem:$0x9E0] =	vst v17;
	v17 =	vadd.s32 v44, v49  }
0xea: {  	v56 =	vld [tilespmem:$0xA50];
	[tilespmem:$0x9F0] =	vst v17;
	v17 =	vadd.s32 v53, v50  }
0xeb: {  	v57 =	vld [tilespmem:$0xA60];
	[tilespmem:$0xA00] =	vst v17;
	v17 =	vadd.s32 v53, v51  }
0xec: {  	v58 =	vld [tilespmem:$0xA70];
	[tilespmem:$0xA10] =	vst v17;
	v17 =	vadd.s32 v53, v52  }
0xed: {  	v59 =	vld [tilespmem:$0xA80];
	[tilespmem:$0xA20] =	vst v17;
	v17 =	vadd.s32 v53, v54  }
0xee: {  	v60 =	vld [tilespmem:$0xA90];
	[tilespmem:$0xA30] =	vst v17;
	v17 =	vadd.s32 v53, v55  }
0xef: {  	v61 =	vld [tilespmem:$0xAA0];
	[tilespmem:$0xA40] =	vst v17;
	v17 =	vadd.s32 v53, v56  }
0xf0: {  	v63 =	vld [tilespmem:$0xAB0];
	v62 =	vperm.xlane v16, v5;
	[tilespmem:$0xA50] =	vst v17;
	v17 =	vadd.s32 v53, v57  }
0xf1: {  	v25 =	vld [tilespmem:$0xAC0];
	[tilespmem:$0xA60] =	vst v17;
	v17 =	vadd.s32 v53, v58  }
0xf2: {  	v26 =	vld [tilespmem:$0xAD0];
	[tilespmem:$0xA70] =	vst v17;
	v17 =	vadd.s32 v62, v59  }
0xf3: {  	v27 =	vld [tilespmem:$0xAE0];
	[tilespmem:$0xA80] =	vst v17;
	v17 =	vadd.s32 v62, v60  }
0xf4: {  	v28 =	vld [tilespmem:$0xAF0];
	[tilespmem:$0xA90] =	vst v17;
	v17 =	vadd.s32 v62, v61  }
0xf5: {  	v29 =	vld [tilespmem:$0xB00];
	[tilespmem:$0xAA0] =	vst v17;
	v17 =	vadd.s32 v62, v63  }
0xf6: {  	v30 =	vld [tilespmem:$0xB10];
	[tilespmem:$0xAB0] =	vst v17;
	v17 =	vadd.s32 v62, v25  }
0xf7: {  	v31 =	vld [tilespmem:$0xB20];
	[tilespmem:$0xAC0] =	vst v17;
	v17 =	vadd.s32 v62, v26  }
0xf8: {  	v32 =	vperm.xlane v16, v6;
	v33 =	vld [tilespmem:$0xB30];
	[tilespmem:$0xAD0] =	vst v17;
	v17 =	vadd.s32 v62, v27  }
0xf9: {  	v34 =	vld [tilespmem:$0xB40];
	[tilespmem:$0xAE0] =	vst v17;
	v17 =	vadd.s32 v62, v28  }
0xfa: {  	v35 =	vld [tilespmem:$0xB50];
	[tilespmem:$0xAF0] =	vst v17;
	v17 =	vadd.s32 v32, v29  }
0xfb: {  	v36 =	vld [tilespmem:$0xB60];
	[tilespmem:$0xB00] =	vst v17;
	v17 =	vadd.s32 v32, v30  }
0xfc: {  	v37 =	vld [tilespmem:$0xB70];
	[tilespmem:$0xB10] =	vst v17;
	v17 =	vadd.s32 v32, v31  }
0xfd: {  	v38 =	vld [tilespmem:$0xB80];
	[tilespmem:$0xB20] =	vst v17;
	v17 =	vadd.s32 v32, v33  }
0xfe: {  	v39 =	vld [tilespmem:$0xB90];
	[tilespmem:$0xB30] =	vst v17;
	v17 =	vadd.s32 v32, v34  }
0xff: {  	v40 =	vld [tilespmem:$0xBA0];
	[tilespmem:$0xB40] =	vst v17;
	v17 =	vadd.s32 v32, v35  }
0x100: {  	v41 =	vperm.xlane v16, v7;
	v42 =	vld [tilespmem:$0xBB0];
	[tilespmem:$0xB50] =	vst v17;
	v17 =	vadd.s32 v32, v36  }
0x101: {  	v43 =	vld [tilespmem:$0xBC0];
	[tilespmem:$0xB60] =	vst v17;
	v17 =	vadd.s32 v32, v37  }
0x102: {  	v44 =	vld [tilespmem:$0xBD0];
	[tilespmem:$0xB70] =	vst v17;
	v17 =	vadd.s32 v41, v38  }
0x103: {  	v45 =	vld [tilespmem:$0xBE0];
	[tilespmem:$0xB80] =	vst v17;
	v17 =	vadd.s32 v41, v39  }
0x104: {  	v46 =	vld [tilespmem:$0xBF0];
	[tilespmem:$0xB90] =	vst v17;
	v17 =	vadd.s32 v41, v40  }
0x105: {  	v47 =	vld [tilespmem:$0xC00];
	[tilespmem:$0xBA0] =	vst v17;
	v17 =	vadd.s32 v41, v42  }
0x106: {  	v48 =	vld [tilespmem:$0xC10];
	[tilespmem:$0xBB0] =	vst v17;
	v17 =	vadd.s32 v41, v43  }
0x107: {  	v49 =	vld [tilespmem:$0xC20];
	[tilespmem:$0xBC0] =	vst v17;
	v17 =	vadd.s32 v41, v44  }
0x108: {  	v50 =	vperm.xlane v16, v8;
	v51 =	vld [tilespmem:$0xC30];
	[tilespmem:$0xBD0] =	vst v17;
	v17 =	vadd.s32 v41, v45  }
0x109: {  	v52 =	vld [tilespmem:$0xC40];
	[tilespmem:$0xBE0] =	vst v17;
	v17 =	vadd.s32 v41, v46  }
0x10a: {  	v53 =	vld [tilespmem:$0xC50];
	[tilespmem:$0xBF0] =	vst v17;
	v17 =	vadd.s32 v50, v47  }
0x10b: {  	v54 =	vld [tilespmem:$0xC60];
	[tilespmem:$0xC00] =	vst v17;
	v17 =	vadd.s32 v50, v48  }
0x10c: {  	v55 =	vld [tilespmem:$0xC70];
	[tilespmem:$0xC10] =	vst v17;
	v17 =	vadd.s32 v50, v49  }
0x10d: {  	v56 =	vld [tilespmem:$0xC80];
	[tilespmem:$0xC20] =	vst v17;
	v17 =	vadd.s32 v50, v51  }
0x10e: {  	v57 =	vld [tilespmem:$0xC90];
	[tilespmem:$0xC30] =	vst v17;
	v17 =	vadd.s32 v50, v52  }
0x10f: {  	v58 =	vld [tilespmem:$0xCA0];
	[tilespmem:$0xC40] =	vst v17;
	v17 =	vadd.s32 v50, v53  }
0x110: {  	v16 =	vperm.xlane v16, v9;
	v59 =	vld [tilespmem:$0xCB0];
	[tilespmem:$0xC50] =	vst v17;
	v17 =	vadd.s32 v50, v54  }
0x111: {  	v60 =	vld [tilespmem:$0xCC0];
	[tilespmem:$0xC60] =	vst v17;
	v17 =	vadd.s32 v50, v55  }
0x112: {  	v61 =	vld [tilespmem:$0xCD0];
	[tilespmem:$0xC70] =	vst v17;
	v17 =	vadd.s32 v16, v56  }
0x113: {  	v62 =	vld [tilespmem:$0xCE0];
	[tilespmem:$0xC80] =	vst v17;
	v17 =	vadd.s32 v16, v57  }
0x114: {  	v63 =	vld [tilespmem:$0xCF0];
	[tilespmem:$0xC90] =	vst v17;
	v17 =	vadd.s32 v16, v58  }
0x115: {  	[tilespmem:$0xCA0] =	vst v17;
	v17 =	vadd.s32 v16, v59  }
0x116: {  	[tilespmem:$0xCB0] =	vst v17;
	v17 =	vadd.s32 v16, v60  }
0x117: {  	[tilespmem:$0xCC0] =	vst v17;
	v17 =	vadd.s32 v16, v61  }
0x118: {  	[tilespmem:$0xCD0] =	vst v17;
	v17 =	vadd.s32 v16, v62  }
0x119: {  	v16 =	vadd.s32 v16, v63;
	[tilespmem:$0xCE0] =	vst v17  }
0x11a: {  	[tilespmem:$0xCF0] =	vst v16  }
0x11b: {  	[tilespmem:s8], [sflag:$0x1] =	stream.indirect.gather [hbm4b:s4+s6], $0x40, s2, s6, $0xb8;
	[tilespmem:$0x8D20] =	vst v63  }
0x11c: {  	s0 =	sld [smem:$0x7F1]  }
0x11d: {  	[tilespmem:s9], [sflag:$0x2] =	stream.indirect.gather [hbm4b:s4+s6], $0x40, s6, s6, $0xb8;
	[tilespmem:$0x8D20] =	vst v63  }
0x11e: {  	s22 =	sld [smem:$0x7F2]  }
0x11f: {  	[tilespmem:s10], [sflag:$0x3] =	stream.indirect.gather [hbm4b:s4+s6], $0x40, s0, s6, $0xb8;
	[tilespmem:$0x8D20] =	vst v63  }
0x120: {  	_ = 	snop  }
0x121: {  	[tilespmem:s11], [sflag:$0x4] =	stream.indirect.gather [hbm4b:s4+s6], $0x40, s22, s6, $0xb8;
	[tilespmem:$0x8D20] =	vst v63  }
0x122: {  	_ =	swait.ge [sflag:s12], $0x2000  }
0x123: {  	[sflag:s12] =	ssyncset.done $0x0  }
0x124: {  	[sflag:s12] =	ssyncadd.s32 $0xFFFFE000  }
0x125: {  	[hbm4b:s3+s13] =	stream.strided.scatter [tilespmem:s8], [sflag:$0x5], $0x2000, s14, s13, $0x38;
	[tilespmem:$0x8D20] =	vst v63  }
0x126: {  	_ =	swait.ge [sflag:s15], $0x2000  }
0x127: {  	s22 =	sld [smem:$0x7F3]  }
0x128: {  	[sflag:s15] =	ssyncset.done $0x0  }
0x129: {  	[sflag:s15] =	ssyncadd.s32 $0xFFFFE000  }
0x12a: {  	[tilespmem:s8], [sflag:$0x1] =	stream.indirect.gather [hbm4b:s4+s6], $0x40, s22, s6, $0xb8;
	[tilespmem:$0x8D20] =	vst v63  }
0x12b: {  	_ =	swait.ge [sflag:s16], $0x2000  }
0x12c: {  	[sflag:s16] =	ssyncset.done $0x0  }
0x12d: {  	s22 =	rddreg [dreg:$0x7];
	[sflag:s16] =	ssyncadd.s32 $0xFFFFE000  }
0x12e: {  	[hbm4b:s22+s13] =	stream.strided.scatter [tilespmem:s9], [sflag:$0x6], $0x2000, s14, s13, $0x38;
	[tilespmem:$0x8D20] =	vst v63  }
0x12f: {  	_ =	swait.ge [sflag:s17], $0x2000  }
0x130: {  	s22 =	sld [smem:$0x7F4]  }
0x131: {  	[sflag:s17] =	ssyncset.done $0x0  }
0x132: {  	[sflag:s17] =	ssyncadd.s32 $0xFFFFE000  }
0x133: {  	[tilespmem:s9], [sflag:$0x2] =	stream.indirect.gather [hbm4b:s4+s6], $0x40, s22, s6, $0xb8;
	[tilespmem:$0x8D20] =	vst v63  }
0x134: {  	_ =	swait.ge [sflag:s18], $0x2000  }
0x135: {  	[sflag:s18] =	ssyncset.done $0x0  }
0x136: {  	s22 =	rddreg [dreg:$0x8];
	[sflag:s18] =	ssyncadd.s32 $0xFFFFE000  }
0x137: {  	[hbm4b:s22+s13] =	stream.strided.scatter [tilespmem:s10], [sflag:$0x7], $0x2000, s14, s13, $0x38;
	[tilespmem:$0x8D20] =	vst v63  }
0x138: {  	_ =	swait.ge [sflag:s19], $0x2000  }
0x139: {  	s22 =	sld [smem:$0x7F5]  }
0x13a: {  	[sflag:s19] =	ssyncset.done $0x0  }
0x13b: {  	[sflag:s19] =	ssyncadd.s32 $0xFFFFE000  }
0x13c: {  	[tilespmem:s10], [sflag:$0x3] =	stream.indirect.gather [hbm4b:s4+s6], $0x40, s22, s6, $0xb8;
	[tilespmem:$0x8D20] =	vst v63  }
0x13d: {  	_ =	swait.ge [sflag:s20], $0x2000  }
0x13e: {  	[sflag:s20] =	ssyncset.done $0x0  }
0x13f: {  	s22 =	rddreg [dreg:$0x9];
	[sflag:s20] =	ssyncadd.s32 $0xFFFFE000  }
0x140: {  	[hbm4b:s22+s13] =	stream.strided.scatter [tilespmem:s11], [sflag:$0x8], $0x2000, s14, s13, $0x38;
	[tilespmem:$0x8D20] =	vst v63  }
0x141: {  	_ =	swait.ge [sflag:s21], $0x2000  }
0x142: {  	s22 =	sld [smem:$0x7F6]  }
0x143: {  	[sflag:s21] =	ssyncset.done $0x0  }
0x144: {  	[sflag:s21] =	ssyncadd.s32 $0xFFFFE000  }
0x145: {  	[tilespmem:s11], [sflag:$0x4] =	stream.indirect.gather [hbm4b:s4+s6], $0x40, s22, s6, $0xb8;
	[tilespmem:$0x8D20] =	vst v63  }
0x146: {  	_ =	swait.ge [sflag:s12], $0x2000  }
0x147: {  	[sflag:s12] =	ssyncset.done $0x0  }
0x148: {  	s22 =	rddreg [dreg:$0xa];
	[sflag:s12] =	ssyncadd.s32 $0xFFFFE000  }
0x149: {  	[hbm4b:s22+s13] =	stream.strided.scatter [tilespmem:s8], [sflag:$0x5], $0x2000, s14, s13, $0x38;
	[tilespmem:$0x8D20] =	vst v63  }
0x14a: {  	_ =	swait.ge [sflag:s15], $0x2000  }
0x14b: {  	s22 =	sld [smem:$0x7F7]  }
0x14c: {  	[sflag:s15] =	ssyncset.done $0x0  }
0x14d: {  	[sflag:s15] =	ssyncadd.s32 $0xFFFFE000  }
0x14e: {  	[tilespmem:s8], [sflag:$0x1] =	stream.indirect.gather [hbm4b:s4+s6], $0x40, s22, s6, $0xb8;
	[tilespmem:$0x8D20] =	vst v63  }
0x14f: {  	_ =	swait.ge [sflag:s16], $0x2000  }
0x150: {  	[sflag:s16] =	ssyncset.done $0x0  }
0x151: {  	s22 =	rddreg [dreg:$0xb];
	[sflag:s16] =	ssyncadd.s32 $0xFFFFE000  }
0x152: {  	[hbm4b:s22+s13] =	stream.strided.scatter [tilespmem:s9], [sflag:$0x6], $0x2000, s14, s13, $0x38;
	[tilespmem:$0x8D20] =	vst v63  }
0x153: {  	_ =	swait.ge [sflag:s17], $0x2000  }
0x154: {  	s22 =	sld [smem:$0x7F8]  }
0x155: {  	[sflag:s17] =	ssyncset.done $0x0  }
0x156: {  	[sflag:s17] =	ssyncadd.s32 $0xFFFFE000  }
0x157: {  	[tilespmem:s9], [sflag:$0x2] =	stream.indirect.gather [hbm4b:s4+s6], $0x40, s22, s6, $0xb8;
	[tilespmem:$0x8D20] =	vst v63  }
0x158: {  	_ =	swait.ge [sflag:s18], $0x2000  }
0x159: {  	[sflag:s18] =	ssyncset.done $0x0  }
0x15a: {  	s22 =	rddreg [dreg:$0xc];
	[sflag:s18] =	ssyncadd.s32 $0xFFFFE000  }
0x15b: {  	[hbm4b:s22+s13] =	stream.strided.scatter [tilespmem:s10], [sflag:$0x7], $0x2000, s14, s13, $0x38;
	[tilespmem:$0x8D20] =	vst v63  }
0x15c: {  	_ =	swait.ge [sflag:s19], $0x2000  }
0x15d: {  	s22 =	sld [smem:$0x7F9]  }
0x15e: {  	[sflag:s19] =	ssyncset.done $0x0  }
0x15f: {  	[sflag:s19] =	ssyncadd.s32 $0xFFFFE000  }
0x160: {  	[tilespmem:s10], [sflag:$0x3] =	stream.indirect.gather [hbm4b:s4+s6], $0x40, s22, s6, $0xb8;
	[tilespmem:$0x8D20] =	vst v63  }
0x161: {  	_ =	swait.ge [sflag:s20], $0x2000  }
0x162: {  	[sflag:s20] =	ssyncset.done $0x0  }
0x163: {  	s22 =	rddreg [dreg:$0xd];
	[sflag:s20] =	ssyncadd.s32 $0xFFFFE000  }
0x164: {  	[hbm4b:s22+s13] =	stream.strided.scatter [tilespmem:s11], [sflag:$0x8], $0x2000, s14, s13, $0x38;
	[tilespmem:$0x8D20] =	vst v63  }
0x165: {  	_ =	swait.ge [sflag:s21], $0x2000  }
0x166: {  	s22 =	sld [smem:$0x7FA]  }
0x167: {  	[sflag:s21] =	ssyncset.done $0x0  }
0x168: {  	[sflag:s21] =	ssyncadd.s32 $0xFFFFE000  }
0x169: {  	[tilespmem:s11], [sflag:$0x4] =	stream.indirect.gather [hbm4b:s4+s6], $0x40, s22, s6, $0xb8;
	[tilespmem:$0x8D20] =	vst v63  }
0x16a: {  	_ =	swait.ge [sflag:s12], $0x2000  }
0x16b: {  	[sflag:s12] =	ssyncset.done $0x0  }
0x16c: {  	s22 =	rddreg [dreg:$0xe];
	[sflag:s12] =	ssyncadd.s32 $0xFFFFE000  }
0x16d: {  	[hbm4b:s22+s13] =	stream.strided.scatter [tilespmem:s8], [sflag:$0x5], $0x2000, s14, s13, $0x38;
	[tilespmem:$0x8D20] =	vst v63  }
0x16e: {  	_ =	swait.ge [sflag:s15], $0x2000  }
0x16f: {  	s22 =	sld [smem:$0x7FB]  }
0x170: {  	[sflag:s15] =	ssyncset.done $0x0  }
0x171: {  	[sflag:s15] =	ssyncadd.s32 $0xFFFFE000  }
0x172: {  	[tilespmem:s8], [sflag:$0x1] =	stream.indirect.gather [hbm4b:s4+s6], $0x40, s22, s6, $0xb8;
	[tilespmem:$0x8D20] =	vst v63  }
0x173: {  	_ =	swait.ge [sflag:s16], $0x2000  }
0x174: {  	[sflag:s16] =	ssyncset.done $0x0  }
0x175: {  	s22 =	rddreg [dreg:$0xf];
	[sflag:s16] =	ssyncadd.s32 $0xFFFFE000  }
0x176: {  	[hbm4b:s22+s13] =	stream.strided.scatter [tilespmem:s9], [sflag:$0x6], $0x2000, s14, s13, $0x38;
	[tilespmem:$0x8D20] =	vst v63  }
0x177: {  	_ =	swait.ge [sflag:s17], $0x2000  }
0x178: {  	[sflag:s17] =	ssyncset.done $0x0  }
0x179: {  	[sflag:s17] =	ssyncadd.s32 $0xFFFFE000  }
0x17a: {  	[tilespmem:s9], [sflag:$0x2] =	stream.indirect.gather [hbm4b:s4+s6], $0x40, s14, s6, $0xb8;
	[tilespmem:$0x8D20] =	vst v63  }
0x17b: {  	_ =	swait.ge [sflag:s18], $0x2000  }
0x17c: {  	[sflag:s18] =	ssyncset.done $0x0  }
0x17d: {  	s22 =	rddreg [dreg:$0x10];
	[sflag:s18] =	ssyncadd.s32 $0xFFFFE000  }
0x17e: {  	[hbm4b:s22+s13] =	stream.strided.scatter [tilespmem:s10], [sflag:$0x7], $0x2000, s14, s13, $0x38;
	[tilespmem:$0x8D20] =	vst v63  }
0x17f: {  	_ =	swait.ge [sflag:s19], $0x2000  }
0x180: {  	s22 =	sld [smem:$0x7FC]  }
0x181: {  	[sflag:s19] =	ssyncset.done $0x0  }
0x182: {  	[sflag:s19] =	ssyncadd.s32 $0xFFFFE000  }
0x183: {  	[tilespmem:s10], [sflag:$0x3] =	stream.indirect.gather [hbm4b:s4+s6], $0x40, s22, s6, $0xb8;
	[tilespmem:$0x8D20] =	vst v63  }
0x184: {  	_ =	swait.ge [sflag:s20], $0x2000  }
0x185: {  	[sflag:s20] =	ssyncset.done $0x0  }
0x186: {  	s22 =	rddreg [dreg:$0x11];
	[sflag:s20] =	ssyncadd.s32 $0xFFFFE000  }
0x187: {  	[hbm4b:s22+s13] =	stream.strided.scatter [tilespmem:s11], [sflag:$0x8], $0x2000, s14, s13, $0x38;
	[tilespmem:$0x8D20] =	vst v63  }
0x188: {  	_ =	swait.ge [sflag:s21], $0x2000  }
0x189: {  	s22 =	sld [smem:$0x7FD]  }
0x18a: {  	[sflag:s21] =	ssyncset.done $0x0  }
0x18b: {  	[sflag:s21] =	ssyncadd.s32 $0xFFFFE000  }
0x18c: {  	[tilespmem:s11], [sflag:$0x4] =	stream.indirect.gather [hbm4b:s4+s6], $0x40, s22, s6, $0xb8;
	[tilespmem:$0x8D20] =	vst v63  }
0x18d: {  	_ =	swait.ge [sflag:s12], $0x2000  }
0x18e: {  	[sflag:s12] =	ssyncset.done $0x0  }
0x18f: {  	s22 =	rddreg [dreg:$0x12];
	[sflag:s12] =	ssyncadd.s32 $0xFFFFE000  }
0x190: {  	[hbm4b:s22+s13] =	stream.strided.scatter [tilespmem:s8], [sflag:$0x5], $0x2000, s14, s13, $0x38;
	[tilespmem:$0x8D20] =	vst v63  }
0x191: {  	_ =	swait.ge [sflag:s15], $0x2000  }
0x192: {  	[sflag:s15] =	ssyncset.done $0x0  }
0x193: {  	s22 =	simm.s32 $0x800;
	[sflag:s15] =	ssyncadd.s32 $0xFFFFE000  }
0x194: {  	[tilespmem:s8], [sflag:$0x1] =	stream.indirect.gather [hbm4b:s4+s6], $0x40, s22, s6, $0xb8;
	[tilespmem:$0x8D20] =	vst v63  }
0x195: {  	_ =	swait.ge [sflag:s16], $0x2000  }
0x196: {  	[sflag:s16] =	ssyncset.done $0x0  }
0x197: {  	s22 =	rddreg [dreg:$0x13];
	[sflag:s16] =	ssyncadd.s32 $0xFFFFE000  }
0x198: {  	[hbm4b:s22+s13] =	stream.strided.scatter [tilespmem:s9], [sflag:$0x6], $0x2000, s14, s13, $0x38;
	[tilespmem:$0x8D20] =	vst v63  }
0x199: {  	_ =	swait.ge [sflag:s17], $0x2000  }
0x19a: {  	[sflag:s17] =	ssyncset.done $0x0  }
0x19b: {  	[sflag:s17] =	ssyncadd.s32 $0xFFFFE000  }
0x19c: {  	[tilespmem:s9], [sflag:$0x2] =	stream.indirect.gather [hbm4b:s4+s6], $0x40, s23, s6, $0xb8;
	[tilespmem:$0x8D20] =	vst v63  }
0x19d: {  	_ =	swait.ge [sflag:s18], $0x2000  }
0x19e: {  	[sflag:s18] =	ssyncset.done $0x0  }
0x19f: {  	s22 =	rddreg [dreg:$0x14];
	[sflag:s18] =	ssyncadd.s32 $0xFFFFE000  }
0x1a0: {  	[hbm4b:s22+s13] =	stream.strided.scatter [tilespmem:s10], [sflag:$0x7], $0x2000, s14, s13, $0x38;
	[tilespmem:$0x8D20] =	vst v63  }
0x1a1: {  	_ =	swait.ge [sflag:s19], $0x2000  }
0x1a2: {  	[sflag:s19] =	ssyncset.done $0x0  }
0x1a3: {  	[sflag:s19] =	ssyncadd.s32 $0xFFFFE000  }
0x1a4: {  	[tilespmem:s10], [sflag:$0x3] =	stream.indirect.gather [hbm4b:s4+s6], $0x40, s24, s6, $0xb8;
	[tilespmem:$0x8D20] =	vst v63  }
0x1a5: {  	_ =	swait.ge [sflag:s20], $0x2000  }
0x1a6: {  	[sflag:s20] =	ssyncset.done $0x0  }
0x1a7: {  	s22 =	rddreg [dreg:$0x15];
	[sflag:s20] =	ssyncadd.s32 $0xFFFFE000  }
0x1a8: {  	[hbm4b:s22+s13] =	stream.strided.scatter [tilespmem:s11], [sflag:$0x8], $0x2000, s14, s13, $0x38;
	[tilespmem:$0x8D20] =	vst v63  }
0x1a9: {  	_ =	swait.ge [sflag:s21], $0x2000  }
0x1aa: {  	[sflag:s21] =	ssyncset.done $0x0  }
0x1ab: {  	[sflag:s21] =	ssyncadd.s32 $0xFFFFE000  }
0x1ac: {  	[tilespmem:s11], [sflag:$0x4] =	stream.indirect.gather [hbm4b:s4+s6], $0x40, s25, s6, $0xb8;
	[tilespmem:$0x8D20] =	vst v63  }
0x1ad: {  	_ =	swait.ge [sflag:s12], $0x2000  }
0x1ae: {  	[sflag:s12] =	ssyncset.done $0x0  }
0x1af: {  	s22 =	rddreg [dreg:$0x16];
	[sflag:s12] =	ssyncadd.s32 $0xFFFFE000  }
0x1b0: {  	[hbm4b:s22+s13] =	stream.strided.scatter [tilespmem:s8], [sflag:$0x5], $0x2000, s14, s13, $0x38;
	[tilespmem:$0x8D20] =	vst v63  }
0x1b1: {  	_ =	swait.ge [sflag:s15], $0x2000  }
0x1b2: {  	[sflag:s15] =	ssyncset.done $0x0  }
0x1b3: {  	[sflag:s15] =	ssyncadd.s32 $0xFFFFE000  }
0x1b4: {  	[tilespmem:s8], [sflag:$0x1] =	stream.indirect.gather [hbm4b:s4+s6], $0x40, s26, s6, $0xb8;
	[tilespmem:$0x8D20] =	vst v63  }
0x1b5: {  	_ =	swait.ge [sflag:s16], $0x2000  }
0x1b6: {  	[sflag:s16] =	ssyncset.done $0x0  }
0x1b7: {  	s22 =	rddreg [dreg:$0x17];
	[sflag:s16] =	ssyncadd.s32 $0xFFFFE000  }
0x1b8: {  	[hbm4b:s22+s13] =	stream.strided.scatter [tilespmem:s9], [sflag:$0x6], $0x2000, s14, s13, $0x38;
	[tilespmem:$0x8D20] =	vst v63  }
0x1b9: {  	_ =	swait.ge [sflag:s17], $0x2000  }
0x1ba: {  	[sflag:s17] =	ssyncset.done $0x0  }
0x1bb: {  	[sflag:s17] =	ssyncadd.s32 $0xFFFFE000  }
0x1bc: {  	[tilespmem:s9], [sflag:$0x2] =	stream.indirect.gather [hbm4b:s4+s6], $0x40, s28, s6, $0xb8;
	[tilespmem:$0x8D20] =	vst v63  }
0x1bd: {  	_ =	swait.ge [sflag:s18], $0x2000  }
0x1be: {  	[sflag:s18] =	ssyncset.done $0x0  }
0x1bf: {  	s22 =	rddreg [dreg:$0x18];
	[sflag:s18] =	ssyncadd.s32 $0xFFFFE000  }
0x1c0: {  	[hbm4b:s22+s13] =	stream.strided.scatter [tilespmem:s10], [sflag:$0x7], $0x2000, s14, s13, $0x38;
	[tilespmem:$0x8D20] =	vst v63  }
0x1c1: {  	_ =	swait.ge [sflag:s19], $0x2000  }
0x1c2: {  	[sflag:s19] =	ssyncset.done $0x0  }
0x1c3: {  	[sflag:s19] =	ssyncadd.s32 $0xFFFFE000  }
0x1c4: {  	[tilespmem:s10], [sflag:$0x3] =	stream.indirect.gather [hbm4b:s4+s6], $0x40, s29, s6, $0xb8;
	[tilespmem:$0x8D20] =	vst v63  }
0x1c5: {  	_ =	swait.ge [sflag:s20], $0x2000  }
0x1c6: {  	[sflag:s20] =	ssyncset.done $0x0  }
0x1c7: {  	s22 =	rddreg [dreg:$0x19];
	[sflag:s20] =	ssyncadd.s32 $0xFFFFE000  }
0x1c8: {  	[hbm4b:s22+s13] =	stream.strided.scatter [tilespmem:s11], [sflag:$0x8], $0x2000, s14, s13, $0x38;
	[tilespmem:$0x8D20] =	vst v63  }
0x1c9: {  	_ =	swait.ge [sflag:s21], $0x2000  }
0x1ca: {  	[sflag:s21] =	ssyncset.done $0x0  }
0x1cb: {  	[sflag:s21] =	ssyncadd.s32 $0xFFFFE000  }
0x1cc: {  	[tilespmem:s11], [sflag:$0x4] =	stream.indirect.gather [hbm4b:s4+s6], $0x40, s30, s6, $0xb8;
	[tilespmem:$0x8D20] =	vst v63  }
0x1cd: {  	_ =	swait.ge [sflag:s12], $0x2000  }
0x1ce: {  	[sflag:s12] =	ssyncset.done $0x0  }
0x1cf: {  	s22 =	rddreg [dreg:$0x1a];
	[sflag:s12] =	ssyncadd.s32 $0xFFFFE000  }
0x1d0: {  	[hbm4b:s22+s13] =	stream.strided.scatter [tilespmem:s8], [sflag:$0x5], $0x2000, s14, s13, $0x38;
	[tilespmem:$0x8D20] =	vst v63  }
0x1d1: {  	_ =	swait.ge [sflag:s15], $0x2000  }
0x1d2: {  	[sflag:s15] =	ssyncset.done $0x0  }
0x1d3: {  	[sflag:s15] =	ssyncadd.s32 $0xFFFFE000  }
0x1d4: {  	[tilespmem:s8], [sflag:$0x1] =	stream.indirect.gather [hbm4b:s4+s6], $0x40, s31, s6, $0xb8;
	[tilespmem:$0x8D20] =	vst v63  }
0x1d5: {  	_ =	swait.ge [sflag:s16], $0x2000  }
0x1d6: {  	[sflag:s16] =	ssyncset.done $0x0  }
0x1d7: {  	s22 =	rddreg [dreg:$0x1b];
	[sflag:s16] =	ssyncadd.s32 $0xFFFFE000  }
0x1d8: {  	[hbm4b:s22+s13] =	stream.strided.scatter [tilespmem:s9], [sflag:$0x6], $0x2000, s14, s13, $0x38;
	[tilespmem:$0x8D20] =	vst v63  }
0x1d9: {  	_ =	swait.ge [sflag:s17], $0x2000  }
0x1da: {  	[sflag:s17] =	ssyncset.done $0x0  }
0x1db: {  	[sflag:s17] =	ssyncadd.s32 $0xFFFFE000  }
0x1dc: {  	[tilespmem:s9], [sflag:$0x2] =	stream.indirect.gather [hbm4b:s4+s6], $0x40, s1, s6, $0xb8;
	[tilespmem:$0x8D20] =	vst v63  }
0x1dd: {  	_ =	swait.ge [sflag:s18], $0x2000  }
0x1de: {  	[sflag:s18] =	ssyncset.done $0x0  }
0x1df: {  	s22 =	rddreg [dreg:$0x1c];
	[sflag:s18] =	ssyncadd.s32 $0xFFFFE000  }
0x1e0: {  	[hbm4b:s22+s13] =	stream.strided.scatter [tilespmem:s10], [sflag:$0x7], $0x2000, s14, s13, $0x38;
	[tilespmem:$0x8D20] =	vst v63  }
0x1e1: {  	_ =	swait.ge [sflag:s20], $0x2000  }
0x1e2: {  	[sflag:s20] =	ssyncset.done $0x0  }
0x1e3: {  	s22 =	rddreg [dreg:$0x1d];
	[sflag:s20] =	ssyncadd.s32 $0xFFFFE000  }
0x1e4: {  	[hbm4b:s22+s13] =	stream.strided.scatter [tilespmem:s11], [sflag:$0x8], $0x2000, s14, s13, $0x38;
	[tilespmem:$0x8D20] =	vst v63  }
0x1e5: {  	_ =	swait.ge [sflag:s12], $0x2000  }
0x1e6: {  	[sflag:s12] =	ssyncset.done $0x0  }
0x1e7: {  	s22 =	rddreg [dreg:$0x1e];
	[sflag:s12] =	ssyncadd.s32 $0xFFFFE000  }
0x1e8: {  	[hbm4b:s22+s13] =	stream.strided.scatter [tilespmem:s8], [sflag:$0x5], $0x2000, s14, s13, $0x38;
	[tilespmem:$0x8D20] =	vst v63  }
0x1e9: {  	_ =	swait.ge [sflag:s16], $0x2000  }
0x1ea: {  	[sflag:s16] =	ssyncset.done $0x0  }
0x1eb: {  	s22 =	rddreg [dreg:$0x1f];
	[sflag:s16] =	ssyncadd.s32 $0xFFFFE000  }
0x1ec: {  	[hbm4b:s22+s13] =	stream.strided.scatter [tilespmem:s9], [sflag:$0x6], $0x2000, s14, s13, $0x38;
	[tilespmem:$0x8D20] =	vst v63  }
0x1ed: {  	_ =	swait.ge [sflag:s19], $0x2000  }
0x1ee: {  	[sflag:s19] =	ssyncset.done $0x0  }
0x1ef: {  	[sflag:s19] =	ssyncadd.s32 $0xFFFFE000  }
0x1f0: {  	_ =	swait.ge [sflag:s21], $0x2000  }
0x1f1: {  	[sflag:s21] =	ssyncset.done $0x0  }
0x1f2: {  	[sflag:s21] =	ssyncadd.s32 $0xFFFFE000  }
0x1f3: {  	p0 =	sne.s32 s5, $0x1;
	_ =	swait.ge [sflag:s15], $0x2000  }
.Ltmp0:
0x1f4: {  	[sflag:s15] =	ssyncset.done $0x0;
	(pc) =	sbr.rel @p0 .LBB2_1-.Ltmp0, $4  }
0x1f5: {  	[sflag:s15] =	ssyncadd.s32 $0xFFFFE000  }
0x1f6: {  	_ =	swait.ge [sflag:s17], $0x2000  }
0x1f7: {  	[sflag:s17] =	ssyncset.done $0x0  }
0x1f8: {  	s5 =	sadd.s32 $0xFFFFFFFF, s5;
	[sflag:s17] =	ssyncadd.s32 $0xFFFFE000  }
0x1f9: {  	_ =	sfence.sel $0x180000  }
0x1fa: {  	[bflag:$0x0] =	sbarrier.arrive $0xFFFF  }
0x1fb: {  	_ =	strace $0x90000047  }
0x1fc: {  	s0 =	stileid.u32;
	[bflag:$0x2] =	sbarrier.arrive $0xFFFF  }
0x1fd: {  	p0 =	sne.s32 s0, $0x0;
	s0 =	rddreg [dreg:$0x4]  }
0x1fe: {  	s0 =	sadd.s32 @!p0 $0x100000, s0  }
0x1ff: {  	[sflag:s0] =	ssyncadd.tile.s32 @!p0 $0x1;
	_ =	shalt  }
.Lfunc_end2:
_tile_overlayer_lowered:
.L_overlay_start_2:
0x200: {  	(tag) =	ssettag $0x2  }
0x201: {  	s0 =	rddreg [dreg:$0x0];
	s2 =	stileid.u32  }
0x202: {  	s1 =	rddreg [dreg:$0x1];
	p0 =	sne.s32 s2, $0x0  }
0x203: {  	s3 =	rddreg [dreg:$0x2];
	[bflag:$0x3] =	sbarrier.arrive $0xFFFF;
	s2 =	simm.s32 @!p0 $0x1C09  }
0x204: {  	[timem:s3], [sflag:s2] =	dma.local @!p0 [hbm:s0], s1  }
0x205: {  	s0 =	simm.s32 @!p0 $0x9  }
0x206: {  	_ =	swait.ge @!p0 [sflag:s0], s1  }
0x207: {  	s1 =	ssub.s32 @!p0 $0x0, s1;
	[sflag:s0] =	ssyncset.done @!p0 $0x0  }
0x208: {  	[sflag:s0] =	ssyncadd.s32 @!p0 s1  }
0x209: {  	[bflag:$0x3] =	sbarrier.arrive $0xFFFF  }
0x20a: {  	_ =	shalt  }

</sc_bundles>
